<compile_context>
chip_gen: v7x
topology: tpu7x:2x2x1
jax: 0.10.2.dev20260603
libtpu: 0.0.44.dev20260713+nightly
codegen_flags: <defaults>
</compile_context>

<pallas_src>
import functools

import jax
import jax.numpy as jnp
from jax import lax
from jax.experimental import pallas as pl
from jax.experimental.pallas import tpu as pltpu
from jax.experimental.pallas import tpu_sc as plsc

NUM_NODES = 1000000
DIM = 32
BATCH = 16384

_Q = 1 << 18
_PACK = 4
_NROWS = _Q

_INFO = plsc.get_sparse_core_info()
_NC = _INFO.num_cores
_NS = _INFO.num_subcores
_NW = _NC * _NS
_LANES = _INFO.num_lanes

_BPW = BATCH // _NW
_CHUNK = 128
_NCHUNK = _BPW // _CHUNK
_GRP = _CHUNK // _LANES

_TC_R = 16384
_TC_G = _NROWS // _TC_R


def _tc_relayout_body(x0, x1, x2, x3, o_ref):
    o_ref[...] = jnp.concatenate(
        [x0[...], x1[...], x2[...], x3[...]], axis=0).T


def _tc_relayout(embT):
    last_ok = -(-NUM_NODES // _TC_R) - 1
    specs = [
        pl.BlockSpec((DIM, _TC_R), functools.partial(
            lambda m, g: (0, jnp.minimum(m * _TC_G + g, last_ok)), m))
        for m in range(_PACK)
    ]
    return pl.pallas_call(
        _tc_relayout_body,
        grid=(_TC_G,),
        in_specs=specs,
        out_specs=pl.BlockSpec((_TC_R, _PACK * DIM), lambda g: (g, 0)),
        out_shape=jax.ShapeDtypeStruct((_NROWS, _PACK * DIM), jnp.float32),
    )(embT, embT, embT, embT)


def _sc_kernel(emb_hbm, i_hbm, j_hbm, out_hbm,
               idx_i_v, idx_j_v, qi_v, qj_v,
               a0_v, b0_v, a1_v, b1_v, out_v, sem0, sem1):
    wid = lax.axis_index("s") * _NC + lax.axis_index("c")
    row0 = wid * _NCHUNK

    pltpu.sync_copy(i_hbm.at[pl.ds(row0, _NCHUNK)], idx_i_v)
    pltpu.sync_copy(j_hbm.at[pl.ds(row0, _NCHUNK)], idx_j_v)

    for k in range(_NCHUNK):
        for c in range(_GRP):
            s = pl.ds(c * _LANES, _LANES)
            vi = idx_i_v[k, s]
            qi_v[k, s] = ((vi & (_Q - 1)) << 2) | (vi >> 18)
            vj = idx_j_v[k, s]
            qj_v[k, s] = ((vj & (_Q - 1)) << 2) | (vj >> 18)

    bufs = ((a0_v, b0_v, sem0), (a1_v, b1_v, sem1))

    def fire(k):
        a_v, b_v, sem = bufs[k % 2]
        return (pltpu.async_copy(emb_hbm.at[qi_v.at[k]], a_v, sem),
                pltpu.async_copy(emb_hbm.at[qj_v.at[k]], b_v, sem))

    pending = fire(0)
    for k in range(_NCHUNK):
        nxt = fire(k + 1) if k + 1 < _NCHUNK else None
        for h in pending:
            h.wait()
        a_v, b_v, _ = bufs[k % 2]

        def body(g, _, k=k, a_v=a_v, b_v=b_v):
            s = pl.ds(g * _LANES, _LANES)
            rows = g * _LANES + lax.iota(jnp.int32, _LANES)
            acc = jnp.zeros((_LANES,), jnp.float32)
            for d in range(DIM):
                col = jnp.full((_LANES,), d, jnp.int32)
                a = plsc.load_gather(a_v, [rows, col])
                b = plsc.load_gather(b_v, [rows, col])
                acc = acc + a * b
            out_v[k, s] = acc
            return 0

        lax.fori_loop(0, _GRP, body, 0)
        pending = nxt

    pltpu.sync_copy(out_v, out_hbm.at[pl.ds(row0, _NCHUNK)])


@jax.jit
def kernel(i, j, node_emb):
    embT = node_emb.T
    packed = _tc_relayout(embT)
    emb4 = packed.reshape(_PACK * _Q, DIM)
    i2 = i.astype(jnp.int32).reshape(_NW * _NCHUNK, _CHUNK)
    j2 = j.astype(jnp.int32).reshape(_NW * _NCHUNK, _CHUNK)
    mesh = plsc.VectorSubcoreMesh(core_axis_name="c", subcore_axis_name="s")
    fn = functools.partial(
        pl.kernel,
        mesh=mesh,
        out_type=jax.ShapeDtypeStruct((_NW * _NCHUNK, _CHUNK), jnp.float32),
        scratch_types=[
            pltpu.VMEM((_NCHUNK, _CHUNK), jnp.int32),
            pltpu.VMEM((_NCHUNK, _CHUNK), jnp.int32),
            pltpu.VMEM((_NCHUNK, _CHUNK), jnp.int32),
            pltpu.VMEM((_NCHUNK, _CHUNK), jnp.int32),
            pltpu.VMEM((_CHUNK, DIM), jnp.float32),
            pltpu.VMEM((_CHUNK, DIM), jnp.float32),
            pltpu.VMEM((_CHUNK, DIM), jnp.float32),
            pltpu.VMEM((_CHUNK, DIM), jnp.float32),
            pltpu.VMEM((_NCHUNK, _CHUNK), jnp.float32),
            pltpu.SemaphoreType.DMA,
            pltpu.SemaphoreType.DMA,
        ],
        compiler_params=pltpu.CompilerParams(
            use_tc_tiling_on_sc=False, needs_layout_passes=False),
    )(_sc_kernel)
    out2 = fn(emb4, i2, j2)
    return out2.reshape(BATCH)

# --- scband reference (transcript-rebuilt; emitter-appended) ---
"""Pipeline reference for scband-line-first-48765058679408 (READ-ONLY COPY).

The authoritative reference and input builder live on the scoring server;
editing this copy changes nothing except your own understanding.
"""

import jax, jax.numpy as jnp
import numpy as np

NUM_NODES = 1000000
OUTPUT_DIM = 32
BATCH = 16384

def setup_inputs(seed: int = 0) -> dict:
    key = jax.random.key(seed)
    k_i, k_j, k_w = jax.random.split(key, 3)
    i = jax.random.randint(k_i, (BATCH,), 0, NUM_NODES, dtype=jnp.int64) if jax.config.jax_enable_x64 else jax.random.randint(k_i, (BATCH,), 0, NUM_NODES, dtype=jnp.int32)
    j = jax.random.randint(k_j, (BATCH,), 0, NUM_NODES, dtype=jnp.int64) if jax.config.jax_enable_x64 else jax.random.randint(k_j, (BATCH,), 0, NUM_NODES, dtype=jnp.int32)
    # nn.Embedding default init: N(0, 1)
    node_emb = jax.random.normal(k_w, (NUM_NODES, OUTPUT_DIM), dtype=jnp.float32)
    return {"i": i, "j": j, "node_emb": node_emb}

def reference(i, j, node_emb):
    vi = jnp.take(node_emb, i, axis=0)
    vj = jnp.take(node_emb, j, axis=0)
    return (vi * vj).sum(axis=-1)

if __name__ == "__main__":
    import jax
    _d = setup_inputs()
    print(jax.jit(kernel)(*tuple(_d.values())))

</pallas_src>

<mosaic_0001>
#map = affine_map<(d0, d1) -> (0, 0)>
module attributes {stable_mosaic.version = 14 : i64} {
  func.func @_sc_kernel(%arg0: i32, %arg1: i32, %arg2: memref<1048576x32xf32, #tpu.memory_space<hbm>>, %arg3: memref<128x128xi32, #tpu.memory_space<hbm>>, %arg4: memref<128x128xi32, #tpu.memory_space<hbm>>, %arg5: memref<128x128xf32, #tpu.memory_space<hbm>>, %arg6: memref<4x128xi32, #tpu.memory_space<vmem>>, %arg7: memref<4x128xi32, #tpu.memory_space<vmem>>, %arg8: memref<4x128xi32, #tpu.memory_space<vmem>>, %arg9: memref<4x128xi32, #tpu.memory_space<vmem>>, %arg10: memref<128x32xf32, #tpu.memory_space<vmem>>, %arg11: memref<128x32xf32, #tpu.memory_space<vmem>>, %arg12: memref<128x32xf32, #tpu.memory_space<vmem>>, %arg13: memref<128x32xf32, #tpu.memory_space<vmem>>, %arg14: memref<4x128xf32, #tpu.memory_space<vmem>>, %arg15: memref<!tpu.dma_semaphore, #tpu.memory_space<semaphore_mem>>, %arg16: memref<!tpu.dma_semaphore, #tpu.memory_space<semaphore_mem>>) attributes {dimension_semantics = [#tpu.dimension_semantics<core_parallel>, #tpu.dimension_semantics<subcore_parallel>], iteration_bounds = array<i64: 2, 16>, scalar_prefetch = 0 : i64, scratch_operands = 11 : i64, tpu.core_type = #tpu.core_type<sc_vector_subcore>, window_params = [{transform_indices = #map}, {transform_indices = #map}, {transform_indices = #map}, {transform_indices = #map}]} {
    %mul3A = arith.constant 2 : i32
    %mul3A_0 = arith.muli %arg1, %mul3A : i32
    %add3A = arith.addi %mul3A_0, %arg0 : i32
    %mul3A_1 = arith.constant 4 : i32
    %mul3A_2 = arith.muli %add3A, %mul3A_1 : i32
    "tpu.region"() ({
      %run_scoped3A = tpu.sem_alloc : memref<!tpu.dma_semaphore, #tpu.memory_space<semaphore_mem>>
      %dma_start3A_1286 = arith.constant 0 : i32
      %dma_start3A_1287 = tpu.memref_slice %arg3[%mul3A_2, %dma_start3A_1286] : memref<128x128xi32, #tpu.memory_space<hbm>> -> memref<4x128xi32, #tpu.memory_space<hbm>>
      %dma_start3A_1288 = arith.constant 0 : i32
      %dma_start3A_1289 = tpu.memref_slice %arg3[%mul3A_2, %dma_start3A_1288] : memref<128x128xi32, #tpu.memory_space<hbm>> -> memref<4x128xi32, #tpu.memory_space<hbm>>
      tpu.enqueue_dma source(%dma_start3A_1289 : memref<4x128xi32, #tpu.memory_space<hbm>>) target(%arg6 : memref<4x128xi32, #tpu.memory_space<vmem>>) target_semaphore(%run_scoped3A : memref<!tpu.dma_semaphore, #tpu.memory_space<semaphore_mem>>)
      %dma_wait3A_1290 = arith.constant 0 : i32
      %dma_wait3A_1291 = tpu.memref_slice %arg3[%mul3A_2, %dma_wait3A_1290] : memref<128x128xi32, #tpu.memory_space<hbm>> -> memref<4x128xi32, #tpu.memory_space<hbm>>
      %dma_wait3A_1292 = arith.constant 0 : i32
      %dma_wait3A_1293 = tpu.memref_slice %arg3[%mul3A_2, %dma_wait3A_1292] : memref<128x128xi32, #tpu.memory_space<hbm>> -> memref<4x128xi32, #tpu.memory_space<hbm>>
      tpu.wait_dma2 semaphore(%run_scoped3A : memref<!tpu.dma_semaphore, #tpu.memory_space<semaphore_mem>>) src(%dma_wait3A_1293 : memref<4x128xi32, #tpu.memory_space<hbm>>) dst(%arg6 : memref<4x128xi32, #tpu.memory_space<vmem>>)
      tpu.yield
    }) : () -> ()
    "tpu.region"() ({
      %run_scoped3A = tpu.sem_alloc : memref<!tpu.dma_semaphore, #tpu.memory_space<semaphore_mem>>
      %dma_start3A_1286 = arith.constant 0 : i32
      %dma_start3A_1287 = tpu.memref_slice %arg4[%mul3A_2, %dma_start3A_1286] : memref<128x128xi32, #tpu.memory_space<hbm>> -> memref<4x128xi32, #tpu.memory_space<hbm>>
      %dma_start3A_1288 = arith.constant 0 : i32
      %dma_start3A_1289 = tpu.memref_slice %arg4[%mul3A_2, %dma_start3A_1288] : memref<128x128xi32, #tpu.memory_space<hbm>> -> memref<4x128xi32, #tpu.memory_space<hbm>>
      tpu.enqueue_dma source(%dma_start3A_1289 : memref<4x128xi32, #tpu.memory_space<hbm>>) target(%arg7 : memref<4x128xi32, #tpu.memory_space<vmem>>) target_semaphore(%run_scoped3A : memref<!tpu.dma_semaphore, #tpu.memory_space<semaphore_mem>>)
      %dma_wait3A_1290 = arith.constant 0 : i32
      %dma_wait3A_1291 = tpu.memref_slice %arg4[%mul3A_2, %dma_wait3A_1290] : memref<128x128xi32, #tpu.memory_space<hbm>> -> memref<4x128xi32, #tpu.memory_space<hbm>>
      %dma_wait3A_1292 = arith.constant 0 : i32
      %dma_wait3A_1293 = tpu.memref_slice %arg4[%mul3A_2, %dma_wait3A_1292] : memref<128x128xi32, #tpu.memory_space<hbm>> -> memref<4x128xi32, #tpu.memory_space<hbm>>
      tpu.wait_dma2 semaphore(%run_scoped3A : memref<!tpu.dma_semaphore, #tpu.memory_space<semaphore_mem>>) src(%dma_wait3A_1293 : memref<4x128xi32, #tpu.memory_space<hbm>>) dst(%arg7 : memref<4x128xi32, #tpu.memory_space<vmem>>)
      tpu.yield
    }) : () -> ()
    %get3A = arith.constant 0 : i32
    %get3A_3 = arith.index_cast %get3A : i32 to index
    %get3A_4 = arith.constant 0 : index
    %get3A_5 = tpu.vector_load %arg6[%get3A_3, %get3A_4] {strides = array<i32>} : memref<4x128xi32, #tpu.memory_space<vmem>>, vector<16xi32>,
    %and3A = arith.constant 262143 : i32
    %and3A_6 = vector.broadcast %and3A : i32 to vector<16xi32>
    %and3A_7 = arith.andi %get3A_5, %and3A_6 : vector<16xi32>
    %shift_left3A = arith.constant 2 : i32
    %shift_left3A_8 = vector.broadcast %shift_left3A : i32 to vector<16xi32>
    %shift_left3A_9 = arith.shli %and3A_7, %shift_left3A_8 : vector<16xi32>
    %shift_right_arithmetic3A = arith.constant 18 : i32
    %shift_right_arithmetic3A_10 = vector.broadcast %shift_right_arithmetic3A : i32 to vector<16xi32>
    %shift_right_arithmetic3A_11 = arith.shrsi %get3A_5, %shift_right_arithmetic3A_10 : vector<16xi32>
    %or3A = arith.ori %shift_left3A_9, %shift_right_arithmetic3A_11 : vector<16xi32>
    %swap3A = arith.constant 0 : i32
    %swap3A_12 = arith.index_cast %swap3A : i32 to index
    %swap3A_13 = arith.constant 0 : index
    %swap3A_14 = tpu.vector_load %arg8[%swap3A_12, %swap3A_13] {strides = array<i32>} : memref<4x128xi32, #tpu.memory_space<vmem>>, vector<16xi32>,
    tpu.vector_store %arg8[%swap3A_12, %swap3A_13], %or3A {strides = array<i32>} : memref<4x128xi32, #tpu.memory_space<vmem>>, vector<16xi32>,
    %get3A_15 = arith.constant 0 : i32
    %get3A_16 = arith.index_cast %get3A_15 : i32 to index
    %get3A_17 = arith.constant 0 : index
    %get3A_18 = tpu.vector_load %arg7[%get3A_16, %get3A_17] {strides = array<i32>} : memref<4x128xi32, #tpu.memory_space<vmem>>, vector<16xi32>,
    %and3A_19 = arith.constant 262143 : i32
    %and3A_20 = vector.broadcast %and3A_19 : i32 to vector<16xi32>
    %and3A_21 = arith.andi %get3A_18, %and3A_20 : vector<16xi32>
    %shift_left3A_22 = arith.constant 2 : i32
    %shift_left3A_23 = vector.broadcast %shift_left3A_22 : i32 to vector<16xi32>
    %shift_left3A_24 = arith.shli %and3A_21, %shift_left3A_23 : vector<16xi32>
    %shift_right_arithmetic3A_25 = arith.constant 18 : i32
    %shift_right_arithmetic3A_26 = vector.broadcast %shift_right_arithmetic3A_25 : i32 to vector<16xi32>
    %shift_right_arithmetic3A_27 = arith.shrsi %get3A_18, %shift_right_arithmetic3A_26 : vector<16xi32>
    %or3A_28 = arith.ori %shift_left3A_24, %shift_right_arithmetic3A_27 : vector<16xi32>
    %swap3A_29 = arith.constant 0 : i32
    %swap3A_30 = arith.index_cast %swap3A_29 : i32 to index
    %swap3A_31 = arith.constant 0 : index
    %swap3A_32 = tpu.vector_load %arg9[%swap3A_30, %swap3A_31] {strides = array<i32>} : memref<4x128xi32, #tpu.memory_space<vmem>>, vector<16xi32>,
    tpu.vector_store %arg9[%swap3A_30, %swap3A_31], %or3A_28 {strides = array<i32>} : memref<4x128xi32, #tpu.memory_space<vmem>>, vector<16xi32>,
    %get3A_33 = arith.constant 0 : i32
    %get3A_34 = arith.index_cast %get3A_33 : i32 to index
    %get3A_35 = arith.constant 16 : index
    %get3A_36 = tpu.vector_load %arg6[%get3A_34, %get3A_35] {strides = array<i32>} : memref<4x128xi32, #tpu.memory_space<vmem>>, vector<16xi32>,
    %and3A_37 = arith.constant 262143 : i32
    %and3A_38 = vector.broadcast %and3A_37 : i32 to vector<16xi32>
    %and3A_39 = arith.andi %get3A_36, %and3A_38 : vector<16xi32>
    %shift_left3A_40 = arith.constant 2 : i32
    %shift_left3A_41 = vector.broadcast %shift_left3A_40 : i32 to vector<16xi32>
    %shift_left3A_42 = arith.shli %and3A_39, %shift_left3A_41 : vector<16xi32>
    %shift_right_arithmetic3A_43 = arith.constant 18 : i32
    %shift_right_arithmetic3A_44 = vector.broadcast %shift_right_arithmetic3A_43 : i32 to vector<16xi32>
    %shift_right_arithmetic3A_45 = arith.shrsi %get3A_36, %shift_right_arithmetic3A_44 : vector<16xi32>
    %or3A_46 = arith.ori %shift_left3A_42, %shift_right_arithmetic3A_45 : vector<16xi32>
    %swap3A_47 = arith.constant 0 : i32
    %swap3A_48 = arith.index_cast %swap3A_47 : i32 to index
    %swap3A_49 = arith.constant 16 : index
    %swap3A_50 = tpu.vector_load %arg8[%swap3A_48, %swap3A_49] {strides = array<i32>} : memref<4x128xi32, #tpu.memory_space<vmem>>, vector<16xi32>,
    tpu.vector_store %arg8[%swap3A_48, %swap3A_49], %or3A_46 {strides = array<i32>} : memref<4x128xi32, #tpu.memory_space<vmem>>, vector<16xi32>,
    %get3A_51 = arith.constant 0 : i32
    %get3A_52 = arith.index_cast %get3A_51 : i32 to index
    %get3A_53 = arith.constant 16 : index
    %get3A_54 = tpu.vector_load %arg7[%get3A_52, %get3A_53] {strides = array<i32>} : memref<4x128xi32, #tpu.memory_space<vmem>>, vector<16xi32>,
    %and3A_55 = arith.constant 262143 : i32
    %and3A_56 = vector.broadcast %and3A_55 : i32 to vector<16xi32>
    %and3A_57 = arith.andi %get3A_54, %and3A_56 : vector<16xi32>
    %shift_left3A_58 = arith.constant 2 : i32
    %shift_left3A_59 = vector.broadcast %shift_left3A_58 : i32 to vector<16xi32>
    %shift_left3A_60 = arith.shli %and3A_57, %shift_left3A_59 : vector<16xi32>
    %shift_right_arithmetic3A_61 = arith.constant 18 : i32
    %shift_right_arithmetic3A_62 = vector.broadcast %shift_right_arithmetic3A_61 : i32 to vector<16xi32>
    %shift_right_arithmetic3A_63 = arith.shrsi %get3A_54, %shift_right_arithmetic3A_62 : vector<16xi32>
    %or3A_64 = arith.ori %shift_left3A_60, %shift_right_arithmetic3A_63 : vector<16xi32>
    %swap3A_65 = arith.constant 0 : i32
    %swap3A_66 = arith.index_cast %swap3A_65 : i32 to index
    %swap3A_67 = arith.constant 16 : index
    %swap3A_68 = tpu.vector_load %arg9[%swap3A_66, %swap3A_67] {strides = array<i32>} : memref<4x128xi32, #tpu.memory_space<vmem>>, vector<16xi32>,
    tpu.vector_store %arg9[%swap3A_66, %swap3A_67], %or3A_64 {strides = array<i32>} : memref<4x128xi32, #tpu.memory_space<vmem>>, vector<16xi32>,
    %get3A_69 = arith.constant 0 : i32
    %get3A_70 = arith.index_cast %get3A_69 : i32 to index
    %get3A_71 = arith.constant 32 : index
    %get3A_72 = tpu.vector_load %arg6[%get3A_70, %get3A_71] {strides = array<i32>} : memref<4x128xi32, #tpu.memory_space<vmem>>, vector<16xi32>,
    %and3A_73 = arith.constant 262143 : i32
    %and3A_74 = vector.broadcast %and3A_73 : i32 to vector<16xi32>
    %and3A_75 = arith.andi %get3A_72, %and3A_74 : vector<16xi32>
    %shift_left3A_76 = arith.constant 2 : i32
    %shift_left3A_77 = vector.broadcast %shift_left3A_76 : i32 to vector<16xi32>
    %shift_left3A_78 = arith.shli %and3A_75, %shift_left3A_77 : vector<16xi32>
    %shift_right_arithmetic3A_79 = arith.constant 18 : i32
    %shift_right_arithmetic3A_80 = vector.broadcast %shift_right_arithmetic3A_79 : i32 to vector<16xi32>
    %shift_right_arithmetic3A_81 = arith.shrsi %get3A_72, %shift_right_arithmetic3A_80 : vector<16xi32>
    %or3A_82 = arith.ori %shift_left3A_78, %shift_right_arithmetic3A_81 : vector<16xi32>
    %swap3A_83 = arith.constant 0 : i32
    %swap3A_84 = arith.index_cast %swap3A_83 : i32 to index
    %swap3A_85 = arith.constant 32 : index
    %swap3A_86 = tpu.vector_load %arg8[%swap3A_84, %swap3A_85] {strides = array<i32>} : memref<4x128xi32, #tpu.memory_space<vmem>>, vector<16xi32>,
    tpu.vector_store %arg8[%swap3A_84, %swap3A_85], %or3A_82 {strides = array<i32>} : memref<4x128xi32, #tpu.memory_space<vmem>>, vector<16xi32>,
    %get3A_87 = arith.constant 0 : i32
    %get3A_88 = arith.index_cast %get3A_87 : i32 to index
    %get3A_89 = arith.constant 32 : index
    %get3A_90 = tpu.vector_load %arg7[%get3A_88, %get3A_89] {strides = array<i32>} : memref<4x128xi32, #tpu.memory_space<vmem>>, vector<16xi32>,
    %and3A_91 = arith.constant 262143 : i32
    %and3A_92 = vector.broadcast %and3A_91 : i32 to vector<16xi32>
    %and3A_93 = arith.andi %get3A_90, %and3A_92 : vector<16xi32>
    %shift_left3A_94 = arith.constant 2 : i32
    %shift_left3A_95 = vector.broadcast %shift_left3A_94 : i32 to vector<16xi32>
    %shift_left3A_96 = arith.shli %and3A_93, %shift_left3A_95 : vector<16xi32>
    %shift_right_arithmetic3A_97 = arith.constant 18 : i32
    %shift_right_arithmetic3A_98 = vector.broadcast %shift_right_arithmetic3A_97 : i32 to vector<16xi32>
    %shift_right_arithmetic3A_99 = arith.shrsi %get3A_90, %shift_right_arithmetic3A_98 : vector<16xi32>
    %or3A_100 = arith.ori %shift_left3A_96, %shift_right_arithmetic3A_99 : vector<16xi32>
    %swap3A_101 = arith.constant 0 : i32
    %swap3A_102 = arith.index_cast %swap3A_101 : i32 to index
    %swap3A_103 = arith.constant 32 : index
    %swap3A_104 = tpu.vector_load %arg9[%swap3A_102, %swap3A_103] {strides = array<i32>} : memref<4x128xi32, #tpu.memory_space<vmem>>, vector<16xi32>,
    tpu.vector_store %arg9[%swap3A_102, %swap3A_103], %or3A_100 {strides = array<i32>} : memref<4x128xi32, #tpu.memory_space<vmem>>, vector<16xi32>,
    %get3A_105 = arith.constant 0 : i32
    %get3A_106 = arith.index_cast %get3A_105 : i32 to index
    %get3A_107 = arith.constant 48 : index
    %get3A_108 = tpu.vector_load %arg6[%get3A_106, %get3A_107] {strides = array<i32>} : memref<4x128xi32, #tpu.memory_space<vmem>>, vector<16xi32>,
    %and3A_109 = arith.constant 262143 : i32
    %and3A_110 = vector.broadcast %and3A_109 : i32 to vector<16xi32>
    %and3A_111 = arith.andi %get3A_108, %and3A_110 : vector<16xi32>
    %shift_left3A_112 = arith.constant 2 : i32
    %shift_left3A_113 = vector.broadcast %shift_left3A_112 : i32 to vector<16xi32>
    %shift_left3A_114 = arith.shli %and3A_111, %shift_left3A_113 : vector<16xi32>
    %shift_right_arithmetic3A_115 = arith.constant 18 : i32
    %shift_right_arithmetic3A_116 = vector.broadcast %shift_right_arithmetic3A_115 : i32 to vector<16xi32>
    %shift_right_arithmetic3A_117 = arith.shrsi %get3A_108, %shift_right_arithmetic3A_116 : vector<16xi32>
    %or3A_118 = arith.ori %shift_left3A_114, %shift_right_arithmetic3A_117 : vector<16xi32>
    %swap3A_119 = arith.constant 0 : i32
    %swap3A_120 = arith.index_cast %swap3A_119 : i32 to index
    %swap3A_121 = arith.constant 48 : index
    %swap3A_122 = tpu.vector_load %arg8[%swap3A_120, %swap3A_121] {strides = array<i32>} : memref<4x128xi32, #tpu.memory_space<vmem>>, vector<16xi32>,
    tpu.vector_store %arg8[%swap3A_120, %swap3A_121], %or3A_118 {strides = array<i32>} : memref<4x128xi32, #tpu.memory_space<vmem>>, vector<16xi32>,
    %get3A_123 = arith.constant 0 : i32
    %get3A_124 = arith.index_cast %get3A_123 : i32 to index
    %get3A_125 = arith.constant 48 : index
    %get3A_126 = tpu.vector_load %arg7[%get3A_124, %get3A_125] {strides = array<i32>} : memref<4x128xi32, #tpu.memory_space<vmem>>, vector<16xi32>,
    %and3A_127 = arith.constant 262143 : i32
    %and3A_128 = vector.broadcast %and3A_127 : i32 to vector<16xi32>
    %and3A_129 = arith.andi %get3A_126, %and3A_128 : vector<16xi32>
    %shift_left3A_130 = arith.constant 2 : i32
    %shift_left3A_131 = vector.broadcast %shift_left3A_130 : i32 to vector<16xi32>
    %shift_left3A_132 = arith.shli %and3A_129, %shift_left3A_131 : vector<16xi32>
    %shift_right_arithmetic3A_133 = arith.constant 18 : i32
    %shift_right_arithmetic3A_134 = vector.broadcast %shift_right_arithmetic3A_133 : i32 to vector<16xi32>
    %shift_right_arithmetic3A_135 = arith.shrsi %get3A_126, %shift_right_arithmetic3A_134 : vector<16xi32>
    %or3A_136 = arith.ori %shift_left3A_132, %shift_right_arithmetic3A_135 : vector<16xi32>
    %swap3A_137 = arith.constant 0 : i32
    %swap3A_138 = arith.index_cast %swap3A_137 : i32 to index
    %swap3A_139 = arith.constant 48 : index
    %swap3A_140 = tpu.vector_load %arg9[%swap3A_138, %swap3A_139] {strides = array<i32>} : memref<4x128xi32, #tpu.memory_space<vmem>>, vector<16xi32>,
    tpu.vector_store %arg9[%swap3A_138, %swap3A_139], %or3A_136 {strides = array<i32>} : memref<4x128xi32, #tpu.memory_space<vmem>>, vector<16xi32>,
    %get3A_141 = arith.constant 0 : i32
    %get3A_142 = arith.index_cast %get3A_141 : i32 to index
    %get3A_143 = arith.constant 64 : index
    %get3A_144 = tpu.vector_load %arg6[%get3A_142, %get3A_143] {strides = array<i32>} : memref<4x128xi32, #tpu.memory_space<vmem>>, vector<16xi32>,
    %and3A_145 = arith.constant 262143 : i32
    %and3A_146 = vector.broadcast %and3A_145 : i32 to vector<16xi32>
    %and3A_147 = arith.andi %get3A_144, %and3A_146 : vector<16xi32>
    %shift_left3A_148 = arith.constant 2 : i32
    %shift_left3A_149 = vector.broadcast %shift_left3A_148 : i32 to vector<16xi32>
    %shift_left3A_150 = arith.shli %and3A_147, %shift_left3A_149 : vector<16xi32>
    %shift_right_arithmetic3A_151 = arith.constant 18 : i32
    %shift_right_arithmetic3A_152 = vector.broadcast %shift_right_arithmetic3A_151 : i32 to vector<16xi32>
    %shift_right_arithmetic3A_153 = arith.shrsi %get3A_144, %shift_right_arithmetic3A_152 : vector<16xi32>
    %or3A_154 = arith.ori %shift_left3A_150, %shift_right_arithmetic3A_153 : vector<16xi32>
    %swap3A_155 = arith.constant 0 : i32
    %swap3A_156 = arith.index_cast %swap3A_155 : i32 to index
    %swap3A_157 = arith.constant 64 : index
    %swap3A_158 = tpu.vector_load %arg8[%swap3A_156, %swap3A_157] {strides = array<i32>} : memref<4x128xi32, #tpu.memory_space<vmem>>, vector<16xi32>,
    tpu.vector_store %arg8[%swap3A_156, %swap3A_157], %or3A_154 {strides = array<i32>} : memref<4x128xi32, #tpu.memory_space<vmem>>, vector<16xi32>,
    %get3A_159 = arith.constant 0 : i32
    %get3A_160 = arith.index_cast %get3A_159 : i32 to index
    %get3A_161 = arith.constant 64 : index
    %get3A_162 = tpu.vector_load %arg7[%get3A_160, %get3A_161] {strides = array<i32>} : memref<4x128xi32, #tpu.memory_space<vmem>>, vector<16xi32>,
    %and3A_163 = arith.constant 262143 : i32
    %and3A_164 = vector.broadcast %and3A_163 : i32 to vector<16xi32>
    %and3A_165 = arith.andi %get3A_162, %and3A_164 : vector<16xi32>
    %shift_left3A_166 = arith.constant 2 : i32
    %shift_left3A_167 = vector.broadcast %shift_left3A_166 : i32 to vector<16xi32>
    %shift_left3A_168 = arith.shli %and3A_165, %shift_left3A_167 : vector<16xi32>
    %shift_right_arithmetic3A_169 = arith.constant 18 : i32
    %shift_right_arithmetic3A_170 = vector.broadcast %shift_right_arithmetic3A_169 : i32 to vector<16xi32>
    %shift_right_arithmetic3A_171 = arith.shrsi %get3A_162, %shift_right_arithmetic3A_170 : vector<16xi32>
    %or3A_172 = arith.ori %shift_left3A_168, %shift_right_arithmetic3A_171 : vector<16xi32>
    %swap3A_173 = arith.constant 0 : i32
    %swap3A_174 = arith.index_cast %swap3A_173 : i32 to index
    %swap3A_175 = arith.constant 64 : index
    %swap3A_176 = tpu.vector_load %arg9[%swap3A_174, %swap3A_175] {strides = array<i32>} : memref<4x128xi32, #tpu.memory_space<vmem>>, vector<16xi32>,
    tpu.vector_store %arg9[%swap3A_174, %swap3A_175], %or3A_172 {strides = array<i32>} : memref<4x128xi32, #tpu.memory_space<vmem>>, vector<16xi32>,
    %get3A_177 = arith.constant 0 : i32
    %get3A_178 = arith.index_cast %get3A_177 : i32 to index
    %get3A_179 = arith.constant 80 : index
    %get3A_180 = tpu.vector_load %arg6[%get3A_178, %get3A_179] {strides = array<i32>} : memref<4x128xi32, #tpu.memory_space<vmem>>, vector<16xi32>,
    %and3A_181 = arith.constant 262143 : i32
    %and3A_182 = vector.broadcast %and3A_181 : i32 to vector<16xi32>
    %and3A_183 = arith.andi %get3A_180, %and3A_182 : vector<16xi32>
    %shift_left3A_184 = arith.constant 2 : i32
    %shift_left3A_185 = vector.broadcast %shift_left3A_184 : i32 to vector<16xi32>
    %shift_left3A_186 = arith.shli %and3A_183, %shift_left3A_185 : vector<16xi32>
    %shift_right_arithmetic3A_187 = arith.constant 18 : i32
    %shift_right_arithmetic3A_188 = vector.broadcast %shift_right_arithmetic3A_187 : i32 to vector<16xi32>
    %shift_right_arithmetic3A_189 = arith.shrsi %get3A_180, %shift_right_arithmetic3A_188 : vector<16xi32>
    %or3A_190 = arith.ori %shift_left3A_186, %shift_right_arithmetic3A_189 : vector<16xi32>
    %swap3A_191 = arith.constant 0 : i32
    %swap3A_192 = arith.index_cast %swap3A_191 : i32 to index
    %swap3A_193 = arith.constant 80 : index
    %swap3A_194 = tpu.vector_load %arg8[%swap3A_192, %swap3A_193] {strides = array<i32>} : memref<4x128xi32, #tpu.memory_space<vmem>>, vector<16xi32>,
    tpu.vector_store %arg8[%swap3A_192, %swap3A_193], %or3A_190 {strides = array<i32>} : memref<4x128xi32, #tpu.memory_space<vmem>>, vector<16xi32>,
    %get3A_195 = arith.constant 0 : i32
    %get3A_196 = arith.index_cast %get3A_195 : i32 to index
    %get3A_197 = arith.constant 80 : index
    %get3A_198 = tpu.vector_load %arg7[%get3A_196, %get3A_197] {strides = array<i32>} : memref<4x128xi32, #tpu.memory_space<vmem>>, vector<16xi32>,
    %and3A_199 = arith.constant 262143 : i32
    %and3A_200 = vector.broadcast %and3A_199 : i32 to vector<16xi32>
    %and3A_201 = arith.andi %get3A_198, %and3A_200 : vector<16xi32>
    %shift_left3A_202 = arith.constant 2 : i32
    %shift_left3A_203 = vector.broadcast %shift_left3A_202 : i32 to vector<16xi32>
    %shift_left3A_204 = arith.shli %and3A_201, %shift_left3A_203 : vector<16xi32>
    %shift_right_arithmetic3A_205 = arith.constant 18 : i32
    %shift_right_arithmetic3A_206 = vector.broadcast %shift_right_arithmetic3A_205 : i32 to vector<16xi32>
    %shift_right_arithmetic3A_207 = arith.shrsi %get3A_198, %shift_right_arithmetic3A_206 : vector<16xi32>
    %or3A_208 = arith.ori %shift_left3A_204, %shift_right_arithmetic3A_207 : vector<16xi32>
    %swap3A_209 = arith.constant 0 : i32
    %swap3A_210 = arith.index_cast %swap3A_209 : i32 to index
    %swap3A_211 = arith.constant 80 : index
    %swap3A_212 = tpu.vector_load %arg9[%swap3A_210, %swap3A_211] {strides = array<i32>} : memref<4x128xi32, #tpu.memory_space<vmem>>, vector<16xi32>,
    tpu.vector_store %arg9[%swap3A_210, %swap3A_211], %or3A_208 {strides = array<i32>} : memref<4x128xi32, #tpu.memory_space<vmem>>, vector<16xi32>,
    %get3A_213 = arith.constant 0 : i32
    %get3A_214 = arith.index_cast %get3A_213 : i32 to index
    %get3A_215 = arith.constant 96 : index
    %get3A_216 = tpu.vector_load %arg6[%get3A_214, %get3A_215] {strides = array<i32>} : memref<4x128xi32, #tpu.memory_space<vmem>>, vector<16xi32>,
    %and3A_217 = arith.constant 262143 : i32
    %and3A_218 = vector.broadcast %and3A_217 : i32 to vector<16xi32>
    %and3A_219 = arith.andi %get3A_216, %and3A_218 : vector<16xi32>
    %shift_left3A_220 = arith.constant 2 : i32
    %shift_left3A_221 = vector.broadcast %shift_left3A_220 : i32 to vector<16xi32>
    %shift_left3A_222 = arith.shli %and3A_219, %shift_left3A_221 : vector<16xi32>
    %shift_right_arithmetic3A_223 = arith.constant 18 : i32
    %shift_right_arithmetic3A_224 = vector.broadcast %shift_right_arithmetic3A_223 : i32 to vector<16xi32>
    %shift_right_arithmetic3A_225 = arith.shrsi %get3A_216, %shift_right_arithmetic3A_224 : vector<16xi32>
    %or3A_226 = arith.ori %shift_left3A_222, %shift_right_arithmetic3A_225 : vector<16xi32>
    %swap3A_227 = arith.constant 0 : i32
    %swap3A_228 = arith.index_cast %swap3A_227 : i32 to index
    %swap3A_229 = arith.constant 96 : index
    %swap3A_230 = tpu.vector_load %arg8[%swap3A_228, %swap3A_229] {strides = array<i32>} : memref<4x128xi32, #tpu.memory_space<vmem>>, vector<16xi32>,
    tpu.vector_store %arg8[%swap3A_228, %swap3A_229], %or3A_226 {strides = array<i32>} : memref<4x128xi32, #tpu.memory_space<vmem>>, vector<16xi32>,
    %get3A_231 = arith.constant 0 : i32
    %get3A_232 = arith.index_cast %get3A_231 : i32 to index
    %get3A_233 = arith.constant 96 : index
    %get3A_234 = tpu.vector_load %arg7[%get3A_232, %get3A_233] {strides = array<i32>} : memref<4x128xi32, #tpu.memory_space<vmem>>, vector<16xi32>,
    %and3A_235 = arith.constant 262143 : i32
    %and3A_236 = vector.broadcast %and3A_235 : i32 to vector<16xi32>
    %and3A_237 = arith.andi %get3A_234, %and3A_236 : vector<16xi32>
    %shift_left3A_238 = arith.constant 2 : i32
    %shift_left3A_239 = vector.broadcast %shift_left3A_238 : i32 to vector<16xi32>
    %shift_left3A_240 = arith.shli %and3A_237, %shift_left3A_239 : vector<16xi32>
    %shift_right_arithmetic3A_241 = arith.constant 18 : i32
    %shift_right_arithmetic3A_242 = vector.broadcast %shift_right_arithmetic3A_241 : i32 to vector<16xi32>
    %shift_right_arithmetic3A_243 = arith.shrsi %get3A_234, %shift_right_arithmetic3A_242 : vector<16xi32>
    %or3A_244 = arith.ori %shift_left3A_240, %shift_right_arithmetic3A_243 : vector<16xi32>
    %swap3A_245 = arith.constant 0 : i32
    %swap3A_246 = arith.index_cast %swap3A_245 : i32 to index
    %swap3A_247 = arith.constant 96 : index
    %swap3A_248 = tpu.vector_load %arg9[%swap3A_246, %swap3A_247] {strides = array<i32>} : memref<4x128xi32, #tpu.memory_space<vmem>>, vector<16xi32>,
    tpu.vector_store %arg9[%swap3A_246, %swap3A_247], %or3A_244 {strides = array<i32>} : memref<4x128xi32, #tpu.memory_space<vmem>>, vector<16xi32>,
    %get3A_249 = arith.constant 0 : i32
    %get3A_250 = arith.index_cast %get3A_249 : i32 to index
    %get3A_251 = arith.constant 112 : index
    %get3A_252 = tpu.vector_load %arg6[%get3A_250, %get3A_251] {strides = array<i32>} : memref<4x128xi32, #tpu.memory_space<vmem>>, vector<16xi32>,
    %and3A_253 = arith.constant 262143 : i32
    %and3A_254 = vector.broadcast %and3A_253 : i32 to vector<16xi32>
    %and3A_255 = arith.andi %get3A_252, %and3A_254 : vector<16xi32>
    %shift_left3A_256 = arith.constant 2 : i32
    %shift_left3A_257 = vector.broadcast %shift_left3A_256 : i32 to vector<16xi32>
    %shift_left3A_258 = arith.shli %and3A_255, %shift_left3A_257 : vector<16xi32>
    %shift_right_arithmetic3A_259 = arith.constant 18 : i32
    %shift_right_arithmetic3A_260 = vector.broadcast %shift_right_arithmetic3A_259 : i32 to vector<16xi32>
    %shift_right_arithmetic3A_261 = arith.shrsi %get3A_252, %shift_right_arithmetic3A_260 : vector<16xi32>
    %or3A_262 = arith.ori %shift_left3A_258, %shift_right_arithmetic3A_261 : vector<16xi32>
    %swap3A_263 = arith.constant 0 : i32
    %swap3A_264 = arith.index_cast %swap3A_263 : i32 to index
    %swap3A_265 = arith.constant 112 : index
    %swap3A_266 = tpu.vector_load %arg8[%swap3A_264, %swap3A_265] {strides = array<i32>} : memref<4x128xi32, #tpu.memory_space<vmem>>, vector<16xi32>,
    tpu.vector_store %arg8[%swap3A_264, %swap3A_265], %or3A_262 {strides = array<i32>} : memref<4x128xi32, #tpu.memory_space<vmem>>, vector<16xi32>,
    %get3A_267 = arith.constant 0 : i32
    %get3A_268 = arith.index_cast %get3A_267 : i32 to index
    %get3A_269 = arith.constant 112 : index
    %get3A_270 = tpu.vector_load %arg7[%get3A_268, %get3A_269] {strides = array<i32>} : memref<4x128xi32, #tpu.memory_space<vmem>>, vector<16xi32>,
    %and3A_271 = arith.constant 262143 : i32
    %and3A_272 = vector.broadcast %and3A_271 : i32 to vector<16xi32>
    %and3A_273 = arith.andi %get3A_270, %and3A_272 : vector<16xi32>
    %shift_left3A_274 = arith.constant 2 : i32
    %shift_left3A_275 = vector.broadcast %shift_left3A_274 : i32 to vector<16xi32>
    %shift_left3A_276 = arith.shli %and3A_273, %shift_left3A_275 : vector<16xi32>
    %shift_right_arithmetic3A_277 = arith.constant 18 : i32
    %shift_right_arithmetic3A_278 = vector.broadcast %shift_right_arithmetic3A_277 : i32 to vector<16xi32>
    %shift_right_arithmetic3A_279 = arith.shrsi %get3A_270, %shift_right_arithmetic3A_278 : vector<16xi32>
    %or3A_280 = arith.ori %shift_left3A_276, %shift_right_arithmetic3A_279 : vector<16xi32>
    %swap3A_281 = arith.constant 0 : i32
    %swap3A_282 = arith.index_cast %swap3A_281 : i32 to index
    %swap3A_283 = arith.constant 112 : index
    %swap3A_284 = tpu.vector_load %arg9[%swap3A_282, %swap3A_283] {strides = array<i32>} : memref<4x128xi32, #tpu.memory_space<vmem>>, vector<16xi32>,
    tpu.vector_store %arg9[%swap3A_282, %swap3A_283], %or3A_280 {strides = array<i32>} : memref<4x128xi32, #tpu.memory_space<vmem>>, vector<16xi32>,
    %get3A_285 = arith.constant 1 : i32
    %get3A_286 = arith.index_cast %get3A_285 : i32 to index
    %get3A_287 = arith.constant 0 : index
    %get3A_288 = tpu.vector_load %arg6[%get3A_286, %get3A_287] {strides = array<i32>} : memref<4x128xi32, #tpu.memory_space<vmem>>, vector<16xi32>,
    %and3A_289 = arith.constant 262143 : i32
    %and3A_290 = vector.broadcast %and3A_289 : i32 to vector<16xi32>
    %and3A_291 = arith.andi %get3A_288, %and3A_290 : vector<16xi32>
    %shift_left3A_292 = arith.constant 2 : i32
    %shift_left3A_293 = vector.broadcast %shift_left3A_292 : i32 to vector<16xi32>
    %shift_left3A_294 = arith.shli %and3A_291, %shift_left3A_293 : vector<16xi32>
    %shift_right_arithmetic3A_295 = arith.constant 18 : i32
    %shift_right_arithmetic3A_296 = vector.broadcast %shift_right_arithmetic3A_295 : i32 to vector<16xi32>
    %shift_right_arithmetic3A_297 = arith.shrsi %get3A_288, %shift_right_arithmetic3A_296 : vector<16xi32>
    %or3A_298 = arith.ori %shift_left3A_294, %shift_right_arithmetic3A_297 : vector<16xi32>
    %swap3A_299 = arith.constant 1 : i32
    %swap3A_300 = arith.index_cast %swap3A_299 : i32 to index
    %swap3A_301 = arith.constant 0 : index
    %swap3A_302 = tpu.vector_load %arg8[%swap3A_300, %swap3A_301] {strides = array<i32>} : memref<4x128xi32, #tpu.memory_space<vmem>>, vector<16xi32>,
    tpu.vector_store %arg8[%swap3A_300, %swap3A_301], %or3A_298 {strides = array<i32>} : memref<4x128xi32, #tpu.memory_space<vmem>>, vector<16xi32>,
    %get3A_303 = arith.constant 1 : i32
    %get3A_304 = arith.index_cast %get3A_303 : i32 to index
    %get3A_305 = arith.constant 0 : index
    %get3A_306 = tpu.vector_load %arg7[%get3A_304, %get3A_305] {strides = array<i32>} : memref<4x128xi32, #tpu.memory_space<vmem>>, vector<16xi32>,
    %and3A_307 = arith.constant 262143 : i32
    %and3A_308 = vector.broadcast %and3A_307 : i32 to vector<16xi32>
    %and3A_309 = arith.andi %get3A_306, %and3A_308 : vector<16xi32>
    %shift_left3A_310 = arith.constant 2 : i32
    %shift_left3A_311 = vector.broadcast %shift_left3A_310 : i32 to vector<16xi32>
    %shift_left3A_312 = arith.shli %and3A_309, %shift_left3A_311 : vector<16xi32>
    %shift_right_arithmetic3A_313 = arith.constant 18 : i32
    %shift_right_arithmetic3A_314 = vector.broadcast %shift_right_arithmetic3A_313 : i32 to vector<16xi32>
    %shift_right_arithmetic3A_315 = arith.shrsi %get3A_306, %shift_right_arithmetic3A_314 : vector<16xi32>
    %or3A_316 = arith.ori %shift_left3A_312, %shift_right_arithmetic3A_315 : vector<16xi32>
    %swap3A_317 = arith.constant 1 : i32
    %swap3A_318 = arith.index_cast %swap3A_317 : i32 to index
    %swap3A_319 = arith.constant 0 : index
    %swap3A_320 = tpu.vector_load %arg9[%swap3A_318, %swap3A_319] {strides = array<i32>} : memref<4x128xi32, #tpu.memory_space<vmem>>, vector<16xi32>,
    tpu.vector_store %arg9[%swap3A_318, %swap3A_319], %or3A_316 {strides = array<i32>} : memref<4x128xi32, #tpu.memory_space<vmem>>, vector<16xi32>,
    %get3A_321 = arith.constant 1 : i32
    %get3A_322 = arith.index_cast %get3A_321 : i32 to index
    %get3A_323 = arith.constant 16 : index
    %get3A_324 = tpu.vector_load %arg6[%get3A_322, %get3A_323] {strides = array<i32>} : memref<4x128xi32, #tpu.memory_space<vmem>>, vector<16xi32>,
    %and3A_325 = arith.constant 262143 : i32
    %and3A_326 = vector.broadcast %and3A_325 : i32 to vector<16xi32>
    %and3A_327 = arith.andi %get3A_324, %and3A_326 : vector<16xi32>
    %shift_left3A_328 = arith.constant 2 : i32
    %shift_left3A_329 = vector.broadcast %shift_left3A_328 : i32 to vector<16xi32>
    %shift_left3A_330 = arith.shli %and3A_327, %shift_left3A_329 : vector<16xi32>
    %shift_right_arithmetic3A_331 = arith.constant 18 : i32
    %shift_right_arithmetic3A_332 = vector.broadcast %shift_right_arithmetic3A_331 : i32 to vector<16xi32>
    %shift_right_arithmetic3A_333 = arith.shrsi %get3A_324, %shift_right_arithmetic3A_332 : vector<16xi32>
    %or3A_334 = arith.ori %shift_left3A_330, %shift_right_arithmetic3A_333 : vector<16xi32>
    %swap3A_335 = arith.constant 1 : i32
    %swap3A_336 = arith.index_cast %swap3A_335 : i32 to index
    %swap3A_337 = arith.constant 16 : index
    %swap3A_338 = tpu.vector_load %arg8[%swap3A_336, %swap3A_337] {strides = array<i32>} : memref<4x128xi32, #tpu.memory_space<vmem>>, vector<16xi32>,
    tpu.vector_store %arg8[%swap3A_336, %swap3A_337], %or3A_334 {strides = array<i32>} : memref<4x128xi32, #tpu.memory_space<vmem>>, vector<16xi32>,
    %get3A_339 = arith.constant 1 : i32
    %get3A_340 = arith.index_cast %get3A_339 : i32 to index
    %get3A_341 = arith.constant 16 : index
    %get3A_342 = tpu.vector_load %arg7[%get3A_340, %get3A_341] {strides = array<i32>} : memref<4x128xi32, #tpu.memory_space<vmem>>, vector<16xi32>,
    %and3A_343 = arith.constant 262143 : i32
    %and3A_344 = vector.broadcast %and3A_343 : i32 to vector<16xi32>
    %and3A_345 = arith.andi %get3A_342, %and3A_344 : vector<16xi32>
    %shift_left3A_346 = arith.constant 2 : i32
    %shift_left3A_347 = vector.broadcast %shift_left3A_346 : i32 to vector<16xi32>
    %shift_left3A_348 = arith.shli %and3A_345, %shift_left3A_347 : vector<16xi32>
    %shift_right_arithmetic3A_349 = arith.constant 18 : i32
    %shift_right_arithmetic3A_350 = vector.broadcast %shift_right_arithmetic3A_349 : i32 to vector<16xi32>
    %shift_right_arithmetic3A_351 = arith.shrsi %get3A_342, %shift_right_arithmetic3A_350 : vector<16xi32>
    %or3A_352 = arith.ori %shift_left3A_348, %shift_right_arithmetic3A_351 : vector<16xi32>
    %swap3A_353 = arith.constant 1 : i32
    %swap3A_354 = arith.index_cast %swap3A_353 : i32 to index
    %swap3A_355 = arith.constant 16 : index
    %swap3A_356 = tpu.vector_load %arg9[%swap3A_354, %swap3A_355] {strides = array<i32>} : memref<4x128xi32, #tpu.memory_space<vmem>>, vector<16xi32>,
    tpu.vector_store %arg9[%swap3A_354, %swap3A_355], %or3A_352 {strides = array<i32>} : memref<4x128xi32, #tpu.memory_space<vmem>>, vector<16xi32>,
    %get3A_357 = arith.constant 1 : i32
    %get3A_358 = arith.index_cast %get3A_357 : i32 to index
    %get3A_359 = arith.constant 32 : index
    %get3A_360 = tpu.vector_load %arg6[%get3A_358, %get3A_359] {strides = array<i32>} : memref<4x128xi32, #tpu.memory_space<vmem>>, vector<16xi32>,
    %and3A_361 = arith.constant 262143 : i32
    %and3A_362 = vector.broadcast %and3A_361 : i32 to vector<16xi32>
    %and3A_363 = arith.andi %get3A_360, %and3A_362 : vector<16xi32>
    %shift_left3A_364 = arith.constant 2 : i32
    %shift_left3A_365 = vector.broadcast %shift_left3A_364 : i32 to vector<16xi32>
    %shift_left3A_366 = arith.shli %and3A_363, %shift_left3A_365 : vector<16xi32>
    %shift_right_arithmetic3A_367 = arith.constant 18 : i32
    %shift_right_arithmetic3A_368 = vector.broadcast %shift_right_arithmetic3A_367 : i32 to vector<16xi32>
    %shift_right_arithmetic3A_369 = arith.shrsi %get3A_360, %shift_right_arithmetic3A_368 : vector<16xi32>
    %or3A_370 = arith.ori %shift_left3A_366, %shift_right_arithmetic3A_369 : vector<16xi32>
    %swap3A_371 = arith.constant 1 : i32
    %swap3A_372 = arith.index_cast %swap3A_371 : i32 to index
    %swap3A_373 = arith.constant 32 : index
    %swap3A_374 = tpu.vector_load %arg8[%swap3A_372, %swap3A_373] {strides = array<i32>} : memref<4x128xi32, #tpu.memory_space<vmem>>, vector<16xi32>,
    tpu.vector_store %arg8[%swap3A_372, %swap3A_373], %or3A_370 {strides = array<i32>} : memref<4x128xi32, #tpu.memory_space<vmem>>, vector<16xi32>,
    %get3A_375 = arith.constant 1 : i32
    %get3A_376 = arith.index_cast %get3A_375 : i32 to index
    %get3A_377 = arith.constant 32 : index
    %get3A_378 = tpu.vector_load %arg7[%get3A_376, %get3A_377] {strides = array<i32>} : memref<4x128xi32, #tpu.memory_space<vmem>>, vector<16xi32>,
    %and3A_379 = arith.constant 262143 : i32
    %and3A_380 = vector.broadcast %and3A_379 : i32 to vector<16xi32>
    %and3A_381 = arith.andi %get3A_378, %and3A_380 : vector<16xi32>
    %shift_left3A_382 = arith.constant 2 : i32
    %shift_left3A_383 = vector.broadcast %shift_left3A_382 : i32 to vector<16xi32>
    %shift_left3A_384 = arith.shli %and3A_381, %shift_left3A_383 : vector<16xi32>
    %shift_right_arithmetic3A_385 = arith.constant 18 : i32
    %shift_right_arithmetic3A_386 = vector.broadcast %shift_right_arithmetic3A_385 : i32 to vector<16xi32>
    %shift_right_arithmetic3A_387 = arith.shrsi %get3A_378, %shift_right_arithmetic3A_386 : vector<16xi32>
    %or3A_388 = arith.ori %shift_left3A_384, %shift_right_arithmetic3A_387 : vector<16xi32>
    %swap3A_389 = arith.constant 1 : i32
    %swap3A_390 = arith.index_cast %swap3A_389 : i32 to index
    %swap3A_391 = arith.constant 32 : index
    %swap3A_392 = tpu.vector_load %arg9[%swap3A_390, %swap3A_391] {strides = array<i32>} : memref<4x128xi32, #tpu.memory_space<vmem>>, vector<16xi32>,
    tpu.vector_store %arg9[%swap3A_390, %swap3A_391], %or3A_388 {strides = array<i32>} : memref<4x128xi32, #tpu.memory_space<vmem>>, vector<16xi32>,
    %get3A_393 = arith.constant 1 : i32
    %get3A_394 = arith.index_cast %get3A_393 : i32 to index
    %get3A_395 = arith.constant 48 : index
    %get3A_396 = tpu.vector_load %arg6[%get3A_394, %get3A_395] {strides = array<i32>} : memref<4x128xi32, #tpu.memory_space<vmem>>, vector<16xi32>,
    %and3A_397 = arith.constant 262143 : i32
    %and3A_398 = vector.broadcast %and3A_397 : i32 to vector<16xi32>
    %and3A_399 = arith.andi %get3A_396, %and3A_398 : vector<16xi32>
    %shift_left3A_400 = arith.constant 2 : i32
    %shift_left3A_401 = vector.broadcast %shift_left3A_400 : i32 to vector<16xi32>
    %shift_left3A_402 = arith.shli %and3A_399, %shift_left3A_401 : vector<16xi32>
    %shift_right_arithmetic3A_403 = arith.constant 18 : i32
    %shift_right_arithmetic3A_404 = vector.broadcast %shift_right_arithmetic3A_403 : i32 to vector<16xi32>
    %shift_right_arithmetic3A_405 = arith.shrsi %get3A_396, %shift_right_arithmetic3A_404 : vector<16xi32>
    %or3A_406 = arith.ori %shift_left3A_402, %shift_right_arithmetic3A_405 : vector<16xi32>
    %swap3A_407 = arith.constant 1 : i32
    %swap3A_408 = arith.index_cast %swap3A_407 : i32 to index
    %swap3A_409 = arith.constant 48 : index
    %swap3A_410 = tpu.vector_load %arg8[%swap3A_408, %swap3A_409] {strides = array<i32>} : memref<4x128xi32, #tpu.memory_space<vmem>>, vector<16xi32>,
    tpu.vector_store %arg8[%swap3A_408, %swap3A_409], %or3A_406 {strides = array<i32>} : memref<4x128xi32, #tpu.memory_space<vmem>>, vector<16xi32>,
    %get3A_411 = arith.constant 1 : i32
    %get3A_412 = arith.index_cast %get3A_411 : i32 to index
    %get3A_413 = arith.constant 48 : index
    %get3A_414 = tpu.vector_load %arg7[%get3A_412, %get3A_413] {strides = array<i32>} : memref<4x128xi32, #tpu.memory_space<vmem>>, vector<16xi32>,
    %and3A_415 = arith.constant 262143 : i32
    %and3A_416 = vector.broadcast %and3A_415 : i32 to vector<16xi32>
    %and3A_417 = arith.andi %get3A_414, %and3A_416 : vector<16xi32>
    %shift_left3A_418 = arith.constant 2 : i32
    %shift_left3A_419 = vector.broadcast %shift_left3A_418 : i32 to vector<16xi32>
    %shift_left3A_420 = arith.shli %and3A_417, %shift_left3A_419 : vector<16xi32>
    %shift_right_arithmetic3A_421 = arith.constant 18 : i32
    %shift_right_arithmetic3A_422 = vector.broadcast %shift_right_arithmetic3A_421 : i32 to vector<16xi32>
    %shift_right_arithmetic3A_423 = arith.shrsi %get3A_414, %shift_right_arithmetic3A_422 : vector<16xi32>
    %or3A_424 = arith.ori %shift_left3A_420, %shift_right_arithmetic3A_423 : vector<16xi32>
    %swap3A_425 = arith.constant 1 : i32
    %swap3A_426 = arith.index_cast %swap3A_425 : i32 to index
    %swap3A_427 = arith.constant 48 : index
    %swap3A_428 = tpu.vector_load %arg9[%swap3A_426, %swap3A_427] {strides = array<i32>} : memref<4x128xi32, #tpu.memory_space<vmem>>, vector<16xi32>,
    tpu.vector_store %arg9[%swap3A_426, %swap3A_427], %or3A_424 {strides = array<i32>} : memref<4x128xi32, #tpu.memory_space<vmem>>, vector<16xi32>,
    %get3A_429 = arith.constant 1 : i32
    %get3A_430 = arith.index_cast %get3A_429 : i32 to index
    %get3A_431 = arith.constant 64 : index
    %get3A_432 = tpu.vector_load %arg6[%get3A_430, %get3A_431] {strides = array<i32>} : memref<4x128xi32, #tpu.memory_space<vmem>>, vector<16xi32>,
    %and3A_433 = arith.constant 262143 : i32
    %and3A_434 = vector.broadcast %and3A_433 : i32 to vector<16xi32>
    %and3A_435 = arith.andi %get3A_432, %and3A_434 : vector<16xi32>
    %shift_left3A_436 = arith.constant 2 : i32
    %shift_left3A_437 = vector.broadcast %shift_left3A_436 : i32 to vector<16xi32>
    %shift_left3A_438 = arith.shli %and3A_435, %shift_left3A_437 : vector<16xi32>
    %shift_right_arithmetic3A_439 = arith.constant 18 : i32
    %shift_right_arithmetic3A_440 = vector.broadcast %shift_right_arithmetic3A_439 : i32 to vector<16xi32>
    %shift_right_arithmetic3A_441 = arith.shrsi %get3A_432, %shift_right_arithmetic3A_440 : vector<16xi32>
    %or3A_442 = arith.ori %shift_left3A_438, %shift_right_arithmetic3A_441 : vector<16xi32>
    %swap3A_443 = arith.constant 1 : i32
    %swap3A_444 = arith.index_cast %swap3A_443 : i32 to index
    %swap3A_445 = arith.constant 64 : index
    %swap3A_446 = tpu.vector_load %arg8[%swap3A_444, %swap3A_445] {strides = array<i32>} : memref<4x128xi32, #tpu.memory_space<vmem>>, vector<16xi32>,
    tpu.vector_store %arg8[%swap3A_444, %swap3A_445], %or3A_442 {strides = array<i32>} : memref<4x128xi32, #tpu.memory_space<vmem>>, vector<16xi32>,
    %get3A_447 = arith.constant 1 : i32
    %get3A_448 = arith.index_cast %get3A_447 : i32 to index
    %get3A_449 = arith.constant 64 : index
    %get3A_450 = tpu.vector_load %arg7[%get3A_448, %get3A_449] {strides = array<i32>} : memref<4x128xi32, #tpu.memory_space<vmem>>, vector<16xi32>,
    %and3A_451 = arith.constant 262143 : i32
    %and3A_452 = vector.broadcast %and3A_451 : i32 to vector<16xi32>
    %and3A_453 = arith.andi %get3A_450, %and3A_452 : vector<16xi32>
    %shift_left3A_454 = arith.constant 2 : i32
    %shift_left3A_455 = vector.broadcast %shift_left3A_454 : i32 to vector<16xi32>
    %shift_left3A_456 = arith.shli %and3A_453, %shift_left3A_455 : vector<16xi32>
    %shift_right_arithmetic3A_457 = arith.constant 18 : i32
    %shift_right_arithmetic3A_458 = vector.broadcast %shift_right_arithmetic3A_457 : i32 to vector<16xi32>
    %shift_right_arithmetic3A_459 = arith.shrsi %get3A_450, %shift_right_arithmetic3A_458 : vector<16xi32>
    %or3A_460 = arith.ori %shift_left3A_456, %shift_right_arithmetic3A_459 : vector<16xi32>
    %swap3A_461 = arith.constant 1 : i32
    %swap3A_462 = arith.index_cast %swap3A_461 : i32 to index
    %swap3A_463 = arith.constant 64 : index
    %swap3A_464 = tpu.vector_load %arg9[%swap3A_462, %swap3A_463] {strides = array<i32>} : memref<4x128xi32, #tpu.memory_space<vmem>>, vector<16xi32>,
    tpu.vector_store %arg9[%swap3A_462, %swap3A_463], %or3A_460 {strides = array<i32>} : memref<4x128xi32, #tpu.memory_space<vmem>>, vector<16xi32>,
    %get3A_465 = arith.constant 1 : i32
    %get3A_466 = arith.index_cast %get3A_465 : i32 to index
    %get3A_467 = arith.constant 80 : index
    %get3A_468 = tpu.vector_load %arg6[%get3A_466, %get3A_467] {strides = array<i32>} : memref<4x128xi32, #tpu.memory_space<vmem>>, vector<16xi32>,
    %and3A_469 = arith.constant 262143 : i32
    %and3A_470 = vector.broadcast %and3A_469 : i32 to vector<16xi32>
    %and3A_471 = arith.andi %get3A_468, %and3A_470 : vector<16xi32>
    %shift_left3A_472 = arith.constant 2 : i32
    %shift_left3A_473 = vector.broadcast %shift_left3A_472 : i32 to vector<16xi32>
    %shift_left3A_474 = arith.shli %and3A_471, %shift_left3A_473 : vector<16xi32>
    %shift_right_arithmetic3A_475 = arith.constant 18 : i32
    %shift_right_arithmetic3A_476 = vector.broadcast %shift_right_arithmetic3A_475 : i32 to vector<16xi32>
    %shift_right_arithmetic3A_477 = arith.shrsi %get3A_468, %shift_right_arithmetic3A_476 : vector<16xi32>
    %or3A_478 = arith.ori %shift_left3A_474, %shift_right_arithmetic3A_477 : vector<16xi32>
    %swap3A_479 = arith.constant 1 : i32
    %swap3A_480 = arith.index_cast %swap3A_479 : i32 to index
    %swap3A_481 = arith.constant 80 : index
    %swap3A_482 = tpu.vector_load %arg8[%swap3A_480, %swap3A_481] {strides = array<i32>} : memref<4x128xi32, #tpu.memory_space<vmem>>, vector<16xi32>,
    tpu.vector_store %arg8[%swap3A_480, %swap3A_481], %or3A_478 {strides = array<i32>} : memref<4x128xi32, #tpu.memory_space<vmem>>, vector<16xi32>,
    %get3A_483 = arith.constant 1 : i32
    %get3A_484 = arith.index_cast %get3A_483 : i32 to index
    %get3A_485 = arith.constant 80 : index
    %get3A_486 = tpu.vector_load %arg7[%get3A_484, %get3A_485] {strides = array<i32>} : memref<4x128xi32, #tpu.memory_space<vmem>>, vector<16xi32>,
    %and3A_487 = arith.constant 262143 : i32
    %and3A_488 = vector.broadcast %and3A_487 : i32 to vector<16xi32>
    %and3A_489 = arith.andi %get3A_486, %and3A_488 : vector<16xi32>
    %shift_left3A_490 = arith.constant 2 : i32
    %shift_left3A_491 = vector.broadcast %shift_left3A_490 : i32 to vector<16xi32>
    %shift_left3A_492 = arith.shli %and3A_489, %shift_left3A_491 : vector<16xi32>
    %shift_right_arithmetic3A_493 = arith.constant 18 : i32
    %shift_right_arithmetic3A_494 = vector.broadcast %shift_right_arithmetic3A_493 : i32 to vector<16xi32>
    %shift_right_arithmetic3A_495 = arith.shrsi %get3A_486, %shift_right_arithmetic3A_494 : vector<16xi32>
    %or3A_496 = arith.ori %shift_left3A_492, %shift_right_arithmetic3A_495 : vector<16xi32>
    %swap3A_497 = arith.constant 1 : i32
    %swap3A_498 = arith.index_cast %swap3A_497 : i32 to index
    %swap3A_499 = arith.constant 80 : index
    %swap3A_500 = tpu.vector_load %arg9[%swap3A_498, %swap3A_499] {strides = array<i32>} : memref<4x128xi32, #tpu.memory_space<vmem>>, vector<16xi32>,
    tpu.vector_store %arg9[%swap3A_498, %swap3A_499], %or3A_496 {strides = array<i32>} : memref<4x128xi32, #tpu.memory_space<vmem>>, vector<16xi32>,
    %get3A_501 = arith.constant 1 : i32
    %get3A_502 = arith.index_cast %get3A_501 : i32 to index
    %get3A_503 = arith.constant 96 : index
    %get3A_504 = tpu.vector_load %arg6[%get3A_502, %get3A_503] {strides = array<i32>} : memref<4x128xi32, #tpu.memory_space<vmem>>, vector<16xi32>,
    %and3A_505 = arith.constant 262143 : i32
    %and3A_506 = vector.broadcast %and3A_505 : i32 to vector<16xi32>
    %and3A_507 = arith.andi %get3A_504, %and3A_506 : vector<16xi32>
    %shift_left3A_508 = arith.constant 2 : i32
    %shift_left3A_509 = vector.broadcast %shift_left3A_508 : i32 to vector<16xi32>
    %shift_left3A_510 = arith.shli %and3A_507, %shift_left3A_509 : vector<16xi32>
    %shift_right_arithmetic3A_511 = arith.constant 18 : i32
    %shift_right_arithmetic3A_512 = vector.broadcast %shift_right_arithmetic3A_511 : i32 to vector<16xi32>
    %shift_right_arithmetic3A_513 = arith.shrsi %get3A_504, %shift_right_arithmetic3A_512 : vector<16xi32>
    %or3A_514 = arith.ori %shift_left3A_510, %shift_right_arithmetic3A_513 : vector<16xi32>
    %swap3A_515 = arith.constant 1 : i32
    %swap3A_516 = arith.index_cast %swap3A_515 : i32 to index
    %swap3A_517 = arith.constant 96 : index
    %swap3A_518 = tpu.vector_load %arg8[%swap3A_516, %swap3A_517] {strides = array<i32>} : memref<4x128xi32, #tpu.memory_space<vmem>>, vector<16xi32>,
    tpu.vector_store %arg8[%swap3A_516, %swap3A_517], %or3A_514 {strides = array<i32>} : memref<4x128xi32, #tpu.memory_space<vmem>>, vector<16xi32>,
    %get3A_519 = arith.constant 1 : i32
    %get3A_520 = arith.index_cast %get3A_519 : i32 to index
    %get3A_521 = arith.constant 96 : index
    %get3A_522 = tpu.vector_load %arg7[%get3A_520, %get3A_521] {strides = array<i32>} : memref<4x128xi32, #tpu.memory_space<vmem>>, vector<16xi32>,
    %and3A_523 = arith.constant 262143 : i32
    %and3A_524 = vector.broadcast %and3A_523 : i32 to vector<16xi32>
    %and3A_525 = arith.andi %get3A_522, %and3A_524 : vector<16xi32>
    %shift_left3A_526 = arith.constant 2 : i32
    %shift_left3A_527 = vector.broadcast %shift_left3A_526 : i32 to vector<16xi32>
    %shift_left3A_528 = arith.shli %and3A_525, %shift_left3A_527 : vector<16xi32>
    %shift_right_arithmetic3A_529 = arith.constant 18 : i32
    %shift_right_arithmetic3A_530 = vector.broadcast %shift_right_arithmetic3A_529 : i32 to vector<16xi32>
    %shift_right_arithmetic3A_531 = arith.shrsi %get3A_522, %shift_right_arithmetic3A_530 : vector<16xi32>
    %or3A_532 = arith.ori %shift_left3A_528, %shift_right_arithmetic3A_531 : vector<16xi32>
    %swap3A_533 = arith.constant 1 : i32
    %swap3A_534 = arith.index_cast %swap3A_533 : i32 to index
    %swap3A_535 = arith.constant 96 : index
    %swap3A_536 = tpu.vector_load %arg9[%swap3A_534, %swap3A_535] {strides = array<i32>} : memref<4x128xi32, #tpu.memory_space<vmem>>, vector<16xi32>,
    tpu.vector_store %arg9[%swap3A_534, %swap3A_535], %or3A_532 {strides = array<i32>} : memref<4x128xi32, #tpu.memory_space<vmem>>, vector<16xi32>,
    %get3A_537 = arith.constant 1 : i32
    %get3A_538 = arith.index_cast %get3A_537 : i32 to index
    %get3A_539 = arith.constant 112 : index
    %get3A_540 = tpu.vector_load %arg6[%get3A_538, %get3A_539] {strides = array<i32>} : memref<4x128xi32, #tpu.memory_space<vmem>>, vector<16xi32>,
    %and3A_541 = arith.constant 262143 : i32
    %and3A_542 = vector.broadcast %and3A_541 : i32 to vector<16xi32>
    %and3A_543 = arith.andi %get3A_540, %and3A_542 : vector<16xi32>
    %shift_left3A_544 = arith.constant 2 : i32
    %shift_left3A_545 = vector.broadcast %shift_left3A_544 : i32 to vector<16xi32>
    %shift_left3A_546 = arith.shli %and3A_543, %shift_left3A_545 : vector<16xi32>
    %shift_right_arithmetic3A_547 = arith.constant 18 : i32
    %shift_right_arithmetic3A_548 = vector.broadcast %shift_right_arithmetic3A_547 : i32 to vector<16xi32>
    %shift_right_arithmetic3A_549 = arith.shrsi %get3A_540, %shift_right_arithmetic3A_548 : vector<16xi32>
    %or3A_550 = arith.ori %shift_left3A_546, %shift_right_arithmetic3A_549 : vector<16xi32>
    %swap3A_551 = arith.constant 1 : i32
    %swap3A_552 = arith.index_cast %swap3A_551 : i32 to index
    %swap3A_553 = arith.constant 112 : index
    %swap3A_554 = tpu.vector_load %arg8[%swap3A_552, %swap3A_553] {strides = array<i32>} : memref<4x128xi32, #tpu.memory_space<vmem>>, vector<16xi32>,
    tpu.vector_store %arg8[%swap3A_552, %swap3A_553], %or3A_550 {strides = array<i32>} : memref<4x128xi32, #tpu.memory_space<vmem>>, vector<16xi32>,
    %get3A_555 = arith.constant 1 : i32
    %get3A_556 = arith.index_cast %get3A_555 : i32 to index
    %get3A_557 = arith.constant 112 : index
    %get3A_558 = tpu.vector_load %arg7[%get3A_556, %get3A_557] {strides = array<i32>} : memref<4x128xi32, #tpu.memory_space<vmem>>, vector<16xi32>,
    %and3A_559 = arith.constant 262143 : i32
    %and3A_560 = vector.broadcast %and3A_559 : i32 to vector<16xi32>
    %and3A_561 = arith.andi %get3A_558, %and3A_560 : vector<16xi32>
    %shift_left3A_562 = arith.constant 2 : i32
    %shift_left3A_563 = vector.broadcast %shift_left3A_562 : i32 to vector<16xi32>
    %shift_left3A_564 = arith.shli %and3A_561, %shift_left3A_563 : vector<16xi32>
    %shift_right_arithmetic3A_565 = arith.constant 18 : i32
    %shift_right_arithmetic3A_566 = vector.broadcast %shift_right_arithmetic3A_565 : i32 to vector<16xi32>
    %shift_right_arithmetic3A_567 = arith.shrsi %get3A_558, %shift_right_arithmetic3A_566 : vector<16xi32>
    %or3A_568 = arith.ori %shift_left3A_564, %shift_right_arithmetic3A_567 : vector<16xi32>
    %swap3A_569 = arith.constant 1 : i32
    %swap3A_570 = arith.index_cast %swap3A_569 : i32 to index
    %swap3A_571 = arith.constant 112 : index
    %swap3A_572 = tpu.vector_load %arg9[%swap3A_570, %swap3A_571] {strides = array<i32>} : memref<4x128xi32, #tpu.memory_space<vmem>>, vector<16xi32>,
    tpu.vector_store %arg9[%swap3A_570, %swap3A_571], %or3A_568 {strides = array<i32>} : memref<4x128xi32, #tpu.memory_space<vmem>>, vector<16xi32>,
    %get3A_573 = arith.constant 2 : i32
    %get3A_574 = arith.index_cast %get3A_573 : i32 to index
    %get3A_575 = arith.constant 0 : index
    %get3A_576 = tpu.vector_load %arg6[%get3A_574, %get3A_575] {strides = array<i32>} : memref<4x128xi32, #tpu.memory_space<vmem>>, vector<16xi32>,
    %and3A_577 = arith.constant 262143 : i32
    %and3A_578 = vector.broadcast %and3A_577 : i32 to vector<16xi32>
    %and3A_579 = arith.andi %get3A_576, %and3A_578 : vector<16xi32>
    %shift_left3A_580 = arith.constant 2 : i32
    %shift_left3A_581 = vector.broadcast %shift_left3A_580 : i32 to vector<16xi32>
    %shift_left3A_582 = arith.shli %and3A_579, %shift_left3A_581 : vector<16xi32>
    %shift_right_arithmetic3A_583 = arith.constant 18 : i32
    %shift_right_arithmetic3A_584 = vector.broadcast %shift_right_arithmetic3A_583 : i32 to vector<16xi32>
    %shift_right_arithmetic3A_585 = arith.shrsi %get3A_576, %shift_right_arithmetic3A_584 : vector<16xi32>
    %or3A_586 = arith.ori %shift_left3A_582, %shift_right_arithmetic3A_585 : vector<16xi32>
    %swap3A_587 = arith.constant 2 : i32
    %swap3A_588 = arith.index_cast %swap3A_587 : i32 to index
    %swap3A_589 = arith.constant 0 : index
    %swap3A_590 = tpu.vector_load %arg8[%swap3A_588, %swap3A_589] {strides = array<i32>} : memref<4x128xi32, #tpu.memory_space<vmem>>, vector<16xi32>,
    tpu.vector_store %arg8[%swap3A_588, %swap3A_589], %or3A_586 {strides = array<i32>} : memref<4x128xi32, #tpu.memory_space<vmem>>, vector<16xi32>,
    %get3A_591 = arith.constant 2 : i32
    %get3A_592 = arith.index_cast %get3A_591 : i32 to index
    %get3A_593 = arith.constant 0 : index
    %get3A_594 = tpu.vector_load %arg7[%get3A_592, %get3A_593] {strides = array<i32>} : memref<4x128xi32, #tpu.memory_space<vmem>>, vector<16xi32>,
    %and3A_595 = arith.constant 262143 : i32
    %and3A_596 = vector.broadcast %and3A_595 : i32 to vector<16xi32>
    %and3A_597 = arith.andi %get3A_594, %and3A_596 : vector<16xi32>
    %shift_left3A_598 = arith.constant 2 : i32
    %shift_left3A_599 = vector.broadcast %shift_left3A_598 : i32 to vector<16xi32>
    %shift_left3A_600 = arith.shli %and3A_597, %shift_left3A_599 : vector<16xi32>
    %shift_right_arithmetic3A_601 = arith.constant 18 : i32
    %shift_right_arithmetic3A_602 = vector.broadcast %shift_right_arithmetic3A_601 : i32 to vector<16xi32>
    %shift_right_arithmetic3A_603 = arith.shrsi %get3A_594, %shift_right_arithmetic3A_602 : vector<16xi32>
    %or3A_604 = arith.ori %shift_left3A_600, %shift_right_arithmetic3A_603 : vector<16xi32>
    %swap3A_605 = arith.constant 2 : i32
    %swap3A_606 = arith.index_cast %swap3A_605 : i32 to index
    %swap3A_607 = arith.constant 0 : index
    %swap3A_608 = tpu.vector_load %arg9[%swap3A_606, %swap3A_607] {strides = array<i32>} : memref<4x128xi32, #tpu.memory_space<vmem>>, vector<16xi32>,
    tpu.vector_store %arg9[%swap3A_606, %swap3A_607], %or3A_604 {strides = array<i32>} : memref<4x128xi32, #tpu.memory_space<vmem>>, vector<16xi32>,
    %get3A_609 = arith.constant 2 : i32
    %get3A_610 = arith.index_cast %get3A_609 : i32 to index
    %get3A_611 = arith.constant 16 : index
    %get3A_612 = tpu.vector_load %arg6[%get3A_610, %get3A_611] {strides = array<i32>} : memref<4x128xi32, #tpu.memory_space<vmem>>, vector<16xi32>,
    %and3A_613 = arith.constant 262143 : i32
    %and3A_614 = vector.broadcast %and3A_613 : i32 to vector<16xi32>
    %and3A_615 = arith.andi %get3A_612, %and3A_614 : vector<16xi32>
    %shift_left3A_616 = arith.constant 2 : i32
    %shift_left3A_617 = vector.broadcast %shift_left3A_616 : i32 to vector<16xi32>
    %shift_left3A_618 = arith.shli %and3A_615, %shift_left3A_617 : vector<16xi32>
    %shift_right_arithmetic3A_619 = arith.constant 18 : i32
    %shift_right_arithmetic3A_620 = vector.broadcast %shift_right_arithmetic3A_619 : i32 to vector<16xi32>
    %shift_right_arithmetic3A_621 = arith.shrsi %get3A_612, %shift_right_arithmetic3A_620 : vector<16xi32>
    %or3A_622 = arith.ori %shift_left3A_618, %shift_right_arithmetic3A_621 : vector<16xi32>
    %swap3A_623 = arith.constant 2 : i32
    %swap3A_624 = arith.index_cast %swap3A_623 : i32 to index
    %swap3A_625 = arith.constant 16 : index
    %swap3A_626 = tpu.vector_load %arg8[%swap3A_624, %swap3A_625] {strides = array<i32>} : memref<4x128xi32, #tpu.memory_space<vmem>>, vector<16xi32>,
    tpu.vector_store %arg8[%swap3A_624, %swap3A_625], %or3A_622 {strides = array<i32>} : memref<4x128xi32, #tpu.memory_space<vmem>>, vector<16xi32>,
    %get3A_627 = arith.constant 2 : i32
    %get3A_628 = arith.index_cast %get3A_627 : i32 to index
    %get3A_629 = arith.constant 16 : index
    %get3A_630 = tpu.vector_load %arg7[%get3A_628, %get3A_629] {strides = array<i32>} : memref<4x128xi32, #tpu.memory_space<vmem>>, vector<16xi32>,
    %and3A_631 = arith.constant 262143 : i32
    %and3A_632 = vector.broadcast %and3A_631 : i32 to vector<16xi32>
    %and3A_633 = arith.andi %get3A_630, %and3A_632 : vector<16xi32>
    %shift_left3A_634 = arith.constant 2 : i32
    %shift_left3A_635 = vector.broadcast %shift_left3A_634 : i32 to vector<16xi32>
    %shift_left3A_636 = arith.shli %and3A_633, %shift_left3A_635 : vector<16xi32>
    %shift_right_arithmetic3A_637 = arith.constant 18 : i32
    %shift_right_arithmetic3A_638 = vector.broadcast %shift_right_arithmetic3A_637 : i32 to vector<16xi32>
    %shift_right_arithmetic3A_639 = arith.shrsi %get3A_630, %shift_right_arithmetic3A_638 : vector<16xi32>
    %or3A_640 = arith.ori %shift_left3A_636, %shift_right_arithmetic3A_639 : vector<16xi32>
    %swap3A_641 = arith.constant 2 : i32
    %swap3A_642 = arith.index_cast %swap3A_641 : i32 to index
    %swap3A_643 = arith.constant 16 : index
    %swap3A_644 = tpu.vector_load %arg9[%swap3A_642, %swap3A_643] {strides = array<i32>} : memref<4x128xi32, #tpu.memory_space<vmem>>, vector<16xi32>,
    tpu.vector_store %arg9[%swap3A_642, %swap3A_643], %or3A_640 {strides = array<i32>} : memref<4x128xi32, #tpu.memory_space<vmem>>, vector<16xi32>,
    %get3A_645 = arith.constant 2 : i32
    %get3A_646 = arith.index_cast %get3A_645 : i32 to index
    %get3A_647 = arith.constant 32 : index
    %get3A_648 = tpu.vector_load %arg6[%get3A_646, %get3A_647] {strides = array<i32>} : memref<4x128xi32, #tpu.memory_space<vmem>>, vector<16xi32>,
    %and3A_649 = arith.constant 262143 : i32
    %and3A_650 = vector.broadcast %and3A_649 : i32 to vector<16xi32>
    %and3A_651 = arith.andi %get3A_648, %and3A_650 : vector<16xi32>
    %shift_left3A_652 = arith.constant 2 : i32
    %shift_left3A_653 = vector.broadcast %shift_left3A_652 : i32 to vector<16xi32>
    %shift_left3A_654 = arith.shli %and3A_651, %shift_left3A_653 : vector<16xi32>
    %shift_right_arithmetic3A_655 = arith.constant 18 : i32
    %shift_right_arithmetic3A_656 = vector.broadcast %shift_right_arithmetic3A_655 : i32 to vector<16xi32>
    %shift_right_arithmetic3A_657 = arith.shrsi %get3A_648, %shift_right_arithmetic3A_656 : vector<16xi32>
    %or3A_658 = arith.ori %shift_left3A_654, %shift_right_arithmetic3A_657 : vector<16xi32>
    %swap3A_659 = arith.constant 2 : i32
    %swap3A_660 = arith.index_cast %swap3A_659 : i32 to index
    %swap3A_661 = arith.constant 32 : index
    %swap3A_662 = tpu.vector_load %arg8[%swap3A_660, %swap3A_661] {strides = array<i32>} : memref<4x128xi32, #tpu.memory_space<vmem>>, vector<16xi32>,
    tpu.vector_store %arg8[%swap3A_660, %swap3A_661], %or3A_658 {strides = array<i32>} : memref<4x128xi32, #tpu.memory_space<vmem>>, vector<16xi32>,
    %get3A_663 = arith.constant 2 : i32
    %get3A_664 = arith.index_cast %get3A_663 : i32 to index
    %get3A_665 = arith.constant 32 : index
    %get3A_666 = tpu.vector_load %arg7[%get3A_664, %get3A_665] {strides = array<i32>} : memref<4x128xi32, #tpu.memory_space<vmem>>, vector<16xi32>,
    %and3A_667 = arith.constant 262143 : i32
    %and3A_668 = vector.broadcast %and3A_667 : i32 to vector<16xi32>
    %and3A_669 = arith.andi %get3A_666, %and3A_668 : vector<16xi32>
    %shift_left3A_670 = arith.constant 2 : i32
    %shift_left3A_671 = vector.broadcast %shift_left3A_670 : i32 to vector<16xi32>
    %shift_left3A_672 = arith.shli %and3A_669, %shift_left3A_671 : vector<16xi32>
    %shift_right_arithmetic3A_673 = arith.constant 18 : i32
    %shift_right_arithmetic3A_674 = vector.broadcast %shift_right_arithmetic3A_673 : i32 to vector<16xi32>
    %shift_right_arithmetic3A_675 = arith.shrsi %get3A_666, %shift_right_arithmetic3A_674 : vector<16xi32>
    %or3A_676 = arith.ori %shift_left3A_672, %shift_right_arithmetic3A_675 : vector<16xi32>
    %swap3A_677 = arith.constant 2 : i32
    %swap3A_678 = arith.index_cast %swap3A_677 : i32 to index
    %swap3A_679 = arith.constant 32 : index
    %swap3A_680 = tpu.vector_load %arg9[%swap3A_678, %swap3A_679] {strides = array<i32>} : memref<4x128xi32, #tpu.memory_space<vmem>>, vector<16xi32>,
    tpu.vector_store %arg9[%swap3A_678, %swap3A_679], %or3A_676 {strides = array<i32>} : memref<4x128xi32, #tpu.memory_space<vmem>>, vector<16xi32>,
    %get3A_681 = arith.constant 2 : i32
    %get3A_682 = arith.index_cast %get3A_681 : i32 to index
    %get3A_683 = arith.constant 48 : index
    %get3A_684 = tpu.vector_load %arg6[%get3A_682, %get3A_683] {strides = array<i32>} : memref<4x128xi32, #tpu.memory_space<vmem>>, vector<16xi32>,
    %and3A_685 = arith.constant 262143 : i32
    %and3A_686 = vector.broadcast %and3A_685 : i32 to vector<16xi32>
    %and3A_687 = arith.andi %get3A_684, %and3A_686 : vector<16xi32>
    %shift_left3A_688 = arith.constant 2 : i32
    %shift_left3A_689 = vector.broadcast %shift_left3A_688 : i32 to vector<16xi32>
    %shift_left3A_690 = arith.shli %and3A_687, %shift_left3A_689 : vector<16xi32>
    %shift_right_arithmetic3A_691 = arith.constant 18 : i32
    %shift_right_arithmetic3A_692 = vector.broadcast %shift_right_arithmetic3A_691 : i32 to vector<16xi32>
    %shift_right_arithmetic3A_693 = arith.shrsi %get3A_684, %shift_right_arithmetic3A_692 : vector<16xi32>
    %or3A_694 = arith.ori %shift_left3A_690, %shift_right_arithmetic3A_693 : vector<16xi32>
    %swap3A_695 = arith.constant 2 : i32
    %swap3A_696 = arith.index_cast %swap3A_695 : i32 to index
    %swap3A_697 = arith.constant 48 : index
    %swap3A_698 = tpu.vector_load %arg8[%swap3A_696, %swap3A_697] {strides = array<i32>} : memref<4x128xi32, #tpu.memory_space<vmem>>, vector<16xi32>,
    tpu.vector_store %arg8[%swap3A_696, %swap3A_697], %or3A_694 {strides = array<i32>} : memref<4x128xi32, #tpu.memory_space<vmem>>, vector<16xi32>,
    %get3A_699 = arith.constant 2 : i32
    %get3A_700 = arith.index_cast %get3A_699 : i32 to index
    %get3A_701 = arith.constant 48 : index
    %get3A_702 = tpu.vector_load %arg7[%get3A_700, %get3A_701] {strides = array<i32>} : memref<4x128xi32, #tpu.memory_space<vmem>>, vector<16xi32>,
    %and3A_703 = arith.constant 262143 : i32
    %and3A_704 = vector.broadcast %and3A_703 : i32 to vector<16xi32>
    %and3A_705 = arith.andi %get3A_702, %and3A_704 : vector<16xi32>
    %shift_left3A_706 = arith.constant 2 : i32
    %shift_left3A_707 = vector.broadcast %shift_left3A_706 : i32 to vector<16xi32>
    %shift_left3A_708 = arith.shli %and3A_705, %shift_left3A_707 : vector<16xi32>
    %shift_right_arithmetic3A_709 = arith.constant 18 : i32
    %shift_right_arithmetic3A_710 = vector.broadcast %shift_right_arithmetic3A_709 : i32 to vector<16xi32>
    %shift_right_arithmetic3A_711 = arith.shrsi %get3A_702, %shift_right_arithmetic3A_710 : vector<16xi32>
    %or3A_712 = arith.ori %shift_left3A_708, %shift_right_arithmetic3A_711 : vector<16xi32>
    %swap3A_713 = arith.constant 2 : i32
    %swap3A_714 = arith.index_cast %swap3A_713 : i32 to index
    %swap3A_715 = arith.constant 48 : index
    %swap3A_716 = tpu.vector_load %arg9[%swap3A_714, %swap3A_715] {strides = array<i32>} : memref<4x128xi32, #tpu.memory_space<vmem>>, vector<16xi32>,
    tpu.vector_store %arg9[%swap3A_714, %swap3A_715], %or3A_712 {strides = array<i32>} : memref<4x128xi32, #tpu.memory_space<vmem>>, vector<16xi32>,
    %get3A_717 = arith.constant 2 : i32
    %get3A_718 = arith.index_cast %get3A_717 : i32 to index
    %get3A_719 = arith.constant 64 : index
    %get3A_720 = tpu.vector_load %arg6[%get3A_718, %get3A_719] {strides = array<i32>} : memref<4x128xi32, #tpu.memory_space<vmem>>, vector<16xi32>,
    %and3A_721 = arith.constant 262143 : i32
    %and3A_722 = vector.broadcast %and3A_721 : i32 to vector<16xi32>
    %and3A_723 = arith.andi %get3A_720, %and3A_722 : vector<16xi32>
    %shift_left3A_724 = arith.constant 2 : i32
    %shift_left3A_725 = vector.broadcast %shift_left3A_724 : i32 to vector<16xi32>
    %shift_left3A_726 = arith.shli %and3A_723, %shift_left3A_725 : vector<16xi32>
    %shift_right_arithmetic3A_727 = arith.constant 18 : i32
    %shift_right_arithmetic3A_728 = vector.broadcast %shift_right_arithmetic3A_727 : i32 to vector<16xi32>
    %shift_right_arithmetic3A_729 = arith.shrsi %get3A_720, %shift_right_arithmetic3A_728 : vector<16xi32>
    %or3A_730 = arith.ori %shift_left3A_726, %shift_right_arithmetic3A_729 : vector<16xi32>
    %swap3A_731 = arith.constant 2 : i32
    %swap3A_732 = arith.index_cast %swap3A_731 : i32 to index
    %swap3A_733 = arith.constant 64 : index
    %swap3A_734 = tpu.vector_load %arg8[%swap3A_732, %swap3A_733] {strides = array<i32>} : memref<4x128xi32, #tpu.memory_space<vmem>>, vector<16xi32>,
    tpu.vector_store %arg8[%swap3A_732, %swap3A_733], %or3A_730 {strides = array<i32>} : memref<4x128xi32, #tpu.memory_space<vmem>>, vector<16xi32>,
    %get3A_735 = arith.constant 2 : i32
    %get3A_736 = arith.index_cast %get3A_735 : i32 to index
    %get3A_737 = arith.constant 64 : index
    %get3A_738 = tpu.vector_load %arg7[%get3A_736, %get3A_737] {strides = array<i32>} : memref<4x128xi32, #tpu.memory_space<vmem>>, vector<16xi32>,
    %and3A_739 = arith.constant 262143 : i32
    %and3A_740 = vector.broadcast %and3A_739 : i32 to vector<16xi32>
    %and3A_741 = arith.andi %get3A_738, %and3A_740 : vector<16xi32>
    %shift_left3A_742 = arith.constant 2 : i32
    %shift_left3A_743 = vector.broadcast %shift_left3A_742 : i32 to vector<16xi32>
    %shift_left3A_744 = arith.shli %and3A_741, %shift_left3A_743 : vector<16xi32>
    %shift_right_arithmetic3A_745 = arith.constant 18 : i32
    %shift_right_arithmetic3A_746 = vector.broadcast %shift_right_arithmetic3A_745 : i32 to vector<16xi32>
    %shift_right_arithmetic3A_747 = arith.shrsi %get3A_738, %shift_right_arithmetic3A_746 : vector<16xi32>
    %or3A_748 = arith.ori %shift_left3A_744, %shift_right_arithmetic3A_747 : vector<16xi32>
    %swap3A_749 = arith.constant 2 : i32
    %swap3A_750 = arith.index_cast %swap3A_749 : i32 to index
    %swap3A_751 = arith.constant 64 : index
    %swap3A_752 = tpu.vector_load %arg9[%swap3A_750, %swap3A_751] {strides = array<i32>} : memref<4x128xi32, #tpu.memory_space<vmem>>, vector<16xi32>,
    tpu.vector_store %arg9[%swap3A_750, %swap3A_751], %or3A_748 {strides = array<i32>} : memref<4x128xi32, #tpu.memory_space<vmem>>, vector<16xi32>,
    %get3A_753 = arith.constant 2 : i32
    %get3A_754 = arith.index_cast %get3A_753 : i32 to index
    %get3A_755 = arith.constant 80 : index
    %get3A_756 = tpu.vector_load %arg6[%get3A_754, %get3A_755] {strides = array<i32>} : memref<4x128xi32, #tpu.memory_space<vmem>>, vector<16xi32>,
    %and3A_757 = arith.constant 262143 : i32
    %and3A_758 = vector.broadcast %and3A_757 : i32 to vector<16xi32>
    %and3A_759 = arith.andi %get3A_756, %and3A_758 : vector<16xi32>
    %shift_left3A_760 = arith.constant 2 : i32
    %shift_left3A_761 = vector.broadcast %shift_left3A_760 : i32 to vector<16xi32>
    %shift_left3A_762 = arith.shli %and3A_759, %shift_left3A_761 : vector<16xi32>
    %shift_right_arithmetic3A_763 = arith.constant 18 : i32
    %shift_right_arithmetic3A_764 = vector.broadcast %shift_right_arithmetic3A_763 : i32 to vector<16xi32>
    %shift_right_arithmetic3A_765 = arith.shrsi %get3A_756, %shift_right_arithmetic3A_764 : vector<16xi32>
    %or3A_766 = arith.ori %shift_left3A_762, %shift_right_arithmetic3A_765 : vector<16xi32>
    %swap3A_767 = arith.constant 2 : i32
    %swap3A_768 = arith.index_cast %swap3A_767 : i32 to index
    %swap3A_769 = arith.constant 80 : index
    %swap3A_770 = tpu.vector_load %arg8[%swap3A_768, %swap3A_769] {strides = array<i32>} : memref<4x128xi32, #tpu.memory_space<vmem>>, vector<16xi32>,
    tpu.vector_store %arg8[%swap3A_768, %swap3A_769], %or3A_766 {strides = array<i32>} : memref<4x128xi32, #tpu.memory_space<vmem>>, vector<16xi32>,
    %get3A_771 = arith.constant 2 : i32
    %get3A_772 = arith.index_cast %get3A_771 : i32 to index
    %get3A_773 = arith.constant 80 : index
    %get3A_774 = tpu.vector_load %arg7[%get3A_772, %get3A_773] {strides = array<i32>} : memref<4x128xi32, #tpu.memory_space<vmem>>, vector<16xi32>,
    %and3A_775 = arith.constant 262143 : i32
    %and3A_776 = vector.broadcast %and3A_775 : i32 to vector<16xi32>
    %and3A_777 = arith.andi %get3A_774, %and3A_776 : vector<16xi32>
    %shift_left3A_778 = arith.constant 2 : i32
    %shift_left3A_779 = vector.broadcast %shift_left3A_778 : i32 to vector<16xi32>
    %shift_left3A_780 = arith.shli %and3A_777, %shift_left3A_779 : vector<16xi32>
    %shift_right_arithmetic3A_781 = arith.constant 18 : i32
    %shift_right_arithmetic3A_782 = vector.broadcast %shift_right_arithmetic3A_781 : i32 to vector<16xi32>
    %shift_right_arithmetic3A_783 = arith.shrsi %get3A_774, %shift_right_arithmetic3A_782 : vector<16xi32>
    %or3A_784 = arith.ori %shift_left3A_780, %shift_right_arithmetic3A_783 : vector<16xi32>
    %swap3A_785 = arith.constant 2 : i32
    %swap3A_786 = arith.index_cast %swap3A_785 : i32 to index
    %swap3A_787 = arith.constant 80 : index
    %swap3A_788 = tpu.vector_load %arg9[%swap3A_786, %swap3A_787] {strides = array<i32>} : memref<4x128xi32, #tpu.memory_space<vmem>>, vector<16xi32>,
    tpu.vector_store %arg9[%swap3A_786, %swap3A_787], %or3A_784 {strides = array<i32>} : memref<4x128xi32, #tpu.memory_space<vmem>>, vector<16xi32>,
    %get3A_789 = arith.constant 2 : i32
    %get3A_790 = arith.index_cast %get3A_789 : i32 to index
    %get3A_791 = arith.constant 96 : index
    %get3A_792 = tpu.vector_load %arg6[%get3A_790, %get3A_791] {strides = array<i32>} : memref<4x128xi32, #tpu.memory_space<vmem>>, vector<16xi32>,
    %and3A_793 = arith.constant 262143 : i32
    %and3A_794 = vector.broadcast %and3A_793 : i32 to vector<16xi32>
    %and3A_795 = arith.andi %get3A_792, %and3A_794 : vector<16xi32>
    %shift_left3A_796 = arith.constant 2 : i32
    %shift_left3A_797 = vector.broadcast %shift_left3A_796 : i32 to vector<16xi32>
    %shift_left3A_798 = arith.shli %and3A_795, %shift_left3A_797 : vector<16xi32>
    %shift_right_arithmetic3A_799 = arith.constant 18 : i32
    %shift_right_arithmetic3A_800 = vector.broadcast %shift_right_arithmetic3A_799 : i32 to vector<16xi32>
    %shift_right_arithmetic3A_801 = arith.shrsi %get3A_792, %shift_right_arithmetic3A_800 : vector<16xi32>
    %or3A_802 = arith.ori %shift_left3A_798, %shift_right_arithmetic3A_801 : vector<16xi32>
    %swap3A_803 = arith.constant 2 : i32
    %swap3A_804 = arith.index_cast %swap3A_803 : i32 to index
    %swap3A_805 = arith.constant 96 : index
    %swap3A_806 = tpu.vector_load %arg8[%swap3A_804, %swap3A_805] {strides = array<i32>} : memref<4x128xi32, #tpu.memory_space<vmem>>, vector<16xi32>,
    tpu.vector_store %arg8[%swap3A_804, %swap3A_805], %or3A_802 {strides = array<i32>} : memref<4x128xi32, #tpu.memory_space<vmem>>, vector<16xi32>,
    %get3A_807 = arith.constant 2 : i32
    %get3A_808 = arith.index_cast %get3A_807 : i32 to index
    %get3A_809 = arith.constant 96 : index
    %get3A_810 = tpu.vector_load %arg7[%get3A_808, %get3A_809] {strides = array<i32>} : memref<4x128xi32, #tpu.memory_space<vmem>>, vector<16xi32>,
    %and3A_811 = arith.constant 262143 : i32
    %and3A_812 = vector.broadcast %and3A_811 : i32 to vector<16xi32>
    %and3A_813 = arith.andi %get3A_810, %and3A_812 : vector<16xi32>
    %shift_left3A_814 = arith.constant 2 : i32
    %shift_left3A_815 = vector.broadcast %shift_left3A_814 : i32 to vector<16xi32>
    %shift_left3A_816 = arith.shli %and3A_813, %shift_left3A_815 : vector<16xi32>
    %shift_right_arithmetic3A_817 = arith.constant 18 : i32
    %shift_right_arithmetic3A_818 = vector.broadcast %shift_right_arithmetic3A_817 : i32 to vector<16xi32>
    %shift_right_arithmetic3A_819 = arith.shrsi %get3A_810, %shift_right_arithmetic3A_818 : vector<16xi32>
    %or3A_820 = arith.ori %shift_left3A_816, %shift_right_arithmetic3A_819 : vector<16xi32>
    %swap3A_821 = arith.constant 2 : i32
    %swap3A_822 = arith.index_cast %swap3A_821 : i32 to index
    %swap3A_823 = arith.constant 96 : index
    %swap3A_824 = tpu.vector_load %arg9[%swap3A_822, %swap3A_823] {strides = array<i32>} : memref<4x128xi32, #tpu.memory_space<vmem>>, vector<16xi32>,
    tpu.vector_store %arg9[%swap3A_822, %swap3A_823], %or3A_820 {strides = array<i32>} : memref<4x128xi32, #tpu.memory_space<vmem>>, vector<16xi32>,
    %get3A_825 = arith.constant 2 : i32
    %get3A_826 = arith.index_cast %get3A_825 : i32 to index
    %get3A_827 = arith.constant 112 : index
    %get3A_828 = tpu.vector_load %arg6[%get3A_826, %get3A_827] {strides = array<i32>} : memref<4x128xi32, #tpu.memory_space<vmem>>, vector<16xi32>,
    %and3A_829 = arith.constant 262143 : i32
    %and3A_830 = vector.broadcast %and3A_829 : i32 to vector<16xi32>
    %and3A_831 = arith.andi %get3A_828, %and3A_830 : vector<16xi32>
    %shift_left3A_832 = arith.constant 2 : i32
    %shift_left3A_833 = vector.broadcast %shift_left3A_832 : i32 to vector<16xi32>
    %shift_left3A_834 = arith.shli %and3A_831, %shift_left3A_833 : vector<16xi32>
    %shift_right_arithmetic3A_835 = arith.constant 18 : i32
    %shift_right_arithmetic3A_836 = vector.broadcast %shift_right_arithmetic3A_835 : i32 to vector<16xi32>
    %shift_right_arithmetic3A_837 = arith.shrsi %get3A_828, %shift_right_arithmetic3A_836 : vector<16xi32>
    %or3A_838 = arith.ori %shift_left3A_834, %shift_right_arithmetic3A_837 : vector<16xi32>
    %swap3A_839 = arith.constant 2 : i32
    %swap3A_840 = arith.index_cast %swap3A_839 : i32 to index
    %swap3A_841 = arith.constant 112 : index
    %swap3A_842 = tpu.vector_load %arg8[%swap3A_840, %swap3A_841] {strides = array<i32>} : memref<4x128xi32, #tpu.memory_space<vmem>>, vector<16xi32>,
    tpu.vector_store %arg8[%swap3A_840, %swap3A_841], %or3A_838 {strides = array<i32>} : memref<4x128xi32, #tpu.memory_space<vmem>>, vector<16xi32>,
    %get3A_843 = arith.constant 2 : i32
    %get3A_844 = arith.index_cast %get3A_843 : i32 to index
    %get3A_845 = arith.constant 112 : index
    %get3A_846 = tpu.vector_load %arg7[%get3A_844, %get3A_845] {strides = array<i32>} : memref<4x128xi32, #tpu.memory_space<vmem>>, vector<16xi32>,
    %and3A_847 = arith.constant 262143 : i32
    %and3A_848 = vector.broadcast %and3A_847 : i32 to vector<16xi32>
    %and3A_849 = arith.andi %get3A_846, %and3A_848 : vector<16xi32>
    %shift_left3A_850 = arith.constant 2 : i32
    %shift_left3A_851 = vector.broadcast %shift_left3A_850 : i32 to vector<16xi32>
    %shift_left3A_852 = arith.shli %and3A_849, %shift_left3A_851 : vector<16xi32>
    %shift_right_arithmetic3A_853 = arith.constant 18 : i32
    %shift_right_arithmetic3A_854 = vector.broadcast %shift_right_arithmetic3A_853 : i32 to vector<16xi32>
    %shift_right_arithmetic3A_855 = arith.shrsi %get3A_846, %shift_right_arithmetic3A_854 : vector<16xi32>
    %or3A_856 = arith.ori %shift_left3A_852, %shift_right_arithmetic3A_855 : vector<16xi32>
    %swap3A_857 = arith.constant 2 : i32
    %swap3A_858 = arith.index_cast %swap3A_857 : i32 to index
    %swap3A_859 = arith.constant 112 : index
    %swap3A_860 = tpu.vector_load %arg9[%swap3A_858, %swap3A_859] {strides = array<i32>} : memref<4x128xi32, #tpu.memory_space<vmem>>, vector<16xi32>,
    tpu.vector_store %arg9[%swap3A_858, %swap3A_859], %or3A_856 {strides = array<i32>} : memref<4x128xi32, #tpu.memory_space<vmem>>, vector<16xi32>,
    %get3A_861 = arith.constant 3 : i32
    %get3A_862 = arith.index_cast %get3A_861 : i32 to index
    %get3A_863 = arith.constant 0 : index
    %get3A_864 = tpu.vector_load %arg6[%get3A_862, %get3A_863] {strides = array<i32>} : memref<4x128xi32, #tpu.memory_space<vmem>>, vector<16xi32>,
    %and3A_865 = arith.constant 262143 : i32
    %and3A_866 = vector.broadcast %and3A_865 : i32 to vector<16xi32>
    %and3A_867 = arith.andi %get3A_864, %and3A_866 : vector<16xi32>
    %shift_left3A_868 = arith.constant 2 : i32
    %shift_left3A_869 = vector.broadcast %shift_left3A_868 : i32 to vector<16xi32>
    %shift_left3A_870 = arith.shli %and3A_867, %shift_left3A_869 : vector<16xi32>
    %shift_right_arithmetic3A_871 = arith.constant 18 : i32
    %shift_right_arithmetic3A_872 = vector.broadcast %shift_right_arithmetic3A_871 : i32 to vector<16xi32>
    %shift_right_arithmetic3A_873 = arith.shrsi %get3A_864, %shift_right_arithmetic3A_872 : vector<16xi32>
    %or3A_874 = arith.ori %shift_left3A_870, %shift_right_arithmetic3A_873 : vector<16xi32>
    %swap3A_875 = arith.constant 3 : i32
    %swap3A_876 = arith.index_cast %swap3A_875 : i32 to index
    %swap3A_877 = arith.constant 0 : index
    %swap3A_878 = tpu.vector_load %arg8[%swap3A_876, %swap3A_877] {strides = array<i32>} : memref<4x128xi32, #tpu.memory_space<vmem>>, vector<16xi32>,
    tpu.vector_store %arg8[%swap3A_876, %swap3A_877], %or3A_874 {strides = array<i32>} : memref<4x128xi32, #tpu.memory_space<vmem>>, vector<16xi32>,
    %get3A_879 = arith.constant 3 : i32
    %get3A_880 = arith.index_cast %get3A_879 : i32 to index
    %get3A_881 = arith.constant 0 : index
    %get3A_882 = tpu.vector_load %arg7[%get3A_880, %get3A_881] {strides = array<i32>} : memref<4x128xi32, #tpu.memory_space<vmem>>, vector<16xi32>,
    %and3A_883 = arith.constant 262143 : i32
    %and3A_884 = vector.broadcast %and3A_883 : i32 to vector<16xi32>
    %and3A_885 = arith.andi %get3A_882, %and3A_884 : vector<16xi32>
    %shift_left3A_886 = arith.constant 2 : i32
    %shift_left3A_887 = vector.broadcast %shift_left3A_886 : i32 to vector<16xi32>
    %shift_left3A_888 = arith.shli %and3A_885, %shift_left3A_887 : vector<16xi32>
    %shift_right_arithmetic3A_889 = arith.constant 18 : i32
    %shift_right_arithmetic3A_890 = vector.broadcast %shift_right_arithmetic3A_889 : i32 to vector<16xi32>
    %shift_right_arithmetic3A_891 = arith.shrsi %get3A_882, %shift_right_arithmetic3A_890 : vector<16xi32>
    %or3A_892 = arith.ori %shift_left3A_888, %shift_right_arithmetic3A_891 : vector<16xi32>
    %swap3A_893 = arith.constant 3 : i32
    %swap3A_894 = arith.index_cast %swap3A_893 : i32 to index
    %swap3A_895 = arith.constant 0 : index
    %swap3A_896 = tpu.vector_load %arg9[%swap3A_894, %swap3A_895] {strides = array<i32>} : memref<4x128xi32, #tpu.memory_space<vmem>>, vector<16xi32>,
    tpu.vector_store %arg9[%swap3A_894, %swap3A_895], %or3A_892 {strides = array<i32>} : memref<4x128xi32, #tpu.memory_space<vmem>>, vector<16xi32>,
    %get3A_897 = arith.constant 3 : i32
    %get3A_898 = arith.index_cast %get3A_897 : i32 to index
    %get3A_899 = arith.constant 16 : index
    %get3A_900 = tpu.vector_load %arg6[%get3A_898, %get3A_899] {strides = array<i32>} : memref<4x128xi32, #tpu.memory_space<vmem>>, vector<16xi32>,
    %and3A_901 = arith.constant 262143 : i32
    %and3A_902 = vector.broadcast %and3A_901 : i32 to vector<16xi32>
    %and3A_903 = arith.andi %get3A_900, %and3A_902 : vector<16xi32>
    %shift_left3A_904 = arith.constant 2 : i32
    %shift_left3A_905 = vector.broadcast %shift_left3A_904 : i32 to vector<16xi32>
    %shift_left3A_906 = arith.shli %and3A_903, %shift_left3A_905 : vector<16xi32>
    %shift_right_arithmetic3A_907 = arith.constant 18 : i32
    %shift_right_arithmetic3A_908 = vector.broadcast %shift_right_arithmetic3A_907 : i32 to vector<16xi32>
    %shift_right_arithmetic3A_909 = arith.shrsi %get3A_900, %shift_right_arithmetic3A_908 : vector<16xi32>
    %or3A_910 = arith.ori %shift_left3A_906, %shift_right_arithmetic3A_909 : vector<16xi32>
    %swap3A_911 = arith.constant 3 : i32
    %swap3A_912 = arith.index_cast %swap3A_911 : i32 to index
    %swap3A_913 = arith.constant 16 : index
    %swap3A_914 = tpu.vector_load %arg8[%swap3A_912, %swap3A_913] {strides = array<i32>} : memref<4x128xi32, #tpu.memory_space<vmem>>, vector<16xi32>,
    tpu.vector_store %arg8[%swap3A_912, %swap3A_913], %or3A_910 {strides = array<i32>} : memref<4x128xi32, #tpu.memory_space<vmem>>, vector<16xi32>,
    %get3A_915 = arith.constant 3 : i32
    %get3A_916 = arith.index_cast %get3A_915 : i32 to index
    %get3A_917 = arith.constant 16 : index
    %get3A_918 = tpu.vector_load %arg7[%get3A_916, %get3A_917] {strides = array<i32>} : memref<4x128xi32, #tpu.memory_space<vmem>>, vector<16xi32>,
    %and3A_919 = arith.constant 262143 : i32
    %and3A_920 = vector.broadcast %and3A_919 : i32 to vector<16xi32>
    %and3A_921 = arith.andi %get3A_918, %and3A_920 : vector<16xi32>
    %shift_left3A_922 = arith.constant 2 : i32
    %shift_left3A_923 = vector.broadcast %shift_left3A_922 : i32 to vector<16xi32>
    %shift_left3A_924 = arith.shli %and3A_921, %shift_left3A_923 : vector<16xi32>
    %shift_right_arithmetic3A_925 = arith.constant 18 : i32
    %shift_right_arithmetic3A_926 = vector.broadcast %shift_right_arithmetic3A_925 : i32 to vector<16xi32>
    %shift_right_arithmetic3A_927 = arith.shrsi %get3A_918, %shift_right_arithmetic3A_926 : vector<16xi32>
    %or3A_928 = arith.ori %shift_left3A_924, %shift_right_arithmetic3A_927 : vector<16xi32>
    %swap3A_929 = arith.constant 3 : i32
    %swap3A_930 = arith.index_cast %swap3A_929 : i32 to index
    %swap3A_931 = arith.constant 16 : index
    %swap3A_932 = tpu.vector_load %arg9[%swap3A_930, %swap3A_931] {strides = array<i32>} : memref<4x128xi32, #tpu.memory_space<vmem>>, vector<16xi32>,
    tpu.vector_store %arg9[%swap3A_930, %swap3A_931], %or3A_928 {strides = array<i32>} : memref<4x128xi32, #tpu.memory_space<vmem>>, vector<16xi32>,
    %get3A_933 = arith.constant 3 : i32
    %get3A_934 = arith.index_cast %get3A_933 : i32 to index
    %get3A_935 = arith.constant 32 : index
    %get3A_936 = tpu.vector_load %arg6[%get3A_934, %get3A_935] {strides = array<i32>} : memref<4x128xi32, #tpu.memory_space<vmem>>, vector<16xi32>,
    %and3A_937 = arith.constant 262143 : i32
    %and3A_938 = vector.broadcast %and3A_937 : i32 to vector<16xi32>
    %and3A_939 = arith.andi %get3A_936, %and3A_938 : vector<16xi32>
    %shift_left3A_940 = arith.constant 2 : i32
    %shift_left3A_941 = vector.broadcast %shift_left3A_940 : i32 to vector<16xi32>
    %shift_left3A_942 = arith.shli %and3A_939, %shift_left3A_941 : vector<16xi32>
    %shift_right_arithmetic3A_943 = arith.constant 18 : i32
    %shift_right_arithmetic3A_944 = vector.broadcast %shift_right_arithmetic3A_943 : i32 to vector<16xi32>
    %shift_right_arithmetic3A_945 = arith.shrsi %get3A_936, %shift_right_arithmetic3A_944 : vector<16xi32>
    %or3A_946 = arith.ori %shift_left3A_942, %shift_right_arithmetic3A_945 : vector<16xi32>
    %swap3A_947 = arith.constant 3 : i32
    %swap3A_948 = arith.index_cast %swap3A_947 : i32 to index
    %swap3A_949 = arith.constant 32 : index
    %swap3A_950 = tpu.vector_load %arg8[%swap3A_948, %swap3A_949] {strides = array<i32>} : memref<4x128xi32, #tpu.memory_space<vmem>>, vector<16xi32>,
    tpu.vector_store %arg8[%swap3A_948, %swap3A_949], %or3A_946 {strides = array<i32>} : memref<4x128xi32, #tpu.memory_space<vmem>>, vector<16xi32>,
    %get3A_951 = arith.constant 3 : i32
    %get3A_952 = arith.index_cast %get3A_951 : i32 to index
    %get3A_953 = arith.constant 32 : index
    %get3A_954 = tpu.vector_load %arg7[%get3A_952, %get3A_953] {strides = array<i32>} : memref<4x128xi32, #tpu.memory_space<vmem>>, vector<16xi32>,
    %and3A_955 = arith.constant 262143 : i32
    %and3A_956 = vector.broadcast %and3A_955 : i32 to vector<16xi32>
    %and3A_957 = arith.andi %get3A_954, %and3A_956 : vector<16xi32>
    %shift_left3A_958 = arith.constant 2 : i32
    %shift_left3A_959 = vector.broadcast %shift_left3A_958 : i32 to vector<16xi32>
    %shift_left3A_960 = arith.shli %and3A_957, %shift_left3A_959 : vector<16xi32>
    %shift_right_arithmetic3A_961 = arith.constant 18 : i32
    %shift_right_arithmetic3A_962 = vector.broadcast %shift_right_arithmetic3A_961 : i32 to vector<16xi32>
    %shift_right_arithmetic3A_963 = arith.shrsi %get3A_954, %shift_right_arithmetic3A_962 : vector<16xi32>
    %or3A_964 = arith.ori %shift_left3A_960, %shift_right_arithmetic3A_963 : vector<16xi32>
    %swap3A_965 = arith.constant 3 : i32
    %swap3A_966 = arith.index_cast %swap3A_965 : i32 to index
    %swap3A_967 = arith.constant 32 : index
    %swap3A_968 = tpu.vector_load %arg9[%swap3A_966, %swap3A_967] {strides = array<i32>} : memref<4x128xi32, #tpu.memory_space<vmem>>, vector<16xi32>,
    tpu.vector_store %arg9[%swap3A_966, %swap3A_967], %or3A_964 {strides = array<i32>} : memref<4x128xi32, #tpu.memory_space<vmem>>, vector<16xi32>,
    %get3A_969 = arith.constant 3 : i32
    %get3A_970 = arith.index_cast %get3A_969 : i32 to index
    %get3A_971 = arith.constant 48 : index
    %get3A_972 = tpu.vector_load %arg6[%get3A_970, %get3A_971] {strides = array<i32>} : memref<4x128xi32, #tpu.memory_space<vmem>>, vector<16xi32>,
    %and3A_973 = arith.constant 262143 : i32
    %and3A_974 = vector.broadcast %and3A_973 : i32 to vector<16xi32>
    %and3A_975 = arith.andi %get3A_972, %and3A_974 : vector<16xi32>
    %shift_left3A_976 = arith.constant 2 : i32
    %shift_left3A_977 = vector.broadcast %shift_left3A_976 : i32 to vector<16xi32>
    %shift_left3A_978 = arith.shli %and3A_975, %shift_left3A_977 : vector<16xi32>
    %shift_right_arithmetic3A_979 = arith.constant 18 : i32
    %shift_right_arithmetic3A_980 = vector.broadcast %shift_right_arithmetic3A_979 : i32 to vector<16xi32>
    %shift_right_arithmetic3A_981 = arith.shrsi %get3A_972, %shift_right_arithmetic3A_980 : vector<16xi32>
    %or3A_982 = arith.ori %shift_left3A_978, %shift_right_arithmetic3A_981 : vector<16xi32>
    %swap3A_983 = arith.constant 3 : i32
    %swap3A_984 = arith.index_cast %swap3A_983 : i32 to index
    %swap3A_985 = arith.constant 48 : index
    %swap3A_986 = tpu.vector_load %arg8[%swap3A_984, %swap3A_985] {strides = array<i32>} : memref<4x128xi32, #tpu.memory_space<vmem>>, vector<16xi32>,
    tpu.vector_store %arg8[%swap3A_984, %swap3A_985], %or3A_982 {strides = array<i32>} : memref<4x128xi32, #tpu.memory_space<vmem>>, vector<16xi32>,
    %get3A_987 = arith.constant 3 : i32
    %get3A_988 = arith.index_cast %get3A_987 : i32 to index
    %get3A_989 = arith.constant 48 : index
    %get3A_990 = tpu.vector_load %arg7[%get3A_988, %get3A_989] {strides = array<i32>} : memref<4x128xi32, #tpu.memory_space<vmem>>, vector<16xi32>,
    %and3A_991 = arith.constant 262143 : i32
    %and3A_992 = vector.broadcast %and3A_991 : i32 to vector<16xi32>
    %and3A_993 = arith.andi %get3A_990, %and3A_992 : vector<16xi32>
    %shift_left3A_994 = arith.constant 2 : i32
    %shift_left3A_995 = vector.broadcast %shift_left3A_994 : i32 to vector<16xi32>
    %shift_left3A_996 = arith.shli %and3A_993, %shift_left3A_995 : vector<16xi32>
    %shift_right_arithmetic3A_997 = arith.constant 18 : i32
    %shift_right_arithmetic3A_998 = vector.broadcast %shift_right_arithmetic3A_997 : i32 to vector<16xi32>
    %shift_right_arithmetic3A_999 = arith.shrsi %get3A_990, %shift_right_arithmetic3A_998 : vector<16xi32>
    %or3A_1000 = arith.ori %shift_left3A_996, %shift_right_arithmetic3A_999 : vector<16xi32>
    %swap3A_1001 = arith.constant 3 : i32
    %swap3A_1002 = arith.index_cast %swap3A_1001 : i32 to index
    %swap3A_1003 = arith.constant 48 : index
    %swap3A_1004 = tpu.vector_load %arg9[%swap3A_1002, %swap3A_1003] {strides = array<i32>} : memref<4x128xi32, #tpu.memory_space<vmem>>, vector<16xi32>,
    tpu.vector_store %arg9[%swap3A_1002, %swap3A_1003], %or3A_1000 {strides = array<i32>} : memref<4x128xi32, #tpu.memory_space<vmem>>, vector<16xi32>,
    %get3A_1005 = arith.constant 3 : i32
    %get3A_1006 = arith.index_cast %get3A_1005 : i32 to index
    %get3A_1007 = arith.constant 64 : index
    %get3A_1008 = tpu.vector_load %arg6[%get3A_1006, %get3A_1007] {strides = array<i32>} : memref<4x128xi32, #tpu.memory_space<vmem>>, vector<16xi32>,
    %and3A_1009 = arith.constant 262143 : i32
    %and3A_1010 = vector.broadcast %and3A_1009 : i32 to vector<16xi32>
    %and3A_1011 = arith.andi %get3A_1008, %and3A_1010 : vector<16xi32>
    %shift_left3A_1012 = arith.constant 2 : i32
    %shift_left3A_1013 = vector.broadcast %shift_left3A_1012 : i32 to vector<16xi32>
    %shift_left3A_1014 = arith.shli %and3A_1011, %shift_left3A_1013 : vector<16xi32>
    %shift_right_arithmetic3A_1015 = arith.constant 18 : i32
    %shift_right_arithmetic3A_1016 = vector.broadcast %shift_right_arithmetic3A_1015 : i32 to vector<16xi32>
    %shift_right_arithmetic3A_1017 = arith.shrsi %get3A_1008, %shift_right_arithmetic3A_1016 : vector<16xi32>
    %or3A_1018 = arith.ori %shift_left3A_1014, %shift_right_arithmetic3A_1017 : vector<16xi32>
    %swap3A_1019 = arith.constant 3 : i32
    %swap3A_1020 = arith.index_cast %swap3A_1019 : i32 to index
    %swap3A_1021 = arith.constant 64 : index
    %swap3A_1022 = tpu.vector_load %arg8[%swap3A_1020, %swap3A_1021] {strides = array<i32>} : memref<4x128xi32, #tpu.memory_space<vmem>>, vector<16xi32>,
    tpu.vector_store %arg8[%swap3A_1020, %swap3A_1021], %or3A_1018 {strides = array<i32>} : memref<4x128xi32, #tpu.memory_space<vmem>>, vector<16xi32>,
    %get3A_1023 = arith.constant 3 : i32
    %get3A_1024 = arith.index_cast %get3A_1023 : i32 to index
    %get3A_1025 = arith.constant 64 : index
    %get3A_1026 = tpu.vector_load %arg7[%get3A_1024, %get3A_1025] {strides = array<i32>} : memref<4x128xi32, #tpu.memory_space<vmem>>, vector<16xi32>,
    %and3A_1027 = arith.constant 262143 : i32
    %and3A_1028 = vector.broadcast %and3A_1027 : i32 to vector<16xi32>
    %and3A_1029 = arith.andi %get3A_1026, %and3A_1028 : vector<16xi32>
    %shift_left3A_1030 = arith.constant 2 : i32
    %shift_left3A_1031 = vector.broadcast %shift_left3A_1030 : i32 to vector<16xi32>
    %shift_left3A_1032 = arith.shli %and3A_1029, %shift_left3A_1031 : vector<16xi32>
    %shift_right_arithmetic3A_1033 = arith.constant 18 : i32
    %shift_right_arithmetic3A_1034 = vector.broadcast %shift_right_arithmetic3A_1033 : i32 to vector<16xi32>
    %shift_right_arithmetic3A_1035 = arith.shrsi %get3A_1026, %shift_right_arithmetic3A_1034 : vector<16xi32>
    %or3A_1036 = arith.ori %shift_left3A_1032, %shift_right_arithmetic3A_1035 : vector<16xi32>
    %swap3A_1037 = arith.constant 3 : i32
    %swap3A_1038 = arith.index_cast %swap3A_1037 : i32 to index
    %swap3A_1039 = arith.constant 64 : index
    %swap3A_1040 = tpu.vector_load %arg9[%swap3A_1038, %swap3A_1039] {strides = array<i32>} : memref<4x128xi32, #tpu.memory_space<vmem>>, vector<16xi32>,
    tpu.vector_store %arg9[%swap3A_1038, %swap3A_1039], %or3A_1036 {strides = array<i32>} : memref<4x128xi32, #tpu.memory_space<vmem>>, vector<16xi32>,
    %get3A_1041 = arith.constant 3 : i32
    %get3A_1042 = arith.index_cast %get3A_1041 : i32 to index
    %get3A_1043 = arith.constant 80 : index
    %get3A_1044 = tpu.vector_load %arg6[%get3A_1042, %get3A_1043] {strides = array<i32>} : memref<4x128xi32, #tpu.memory_space<vmem>>, vector<16xi32>,
    %and3A_1045 = arith.constant 262143 : i32
    %and3A_1046 = vector.broadcast %and3A_1045 : i32 to vector<16xi32>
    %and3A_1047 = arith.andi %get3A_1044, %and3A_1046 : vector<16xi32>
    %shift_left3A_1048 = arith.constant 2 : i32
    %shift_left3A_1049 = vector.broadcast %shift_left3A_1048 : i32 to vector<16xi32>
    %shift_left3A_1050 = arith.shli %and3A_1047, %shift_left3A_1049 : vector<16xi32>
    %shift_right_arithmetic3A_1051 = arith.constant 18 : i32
    %shift_right_arithmetic3A_1052 = vector.broadcast %shift_right_arithmetic3A_1051 : i32 to vector<16xi32>
    %shift_right_arithmetic3A_1053 = arith.shrsi %get3A_1044, %shift_right_arithmetic3A_1052 : vector<16xi32>
    %or3A_1054 = arith.ori %shift_left3A_1050, %shift_right_arithmetic3A_1053 : vector<16xi32>
    %swap3A_1055 = arith.constant 3 : i32
    %swap3A_1056 = arith.index_cast %swap3A_1055 : i32 to index
    %swap3A_1057 = arith.constant 80 : index
    %swap3A_1058 = tpu.vector_load %arg8[%swap3A_1056, %swap3A_1057] {strides = array<i32>} : memref<4x128xi32, #tpu.memory_space<vmem>>, vector<16xi32>,
    tpu.vector_store %arg8[%swap3A_1056, %swap3A_1057], %or3A_1054 {strides = array<i32>} : memref<4x128xi32, #tpu.memory_space<vmem>>, vector<16xi32>,
    %get3A_1059 = arith.constant 3 : i32
    %get3A_1060 = arith.index_cast %get3A_1059 : i32 to index
    %get3A_1061 = arith.constant 80 : index
    %get3A_1062 = tpu.vector_load %arg7[%get3A_1060, %get3A_1061] {strides = array<i32>} : memref<4x128xi32, #tpu.memory_space<vmem>>, vector<16xi32>,
    %and3A_1063 = arith.constant 262143 : i32
    %and3A_1064 = vector.broadcast %and3A_1063 : i32 to vector<16xi32>
    %and3A_1065 = arith.andi %get3A_1062, %and3A_1064 : vector<16xi32>
    %shift_left3A_1066 = arith.constant 2 : i32
    %shift_left3A_1067 = vector.broadcast %shift_left3A_1066 : i32 to vector<16xi32>
    %shift_left3A_1068 = arith.shli %and3A_1065, %shift_left3A_1067 : vector<16xi32>
    %shift_right_arithmetic3A_1069 = arith.constant 18 : i32
    %shift_right_arithmetic3A_1070 = vector.broadcast %shift_right_arithmetic3A_1069 : i32 to vector<16xi32>
    %shift_right_arithmetic3A_1071 = arith.shrsi %get3A_1062, %shift_right_arithmetic3A_1070 : vector<16xi32>
    %or3A_1072 = arith.ori %shift_left3A_1068, %shift_right_arithmetic3A_1071 : vector<16xi32>
    %swap3A_1073 = arith.constant 3 : i32
    %swap3A_1074 = arith.index_cast %swap3A_1073 : i32 to index
    %swap3A_1075 = arith.constant 80 : index
    %swap3A_1076 = tpu.vector_load %arg9[%swap3A_1074, %swap3A_1075] {strides = array<i32>} : memref<4x128xi32, #tpu.memory_space<vmem>>, vector<16xi32>,
    tpu.vector_store %arg9[%swap3A_1074, %swap3A_1075], %or3A_1072 {strides = array<i32>} : memref<4x128xi32, #tpu.memory_space<vmem>>, vector<16xi32>,
    %get3A_1077 = arith.constant 3 : i32
    %get3A_1078 = arith.index_cast %get3A_1077 : i32 to index
    %get3A_1079 = arith.constant 96 : index
    %get3A_1080 = tpu.vector_load %arg6[%get3A_1078, %get3A_1079] {strides = array<i32>} : memref<4x128xi32, #tpu.memory_space<vmem>>, vector<16xi32>,
    %and3A_1081 = arith.constant 262143 : i32
    %and3A_1082 = vector.broadcast %and3A_1081 : i32 to vector<16xi32>
    %and3A_1083 = arith.andi %get3A_1080, %and3A_1082 : vector<16xi32>
    %shift_left3A_1084 = arith.constant 2 : i32
    %shift_left3A_1085 = vector.broadcast %shift_left3A_1084 : i32 to vector<16xi32>
    %shift_left3A_1086 = arith.shli %and3A_1083, %shift_left3A_1085 : vector<16xi32>
    %shift_right_arithmetic3A_1087 = arith.constant 18 : i32
    %shift_right_arithmetic3A_1088 = vector.broadcast %shift_right_arithmetic3A_1087 : i32 to vector<16xi32>
    %shift_right_arithmetic3A_1089 = arith.shrsi %get3A_1080, %shift_right_arithmetic3A_1088 : vector<16xi32>
    %or3A_1090 = arith.ori %shift_left3A_1086, %shift_right_arithmetic3A_1089 : vector<16xi32>
    %swap3A_1091 = arith.constant 3 : i32
    %swap3A_1092 = arith.index_cast %swap3A_1091 : i32 to index
    %swap3A_1093 = arith.constant 96 : index
    %swap3A_1094 = tpu.vector_load %arg8[%swap3A_1092, %swap3A_1093] {strides = array<i32>} : memref<4x128xi32, #tpu.memory_space<vmem>>, vector<16xi32>,
    tpu.vector_store %arg8[%swap3A_1092, %swap3A_1093], %or3A_1090 {strides = array<i32>} : memref<4x128xi32, #tpu.memory_space<vmem>>, vector<16xi32>,
    %get3A_1095 = arith.constant 3 : i32
    %get3A_1096 = arith.index_cast %get3A_1095 : i32 to index
    %get3A_1097 = arith.constant 96 : index
    %get3A_1098 = tpu.vector_load %arg7[%get3A_1096, %get3A_1097] {strides = array<i32>} : memref<4x128xi32, #tpu.memory_space<vmem>>, vector<16xi32>,
    %and3A_1099 = arith.constant 262143 : i32
    %and3A_1100 = vector.broadcast %and3A_1099 : i32 to vector<16xi32>
    %and3A_1101 = arith.andi %get3A_1098, %and3A_1100 : vector<16xi32>
    %shift_left3A_1102 = arith.constant 2 : i32
    %shift_left3A_1103 = vector.broadcast %shift_left3A_1102 : i32 to vector<16xi32>
    %shift_left3A_1104 = arith.shli %and3A_1101, %shift_left3A_1103 : vector<16xi32>
    %shift_right_arithmetic3A_1105 = arith.constant 18 : i32
    %shift_right_arithmetic3A_1106 = vector.broadcast %shift_right_arithmetic3A_1105 : i32 to vector<16xi32>
    %shift_right_arithmetic3A_1107 = arith.shrsi %get3A_1098, %shift_right_arithmetic3A_1106 : vector<16xi32>
    %or3A_1108 = arith.ori %shift_left3A_1104, %shift_right_arithmetic3A_1107 : vector<16xi32>
    %swap3A_1109 = arith.constant 3 : i32
    %swap3A_1110 = arith.index_cast %swap3A_1109 : i32 to index
    %swap3A_1111 = arith.constant 96 : index
    %swap3A_1112 = tpu.vector_load %arg9[%swap3A_1110, %swap3A_1111] {strides = array<i32>} : memref<4x128xi32, #tpu.memory_space<vmem>>, vector<16xi32>,
    tpu.vector_store %arg9[%swap3A_1110, %swap3A_1111], %or3A_1108 {strides = array<i32>} : memref<4x128xi32, #tpu.memory_space<vmem>>, vector<16xi32>,
    %get3A_1113 = arith.constant 3 : i32
    %get3A_1114 = arith.index_cast %get3A_1113 : i32 to index
    %get3A_1115 = arith.constant 112 : index
    %get3A_1116 = tpu.vector_load %arg6[%get3A_1114, %get3A_1115] {strides = array<i32>} : memref<4x128xi32, #tpu.memory_space<vmem>>, vector<16xi32>,
    %and3A_1117 = arith.constant 262143 : i32
    %and3A_1118 = vector.broadcast %and3A_1117 : i32 to vector<16xi32>
    %and3A_1119 = arith.andi %get3A_1116, %and3A_1118 : vector<16xi32>
    %shift_left3A_1120 = arith.constant 2 : i32
    %shift_left3A_1121 = vector.broadcast %shift_left3A_1120 : i32 to vector<16xi32>
    %shift_left3A_1122 = arith.shli %and3A_1119, %shift_left3A_1121 : vector<16xi32>
    %shift_right_arithmetic3A_1123 = arith.constant 18 : i32
    %shift_right_arithmetic3A_1124 = vector.broadcast %shift_right_arithmetic3A_1123 : i32 to vector<16xi32>
    %shift_right_arithmetic3A_1125 = arith.shrsi %get3A_1116, %shift_right_arithmetic3A_1124 : vector<16xi32>
    %or3A_1126 = arith.ori %shift_left3A_1122, %shift_right_arithmetic3A_1125 : vector<16xi32>
    %swap3A_1127 = arith.constant 3 : i32
    %swap3A_1128 = arith.index_cast %swap3A_1127 : i32 to index
    %swap3A_1129 = arith.constant 112 : index
    %swap3A_1130 = tpu.vector_load %arg8[%swap3A_1128, %swap3A_1129] {strides = array<i32>} : memref<4x128xi32, #tpu.memory_space<vmem>>, vector<16xi32>,
    tpu.vector_store %arg8[%swap3A_1128, %swap3A_1129], %or3A_1126 {strides = array<i32>} : memref<4x128xi32, #tpu.memory_space<vmem>>, vector<16xi32>,
    %get3A_1131 = arith.constant 3 : i32
    %get3A_1132 = arith.index_cast %get3A_1131 : i32 to index
    %get3A_1133 = arith.constant 112 : index
    %get3A_1134 = tpu.vector_load %arg7[%get3A_1132, %get3A_1133] {strides = array<i32>} : memref<4x128xi32, #tpu.memory_space<vmem>>, vector<16xi32>,
    %and3A_1135 = arith.constant 262143 : i32
    %and3A_1136 = vector.broadcast %and3A_1135 : i32 to vector<16xi32>
    %and3A_1137 = arith.andi %get3A_1134, %and3A_1136 : vector<16xi32>
    %shift_left3A_1138 = arith.constant 2 : i32
    %shift_left3A_1139 = vector.broadcast %shift_left3A_1138 : i32 to vector<16xi32>
    %shift_left3A_1140 = arith.shli %and3A_1137, %shift_left3A_1139 : vector<16xi32>
    %shift_right_arithmetic3A_1141 = arith.constant 18 : i32
    %shift_right_arithmetic3A_1142 = vector.broadcast %shift_right_arithmetic3A_1141 : i32 to vector<16xi32>
    %shift_right_arithmetic3A_1143 = arith.shrsi %get3A_1134, %shift_right_arithmetic3A_1142 : vector<16xi32>
    %or3A_1144 = arith.ori %shift_left3A_1140, %shift_right_arithmetic3A_1143 : vector<16xi32>
    %swap3A_1145 = arith.constant 3 : i32
    %swap3A_1146 = arith.index_cast %swap3A_1145 : i32 to index
    %swap3A_1147 = arith.constant 112 : index
    %swap3A_1148 = tpu.vector_load %arg9[%swap3A_1146, %swap3A_1147] {strides = array<i32>} : memref<4x128xi32, #tpu.memory_space<vmem>>, vector<16xi32>,
    tpu.vector_store %arg9[%swap3A_1146, %swap3A_1147], %or3A_1144 {strides = array<i32>} : memref<4x128xi32, #tpu.memory_space<vmem>>, vector<16xi32>,
    %dma_start3A = arith.constant 0 : i32
    %dma_start3A_1149 = arith.constant 0 : i32
    %dma_start3A_1150 = tpu.memref_slice %arg8[%dma_start3A, %dma_start3A_1149] : memref<4x128xi32, #tpu.memory_space<vmem>> -> memref<1x128xi32, #tpu.memory_space<vmem>>
    %dma_start3A_1151 = tpu.memref_squeeze %dma_start3A_1150 : memref<1x128xi32, #tpu.memory_space<vmem>> -> memref<128xi32, #tpu.memory_space<vmem>>
    %dma_start3A_1152 = arith.constant 0 : i32
    %dma_start3A_1153 = arith.constant 0 : i32
    %dma_start3A_1154 = tpu.memref_slice %arg2[%dma_start3A_1152, %dma_start3A_1153] : memref<1048576x32xf32, #tpu.memory_space<hbm>> -> memref<1048576x32xf32, #tpu.memory_space<hbm>>
    tpu.enqueue_indirect_dma source(%dma_start3A_1154 : memref<1048576x32xf32, #tpu.memory_space<hbm>>) target(%arg10 : memref<128x32xf32, #tpu.memory_space<vmem>>) offsets(%dma_start3A_1151 : memref<128xi32, #tpu.memory_space<vmem>>) semaphore(%arg15 : memref<!tpu.dma_semaphore, #tpu.memory_space<semaphore_mem>>)
    %dma_start3A_1155 = arith.constant 0 : i32
    %dma_start3A_1156 = arith.constant 0 : i32
    %dma_start3A_1157 = tpu.memref_slice %arg9[%dma_start3A_1155, %dma_start3A_1156] : memref<4x128xi32, #tpu.memory_space<vmem>> -> memref<1x128xi32, #tpu.memory_space<vmem>>
    %dma_start3A_1158 = tpu.memref_squeeze %dma_start3A_1157 : memref<1x128xi32, #tpu.memory_space<vmem>> -> memref<128xi32, #tpu.memory_space<vmem>>
    %dma_start3A_1159 = arith.constant 0 : i32
    %dma_start3A_1160 = arith.constant 0 : i32
    %dma_start3A_1161 = tpu.memref_slice %arg2[%dma_start3A_1159, %dma_start3A_1160] : memref<1048576x32xf32, #tpu.memory_space<hbm>> -> memref<1048576x32xf32, #tpu.memory_space<hbm>>
    tpu.enqueue_indirect_dma source(%dma_start3A_1161 : memref<1048576x32xf32, #tpu.memory_space<hbm>>) target(%arg11 : memref<128x32xf32, #tpu.memory_space<vmem>>) offsets(%dma_start3A_1158 : memref<128xi32, #tpu.memory_space<vmem>>) semaphore(%arg15 : memref<!tpu.dma_semaphore, #tpu.memory_space<semaphore_mem>>)
    %dma_start3A_1162 = arith.constant 1 : i32
    %dma_start3A_1163 = arith.constant 0 : i32
    %dma_start3A_1164 = tpu.memref_slice %arg8[%dma_start3A_1162, %dma_start3A_1163] : memref<4x128xi32, #tpu.memory_space<vmem>> -> memref<1x128xi32, #tpu.memory_space<vmem>>
    %dma_start3A_1165 = tpu.memref_squeeze %dma_start3A_1164 : memref<1x128xi32, #tpu.memory_space<vmem>> -> memref<128xi32, #tpu.memory_space<vmem>>
    %dma_start3A_1166 = arith.constant 0 : i32
    %dma_start3A_1167 = arith.constant 0 : i32
    %dma_start3A_1168 = tpu.memref_slice %arg2[%dma_start3A_1166, %dma_start3A_1167] : memref<1048576x32xf32, #tpu.memory_space<hbm>> -> memref<1048576x32xf32, #tpu.memory_space<hbm>>
    tpu.enqueue_indirect_dma source(%dma_start3A_1168 : memref<1048576x32xf32, #tpu.memory_space<hbm>>) target(%arg12 : memref<128x32xf32, #tpu.memory_space<vmem>>) offsets(%dma_start3A_1165 : memref<128xi32, #tpu.memory_space<vmem>>) semaphore(%arg16 : memref<!tpu.dma_semaphore, #tpu.memory_space<semaphore_mem>>)
    %dma_start3A_1169 = arith.constant 1 : i32
    %dma_start3A_1170 = arith.constant 0 : i32
    %dma_start3A_1171 = tpu.memref_slice %arg9[%dma_start3A_1169, %dma_start3A_1170] : memref<4x128xi32, #tpu.memory_space<vmem>> -> memref<1x128xi32, #tpu.memory_space<vmem>>
    %dma_start3A_1172 = tpu.memref_squeeze %dma_start3A_1171 : memref<1x128xi32, #tpu.memory_space<vmem>> -> memref<128xi32, #tpu.memory_space<vmem>>
    %dma_start3A_1173 = arith.constant 0 : i32
    %dma_start3A_1174 = arith.constant 0 : i32
    %dma_start3A_1175 = tpu.memref_slice %arg2[%dma_start3A_1173, %dma_start3A_1174] : memref<1048576x32xf32, #tpu.memory_space<hbm>> -> memref<1048576x32xf32, #tpu.memory_space<hbm>>
    tpu.enqueue_indirect_dma source(%dma_start3A_1175 : memref<1048576x32xf32, #tpu.memory_space<hbm>>) target(%arg13 : memref<128x32xf32, #tpu.memory_space<vmem>>) offsets(%dma_start3A_1172 : memref<128xi32, #tpu.memory_space<vmem>>) semaphore(%arg16 : memref<!tpu.dma_semaphore, #tpu.memory_space<semaphore_mem>>)
    %dma_wait3A = arith.constant 0 : i32
    %dma_wait3A_1176 = arith.constant 0 : i32
    %dma_wait3A_1177 = tpu.memref_slice %arg8[%dma_wait3A, %dma_wait3A_1176] : memref<4x128xi32, #tpu.memory_space<vmem>> -> memref<1x128xi32, #tpu.memory_space<vmem>>
    %dma_wait3A_1178 = tpu.memref_squeeze %dma_wait3A_1177 : memref<1x128xi32, #tpu.memory_space<vmem>> -> memref<128xi32, #tpu.memory_space<vmem>>
    %dma_wait3A_1179 = arith.constant 0 : i32
    %dma_wait3A_1180 = arith.constant 0 : i32
    %dma_wait3A_1181 = tpu.memref_slice %arg2[%dma_wait3A_1179, %dma_wait3A_1180] : memref<1048576x32xf32, #tpu.memory_space<hbm>> -> memref<1048576x32xf32, #tpu.memory_space<hbm>>
    tpu.wait_indirect_dma semaphore(%arg15 : memref<!tpu.dma_semaphore, #tpu.memory_space<semaphore_mem>>) src(%dma_wait3A_1181 : memref<1048576x32xf32, #tpu.memory_space<hbm>>) dst(%arg10 : memref<128x32xf32, #tpu.memory_space<vmem>>)
    %dma_wait3A_1182 = arith.constant 0 : i32
    %dma_wait3A_1183 = arith.constant 0 : i32
    %dma_wait3A_1184 = tpu.memref_slice %arg9[%dma_wait3A_1182, %dma_wait3A_1183] : memref<4x128xi32, #tpu.memory_space<vmem>> -> memref<1x128xi32, #tpu.memory_space<vmem>>
    %dma_wait3A_1185 = tpu.memref_squeeze %dma_wait3A_1184 : memref<1x128xi32, #tpu.memory_space<vmem>> -> memref<128xi32, #tpu.memory_space<vmem>>
    %dma_wait3A_1186 = arith.constant 0 : i32
    %dma_wait3A_1187 = arith.constant 0 : i32
    %dma_wait3A_1188 = tpu.memref_slice %arg2[%dma_wait3A_1186, %dma_wait3A_1187] : memref<1048576x32xf32, #tpu.memory_space<hbm>> -> memref<1048576x32xf32, #tpu.memory_space<hbm>>
    tpu.wait_indirect_dma semaphore(%arg15 : memref<!tpu.dma_semaphore, #tpu.memory_space<semaphore_mem>>) src(%dma_wait3A_1188 : memref<1048576x32xf32, #tpu.memory_space<hbm>>) dst(%arg11 : memref<128x32xf32, #tpu.memory_space<vmem>>)
    %scan3A = arith.constant 0 : i32
    %scan3A_1189 = arith.constant 0 : i32
    %scan3A_1190 = arith.constant 8 : i32
    %scan3A_1191 = arith.addi %scan3A_1189, %scan3A_1190 : i32
    %scan3A_1192 = arith.constant 1 : i32
    %scan3A_1193 = scf.for %scan3A_1286 = %scan3A_1189 to %scan3A_1191 step %scan3A_1192 iter_args(%scan3A_1287 = %scan3A) -> (i32)  : i32 {
      %mul3A_1288 = arith.constant 16 : i32
      %mul3A_1289 = arith.muli %scan3A_1286, %mul3A_1288 : i32
      %mul3A_1290 = arith.constant 16 : i32
      %mul3A_1291 = arith.muli %scan3A_1286, %mul3A_1290 : i32
      %iota3A = tpu.iota {dimensions = array<i32: 0>} : vector<16xi32>
      %add3A_1292 = vector.broadcast %mul3A_1291 : i32 to vector<16xi32>
      %add3A_1293 = arith.addi %add3A_1292, %iota3A : vector<16xi32>
      %broadcast_in_dim3A = arith.constant 0.000000e+00 : f32
      %broadcast_in_dim3A_1294 = vector.broadcast %broadcast_in_dim3A : f32 to vector<16xf32>
      %broadcast_in_dim3A_1295 = arith.constant 0 : i32
      %broadcast_in_dim3A_1296 = vector.broadcast %broadcast_in_dim3A_1295 : i32 to vector<16xi32>
      %gather3A = tpu.vector_load_idx %arg10[%add3A_1293, %broadcast_in_dim3A_1296] : memref<128x32xf32, #tpu.memory_space<vmem>>[vector<16xi32>, vector<16xi32>], vector<16xf32>,
      %gather3A_1297 = tpu.vector_load_idx %arg11[%add3A_1293, %broadcast_in_dim3A_1296] : memref<128x32xf32, #tpu.memory_space<vmem>>[vector<16xi32>, vector<16xi32>], vector<16xf32>,
      %mul3A_1298 = arith.mulf %gather3A, %gather3A_1297 : vector<16xf32>
      %add3A_1299 = arith.addf %broadcast_in_dim3A_1294, %mul3A_1298 : vector<16xf32>
      %broadcast_in_dim3A_1300 = arith.constant 1 : i32
      %broadcast_in_dim3A_1301 = vector.broadcast %broadcast_in_dim3A_1300 : i32 to vector<16xi32>
      %gather3A_1302 = tpu.vector_load_idx %arg10[%add3A_1293, %broadcast_in_dim3A_1301] : memref<128x32xf32, #tpu.memory_space<vmem>>[vector<16xi32>, vector<16xi32>], vector<16xf32>,
      %gather3A_1303 = tpu.vector_load_idx %arg11[%add3A_1293, %broadcast_in_dim3A_1301] : memref<128x32xf32, #tpu.memory_space<vmem>>[vector<16xi32>, vector<16xi32>], vector<16xf32>,
      %mul3A_1304 = arith.mulf %gather3A_1302, %gather3A_1303 : vector<16xf32>
      %add3A_1305 = arith.addf %add3A_1299, %mul3A_1304 : vector<16xf32>
      %broadcast_in_dim3A_1306 = arith.constant 2 : i32
      %broadcast_in_dim3A_1307 = vector.broadcast %broadcast_in_dim3A_1306 : i32 to vector<16xi32>
      %gather3A_1308 = tpu.vector_load_idx %arg10[%add3A_1293, %broadcast_in_dim3A_1307] : memref<128x32xf32, #tpu.memory_space<vmem>>[vector<16xi32>, vector<16xi32>], vector<16xf32>,
      %gather3A_1309 = tpu.vector_load_idx %arg11[%add3A_1293, %broadcast_in_dim3A_1307] : memref<128x32xf32, #tpu.memory_space<vmem>>[vector<16xi32>, vector<16xi32>], vector<16xf32>,
      %mul3A_1310 = arith.mulf %gather3A_1308, %gather3A_1309 : vector<16xf32>
      %add3A_1311 = arith.addf %add3A_1305, %mul3A_1310 : vector<16xf32>
      %broadcast_in_dim3A_1312 = arith.constant 3 : i32
      %broadcast_in_dim3A_1313 = vector.broadcast %broadcast_in_dim3A_1312 : i32 to vector<16xi32>
      %gather3A_1314 = tpu.vector_load_idx %arg10[%add3A_1293, %broadcast_in_dim3A_1313] : memref<128x32xf32, #tpu.memory_space<vmem>>[vector<16xi32>, vector<16xi32>], vector<16xf32>,
      %gather3A_1315 = tpu.vector_load_idx %arg11[%add3A_1293, %broadcast_in_dim3A_1313] : memref<128x32xf32, #tpu.memory_space<vmem>>[vector<16xi32>, vector<16xi32>], vector<16xf32>,
      %mul3A_1316 = arith.mulf %gather3A_1314, %gather3A_1315 : vector<16xf32>
      %add3A_1317 = arith.addf %add3A_1311, %mul3A_1316 : vector<16xf32>
      %broadcast_in_dim3A_1318 = arith.constant 4 : i32
      %broadcast_in_dim3A_1319 = vector.broadcast %broadcast_in_dim3A_1318 : i32 to vector<16xi32>
      %gather3A_1320 = tpu.vector_load_idx %arg10[%add3A_1293, %broadcast_in_dim3A_1319] : memref<128x32xf32, #tpu.memory_space<vmem>>[vector<16xi32>, vector<16xi32>], vector<16xf32>,
      %gather3A_1321 = tpu.vector_load_idx %arg11[%add3A_1293, %broadcast_in_dim3A_1319] : memref<128x32xf32, #tpu.memory_space<vmem>>[vector<16xi32>, vector<16xi32>], vector<16xf32>,
      %mul3A_1322 = arith.mulf %gather3A_1320, %gather3A_1321 : vector<16xf32>
      %add3A_1323 = arith.addf %add3A_1317, %mul3A_1322 : vector<16xf32>
      %broadcast_in_dim3A_1324 = arith.constant 5 : i32
      %broadcast_in_dim3A_1325 = vector.broadcast %broadcast_in_dim3A_1324 : i32 to vector<16xi32>
      %gather3A_1326 = tpu.vector_load_idx %arg10[%add3A_1293, %broadcast_in_dim3A_1325] : memref<128x32xf32, #tpu.memory_space<vmem>>[vector<16xi32>, vector<16xi32>], vector<16xf32>,
      %gather3A_1327 = tpu.vector_load_idx %arg11[%add3A_1293, %broadcast_in_dim3A_1325] : memref<128x32xf32, #tpu.memory_space<vmem>>[vector<16xi32>, vector<16xi32>], vector<16xf32>,
      %mul3A_1328 = arith.mulf %gather3A_1326, %gather3A_1327 : vector<16xf32>
      %add3A_1329 = arith.addf %add3A_1323, %mul3A_1328 : vector<16xf32>
      %broadcast_in_dim3A_1330 = arith.constant 6 : i32
      %broadcast_in_dim3A_1331 = vector.broadcast %broadcast_in_dim3A_1330 : i32 to vector<16xi32>
      %gather3A_1332 = tpu.vector_load_idx %arg10[%add3A_1293, %broadcast_in_dim3A_1331] : memref<128x32xf32, #tpu.memory_space<vmem>>[vector<16xi32>, vector<16xi32>], vector<16xf32>,
      %gather3A_1333 = tpu.vector_load_idx %arg11[%add3A_1293, %broadcast_in_dim3A_1331] : memref<128x32xf32, #tpu.memory_space<vmem>>[vector<16xi32>, vector<16xi32>], vector<16xf32>,
      %mul3A_1334 = arith.mulf %gather3A_1332, %gather3A_1333 : vector<16xf32>
      %add3A_1335 = arith.addf %add3A_1329, %mul3A_1334 : vector<16xf32>
      %broadcast_in_dim3A_1336 = arith.constant 7 : i32
      %broadcast_in_dim3A_1337 = vector.broadcast %broadcast_in_dim3A_1336 : i32 to vector<16xi32>
      %gather3A_1338 = tpu.vector_load_idx %arg10[%add3A_1293, %broadcast_in_dim3A_1337] : memref<128x32xf32, #tpu.memory_space<vmem>>[vector<16xi32>, vector<16xi32>], vector<16xf32>,
      %gather3A_1339 = tpu.vector_load_idx %arg11[%add3A_1293, %broadcast_in_dim3A_1337] : memref<128x32xf32, #tpu.memory_space<vmem>>[vector<16xi32>, vector<16xi32>], vector<16xf32>,
      %mul3A_1340 = arith.mulf %gather3A_1338, %gather3A_1339 : vector<16xf32>
      %add3A_1341 = arith.addf %add3A_1335, %mul3A_1340 : vector<16xf32>
      %broadcast_in_dim3A_1342 = arith.constant 8 : i32
      %broadcast_in_dim3A_1343 = vector.broadcast %broadcast_in_dim3A_1342 : i32 to vector<16xi32>
      %gather3A_1344 = tpu.vector_load_idx %arg10[%add3A_1293, %broadcast_in_dim3A_1343] : memref<128x32xf32, #tpu.memory_space<vmem>>[vector<16xi32>, vector<16xi32>], vector<16xf32>,
      %gather3A_1345 = tpu.vector_load_idx %arg11[%add3A_1293, %broadcast_in_dim3A_1343] : memref<128x32xf32, #tpu.memory_space<vmem>>[vector<16xi32>, vector<16xi32>], vector<16xf32>,
      %mul3A_1346 = arith.mulf %gather3A_1344, %gather3A_1345 : vector<16xf32>
      %add3A_1347 = arith.addf %add3A_1341, %mul3A_1346 : vector<16xf32>
      %broadcast_in_dim3A_1348 = arith.constant 9 : i32
      %broadcast_in_dim3A_1349 = vector.broadcast %broadcast_in_dim3A_1348 : i32 to vector<16xi32>
      %gather3A_1350 = tpu.vector_load_idx %arg10[%add3A_1293, %broadcast_in_dim3A_1349] : memref<128x32xf32, #tpu.memory_space<vmem>>[vector<16xi32>, vector<16xi32>], vector<16xf32>,
      %gather3A_1351 = tpu.vector_load_idx %arg11[%add3A_1293, %broadcast_in_dim3A_1349] : memref<128x32xf32, #tpu.memory_space<vmem>>[vector<16xi32>, vector<16xi32>], vector<16xf32>,
      %mul3A_1352 = arith.mulf %gather3A_1350, %gather3A_1351 : vector<16xf32>
      %add3A_1353 = arith.addf %add3A_1347, %mul3A_1352 : vector<16xf32>
      %broadcast_in_dim3A_1354 = arith.constant 10 : i32
      %broadcast_in_dim3A_1355 = vector.broadcast %broadcast_in_dim3A_1354 : i32 to vector<16xi32>
      %gather3A_1356 = tpu.vector_load_idx %arg10[%add3A_1293, %broadcast_in_dim3A_1355] : memref<128x32xf32, #tpu.memory_space<vmem>>[vector<16xi32>, vector<16xi32>], vector<16xf32>,
      %gather3A_1357 = tpu.vector_load_idx %arg11[%add3A_1293, %broadcast_in_dim3A_1355] : memref<128x32xf32, #tpu.memory_space<vmem>>[vector<16xi32>, vector<16xi32>], vector<16xf32>,
      %mul3A_1358 = arith.mulf %gather3A_1356, %gather3A_1357 : vector<16xf32>
      %add3A_1359 = arith.addf %add3A_1353, %mul3A_1358 : vector<16xf32>
      %broadcast_in_dim3A_1360 = arith.constant 11 : i32
      %broadcast_in_dim3A_1361 = vector.broadcast %broadcast_in_dim3A_1360 : i32 to vector<16xi32>
      %gather3A_1362 = tpu.vector_load_idx %arg10[%add3A_1293, %broadcast_in_dim3A_1361] : memref<128x32xf32, #tpu.memory_space<vmem>>[vector<16xi32>, vector<16xi32>], vector<16xf32>,
      %gather3A_1363 = tpu.vector_load_idx %arg11[%add3A_1293, %broadcast_in_dim3A_1361] : memref<128x32xf32, #tpu.memory_space<vmem>>[vector<16xi32>, vector<16xi32>], vector<16xf32>,
      %mul3A_1364 = arith.mulf %gather3A_1362, %gather3A_1363 : vector<16xf32>
      %add3A_1365 = arith.addf %add3A_1359, %mul3A_1364 : vector<16xf32>
      %broadcast_in_dim3A_1366 = arith.constant 12 : i32
      %broadcast_in_dim3A_1367 = vector.broadcast %broadcast_in_dim3A_1366 : i32 to vector<16xi32>
      %gather3A_1368 = tpu.vector_load_idx %arg10[%add3A_1293, %broadcast_in_dim3A_1367] : memref<128x32xf32, #tpu.memory_space<vmem>>[vector<16xi32>, vector<16xi32>], vector<16xf32>,
      %gather3A_1369 = tpu.vector_load_idx %arg11[%add3A_1293, %broadcast_in_dim3A_1367] : memref<128x32xf32, #tpu.memory_space<vmem>>[vector<16xi32>, vector<16xi32>], vector<16xf32>,
      %mul3A_1370 = arith.mulf %gather3A_1368, %gather3A_1369 : vector<16xf32>
      %add3A_1371 = arith.addf %add3A_1365, %mul3A_1370 : vector<16xf32>
      %broadcast_in_dim3A_1372 = arith.constant 13 : i32
      %broadcast_in_dim3A_1373 = vector.broadcast %broadcast_in_dim3A_1372 : i32 to vector<16xi32>
      %gather3A_1374 = tpu.vector_load_idx %arg10[%add3A_1293, %broadcast_in_dim3A_1373] : memref<128x32xf32, #tpu.memory_space<vmem>>[vector<16xi32>, vector<16xi32>], vector<16xf32>,
      %gather3A_1375 = tpu.vector_load_idx %arg11[%add3A_1293, %broadcast_in_dim3A_1373] : memref<128x32xf32, #tpu.memory_space<vmem>>[vector<16xi32>, vector<16xi32>], vector<16xf32>,
      %mul3A_1376 = arith.mulf %gather3A_1374, %gather3A_1375 : vector<16xf32>
      %add3A_1377 = arith.addf %add3A_1371, %mul3A_1376 : vector<16xf32>
      %broadcast_in_dim3A_1378 = arith.constant 14 : i32
      %broadcast_in_dim3A_1379 = vector.broadcast %broadcast_in_dim3A_1378 : i32 to vector<16xi32>
      %gather3A_1380 = tpu.vector_load_idx %arg10[%add3A_1293, %broadcast_in_dim3A_1379] : memref<128x32xf32, #tpu.memory_space<vmem>>[vector<16xi32>, vector<16xi32>], vector<16xf32>,
      %gather3A_1381 = tpu.vector_load_idx %arg11[%add3A_1293, %broadcast_in_dim3A_1379] : memref<128x32xf32, #tpu.memory_space<vmem>>[vector<16xi32>, vector<16xi32>], vector<16xf32>,
      %mul3A_1382 = arith.mulf %gather3A_1380, %gather3A_1381 : vector<16xf32>
      %add3A_1383 = arith.addf %add3A_1377, %mul3A_1382 : vector<16xf32>
      %broadcast_in_dim3A_1384 = arith.constant 15 : i32
      %broadcast_in_dim3A_1385 = vector.broadcast %broadcast_in_dim3A_1384 : i32 to vector<16xi32>
      %gather3A_1386 = tpu.vector_load_idx %arg10[%add3A_1293, %broadcast_in_dim3A_1385] : memref<128x32xf32, #tpu.memory_space<vmem>>[vector<16xi32>, vector<16xi32>], vector<16xf32>,
      %gather3A_1387 = tpu.vector_load_idx %arg11[%add3A_1293, %broadcast_in_dim3A_1385] : memref<128x32xf32, #tpu.memory_space<vmem>>[vector<16xi32>, vector<16xi32>], vector<16xf32>,
      %mul3A_1388 = arith.mulf %gather3A_1386, %gather3A_1387 : vector<16xf32>
      %add3A_1389 = arith.addf %add3A_1383, %mul3A_1388 : vector<16xf32>
      %broadcast_in_dim3A_1390 = arith.constant 16 : i32
      %broadcast_in_dim3A_1391 = vector.broadcast %broadcast_in_dim3A_1390 : i32 to vector<16xi32>
      %gather3A_1392 = tpu.vector_load_idx %arg10[%add3A_1293, %broadcast_in_dim3A_1391] : memref<128x32xf32, #tpu.memory_space<vmem>>[vector<16xi32>, vector<16xi32>], vector<16xf32>,
      %gather3A_1393 = tpu.vector_load_idx %arg11[%add3A_1293, %broadcast_in_dim3A_1391] : memref<128x32xf32, #tpu.memory_space<vmem>>[vector<16xi32>, vector<16xi32>], vector<16xf32>,
      %mul3A_1394 = arith.mulf %gather3A_1392, %gather3A_1393 : vector<16xf32>
      %add3A_1395 = arith.addf %add3A_1389, %mul3A_1394 : vector<16xf32>
      %broadcast_in_dim3A_1396 = arith.constant 17 : i32
      %broadcast_in_dim3A_1397 = vector.broadcast %broadcast_in_dim3A_1396 : i32 to vector<16xi32>
      %gather3A_1398 = tpu.vector_load_idx %arg10[%add3A_1293, %broadcast_in_dim3A_1397] : memref<128x32xf32, #tpu.memory_space<vmem>>[vector<16xi32>, vector<16xi32>], vector<16xf32>,
      %gather3A_1399 = tpu.vector_load_idx %arg11[%add3A_1293, %broadcast_in_dim3A_1397] : memref<128x32xf32, #tpu.memory_space<vmem>>[vector<16xi32>, vector<16xi32>], vector<16xf32>,
      %mul3A_1400 = arith.mulf %gather3A_1398, %gather3A_1399 : vector<16xf32>
      %add3A_1401 = arith.addf %add3A_1395, %mul3A_1400 : vector<16xf32>
      %broadcast_in_dim3A_1402 = arith.constant 18 : i32
      %broadcast_in_dim3A_1403 = vector.broadcast %broadcast_in_dim3A_1402 : i32 to vector<16xi32>
      %gather3A_1404 = tpu.vector_load_idx %arg10[%add3A_1293, %broadcast_in_dim3A_1403] : memref<128x32xf32, #tpu.memory_space<vmem>>[vector<16xi32>, vector<16xi32>], vector<16xf32>,
      %gather3A_1405 = tpu.vector_load_idx %arg11[%add3A_1293, %broadcast_in_dim3A_1403] : memref<128x32xf32, #tpu.memory_space<vmem>>[vector<16xi32>, vector<16xi32>], vector<16xf32>,
      %mul3A_1406 = arith.mulf %gather3A_1404, %gather3A_1405 : vector<16xf32>
      %add3A_1407 = arith.addf %add3A_1401, %mul3A_1406 : vector<16xf32>
      %broadcast_in_dim3A_1408 = arith.constant 19 : i32
      %broadcast_in_dim3A_1409 = vector.broadcast %broadcast_in_dim3A_1408 : i32 to vector<16xi32>
      %gather3A_1410 = tpu.vector_load_idx %arg10[%add3A_1293, %broadcast_in_dim3A_1409] : memref<128x32xf32, #tpu.memory_space<vmem>>[vector<16xi32>, vector<16xi32>], vector<16xf32>,
      %gather3A_1411 = tpu.vector_load_idx %arg11[%add3A_1293, %broadcast_in_dim3A_1409] : memref<128x32xf32, #tpu.memory_space<vmem>>[vector<16xi32>, vector<16xi32>], vector<16xf32>,
      %mul3A_1412 = arith.mulf %gather3A_1410, %gather3A_1411 : vector<16xf32>
      %add3A_1413 = arith.addf %add3A_1407, %mul3A_1412 : vector<16xf32>
      %broadcast_in_dim3A_1414 = arith.constant 20 : i32
      %broadcast_in_dim3A_1415 = vector.broadcast %broadcast_in_dim3A_1414 : i32 to vector<16xi32>
      %gather3A_1416 = tpu.vector_load_idx %arg10[%add3A_1293, %broadcast_in_dim3A_1415] : memref<128x32xf32, #tpu.memory_space<vmem>>[vector<16xi32>, vector<16xi32>], vector<16xf32>,
      %gather3A_1417 = tpu.vector_load_idx %arg11[%add3A_1293, %broadcast_in_dim3A_1415] : memref<128x32xf32, #tpu.memory_space<vmem>>[vector<16xi32>, vector<16xi32>], vector<16xf32>,
      %mul3A_1418 = arith.mulf %gather3A_1416, %gather3A_1417 : vector<16xf32>
      %add3A_1419 = arith.addf %add3A_1413, %mul3A_1418 : vector<16xf32>
      %broadcast_in_dim3A_1420 = arith.constant 21 : i32
      %broadcast_in_dim3A_1421 = vector.broadcast %broadcast_in_dim3A_1420 : i32 to vector<16xi32>
      %gather3A_1422 = tpu.vector_load_idx %arg10[%add3A_1293, %broadcast_in_dim3A_1421] : memref<128x32xf32, #tpu.memory_space<vmem>>[vector<16xi32>, vector<16xi32>], vector<16xf32>,
      %gather3A_1423 = tpu.vector_load_idx %arg11[%add3A_1293, %broadcast_in_dim3A_1421] : memref<128x32xf32, #tpu.memory_space<vmem>>[vector<16xi32>, vector<16xi32>], vector<16xf32>,
      %mul3A_1424 = arith.mulf %gather3A_1422, %gather3A_1423 : vector<16xf32>
      %add3A_1425 = arith.addf %add3A_1419, %mul3A_1424 : vector<16xf32>
      %broadcast_in_dim3A_1426 = arith.constant 22 : i32
      %broadcast_in_dim3A_1427 = vector.broadcast %broadcast_in_dim3A_1426 : i32 to vector<16xi32>
      %gather3A_1428 = tpu.vector_load_idx %arg10[%add3A_1293, %broadcast_in_dim3A_1427] : memref<128x32xf32, #tpu.memory_space<vmem>>[vector<16xi32>, vector<16xi32>], vector<16xf32>,
      %gather3A_1429 = tpu.vector_load_idx %arg11[%add3A_1293, %broadcast_in_dim3A_1427] : memref<128x32xf32, #tpu.memory_space<vmem>>[vector<16xi32>, vector<16xi32>], vector<16xf32>,
      %mul3A_1430 = arith.mulf %gather3A_1428, %gather3A_1429 : vector<16xf32>
      %add3A_1431 = arith.addf %add3A_1425, %mul3A_1430 : vector<16xf32>
      %broadcast_in_dim3A_1432 = arith.constant 23 : i32
      %broadcast_in_dim3A_1433 = vector.broadcast %broadcast_in_dim3A_1432 : i32 to vector<16xi32>
      %gather3A_1434 = tpu.vector_load_idx %arg10[%add3A_1293, %broadcast_in_dim3A_1433] : memref<128x32xf32, #tpu.memory_space<vmem>>[vector<16xi32>, vector<16xi32>], vector<16xf32>,
      %gather3A_1435 = tpu.vector_load_idx %arg11[%add3A_1293, %broadcast_in_dim3A_1433] : memref<128x32xf32, #tpu.memory_space<vmem>>[vector<16xi32>, vector<16xi32>], vector<16xf32>,
      %mul3A_1436 = arith.mulf %gather3A_1434, %gather3A_1435 : vector<16xf32>
      %add3A_1437 = arith.addf %add3A_1431, %mul3A_1436 : vector<16xf32>
      %broadcast_in_dim3A_1438 = arith.constant 24 : i32
      %broadcast_in_dim3A_1439 = vector.broadcast %broadcast_in_dim3A_1438 : i32 to vector<16xi32>
      %gather3A_1440 = tpu.vector_load_idx %arg10[%add3A_1293, %broadcast_in_dim3A_1439] : memref<128x32xf32, #tpu.memory_space<vmem>>[vector<16xi32>, vector<16xi32>], vector<16xf32>,
      %gather3A_1441 = tpu.vector_load_idx %arg11[%add3A_1293, %broadcast_in_dim3A_1439] : memref<128x32xf32, #tpu.memory_space<vmem>>[vector<16xi32>, vector<16xi32>], vector<16xf32>,
      %mul3A_1442 = arith.mulf %gather3A_1440, %gather3A_1441 : vector<16xf32>
      %add3A_1443 = arith.addf %add3A_1437, %mul3A_1442 : vector<16xf32>
      %broadcast_in_dim3A_1444 = arith.constant 25 : i32
      %broadcast_in_dim3A_1445 = vector.broadcast %broadcast_in_dim3A_1444 : i32 to vector<16xi32>
      %gather3A_1446 = tpu.vector_load_idx %arg10[%add3A_1293, %broadcast_in_dim3A_1445] : memref<128x32xf32, #tpu.memory_space<vmem>>[vector<16xi32>, vector<16xi32>], vector<16xf32>,
      %gather3A_1447 = tpu.vector_load_idx %arg11[%add3A_1293, %broadcast_in_dim3A_1445] : memref<128x32xf32, #tpu.memory_space<vmem>>[vector<16xi32>, vector<16xi32>], vector<16xf32>,
      %mul3A_1448 = arith.mulf %gather3A_1446, %gather3A_1447 : vector<16xf32>
      %add3A_1449 = arith.addf %add3A_1443, %mul3A_1448 : vector<16xf32>
      %broadcast_in_dim3A_1450 = arith.constant 26 : i32
      %broadcast_in_dim3A_1451 = vector.broadcast %broadcast_in_dim3A_1450 : i32 to vector<16xi32>
      %gather3A_1452 = tpu.vector_load_idx %arg10[%add3A_1293, %broadcast_in_dim3A_1451] : memref<128x32xf32, #tpu.memory_space<vmem>>[vector<16xi32>, vector<16xi32>], vector<16xf32>,
      %gather3A_1453 = tpu.vector_load_idx %arg11[%add3A_1293, %broadcast_in_dim3A_1451] : memref<128x32xf32, #tpu.memory_space<vmem>>[vector<16xi32>, vector<16xi32>], vector<16xf32>,
      %mul3A_1454 = arith.mulf %gather3A_1452, %gather3A_1453 : vector<16xf32>
      %add3A_1455 = arith.addf %add3A_1449, %mul3A_1454 : vector<16xf32>
      %broadcast_in_dim3A_1456 = arith.constant 27 : i32
      %broadcast_in_dim3A_1457 = vector.broadcast %broadcast_in_dim3A_1456 : i32 to vector<16xi32>
      %gather3A_1458 = tpu.vector_load_idx %arg10[%add3A_1293, %broadcast_in_dim3A_1457] : memref<128x32xf32, #tpu.memory_space<vmem>>[vector<16xi32>, vector<16xi32>], vector<16xf32>,
      %gather3A_1459 = tpu.vector_load_idx %arg11[%add3A_1293, %broadcast_in_dim3A_1457] : memref<128x32xf32, #tpu.memory_space<vmem>>[vector<16xi32>, vector<16xi32>], vector<16xf32>,
      %mul3A_1460 = arith.mulf %gather3A_1458, %gather3A_1459 : vector<16xf32>
      %add3A_1461 = arith.addf %add3A_1455, %mul3A_1460 : vector<16xf32>
      %broadcast_in_dim3A_1462 = arith.constant 28 : i32
      %broadcast_in_dim3A_1463 = vector.broadcast %broadcast_in_dim3A_1462 : i32 to vector<16xi32>
      %gather3A_1464 = tpu.vector_load_idx %arg10[%add3A_1293, %broadcast_in_dim3A_1463] : memref<128x32xf32, #tpu.memory_space<vmem>>[vector<16xi32>, vector<16xi32>], vector<16xf32>,
      %gather3A_1465 = tpu.vector_load_idx %arg11[%add3A_1293, %broadcast_in_dim3A_1463] : memref<128x32xf32, #tpu.memory_space<vmem>>[vector<16xi32>, vector<16xi32>], vector<16xf32>,
      %mul3A_1466 = arith.mulf %gather3A_1464, %gather3A_1465 : vector<16xf32>
      %add3A_1467 = arith.addf %add3A_1461, %mul3A_1466 : vector<16xf32>
      %broadcast_in_dim3A_1468 = arith.constant 29 : i32
      %broadcast_in_dim3A_1469 = vector.broadcast %broadcast_in_dim3A_1468 : i32 to vector<16xi32>
      %gather3A_1470 = tpu.vector_load_idx %arg10[%add3A_1293, %broadcast_in_dim3A_1469] : memref<128x32xf32, #tpu.memory_space<vmem>>[vector<16xi32>, vector<16xi32>], vector<16xf32>,
      %gather3A_1471 = tpu.vector_load_idx %arg11[%add3A_1293, %broadcast_in_dim3A_1469] : memref<128x32xf32, #tpu.memory_space<vmem>>[vector<16xi32>, vector<16xi32>], vector<16xf32>,
      %mul3A_1472 = arith.mulf %gather3A_1470, %gather3A_1471 : vector<16xf32>
      %add3A_1473 = arith.addf %add3A_1467, %mul3A_1472 : vector<16xf32>
      %broadcast_in_dim3A_1474 = arith.constant 30 : i32
      %broadcast_in_dim3A_1475 = vector.broadcast %broadcast_in_dim3A_1474 : i32 to vector<16xi32>
      %gather3A_1476 = tpu.vector_load_idx %arg10[%add3A_1293, %broadcast_in_dim3A_1475] : memref<128x32xf32, #tpu.memory_space<vmem>>[vector<16xi32>, vector<16xi32>], vector<16xf32>,
      %gather3A_1477 = tpu.vector_load_idx %arg11[%add3A_1293, %broadcast_in_dim3A_1475] : memref<128x32xf32, #tpu.memory_space<vmem>>[vector<16xi32>, vector<16xi32>], vector<16xf32>,
      %mul3A_1478 = arith.mulf %gather3A_1476, %gather3A_1477 : vector<16xf32>
      %add3A_1479 = arith.addf %add3A_1473, %mul3A_1478 : vector<16xf32>
      %broadcast_in_dim3A_1480 = arith.constant 31 : i32
      %broadcast_in_dim3A_1481 = vector.broadcast %broadcast_in_dim3A_1480 : i32 to vector<16xi32>
      %gather3A_1482 = tpu.vector_load_idx %arg10[%add3A_1293, %broadcast_in_dim3A_1481] : memref<128x32xf32, #tpu.memory_space<vmem>>[vector<16xi32>, vector<16xi32>], vector<16xf32>,
      %gather3A_1483 = tpu.vector_load_idx %arg11[%add3A_1293, %broadcast_in_dim3A_1481] : memref<128x32xf32, #tpu.memory_space<vmem>>[vector<16xi32>, vector<16xi32>], vector<16xf32>,
      %mul3A_1484 = arith.mulf %gather3A_1482, %gather3A_1483 : vector<16xf32>
      %add3A_1485 = arith.addf %add3A_1479, %mul3A_1484 : vector<16xf32>
      %swap3A_1486 = arith.constant 0 : i32
      %swap3A_1487 = arith.index_cast %swap3A_1486 : i32 to index
      %swap3A_1488 = arith.index_cast %mul3A_1289 : i32 to index
      %swap3A_1489 = tpu.vector_load %arg14[%swap3A_1487, %swap3A_1488] {strides = array<i32>} : memref<4x128xf32, #tpu.memory_space<vmem>>, vector<16xf32>,
      tpu.vector_store %arg14[%swap3A_1487, %swap3A_1488], %add3A_1485 {strides = array<i32>} : memref<4x128xf32, #tpu.memory_space<vmem>>, vector<16xf32>,
      %scan3A_1490 = arith.constant 0 : i32
      scf.yield %scan3A_1490 : i32
    }
    %scan3A_1194 = arith.constant 8 : i32
    %dma_start3A_1195 = arith.constant 2 : i32
    %dma_start3A_1196 = arith.constant 0 : i32
    %dma_start3A_1197 = tpu.memref_slice %arg8[%dma_start3A_1195, %dma_start3A_1196] : memref<4x128xi32, #tpu.memory_space<vmem>> -> memref<1x128xi32, #tpu.memory_space<vmem>>
    %dma_start3A_1198 = tpu.memref_squeeze %dma_start3A_1197 : memref<1x128xi32, #tpu.memory_space<vmem>> -> memref<128xi32, #tpu.memory_space<vmem>>
    %dma_start3A_1199 = arith.constant 0 : i32
    %dma_start3A_1200 = arith.constant 0 : i32
    %dma_start3A_1201 = tpu.memref_slice %arg2[%dma_start3A_1199, %dma_start3A_1200] : memref<1048576x32xf32, #tpu.memory_space<hbm>> -> memref<1048576x32xf32, #tpu.memory_space<hbm>>
    tpu.enqueue_indirect_dma source(%dma_start3A_1201 : memref<1048576x32xf32, #tpu.memory_space<hbm>>) target(%arg10 : memref<128x32xf32, #tpu.memory_space<vmem>>) offsets(%dma_start3A_1198 : memref<128xi32, #tpu.memory_space<vmem>>) semaphore(%arg15 : memref<!tpu.dma_semaphore, #tpu.memory_space<semaphore_mem>>)
    %dma_start3A_1202 = arith.constant 2 : i32
    %dma_start3A_1203 = arith.constant 0 : i32
    %dma_start3A_1204 = tpu.memref_slice %arg9[%dma_start3A_1202, %dma_start3A_1203] : memref<4x128xi32, #tpu.memory_space<vmem>> -> memref<1x128xi32, #tpu.memory_space<vmem>>
    %dma_start3A_1205 = tpu.memref_squeeze %dma_start3A_1204 : memref<1x128xi32, #tpu.memory_space<vmem>> -> memref<128xi32, #tpu.memory_space<vmem>>
    %dma_start3A_1206 = arith.constant 0 : i32
    %dma_start3A_1207 = arith.constant 0 : i32
    %dma_start3A_1208 = tpu.memref_slice %arg2[%dma_start3A_1206, %dma_start3A_1207] : memref<1048576x32xf32, #tpu.memory_space<hbm>> -> memref<1048576x32xf32, #tpu.memory_space<hbm>>
    tpu.enqueue_indirect_dma source(%dma_start3A_1208 : memref<1048576x32xf32, #tpu.memory_space<hbm>>) target(%arg11 : memref<128x32xf32, #tpu.memory_space<vmem>>) offsets(%dma_start3A_1205 : memref<128xi32, #tpu.memory_space<vmem>>) semaphore(%arg15 : memref<!tpu.dma_semaphore, #tpu.memory_space<semaphore_mem>>)
    %dma_wait3A_1209 = arith.constant 1 : i32
    %dma_wait3A_1210 = arith.constant 0 : i32
    %dma_wait3A_1211 = tpu.memref_slice %arg8[%dma_wait3A_1209, %dma_wait3A_1210] : memref<4x128xi32, #tpu.memory_space<vmem>> -> memref<1x128xi32, #tpu.memory_space<vmem>>
    %dma_wait3A_1212 = tpu.memref_squeeze %dma_wait3A_1211 : memref<1x128xi32, #tpu.memory_space<vmem>> -> memref<128xi32, #tpu.memory_space<vmem>>
    %dma_wait3A_1213 = arith.constant 0 : i32
    %dma_wait3A_1214 = arith.constant 0 : i32
    %dma_wait3A_1215 = tpu.memref_slice %arg2[%dma_wait3A_1213, %dma_wait3A_1214] : memref<1048576x32xf32, #tpu.memory_space<hbm>> -> memref<1048576x32xf32, #tpu.memory_space<hbm>>
    tpu.wait_indirect_dma semaphore(%arg16 : memref<!tpu.dma_semaphore, #tpu.memory_space<semaphore_mem>>) src(%dma_wait3A_1215 : memref<1048576x32xf32, #tpu.memory_space<hbm>>) dst(%arg12 : memref<128x32xf32, #tpu.memory_space<vmem>>)
    %dma_wait3A_1216 = arith.constant 1 : i32
    %dma_wait3A_1217 = arith.constant 0 : i32
    %dma_wait3A_1218 = tpu.memref_slice %arg9[%dma_wait3A_1216, %dma_wait3A_1217] : memref<4x128xi32, #tpu.memory_space<vmem>> -> memref<1x128xi32, #tpu.memory_space<vmem>>
    %dma_wait3A_1219 = tpu.memref_squeeze %dma_wait3A_1218 : memref<1x128xi32, #tpu.memory_space<vmem>> -> memref<128xi32, #tpu.memory_space<vmem>>
    %dma_wait3A_1220 = arith.constant 0 : i32
    %dma_wait3A_1221 = arith.constant 0 : i32
    %dma_wait3A_1222 = tpu.memref_slice %arg2[%dma_wait3A_1220, %dma_wait3A_1221] : memref<1048576x32xf32, #tpu.memory_space<hbm>> -> memref<1048576x32xf32, #tpu.memory_space<hbm>>
    tpu.wait_indirect_dma semaphore(%arg16 : memref<!tpu.dma_semaphore, #tpu.memory_space<semaphore_mem>>) src(%dma_wait3A_1222 : memref<1048576x32xf32, #tpu.memory_space<hbm>>) dst(%arg13 : memref<128x32xf32, #tpu.memory_space<vmem>>)
    %scan3A_1223 = arith.constant 0 : i32
    %scan3A_1224 = arith.constant 0 : i32
    %scan3A_1225 = arith.constant 8 : i32
    %scan3A_1226 = arith.addi %scan3A_1224, %scan3A_1225 : i32
    %scan3A_1227 = arith.constant 1 : i32
    %scan3A_1228 = scf.for %scan3A_1286 = %scan3A_1224 to %scan3A_1226 step %scan3A_1227 iter_args(%scan3A_1287 = %scan3A_1223) -> (i32)  : i32 {
      %mul3A_1288 = arith.constant 16 : i32
      %mul3A_1289 = arith.muli %scan3A_1286, %mul3A_1288 : i32
      %mul3A_1290 = arith.constant 16 : i32
      %mul3A_1291 = arith.muli %scan3A_1286, %mul3A_1290 : i32
      %iota3A = tpu.iota {dimensions = array<i32: 0>} : vector<16xi32>
      %add3A_1292 = vector.broadcast %mul3A_1291 : i32 to vector<16xi32>
      %add3A_1293 = arith.addi %add3A_1292, %iota3A : vector<16xi32>
      %broadcast_in_dim3A = arith.constant 0.000000e+00 : f32
      %broadcast_in_dim3A_1294 = vector.broadcast %broadcast_in_dim3A : f32 to vector<16xf32>
      %broadcast_in_dim3A_1295 = arith.constant 0 : i32
      %broadcast_in_dim3A_1296 = vector.broadcast %broadcast_in_dim3A_1295 : i32 to vector<16xi32>
      %gather3A = tpu.vector_load_idx %arg12[%add3A_1293, %broadcast_in_dim3A_1296] : memref<128x32xf32, #tpu.memory_space<vmem>>[vector<16xi32>, vector<16xi32>], vector<16xf32>,
      %gather3A_1297 = tpu.vector_load_idx %arg13[%add3A_1293, %broadcast_in_dim3A_1296] : memref<128x32xf32, #tpu.memory_space<vmem>>[vector<16xi32>, vector<16xi32>], vector<16xf32>,
      %mul3A_1298 = arith.mulf %gather3A, %gather3A_1297 : vector<16xf32>
      %add3A_1299 = arith.addf %broadcast_in_dim3A_1294, %mul3A_1298 : vector<16xf32>
      %broadcast_in_dim3A_1300 = arith.constant 1 : i32
      %broadcast_in_dim3A_1301 = vector.broadcast %broadcast_in_dim3A_1300 : i32 to vector<16xi32>
      %gather3A_1302 = tpu.vector_load_idx %arg12[%add3A_1293, %broadcast_in_dim3A_1301] : memref<128x32xf32, #tpu.memory_space<vmem>>[vector<16xi32>, vector<16xi32>], vector<16xf32>,
      %gather3A_1303 = tpu.vector_load_idx %arg13[%add3A_1293, %broadcast_in_dim3A_1301] : memref<128x32xf32, #tpu.memory_space<vmem>>[vector<16xi32>, vector<16xi32>], vector<16xf32>,
      %mul3A_1304 = arith.mulf %gather3A_1302, %gather3A_1303 : vector<16xf32>
      %add3A_1305 = arith.addf %add3A_1299, %mul3A_1304 : vector<16xf32>
      %broadcast_in_dim3A_1306 = arith.constant 2 : i32
      %broadcast_in_dim3A_1307 = vector.broadcast %broadcast_in_dim3A_1306 : i32 to vector<16xi32>
      %gather3A_1308 = tpu.vector_load_idx %arg12[%add3A_1293, %broadcast_in_dim3A_1307] : memref<128x32xf32, #tpu.memory_space<vmem>>[vector<16xi32>, vector<16xi32>], vector<16xf32>,
      %gather3A_1309 = tpu.vector_load_idx %arg13[%add3A_1293, %broadcast_in_dim3A_1307] : memref<128x32xf32, #tpu.memory_space<vmem>>[vector<16xi32>, vector<16xi32>], vector<16xf32>,
      %mul3A_1310 = arith.mulf %gather3A_1308, %gather3A_1309 : vector<16xf32>
      %add3A_1311 = arith.addf %add3A_1305, %mul3A_1310 : vector<16xf32>
      %broadcast_in_dim3A_1312 = arith.constant 3 : i32
      %broadcast_in_dim3A_1313 = vector.broadcast %broadcast_in_dim3A_1312 : i32 to vector<16xi32>
      %gather3A_1314 = tpu.vector_load_idx %arg12[%add3A_1293, %broadcast_in_dim3A_1313] : memref<128x32xf32, #tpu.memory_space<vmem>>[vector<16xi32>, vector<16xi32>], vector<16xf32>,
      %gather3A_1315 = tpu.vector_load_idx %arg13[%add3A_1293, %broadcast_in_dim3A_1313] : memref<128x32xf32, #tpu.memory_space<vmem>>[vector<16xi32>, vector<16xi32>], vector<16xf32>,
      %mul3A_1316 = arith.mulf %gather3A_1314, %gather3A_1315 : vector<16xf32>
      %add3A_1317 = arith.addf %add3A_1311, %mul3A_1316 : vector<16xf32>
      %broadcast_in_dim3A_1318 = arith.constant 4 : i32
      %broadcast_in_dim3A_1319 = vector.broadcast %broadcast_in_dim3A_1318 : i32 to vector<16xi32>
      %gather3A_1320 = tpu.vector_load_idx %arg12[%add3A_1293, %broadcast_in_dim3A_1319] : memref<128x32xf32, #tpu.memory_space<vmem>>[vector<16xi32>, vector<16xi32>], vector<16xf32>,
      %gather3A_1321 = tpu.vector_load_idx %arg13[%add3A_1293, %broadcast_in_dim3A_1319] : memref<128x32xf32, #tpu.memory_space<vmem>>[vector<16xi32>, vector<16xi32>], vector<16xf32>,
      %mul3A_1322 = arith.mulf %gather3A_1320, %gather3A_1321 : vector<16xf32>
      %add3A_1323 = arith.addf %add3A_1317, %mul3A_1322 : vector<16xf32>
      %broadcast_in_dim3A_1324 = arith.constant 5 : i32
      %broadcast_in_dim3A_1325 = vector.broadcast %broadcast_in_dim3A_1324 : i32 to vector<16xi32>
      %gather3A_1326 = tpu.vector_load_idx %arg12[%add3A_1293, %broadcast_in_dim3A_1325] : memref<128x32xf32, #tpu.memory_space<vmem>>[vector<16xi32>, vector<16xi32>], vector<16xf32>,
      %gather3A_1327 = tpu.vector_load_idx %arg13[%add3A_1293, %broadcast_in_dim3A_1325] : memref<128x32xf32, #tpu.memory_space<vmem>>[vector<16xi32>, vector<16xi32>], vector<16xf32>,
      %mul3A_1328 = arith.mulf %gather3A_1326, %gather3A_1327 : vector<16xf32>
      %add3A_1329 = arith.addf %add3A_1323, %mul3A_1328 : vector<16xf32>
      %broadcast_in_dim3A_1330 = arith.constant 6 : i32
      %broadcast_in_dim3A_1331 = vector.broadcast %broadcast_in_dim3A_1330 : i32 to vector<16xi32>
      %gather3A_1332 = tpu.vector_load_idx %arg12[%add3A_1293, %broadcast_in_dim3A_1331] : memref<128x32xf32, #tpu.memory_space<vmem>>[vector<16xi32>, vector<16xi32>], vector<16xf32>,
      %gather3A_1333 = tpu.vector_load_idx %arg13[%add3A_1293, %broadcast_in_dim3A_1331] : memref<128x32xf32, #tpu.memory_space<vmem>>[vector<16xi32>, vector<16xi32>], vector<16xf32>,
      %mul3A_1334 = arith.mulf %gather3A_1332, %gather3A_1333 : vector<16xf32>
      %add3A_1335 = arith.addf %add3A_1329, %mul3A_1334 : vector<16xf32>
      %broadcast_in_dim3A_1336 = arith.constant 7 : i32
      %broadcast_in_dim3A_1337 = vector.broadcast %broadcast_in_dim3A_1336 : i32 to vector<16xi32>
      %gather3A_1338 = tpu.vector_load_idx %arg12[%add3A_1293, %broadcast_in_dim3A_1337] : memref<128x32xf32, #tpu.memory_space<vmem>>[vector<16xi32>, vector<16xi32>], vector<16xf32>,
      %gather3A_1339 = tpu.vector_load_idx %arg13[%add3A_1293, %broadcast_in_dim3A_1337] : memref<128x32xf32, #tpu.memory_space<vmem>>[vector<16xi32>, vector<16xi32>], vector<16xf32>,
      %mul3A_1340 = arith.mulf %gather3A_1338, %gather3A_1339 : vector<16xf32>
      %add3A_1341 = arith.addf %add3A_1335, %mul3A_1340 : vector<16xf32>
      %broadcast_in_dim3A_1342 = arith.constant 8 : i32
      %broadcast_in_dim3A_1343 = vector.broadcast %broadcast_in_dim3A_1342 : i32 to vector<16xi32>
      %gather3A_1344 = tpu.vector_load_idx %arg12[%add3A_1293, %broadcast_in_dim3A_1343] : memref<128x32xf32, #tpu.memory_space<vmem>>[vector<16xi32>, vector<16xi32>], vector<16xf32>,
      %gather3A_1345 = tpu.vector_load_idx %arg13[%add3A_1293, %broadcast_in_dim3A_1343] : memref<128x32xf32, #tpu.memory_space<vmem>>[vector<16xi32>, vector<16xi32>], vector<16xf32>,
      %mul3A_1346 = arith.mulf %gather3A_1344, %gather3A_1345 : vector<16xf32>
      %add3A_1347 = arith.addf %add3A_1341, %mul3A_1346 : vector<16xf32>
      %broadcast_in_dim3A_1348 = arith.constant 9 : i32
      %broadcast_in_dim3A_1349 = vector.broadcast %broadcast_in_dim3A_1348 : i32 to vector<16xi32>
      %gather3A_1350 = tpu.vector_load_idx %arg12[%add3A_1293, %broadcast_in_dim3A_1349] : memref<128x32xf32, #tpu.memory_space<vmem>>[vector<16xi32>, vector<16xi32>], vector<16xf32>,
      %gather3A_1351 = tpu.vector_load_idx %arg13[%add3A_1293, %broadcast_in_dim3A_1349] : memref<128x32xf32, #tpu.memory_space<vmem>>[vector<16xi32>, vector<16xi32>], vector<16xf32>,
      %mul3A_1352 = arith.mulf %gather3A_1350, %gather3A_1351 : vector<16xf32>
      %add3A_1353 = arith.addf %add3A_1347, %mul3A_1352 : vector<16xf32>
      %broadcast_in_dim3A_1354 = arith.constant 10 : i32
      %broadcast_in_dim3A_1355 = vector.broadcast %broadcast_in_dim3A_1354 : i32 to vector<16xi32>
      %gather3A_1356 = tpu.vector_load_idx %arg12[%add3A_1293, %broadcast_in_dim3A_1355] : memref<128x32xf32, #tpu.memory_space<vmem>>[vector<16xi32>, vector<16xi32>], vector<16xf32>,
      %gather3A_1357 = tpu.vector_load_idx %arg13[%add3A_1293, %broadcast_in_dim3A_1355] : memref<128x32xf32, #tpu.memory_space<vmem>>[vector<16xi32>, vector<16xi32>], vector<16xf32>,
      %mul3A_1358 = arith.mulf %gather3A_1356, %gather3A_1357 : vector<16xf32>
      %add3A_1359 = arith.addf %add3A_1353, %mul3A_1358 : vector<16xf32>
      %broadcast_in_dim3A_1360 = arith.constant 11 : i32
      %broadcast_in_dim3A_1361 = vector.broadcast %broadcast_in_dim3A_1360 : i32 to vector<16xi32>
      %gather3A_1362 = tpu.vector_load_idx %arg12[%add3A_1293, %broadcast_in_dim3A_1361] : memref<128x32xf32, #tpu.memory_space<vmem>>[vector<16xi32>, vector<16xi32>], vector<16xf32>,
      %gather3A_1363 = tpu.vector_load_idx %arg13[%add3A_1293, %broadcast_in_dim3A_1361] : memref<128x32xf32, #tpu.memory_space<vmem>>[vector<16xi32>, vector<16xi32>], vector<16xf32>,
      %mul3A_1364 = arith.mulf %gather3A_1362, %gather3A_1363 : vector<16xf32>
      %add3A_1365 = arith.addf %add3A_1359, %mul3A_1364 : vector<16xf32>
      %broadcast_in_dim3A_1366 = arith.constant 12 : i32
      %broadcast_in_dim3A_1367 = vector.broadcast %broadcast_in_dim3A_1366 : i32 to vector<16xi32>
      %gather3A_1368 = tpu.vector_load_idx %arg12[%add3A_1293, %broadcast_in_dim3A_1367] : memref<128x32xf32, #tpu.memory_space<vmem>>[vector<16xi32>, vector<16xi32>], vector<16xf32>,
      %gather3A_1369 = tpu.vector_load_idx %arg13[%add3A_1293, %broadcast_in_dim3A_1367] : memref<128x32xf32, #tpu.memory_space<vmem>>[vector<16xi32>, vector<16xi32>], vector<16xf32>,
      %mul3A_1370 = arith.mulf %gather3A_1368, %gather3A_1369 : vector<16xf32>
      %add3A_1371 = arith.addf %add3A_1365, %mul3A_1370 : vector<16xf32>
      %broadcast_in_dim3A_1372 = arith.constant 13 : i32
      %broadcast_in_dim3A_1373 = vector.broadcast %broadcast_in_dim3A_1372 : i32 to vector<16xi32>
      %gather3A_1374 = tpu.vector_load_idx %arg12[%add3A_1293, %broadcast_in_dim3A_1373] : memref<128x32xf32, #tpu.memory_space<vmem>>[vector<16xi32>, vector<16xi32>], vector<16xf32>,
      %gather3A_1375 = tpu.vector_load_idx %arg13[%add3A_1293, %broadcast_in_dim3A_1373] : memref<128x32xf32, #tpu.memory_space<vmem>>[vector<16xi32>, vector<16xi32>], vector<16xf32>,
      %mul3A_1376 = arith.mulf %gather3A_1374, %gather3A_1375 : vector<16xf32>
      %add3A_1377 = arith.addf %add3A_1371, %mul3A_1376 : vector<16xf32>
      %broadcast_in_dim3A_1378 = arith.constant 14 : i32
      %broadcast_in_dim3A_1379 = vector.broadcast %broadcast_in_dim3A_1378 : i32 to vector<16xi32>
      %gather3A_1380 = tpu.vector_load_idx %arg12[%add3A_1293, %broadcast_in_dim3A_1379] : memref<128x32xf32, #tpu.memory_space<vmem>>[vector<16xi32>, vector<16xi32>], vector<16xf32>,
      %gather3A_1381 = tpu.vector_load_idx %arg13[%add3A_1293, %broadcast_in_dim3A_1379] : memref<128x32xf32, #tpu.memory_space<vmem>>[vector<16xi32>, vector<16xi32>], vector<16xf32>,
      %mul3A_1382 = arith.mulf %gather3A_1380, %gather3A_1381 : vector<16xf32>
      %add3A_1383 = arith.addf %add3A_1377, %mul3A_1382 : vector<16xf32>
      %broadcast_in_dim3A_1384 = arith.constant 15 : i32
      %broadcast_in_dim3A_1385 = vector.broadcast %broadcast_in_dim3A_1384 : i32 to vector<16xi32>
      %gather3A_1386 = tpu.vector_load_idx %arg12[%add3A_1293, %broadcast_in_dim3A_1385] : memref<128x32xf32, #tpu.memory_space<vmem>>[vector<16xi32>, vector<16xi32>], vector<16xf32>,
      %gather3A_1387 = tpu.vector_load_idx %arg13[%add3A_1293, %broadcast_in_dim3A_1385] : memref<128x32xf32, #tpu.memory_space<vmem>>[vector<16xi32>, vector<16xi32>], vector<16xf32>,
      %mul3A_1388 = arith.mulf %gather3A_1386, %gather3A_1387 : vector<16xf32>
      %add3A_1389 = arith.addf %add3A_1383, %mul3A_1388 : vector<16xf32>
      %broadcast_in_dim3A_1390 = arith.constant 16 : i32
      %broadcast_in_dim3A_1391 = vector.broadcast %broadcast_in_dim3A_1390 : i32 to vector<16xi32>
      %gather3A_1392 = tpu.vector_load_idx %arg12[%add3A_1293, %broadcast_in_dim3A_1391] : memref<128x32xf32, #tpu.memory_space<vmem>>[vector<16xi32>, vector<16xi32>], vector<16xf32>,
      %gather3A_1393 = tpu.vector_load_idx %arg13[%add3A_1293, %broadcast_in_dim3A_1391] : memref<128x32xf32, #tpu.memory_space<vmem>>[vector<16xi32>, vector<16xi32>], vector<16xf32>,
      %mul3A_1394 = arith.mulf %gather3A_1392, %gather3A_1393 : vector<16xf32>
      %add3A_1395 = arith.addf %add3A_1389, %mul3A_1394 : vector<16xf32>
      %broadcast_in_dim3A_1396 = arith.constant 17 : i32
      %broadcast_in_dim3A_1397 = vector.broadcast %broadcast_in_dim3A_1396 : i32 to vector<16xi32>
      %gather3A_1398 = tpu.vector_load_idx %arg12[%add3A_1293, %broadcast_in_dim3A_1397] : memref<128x32xf32, #tpu.memory_space<vmem>>[vector<16xi32>, vector<16xi32>], vector<16xf32>,
      %gather3A_1399 = tpu.vector_load_idx %arg13[%add3A_1293, %broadcast_in_dim3A_1397] : memref<128x32xf32, #tpu.memory_space<vmem>>[vector<16xi32>, vector<16xi32>], vector<16xf32>,
      %mul3A_1400 = arith.mulf %gather3A_1398, %gather3A_1399 : vector<16xf32>
      %add3A_1401 = arith.addf %add3A_1395, %mul3A_1400 : vector<16xf32>
      %broadcast_in_dim3A_1402 = arith.constant 18 : i32
      %broadcast_in_dim3A_1403 = vector.broadcast %broadcast_in_dim3A_1402 : i32 to vector<16xi32>
      %gather3A_1404 = tpu.vector_load_idx %arg12[%add3A_1293, %broadcast_in_dim3A_1403] : memref<128x32xf32, #tpu.memory_space<vmem>>[vector<16xi32>, vector<16xi32>], vector<16xf32>,
      %gather3A_1405 = tpu.vector_load_idx %arg13[%add3A_1293, %broadcast_in_dim3A_1403] : memref<128x32xf32, #tpu.memory_space<vmem>>[vector<16xi32>, vector<16xi32>], vector<16xf32>,
      %mul3A_1406 = arith.mulf %gather3A_1404, %gather3A_1405 : vector<16xf32>
      %add3A_1407 = arith.addf %add3A_1401, %mul3A_1406 : vector<16xf32>
      %broadcast_in_dim3A_1408 = arith.constant 19 : i32
      %broadcast_in_dim3A_1409 = vector.broadcast %broadcast_in_dim3A_1408 : i32 to vector<16xi32>
      %gather3A_1410 = tpu.vector_load_idx %arg12[%add3A_1293, %broadcast_in_dim3A_1409] : memref<128x32xf32, #tpu.memory_space<vmem>>[vector<16xi32>, vector<16xi32>], vector<16xf32>,
      %gather3A_1411 = tpu.vector_load_idx %arg13[%add3A_1293, %broadcast_in_dim3A_1409] : memref<128x32xf32, #tpu.memory_space<vmem>>[vector<16xi32>, vector<16xi32>], vector<16xf32>,
      %mul3A_1412 = arith.mulf %gather3A_1410, %gather3A_1411 : vector<16xf32>
      %add3A_1413 = arith.addf %add3A_1407, %mul3A_1412 : vector<16xf32>
      %broadcast_in_dim3A_1414 = arith.constant 20 : i32
      %broadcast_in_dim3A_1415 = vector.broadcast %broadcast_in_dim3A_1414 : i32 to vector<16xi32>
      %gather3A_1416 = tpu.vector_load_idx %arg12[%add3A_1293, %broadcast_in_dim3A_1415] : memref<128x32xf32, #tpu.memory_space<vmem>>[vector<16xi32>, vector<16xi32>], vector<16xf32>,
      %gather3A_1417 = tpu.vector_load_idx %arg13[%add3A_1293, %broadcast_in_dim3A_1415] : memref<128x32xf32, #tpu.memory_space<vmem>>[vector<16xi32>, vector<16xi32>], vector<16xf32>,
      %mul3A_1418 = arith.mulf %gather3A_1416, %gather3A_1417 : vector<16xf32>
      %add3A_1419 = arith.addf %add3A_1413, %mul3A_1418 : vector<16xf32>
      %broadcast_in_dim3A_1420 = arith.constant 21 : i32
      %broadcast_in_dim3A_1421 = vector.broadcast %broadcast_in_dim3A_1420 : i32 to vector<16xi32>
      %gather3A_1422 = tpu.vector_load_idx %arg12[%add3A_1293, %broadcast_in_dim3A_1421] : memref<128x32xf32, #tpu.memory_space<vmem>>[vector<16xi32>, vector<16xi32>], vector<16xf32>,
      %gather3A_1423 = tpu.vector_load_idx %arg13[%add3A_1293, %broadcast_in_dim3A_1421] : memref<128x32xf32, #tpu.memory_space<vmem>>[vector<16xi32>, vector<16xi32>], vector<16xf32>,
      %mul3A_1424 = arith.mulf %gather3A_1422, %gather3A_1423 : vector<16xf32>
      %add3A_1425 = arith.addf %add3A_1419, %mul3A_1424 : vector<16xf32>
      %broadcast_in_dim3A_1426 = arith.constant 22 : i32
      %broadcast_in_dim3A_1427 = vector.broadcast %broadcast_in_dim3A_1426 : i32 to vector<16xi32>
      %gather3A_1428 = tpu.vector_load_idx %arg12[%add3A_1293, %broadcast_in_dim3A_1427] : memref<128x32xf32, #tpu.memory_space<vmem>>[vector<16xi32>, vector<16xi32>], vector<16xf32>,
      %gather3A_1429 = tpu.vector_load_idx %arg13[%add3A_1293, %broadcast_in_dim3A_1427] : memref<128x32xf32, #tpu.memory_space<vmem>>[vector<16xi32>, vector<16xi32>], vector<16xf32>,
      %mul3A_1430 = arith.mulf %gather3A_1428, %gather3A_1429 : vector<16xf32>
      %add3A_1431 = arith.addf %add3A_1425, %mul3A_1430 : vector<16xf32>
      %broadcast_in_dim3A_1432 = arith.constant 23 : i32
      %broadcast_in_dim3A_1433 = vector.broadcast %broadcast_in_dim3A_1432 : i32 to vector<16xi32>
      %gather3A_1434 = tpu.vector_load_idx %arg12[%add3A_1293, %broadcast_in_dim3A_1433] : memref<128x32xf32, #tpu.memory_space<vmem>>[vector<16xi32>, vector<16xi32>], vector<16xf32>,
      %gather3A_1435 = tpu.vector_load_idx %arg13[%add3A_1293, %broadcast_in_dim3A_1433] : memref<128x32xf32, #tpu.memory_space<vmem>>[vector<16xi32>, vector<16xi32>], vector<16xf32>,
      %mul3A_1436 = arith.mulf %gather3A_1434, %gather3A_1435 : vector<16xf32>
      %add3A_1437 = arith.addf %add3A_1431, %mul3A_1436 : vector<16xf32>
      %broadcast_in_dim3A_1438 = arith.constant 24 : i32
      %broadcast_in_dim3A_1439 = vector.broadcast %broadcast_in_dim3A_1438 : i32 to vector<16xi32>
      %gather3A_1440 = tpu.vector_load_idx %arg12[%add3A_1293, %broadcast_in_dim3A_1439] : memref<128x32xf32, #tpu.memory_space<vmem>>[vector<16xi32>, vector<16xi32>], vector<16xf32>,
      %gather3A_1441 = tpu.vector_load_idx %arg13[%add3A_1293, %broadcast_in_dim3A_1439] : memref<128x32xf32, #tpu.memory_space<vmem>>[vector<16xi32>, vector<16xi32>], vector<16xf32>,
      %mul3A_1442 = arith.mulf %gather3A_1440, %gather3A_1441 : vector<16xf32>
      %add3A_1443 = arith.addf %add3A_1437, %mul3A_1442 : vector<16xf32>
      %broadcast_in_dim3A_1444 = arith.constant 25 : i32
      %broadcast_in_dim3A_1445 = vector.broadcast %broadcast_in_dim3A_1444 : i32 to vector<16xi32>
      %gather3A_1446 = tpu.vector_load_idx %arg12[%add3A_1293, %broadcast_in_dim3A_1445] : memref<128x32xf32, #tpu.memory_space<vmem>>[vector<16xi32>, vector<16xi32>], vector<16xf32>,
      %gather3A_1447 = tpu.vector_load_idx %arg13[%add3A_1293, %broadcast_in_dim3A_1445] : memref<128x32xf32, #tpu.memory_space<vmem>>[vector<16xi32>, vector<16xi32>], vector<16xf32>,
      %mul3A_1448 = arith.mulf %gather3A_1446, %gather3A_1447 : vector<16xf32>
      %add3A_1449 = arith.addf %add3A_1443, %mul3A_1448 : vector<16xf32>
      %broadcast_in_dim3A_1450 = arith.constant 26 : i32
      %broadcast_in_dim3A_1451 = vector.broadcast %broadcast_in_dim3A_1450 : i32 to vector<16xi32>
      %gather3A_1452 = tpu.vector_load_idx %arg12[%add3A_1293, %broadcast_in_dim3A_1451] : memref<128x32xf32, #tpu.memory_space<vmem>>[vector<16xi32>, vector<16xi32>], vector<16xf32>,
      %gather3A_1453 = tpu.vector_load_idx %arg13[%add3A_1293, %broadcast_in_dim3A_1451] : memref<128x32xf32, #tpu.memory_space<vmem>>[vector<16xi32>, vector<16xi32>], vector<16xf32>,
      %mul3A_1454 = arith.mulf %gather3A_1452, %gather3A_1453 : vector<16xf32>
      %add3A_1455 = arith.addf %add3A_1449, %mul3A_1454 : vector<16xf32>
      %broadcast_in_dim3A_1456 = arith.constant 27 : i32
      %broadcast_in_dim3A_1457 = vector.broadcast %broadcast_in_dim3A_1456 : i32 to vector<16xi32>
      %gather3A_1458 = tpu.vector_load_idx %arg12[%add3A_1293, %broadcast_in_dim3A_1457] : memref<128x32xf32, #tpu.memory_space<vmem>>[vector<16xi32>, vector<16xi32>], vector<16xf32>,
      %gather3A_1459 = tpu.vector_load_idx %arg13[%add3A_1293, %broadcast_in_dim3A_1457] : memref<128x32xf32, #tpu.memory_space<vmem>>[vector<16xi32>, vector<16xi32>], vector<16xf32>,
      %mul3A_1460 = arith.mulf %gather3A_1458, %gather3A_1459 : vector<16xf32>
      %add3A_1461 = arith.addf %add3A_1455, %mul3A_1460 : vector<16xf32>
      %broadcast_in_dim3A_1462 = arith.constant 28 : i32
      %broadcast_in_dim3A_1463 = vector.broadcast %broadcast_in_dim3A_1462 : i32 to vector<16xi32>
      %gather3A_1464 = tpu.vector_load_idx %arg12[%add3A_1293, %broadcast_in_dim3A_1463] : memref<128x32xf32, #tpu.memory_space<vmem>>[vector<16xi32>, vector<16xi32>], vector<16xf32>,
      %gather3A_1465 = tpu.vector_load_idx %arg13[%add3A_1293, %broadcast_in_dim3A_1463] : memref<128x32xf32, #tpu.memory_space<vmem>>[vector<16xi32>, vector<16xi32>], vector<16xf32>,
      %mul3A_1466 = arith.mulf %gather3A_1464, %gather3A_1465 : vector<16xf32>
      %add3A_1467 = arith.addf %add3A_1461, %mul3A_1466 : vector<16xf32>
      %broadcast_in_dim3A_1468 = arith.constant 29 : i32
      %broadcast_in_dim3A_1469 = vector.broadcast %broadcast_in_dim3A_1468 : i32 to vector<16xi32>
      %gather3A_1470 = tpu.vector_load_idx %arg12[%add3A_1293, %broadcast_in_dim3A_1469] : memref<128x32xf32, #tpu.memory_space<vmem>>[vector<16xi32>, vector<16xi32>], vector<16xf32>,
      %gather3A_1471 = tpu.vector_load_idx %arg13[%add3A_1293, %broadcast_in_dim3A_1469] : memref<128x32xf32, #tpu.memory_space<vmem>>[vector<16xi32>, vector<16xi32>], vector<16xf32>,
      %mul3A_1472 = arith.mulf %gather3A_1470, %gather3A_1471 : vector<16xf32>
      %add3A_1473 = arith.addf %add3A_1467, %mul3A_1472 : vector<16xf32>
      %broadcast_in_dim3A_1474 = arith.constant 30 : i32
      %broadcast_in_dim3A_1475 = vector.broadcast %broadcast_in_dim3A_1474 : i32 to vector<16xi32>
      %gather3A_1476 = tpu.vector_load_idx %arg12[%add3A_1293, %broadcast_in_dim3A_1475] : memref<128x32xf32, #tpu.memory_space<vmem>>[vector<16xi32>, vector<16xi32>], vector<16xf32>,
      %gather3A_1477 = tpu.vector_load_idx %arg13[%add3A_1293, %broadcast_in_dim3A_1475] : memref<128x32xf32, #tpu.memory_space<vmem>>[vector<16xi32>, vector<16xi32>], vector<16xf32>,
      %mul3A_1478 = arith.mulf %gather3A_1476, %gather3A_1477 : vector<16xf32>
      %add3A_1479 = arith.addf %add3A_1473, %mul3A_1478 : vector<16xf32>
      %broadcast_in_dim3A_1480 = arith.constant 31 : i32
      %broadcast_in_dim3A_1481 = vector.broadcast %broadcast_in_dim3A_1480 : i32 to vector<16xi32>
      %gather3A_1482 = tpu.vector_load_idx %arg12[%add3A_1293, %broadcast_in_dim3A_1481] : memref<128x32xf32, #tpu.memory_space<vmem>>[vector<16xi32>, vector<16xi32>], vector<16xf32>,
      %gather3A_1483 = tpu.vector_load_idx %arg13[%add3A_1293, %broadcast_in_dim3A_1481] : memref<128x32xf32, #tpu.memory_space<vmem>>[vector<16xi32>, vector<16xi32>], vector<16xf32>,
      %mul3A_1484 = arith.mulf %gather3A_1482, %gather3A_1483 : vector<16xf32>
      %add3A_1485 = arith.addf %add3A_1479, %mul3A_1484 : vector<16xf32>
      %swap3A_1486 = arith.constant 1 : i32
      %swap3A_1487 = arith.index_cast %swap3A_1486 : i32 to index
      %swap3A_1488 = arith.index_cast %mul3A_1289 : i32 to index
      %swap3A_1489 = tpu.vector_load %arg14[%swap3A_1487, %swap3A_1488] {strides = array<i32>} : memref<4x128xf32, #tpu.memory_space<vmem>>, vector<16xf32>,
      tpu.vector_store %arg14[%swap3A_1487, %swap3A_1488], %add3A_1485 {strides = array<i32>} : memref<4x128xf32, #tpu.memory_space<vmem>>, vector<16xf32>,
      %scan3A_1490 = arith.constant 0 : i32
      scf.yield %scan3A_1490 : i32
    }
    %scan3A_1229 = arith.constant 8 : i32
    %dma_start3A_1230 = arith.constant 3 : i32
    %dma_start3A_1231 = arith.constant 0 : i32
    %dma_start3A_1232 = tpu.memref_slice %arg8[%dma_start3A_1230, %dma_start3A_1231] : memref<4x128xi32, #tpu.memory_space<vmem>> -> memref<1x128xi32, #tpu.memory_space<vmem>>
    %dma_start3A_1233 = tpu.memref_squeeze %dma_start3A_1232 : memref<1x128xi32, #tpu.memory_space<vmem>> -> memref<128xi32, #tpu.memory_space<vmem>>
    %dma_start3A_1234 = arith.constant 0 : i32
    %dma_start3A_1235 = arith.constant 0 : i32
    %dma_start3A_1236 = tpu.memref_slice %arg2[%dma_start3A_1234, %dma_start3A_1235] : memref<1048576x32xf32, #tpu.memory_space<hbm>> -> memref<1048576x32xf32, #tpu.memory_space<hbm>>
    tpu.enqueue_indirect_dma source(%dma_start3A_1236 : memref<1048576x32xf32, #tpu.memory_space<hbm>>) target(%arg12 : memref<128x32xf32, #tpu.memory_space<vmem>>) offsets(%dma_start3A_1233 : memref<128xi32, #tpu.memory_space<vmem>>) semaphore(%arg16 : memref<!tpu.dma_semaphore, #tpu.memory_space<semaphore_mem>>)
    %dma_start3A_1237 = arith.constant 3 : i32
    %dma_start3A_1238 = arith.constant 0 : i32
    %dma_start3A_1239 = tpu.memref_slice %arg9[%dma_start3A_1237, %dma_start3A_1238] : memref<4x128xi32, #tpu.memory_space<vmem>> -> memref<1x128xi32, #tpu.memory_space<vmem>>
    %dma_start3A_1240 = tpu.memref_squeeze %dma_start3A_1239 : memref<1x128xi32, #tpu.memory_space<vmem>> -> memref<128xi32, #tpu.memory_space<vmem>>
    %dma_start3A_1241 = arith.constant 0 : i32
    %dma_start3A_1242 = arith.constant 0 : i32
    %dma_start3A_1243 = tpu.memref_slice %arg2[%dma_start3A_1241, %dma_start3A_1242] : memref<1048576x32xf32, #tpu.memory_space<hbm>> -> memref<1048576x32xf32, #tpu.memory_space<hbm>>
    tpu.enqueue_indirect_dma source(%dma_start3A_1243 : memref<1048576x32xf32, #tpu.memory_space<hbm>>) target(%arg13 : memref<128x32xf32, #tpu.memory_space<vmem>>) offsets(%dma_start3A_1240 : memref<128xi32, #tpu.memory_space<vmem>>) semaphore(%arg16 : memref<!tpu.dma_semaphore, #tpu.memory_space<semaphore_mem>>)
    %dma_wait3A_1244 = arith.constant 2 : i32
    %dma_wait3A_1245 = arith.constant 0 : i32
    %dma_wait3A_1246 = tpu.memref_slice %arg8[%dma_wait3A_1244, %dma_wait3A_1245] : memref<4x128xi32, #tpu.memory_space<vmem>> -> memref<1x128xi32, #tpu.memory_space<vmem>>
    %dma_wait3A_1247 = tpu.memref_squeeze %dma_wait3A_1246 : memref<1x128xi32, #tpu.memory_space<vmem>> -> memref<128xi32, #tpu.memory_space<vmem>>
    %dma_wait3A_1248 = arith.constant 0 : i32
    %dma_wait3A_1249 = arith.constant 0 : i32
    %dma_wait3A_1250 = tpu.memref_slice %arg2[%dma_wait3A_1248, %dma_wait3A_1249] : memref<1048576x32xf32, #tpu.memory_space<hbm>> -> memref<1048576x32xf32, #tpu.memory_space<hbm>>
    tpu.wait_indirect_dma semaphore(%arg15 : memref<!tpu.dma_semaphore, #tpu.memory_space<semaphore_mem>>) src(%dma_wait3A_1250 : memref<1048576x32xf32, #tpu.memory_space<hbm>>) dst(%arg10 : memref<128x32xf32, #tpu.memory_space<vmem>>)
    %dma_wait3A_1251 = arith.constant 2 : i32
    %dma_wait3A_1252 = arith.constant 0 : i32
    %dma_wait3A_1253 = tpu.memref_slice %arg9[%dma_wait3A_1251, %dma_wait3A_1252] : memref<4x128xi32, #tpu.memory_space<vmem>> -> memref<1x128xi32, #tpu.memory_space<vmem>>
    %dma_wait3A_1254 = tpu.memref_squeeze %dma_wait3A_1253 : memref<1x128xi32, #tpu.memory_space<vmem>> -> memref<128xi32, #tpu.memory_space<vmem>>
    %dma_wait3A_1255 = arith.constant 0 : i32
    %dma_wait3A_1256 = arith.constant 0 : i32
    %dma_wait3A_1257 = tpu.memref_slice %arg2[%dma_wait3A_1255, %dma_wait3A_1256] : memref<1048576x32xf32, #tpu.memory_space<hbm>> -> memref<1048576x32xf32, #tpu.memory_space<hbm>>
    tpu.wait_indirect_dma semaphore(%arg15 : memref<!tpu.dma_semaphore, #tpu.memory_space<semaphore_mem>>) src(%dma_wait3A_1257 : memref<1048576x32xf32, #tpu.memory_space<hbm>>) dst(%arg11 : memref<128x32xf32, #tpu.memory_space<vmem>>)
    %scan3A_1258 = arith.constant 0 : i32
    %scan3A_1259 = arith.constant 0 : i32
    %scan3A_1260 = arith.constant 8 : i32
    %scan3A_1261 = arith.addi %scan3A_1259, %scan3A_1260 : i32
    %scan3A_1262 = arith.constant 1 : i32
    %scan3A_1263 = scf.for %scan3A_1286 = %scan3A_1259 to %scan3A_1261 step %scan3A_1262 iter_args(%scan3A_1287 = %scan3A_1258) -> (i32)  : i32 {
      %mul3A_1288 = arith.constant 16 : i32
      %mul3A_1289 = arith.muli %scan3A_1286, %mul3A_1288 : i32
      %mul3A_1290 = arith.constant 16 : i32
      %mul3A_1291 = arith.muli %scan3A_1286, %mul3A_1290 : i32
      %iota3A = tpu.iota {dimensions = array<i32: 0>} : vector<16xi32>
      %add3A_1292 = vector.broadcast %mul3A_1291 : i32 to vector<16xi32>
      %add3A_1293 = arith.addi %add3A_1292, %iota3A : vector<16xi32>
      %broadcast_in_dim3A = arith.constant 0.000000e+00 : f32
      %broadcast_in_dim3A_1294 = vector.broadcast %broadcast_in_dim3A : f32 to vector<16xf32>
      %broadcast_in_dim3A_1295 = arith.constant 0 : i32
      %broadcast_in_dim3A_1296 = vector.broadcast %broadcast_in_dim3A_1295 : i32 to vector<16xi32>
      %gather3A = tpu.vector_load_idx %arg10[%add3A_1293, %broadcast_in_dim3A_1296] : memref<128x32xf32, #tpu.memory_space<vmem>>[vector<16xi32>, vector<16xi32>], vector<16xf32>,
      %gather3A_1297 = tpu.vector_load_idx %arg11[%add3A_1293, %broadcast_in_dim3A_1296] : memref<128x32xf32, #tpu.memory_space<vmem>>[vector<16xi32>, vector<16xi32>], vector<16xf32>,
      %mul3A_1298 = arith.mulf %gather3A, %gather3A_1297 : vector<16xf32>
      %add3A_1299 = arith.addf %broadcast_in_dim3A_1294, %mul3A_1298 : vector<16xf32>
      %broadcast_in_dim3A_1300 = arith.constant 1 : i32
      %broadcast_in_dim3A_1301 = vector.broadcast %broadcast_in_dim3A_1300 : i32 to vector<16xi32>
      %gather3A_1302 = tpu.vector_load_idx %arg10[%add3A_1293, %broadcast_in_dim3A_1301] : memref<128x32xf32, #tpu.memory_space<vmem>>[vector<16xi32>, vector<16xi32>], vector<16xf32>,
      %gather3A_1303 = tpu.vector_load_idx %arg11[%add3A_1293, %broadcast_in_dim3A_1301] : memref<128x32xf32, #tpu.memory_space<vmem>>[vector<16xi32>, vector<16xi32>], vector<16xf32>,
      %mul3A_1304 = arith.mulf %gather3A_1302, %gather3A_1303 : vector<16xf32>
      %add3A_1305 = arith.addf %add3A_1299, %mul3A_1304 : vector<16xf32>
      %broadcast_in_dim3A_1306 = arith.constant 2 : i32
      %broadcast_in_dim3A_1307 = vector.broadcast %broadcast_in_dim3A_1306 : i32 to vector<16xi32>
      %gather3A_1308 = tpu.vector_load_idx %arg10[%add3A_1293, %broadcast_in_dim3A_1307] : memref<128x32xf32, #tpu.memory_space<vmem>>[vector<16xi32>, vector<16xi32>], vector<16xf32>,
      %gather3A_1309 = tpu.vector_load_idx %arg11[%add3A_1293, %broadcast_in_dim3A_1307] : memref<128x32xf32, #tpu.memory_space<vmem>>[vector<16xi32>, vector<16xi32>], vector<16xf32>,
      %mul3A_1310 = arith.mulf %gather3A_1308, %gather3A_1309 : vector<16xf32>
      %add3A_1311 = arith.addf %add3A_1305, %mul3A_1310 : vector<16xf32>
      %broadcast_in_dim3A_1312 = arith.constant 3 : i32
      %broadcast_in_dim3A_1313 = vector.broadcast %broadcast_in_dim3A_1312 : i32 to vector<16xi32>
      %gather3A_1314 = tpu.vector_load_idx %arg10[%add3A_1293, %broadcast_in_dim3A_1313] : memref<128x32xf32, #tpu.memory_space<vmem>>[vector<16xi32>, vector<16xi32>], vector<16xf32>,
      %gather3A_1315 = tpu.vector_load_idx %arg11[%add3A_1293, %broadcast_in_dim3A_1313] : memref<128x32xf32, #tpu.memory_space<vmem>>[vector<16xi32>, vector<16xi32>], vector<16xf32>,
      %mul3A_1316 = arith.mulf %gather3A_1314, %gather3A_1315 : vector<16xf32>
      %add3A_1317 = arith.addf %add3A_1311, %mul3A_1316 : vector<16xf32>
      %broadcast_in_dim3A_1318 = arith.constant 4 : i32
      %broadcast_in_dim3A_1319 = vector.broadcast %broadcast_in_dim3A_1318 : i32 to vector<16xi32>
      %gather3A_1320 = tpu.vector_load_idx %arg10[%add3A_1293, %broadcast_in_dim3A_1319] : memref<128x32xf32, #tpu.memory_space<vmem>>[vector<16xi32>, vector<16xi32>], vector<16xf32>,
      %gather3A_1321 = tpu.vector_load_idx %arg11[%add3A_1293, %broadcast_in_dim3A_1319] : memref<128x32xf32, #tpu.memory_space<vmem>>[vector<16xi32>, vector<16xi32>], vector<16xf32>,
      %mul3A_1322 = arith.mulf %gather3A_1320, %gather3A_1321 : vector<16xf32>
      %add3A_1323 = arith.addf %add3A_1317, %mul3A_1322 : vector<16xf32>
      %broadcast_in_dim3A_1324 = arith.constant 5 : i32
      %broadcast_in_dim3A_1325 = vector.broadcast %broadcast_in_dim3A_1324 : i32 to vector<16xi32>
      %gather3A_1326 = tpu.vector_load_idx %arg10[%add3A_1293, %broadcast_in_dim3A_1325] : memref<128x32xf32, #tpu.memory_space<vmem>>[vector<16xi32>, vector<16xi32>], vector<16xf32>,
      %gather3A_1327 = tpu.vector_load_idx %arg11[%add3A_1293, %broadcast_in_dim3A_1325] : memref<128x32xf32, #tpu.memory_space<vmem>>[vector<16xi32>, vector<16xi32>], vector<16xf32>,
      %mul3A_1328 = arith.mulf %gather3A_1326, %gather3A_1327 : vector<16xf32>
      %add3A_1329 = arith.addf %add3A_1323, %mul3A_1328 : vector<16xf32>
      %broadcast_in_dim3A_1330 = arith.constant 6 : i32
      %broadcast_in_dim3A_1331 = vector.broadcast %broadcast_in_dim3A_1330 : i32 to vector<16xi32>
      %gather3A_1332 = tpu.vector_load_idx %arg10[%add3A_1293, %broadcast_in_dim3A_1331] : memref<128x32xf32, #tpu.memory_space<vmem>>[vector<16xi32>, vector<16xi32>], vector<16xf32>,
      %gather3A_1333 = tpu.vector_load_idx %arg11[%add3A_1293, %broadcast_in_dim3A_1331] : memref<128x32xf32, #tpu.memory_space<vmem>>[vector<16xi32>, vector<16xi32>], vector<16xf32>,
      %mul3A_1334 = arith.mulf %gather3A_1332, %gather3A_1333 : vector<16xf32>
      %add3A_1335 = arith.addf %add3A_1329, %mul3A_1334 : vector<16xf32>
      %broadcast_in_dim3A_1336 = arith.constant 7 : i32
      %broadcast_in_dim3A_1337 = vector.broadcast %broadcast_in_dim3A_1336 : i32 to vector<16xi32>
      %gather3A_1338 = tpu.vector_load_idx %arg10[%add3A_1293, %broadcast_in_dim3A_1337] : memref<128x32xf32, #tpu.memory_space<vmem>>[vector<16xi32>, vector<16xi32>], vector<16xf32>,
      %gather3A_1339 = tpu.vector_load_idx %arg11[%add3A_1293, %broadcast_in_dim3A_1337] : memref<128x32xf32, #tpu.memory_space<vmem>>[vector<16xi32>, vector<16xi32>], vector<16xf32>,
      %mul3A_1340 = arith.mulf %gather3A_1338, %gather3A_1339 : vector<16xf32>
      %add3A_1341 = arith.addf %add3A_1335, %mul3A_1340 : vector<16xf32>
      %broadcast_in_dim3A_1342 = arith.constant 8 : i32
      %broadcast_in_dim3A_1343 = vector.broadcast %broadcast_in_dim3A_1342 : i32 to vector<16xi32>
      %gather3A_1344 = tpu.vector_load_idx %arg10[%add3A_1293, %broadcast_in_dim3A_1343] : memref<128x32xf32, #tpu.memory_space<vmem>>[vector<16xi32>, vector<16xi32>], vector<16xf32>,
      %gather3A_1345 = tpu.vector_load_idx %arg11[%add3A_1293, %broadcast_in_dim3A_1343] : memref<128x32xf32, #tpu.memory_space<vmem>>[vector<16xi32>, vector<16xi32>], vector<16xf32>,
      %mul3A_1346 = arith.mulf %gather3A_1344, %gather3A_1345 : vector<16xf32>
      %add3A_1347 = arith.addf %add3A_1341, %mul3A_1346 : vector<16xf32>
      %broadcast_in_dim3A_1348 = arith.constant 9 : i32
      %broadcast_in_dim3A_1349 = vector.broadcast %broadcast_in_dim3A_1348 : i32 to vector<16xi32>
      %gather3A_1350 = tpu.vector_load_idx %arg10[%add3A_1293, %broadcast_in_dim3A_1349] : memref<128x32xf32, #tpu.memory_space<vmem>>[vector<16xi32>, vector<16xi32>], vector<16xf32>,
      %gather3A_1351 = tpu.vector_load_idx %arg11[%add3A_1293, %broadcast_in_dim3A_1349] : memref<128x32xf32, #tpu.memory_space<vmem>>[vector<16xi32>, vector<16xi32>], vector<16xf32>,
      %mul3A_1352 = arith.mulf %gather3A_1350, %gather3A_1351 : vector<16xf32>
      %add3A_1353 = arith.addf %add3A_1347, %mul3A_1352 : vector<16xf32>
      %broadcast_in_dim3A_1354 = arith.constant 10 : i32
      %broadcast_in_dim3A_1355 = vector.broadcast %broadcast_in_dim3A_1354 : i32 to vector<16xi32>
      %gather3A_1356 = tpu.vector_load_idx %arg10[%add3A_1293, %broadcast_in_dim3A_1355] : memref<128x32xf32, #tpu.memory_space<vmem>>[vector<16xi32>, vector<16xi32>], vector<16xf32>,
      %gather3A_1357 = tpu.vector_load_idx %arg11[%add3A_1293, %broadcast_in_dim3A_1355] : memref<128x32xf32, #tpu.memory_space<vmem>>[vector<16xi32>, vector<16xi32>], vector<16xf32>,
      %mul3A_1358 = arith.mulf %gather3A_1356, %gather3A_1357 : vector<16xf32>
      %add3A_1359 = arith.addf %add3A_1353, %mul3A_1358 : vector<16xf32>
      %broadcast_in_dim3A_1360 = arith.constant 11 : i32
      %broadcast_in_dim3A_1361 = vector.broadcast %broadcast_in_dim3A_1360 : i32 to vector<16xi32>
      %gather3A_1362 = tpu.vector_load_idx %arg10[%add3A_1293, %broadcast_in_dim3A_1361] : memref<128x32xf32, #tpu.memory_space<vmem>>[vector<16xi32>, vector<16xi32>], vector<16xf32>,
      %gather3A_1363 = tpu.vector_load_idx %arg11[%add3A_1293, %broadcast_in_dim3A_1361] : memref<128x32xf32, #tpu.memory_space<vmem>>[vector<16xi32>, vector<16xi32>], vector<16xf32>,
      %mul3A_1364 = arith.mulf %gather3A_1362, %gather3A_1363 : vector<16xf32>
      %add3A_1365 = arith.addf %add3A_1359, %mul3A_1364 : vector<16xf32>
      %broadcast_in_dim3A_1366 = arith.constant 12 : i32
      %broadcast_in_dim3A_1367 = vector.broadcast %broadcast_in_dim3A_1366 : i32 to vector<16xi32>
      %gather3A_1368 = tpu.vector_load_idx %arg10[%add3A_1293, %broadcast_in_dim3A_1367] : memref<128x32xf32, #tpu.memory_space<vmem>>[vector<16xi32>, vector<16xi32>], vector<16xf32>,
      %gather3A_1369 = tpu.vector_load_idx %arg11[%add3A_1293, %broadcast_in_dim3A_1367] : memref<128x32xf32, #tpu.memory_space<vmem>>[vector<16xi32>, vector<16xi32>], vector<16xf32>,
      %mul3A_1370 = arith.mulf %gather3A_1368, %gather3A_1369 : vector<16xf32>
      %add3A_1371 = arith.addf %add3A_1365, %mul3A_1370 : vector<16xf32>
      %broadcast_in_dim3A_1372 = arith.constant 13 : i32
      %broadcast_in_dim3A_1373 = vector.broadcast %broadcast_in_dim3A_1372 : i32 to vector<16xi32>
      %gather3A_1374 = tpu.vector_load_idx %arg10[%add3A_1293, %broadcast_in_dim3A_1373] : memref<128x32xf32, #tpu.memory_space<vmem>>[vector<16xi32>, vector<16xi32>], vector<16xf32>,
      %gather3A_1375 = tpu.vector_load_idx %arg11[%add3A_1293, %broadcast_in_dim3A_1373] : memref<128x32xf32, #tpu.memory_space<vmem>>[vector<16xi32>, vector<16xi32>], vector<16xf32>,
      %mul3A_1376 = arith.mulf %gather3A_1374, %gather3A_1375 : vector<16xf32>
      %add3A_1377 = arith.addf %add3A_1371, %mul3A_1376 : vector<16xf32>
      %broadcast_in_dim3A_1378 = arith.constant 14 : i32
      %broadcast_in_dim3A_1379 = vector.broadcast %broadcast_in_dim3A_1378 : i32 to vector<16xi32>
      %gather3A_1380 = tpu.vector_load_idx %arg10[%add3A_1293, %broadcast_in_dim3A_1379] : memref<128x32xf32, #tpu.memory_space<vmem>>[vector<16xi32>, vector<16xi32>], vector<16xf32>,
      %gather3A_1381 = tpu.vector_load_idx %arg11[%add3A_1293, %broadcast_in_dim3A_1379] : memref<128x32xf32, #tpu.memory_space<vmem>>[vector<16xi32>, vector<16xi32>], vector<16xf32>,
      %mul3A_1382 = arith.mulf %gather3A_1380, %gather3A_1381 : vector<16xf32>
      %add3A_1383 = arith.addf %add3A_1377, %mul3A_1382 : vector<16xf32>
      %broadcast_in_dim3A_1384 = arith.constant 15 : i32
      %broadcast_in_dim3A_1385 = vector.broadcast %broadcast_in_dim3A_1384 : i32 to vector<16xi32>
      %gather3A_1386 = tpu.vector_load_idx %arg10[%add3A_1293, %broadcast_in_dim3A_1385] : memref<128x32xf32, #tpu.memory_space<vmem>>[vector<16xi32>, vector<16xi32>], vector<16xf32>,
      %gather3A_1387 = tpu.vector_load_idx %arg11[%add3A_1293, %broadcast_in_dim3A_1385] : memref<128x32xf32, #tpu.memory_space<vmem>>[vector<16xi32>, vector<16xi32>], vector<16xf32>,
      %mul3A_1388 = arith.mulf %gather3A_1386, %gather3A_1387 : vector<16xf32>
      %add3A_1389 = arith.addf %add3A_1383, %mul3A_1388 : vector<16xf32>
      %broadcast_in_dim3A_1390 = arith.constant 16 : i32
      %broadcast_in_dim3A_1391 = vector.broadcast %broadcast_in_dim3A_1390 : i32 to vector<16xi32>
      %gather3A_1392 = tpu.vector_load_idx %arg10[%add3A_1293, %broadcast_in_dim3A_1391] : memref<128x32xf32, #tpu.memory_space<vmem>>[vector<16xi32>, vector<16xi32>], vector<16xf32>,
      %gather3A_1393 = tpu.vector_load_idx %arg11[%add3A_1293, %broadcast_in_dim3A_1391] : memref<128x32xf32, #tpu.memory_space<vmem>>[vector<16xi32>, vector<16xi32>], vector<16xf32>,
      %mul3A_1394 = arith.mulf %gather3A_1392, %gather3A_1393 : vector<16xf32>
      %add3A_1395 = arith.addf %add3A_1389, %mul3A_1394 : vector<16xf32>
      %broadcast_in_dim3A_1396 = arith.constant 17 : i32
      %broadcast_in_dim3A_1397 = vector.broadcast %broadcast_in_dim3A_1396 : i32 to vector<16xi32>
      %gather3A_1398 = tpu.vector_load_idx %arg10[%add3A_1293, %broadcast_in_dim3A_1397] : memref<128x32xf32, #tpu.memory_space<vmem>>[vector<16xi32>, vector<16xi32>], vector<16xf32>,
      %gather3A_1399 = tpu.vector_load_idx %arg11[%add3A_1293, %broadcast_in_dim3A_1397] : memref<128x32xf32, #tpu.memory_space<vmem>>[vector<16xi32>, vector<16xi32>], vector<16xf32>,
      %mul3A_1400 = arith.mulf %gather3A_1398, %gather3A_1399 : vector<16xf32>
      %add3A_1401 = arith.addf %add3A_1395, %mul3A_1400 : vector<16xf32>
      %broadcast_in_dim3A_1402 = arith.constant 18 : i32
      %broadcast_in_dim3A_1403 = vector.broadcast %broadcast_in_dim3A_1402 : i32 to vector<16xi32>
      %gather3A_1404 = tpu.vector_load_idx %arg10[%add3A_1293, %broadcast_in_dim3A_1403] : memref<128x32xf32, #tpu.memory_space<vmem>>[vector<16xi32>, vector<16xi32>], vector<16xf32>,
      %gather3A_1405 = tpu.vector_load_idx %arg11[%add3A_1293, %broadcast_in_dim3A_1403] : memref<128x32xf32, #tpu.memory_space<vmem>>[vector<16xi32>, vector<16xi32>], vector<16xf32>,
      %mul3A_1406 = arith.mulf %gather3A_1404, %gather3A_1405 : vector<16xf32>
      %add3A_1407 = arith.addf %add3A_1401, %mul3A_1406 : vector<16xf32>
      %broadcast_in_dim3A_1408 = arith.constant 19 : i32
      %broadcast_in_dim3A_1409 = vector.broadcast %broadcast_in_dim3A_1408 : i32 to vector<16xi32>
      %gather3A_1410 = tpu.vector_load_idx %arg10[%add3A_1293, %broadcast_in_dim3A_1409] : memref<128x32xf32, #tpu.memory_space<vmem>>[vector<16xi32>, vector<16xi32>], vector<16xf32>,
      %gather3A_1411 = tpu.vector_load_idx %arg11[%add3A_1293, %broadcast_in_dim3A_1409] : memref<128x32xf32, #tpu.memory_space<vmem>>[vector<16xi32>, vector<16xi32>], vector<16xf32>,
      %mul3A_1412 = arith.mulf %gather3A_1410, %gather3A_1411 : vector<16xf32>
      %add3A_1413 = arith.addf %add3A_1407, %mul3A_1412 : vector<16xf32>
      %broadcast_in_dim3A_1414 = arith.constant 20 : i32
      %broadcast_in_dim3A_1415 = vector.broadcast %broadcast_in_dim3A_1414 : i32 to vector<16xi32>
      %gather3A_1416 = tpu.vector_load_idx %arg10[%add3A_1293, %broadcast_in_dim3A_1415] : memref<128x32xf32, #tpu.memory_space<vmem>>[vector<16xi32>, vector<16xi32>], vector<16xf32>,
      %gather3A_1417 = tpu.vector_load_idx %arg11[%add3A_1293, %broadcast_in_dim3A_1415] : memref<128x32xf32, #tpu.memory_space<vmem>>[vector<16xi32>, vector<16xi32>], vector<16xf32>,
      %mul3A_1418 = arith.mulf %gather3A_1416, %gather3A_1417 : vector<16xf32>
      %add3A_1419 = arith.addf %add3A_1413, %mul3A_1418 : vector<16xf32>
      %broadcast_in_dim3A_1420 = arith.constant 21 : i32
      %broadcast_in_dim3A_1421 = vector.broadcast %broadcast_in_dim3A_1420 : i32 to vector<16xi32>
      %gather3A_1422 = tpu.vector_load_idx %arg10[%add3A_1293, %broadcast_in_dim3A_1421] : memref<128x32xf32, #tpu.memory_space<vmem>>[vector<16xi32>, vector<16xi32>], vector<16xf32>,
      %gather3A_1423 = tpu.vector_load_idx %arg11[%add3A_1293, %broadcast_in_dim3A_1421] : memref<128x32xf32, #tpu.memory_space<vmem>>[vector<16xi32>, vector<16xi32>], vector<16xf32>,
      %mul3A_1424 = arith.mulf %gather3A_1422, %gather3A_1423 : vector<16xf32>
      %add3A_1425 = arith.addf %add3A_1419, %mul3A_1424 : vector<16xf32>
      %broadcast_in_dim3A_1426 = arith.constant 22 : i32
      %broadcast_in_dim3A_1427 = vector.broadcast %broadcast_in_dim3A_1426 : i32 to vector<16xi32>
      %gather3A_1428 = tpu.vector_load_idx %arg10[%add3A_1293, %broadcast_in_dim3A_1427] : memref<128x32xf32, #tpu.memory_space<vmem>>[vector<16xi32>, vector<16xi32>], vector<16xf32>,
      %gather3A_1429 = tpu.vector_load_idx %arg11[%add3A_1293, %broadcast_in_dim3A_1427] : memref<128x32xf32, #tpu.memory_space<vmem>>[vector<16xi32>, vector<16xi32>], vector<16xf32>,
      %mul3A_1430 = arith.mulf %gather3A_1428, %gather3A_1429 : vector<16xf32>
      %add3A_1431 = arith.addf %add3A_1425, %mul3A_1430 : vector<16xf32>
      %broadcast_in_dim3A_1432 = arith.constant 23 : i32
      %broadcast_in_dim3A_1433 = vector.broadcast %broadcast_in_dim3A_1432 : i32 to vector<16xi32>
      %gather3A_1434 = tpu.vector_load_idx %arg10[%add3A_1293, %broadcast_in_dim3A_1433] : memref<128x32xf32, #tpu.memory_space<vmem>>[vector<16xi32>, vector<16xi32>], vector<16xf32>,
      %gather3A_1435 = tpu.vector_load_idx %arg11[%add3A_1293, %broadcast_in_dim3A_1433] : memref<128x32xf32, #tpu.memory_space<vmem>>[vector<16xi32>, vector<16xi32>], vector<16xf32>,
      %mul3A_1436 = arith.mulf %gather3A_1434, %gather3A_1435 : vector<16xf32>
      %add3A_1437 = arith.addf %add3A_1431, %mul3A_1436 : vector<16xf32>
      %broadcast_in_dim3A_1438 = arith.constant 24 : i32
      %broadcast_in_dim3A_1439 = vector.broadcast %broadcast_in_dim3A_1438 : i32 to vector<16xi32>
      %gather3A_1440 = tpu.vector_load_idx %arg10[%add3A_1293, %broadcast_in_dim3A_1439] : memref<128x32xf32, #tpu.memory_space<vmem>>[vector<16xi32>, vector<16xi32>], vector<16xf32>,
      %gather3A_1441 = tpu.vector_load_idx %arg11[%add3A_1293, %broadcast_in_dim3A_1439] : memref<128x32xf32, #tpu.memory_space<vmem>>[vector<16xi32>, vector<16xi32>], vector<16xf32>,
      %mul3A_1442 = arith.mulf %gather3A_1440, %gather3A_1441 : vector<16xf32>
      %add3A_1443 = arith.addf %add3A_1437, %mul3A_1442 : vector<16xf32>
      %broadcast_in_dim3A_1444 = arith.constant 25 : i32
      %broadcast_in_dim3A_1445 = vector.broadcast %broadcast_in_dim3A_1444 : i32 to vector<16xi32>
      %gather3A_1446 = tpu.vector_load_idx %arg10[%add3A_1293, %broadcast_in_dim3A_1445] : memref<128x32xf32, #tpu.memory_space<vmem>>[vector<16xi32>, vector<16xi32>], vector<16xf32>,
      %gather3A_1447 = tpu.vector_load_idx %arg11[%add3A_1293, %broadcast_in_dim3A_1445] : memref<128x32xf32, #tpu.memory_space<vmem>>[vector<16xi32>, vector<16xi32>], vector<16xf32>,
      %mul3A_1448 = arith.mulf %gather3A_1446, %gather3A_1447 : vector<16xf32>
      %add3A_1449 = arith.addf %add3A_1443, %mul3A_1448 : vector<16xf32>
      %broadcast_in_dim3A_1450 = arith.constant 26 : i32
      %broadcast_in_dim3A_1451 = vector.broadcast %broadcast_in_dim3A_1450 : i32 to vector<16xi32>
      %gather3A_1452 = tpu.vector_load_idx %arg10[%add3A_1293, %broadcast_in_dim3A_1451] : memref<128x32xf32, #tpu.memory_space<vmem>>[vector<16xi32>, vector<16xi32>], vector<16xf32>,
      %gather3A_1453 = tpu.vector_load_idx %arg11[%add3A_1293, %broadcast_in_dim3A_1451] : memref<128x32xf32, #tpu.memory_space<vmem>>[vector<16xi32>, vector<16xi32>], vector<16xf32>,
      %mul3A_1454 = arith.mulf %gather3A_1452, %gather3A_1453 : vector<16xf32>
      %add3A_1455 = arith.addf %add3A_1449, %mul3A_1454 : vector<16xf32>
      %broadcast_in_dim3A_1456 = arith.constant 27 : i32
      %broadcast_in_dim3A_1457 = vector.broadcast %broadcast_in_dim3A_1456 : i32 to vector<16xi32>
      %gather3A_1458 = tpu.vector_load_idx %arg10[%add3A_1293, %broadcast_in_dim3A_1457] : memref<128x32xf32, #tpu.memory_space<vmem>>[vector<16xi32>, vector<16xi32>], vector<16xf32>,
      %gather3A_1459 = tpu.vector_load_idx %arg11[%add3A_1293, %broadcast_in_dim3A_1457] : memref<128x32xf32, #tpu.memory_space<vmem>>[vector<16xi32>, vector<16xi32>], vector<16xf32>,
      %mul3A_1460 = arith.mulf %gather3A_1458, %gather3A_1459 : vector<16xf32>
      %add3A_1461 = arith.addf %add3A_1455, %mul3A_1460 : vector<16xf32>
      %broadcast_in_dim3A_1462 = arith.constant 28 : i32
      %broadcast_in_dim3A_1463 = vector.broadcast %broadcast_in_dim3A_1462 : i32 to vector<16xi32>
      %gather3A_1464 = tpu.vector_load_idx %arg10[%add3A_1293, %broadcast_in_dim3A_1463] : memref<128x32xf32, #tpu.memory_space<vmem>>[vector<16xi32>, vector<16xi32>], vector<16xf32>,
      %gather3A_1465 = tpu.vector_load_idx %arg11[%add3A_1293, %broadcast_in_dim3A_1463] : memref<128x32xf32, #tpu.memory_space<vmem>>[vector<16xi32>, vector<16xi32>], vector<16xf32>,
      %mul3A_1466 = arith.mulf %gather3A_1464, %gather3A_1465 : vector<16xf32>
      %add3A_1467 = arith.addf %add3A_1461, %mul3A_1466 : vector<16xf32>
      %broadcast_in_dim3A_1468 = arith.constant 29 : i32
      %broadcast_in_dim3A_1469 = vector.broadcast %broadcast_in_dim3A_1468 : i32 to vector<16xi32>
      %gather3A_1470 = tpu.vector_load_idx %arg10[%add3A_1293, %broadcast_in_dim3A_1469] : memref<128x32xf32, #tpu.memory_space<vmem>>[vector<16xi32>, vector<16xi32>], vector<16xf32>,
      %gather3A_1471 = tpu.vector_load_idx %arg11[%add3A_1293, %broadcast_in_dim3A_1469] : memref<128x32xf32, #tpu.memory_space<vmem>>[vector<16xi32>, vector<16xi32>], vector<16xf32>,
      %mul3A_1472 = arith.mulf %gather3A_1470, %gather3A_1471 : vector<16xf32>
      %add3A_1473 = arith.addf %add3A_1467, %mul3A_1472 : vector<16xf32>
      %broadcast_in_dim3A_1474 = arith.constant 30 : i32
      %broadcast_in_dim3A_1475 = vector.broadcast %broadcast_in_dim3A_1474 : i32 to vector<16xi32>
      %gather3A_1476 = tpu.vector_load_idx %arg10[%add3A_1293, %broadcast_in_dim3A_1475] : memref<128x32xf32, #tpu.memory_space<vmem>>[vector<16xi32>, vector<16xi32>], vector<16xf32>,
      %gather3A_1477 = tpu.vector_load_idx %arg11[%add3A_1293, %broadcast_in_dim3A_1475] : memref<128x32xf32, #tpu.memory_space<vmem>>[vector<16xi32>, vector<16xi32>], vector<16xf32>,
      %mul3A_1478 = arith.mulf %gather3A_1476, %gather3A_1477 : vector<16xf32>
      %add3A_1479 = arith.addf %add3A_1473, %mul3A_1478 : vector<16xf32>
      %broadcast_in_dim3A_1480 = arith.constant 31 : i32
      %broadcast_in_dim3A_1481 = vector.broadcast %broadcast_in_dim3A_1480 : i32 to vector<16xi32>
      %gather3A_1482 = tpu.vector_load_idx %arg10[%add3A_1293, %broadcast_in_dim3A_1481] : memref<128x32xf32, #tpu.memory_space<vmem>>[vector<16xi32>, vector<16xi32>], vector<16xf32>,
      %gather3A_1483 = tpu.vector_load_idx %arg11[%add3A_1293, %broadcast_in_dim3A_1481] : memref<128x32xf32, #tpu.memory_space<vmem>>[vector<16xi32>, vector<16xi32>], vector<16xf32>,
      %mul3A_1484 = arith.mulf %gather3A_1482, %gather3A_1483 : vector<16xf32>
      %add3A_1485 = arith.addf %add3A_1479, %mul3A_1484 : vector<16xf32>
      %swap3A_1486 = arith.constant 2 : i32
      %swap3A_1487 = arith.index_cast %swap3A_1486 : i32 to index
      %swap3A_1488 = arith.index_cast %mul3A_1289 : i32 to index
      %swap3A_1489 = tpu.vector_load %arg14[%swap3A_1487, %swap3A_1488] {strides = array<i32>} : memref<4x128xf32, #tpu.memory_space<vmem>>, vector<16xf32>,
      tpu.vector_store %arg14[%swap3A_1487, %swap3A_1488], %add3A_1485 {strides = array<i32>} : memref<4x128xf32, #tpu.memory_space<vmem>>, vector<16xf32>,
      %scan3A_1490 = arith.constant 0 : i32
      scf.yield %scan3A_1490 : i32
    }
    %scan3A_1264 = arith.constant 8 : i32
    %dma_wait3A_1265 = arith.constant 3 : i32
    %dma_wait3A_1266 = arith.constant 0 : i32
    %dma_wait3A_1267 = tpu.memref_slice %arg8[%dma_wait3A_1265, %dma_wait3A_1266] : memref<4x128xi32, #tpu.memory_space<vmem>> -> memref<1x128xi32, #tpu.memory_space<vmem>>
    %dma_wait3A_1268 = tpu.memref_squeeze %dma_wait3A_1267 : memref<1x128xi32, #tpu.memory_space<vmem>> -> memref<128xi32, #tpu.memory_space<vmem>>
    %dma_wait3A_1269 = arith.constant 0 : i32
    %dma_wait3A_1270 = arith.constant 0 : i32
    %dma_wait3A_1271 = tpu.memref_slice %arg2[%dma_wait3A_1269, %dma_wait3A_1270] : memref<1048576x32xf32, #tpu.memory_space<hbm>> -> memref<1048576x32xf32, #tpu.memory_space<hbm>>
    tpu.wait_indirect_dma semaphore(%arg16 : memref<!tpu.dma_semaphore, #tpu.memory_space<semaphore_mem>>) src(%dma_wait3A_1271 : memref<1048576x32xf32, #tpu.memory_space<hbm>>) dst(%arg12 : memref<128x32xf32, #tpu.memory_space<vmem>>)
    %dma_wait3A_1272 = arith.constant 3 : i32
    %dma_wait3A_1273 = arith.constant 0 : i32
    %dma_wait3A_1274 = tpu.memref_slice %arg9[%dma_wait3A_1272, %dma_wait3A_1273] : memref<4x128xi32, #tpu.memory_space<vmem>> -> memref<1x128xi32, #tpu.memory_space<vmem>>
    %dma_wait3A_1275 = tpu.memref_squeeze %dma_wait3A_1274 : memref<1x128xi32, #tpu.memory_space<vmem>> -> memref<128xi32, #tpu.memory_space<vmem>>
    %dma_wait3A_1276 = arith.constant 0 : i32
    %dma_wait3A_1277 = arith.constant 0 : i32
    %dma_wait3A_1278 = tpu.memref_slice %arg2[%dma_wait3A_1276, %dma_wait3A_1277] : memref<1048576x32xf32, #tpu.memory_space<hbm>> -> memref<1048576x32xf32, #tpu.memory_space<hbm>>
    tpu.wait_indirect_dma semaphore(%arg16 : memref<!tpu.dma_semaphore, #tpu.memory_space<semaphore_mem>>) src(%dma_wait3A_1278 : memref<1048576x32xf32, #tpu.memory_space<hbm>>) dst(%arg13 : memref<128x32xf32, #tpu.memory_space<vmem>>)
    %scan3A_1279 = arith.constant 0 : i32
    %scan3A_1280 = arith.constant 0 : i32
    %scan3A_1281 = arith.constant 8 : i32
    %scan3A_1282 = arith.addi %scan3A_1280, %scan3A_1281 : i32
    %scan3A_1283 = arith.constant 1 : i32
    %scan3A_1284 = scf.for %scan3A_1286 = %scan3A_1280 to %scan3A_1282 step %scan3A_1283 iter_args(%scan3A_1287 = %scan3A_1279) -> (i32)  : i32 {
      %mul3A_1288 = arith.constant 16 : i32
      %mul3A_1289 = arith.muli %scan3A_1286, %mul3A_1288 : i32
      %mul3A_1290 = arith.constant 16 : i32
      %mul3A_1291 = arith.muli %scan3A_1286, %mul3A_1290 : i32
      %iota3A = tpu.iota {dimensions = array<i32: 0>} : vector<16xi32>
      %add3A_1292 = vector.broadcast %mul3A_1291 : i32 to vector<16xi32>
      %add3A_1293 = arith.addi %add3A_1292, %iota3A : vector<16xi32>
      %broadcast_in_dim3A = arith.constant 0.000000e+00 : f32
      %broadcast_in_dim3A_1294 = vector.broadcast %broadcast_in_dim3A : f32 to vector<16xf32>
      %broadcast_in_dim3A_1295 = arith.constant 0 : i32
      %broadcast_in_dim3A_1296 = vector.broadcast %broadcast_in_dim3A_1295 : i32 to vector<16xi32>
      %gather3A = tpu.vector_load_idx %arg12[%add3A_1293, %broadcast_in_dim3A_1296] : memref<128x32xf32, #tpu.memory_space<vmem>>[vector<16xi32>, vector<16xi32>], vector<16xf32>,
      %gather3A_1297 = tpu.vector_load_idx %arg13[%add3A_1293, %broadcast_in_dim3A_1296] : memref<128x32xf32, #tpu.memory_space<vmem>>[vector<16xi32>, vector<16xi32>], vector<16xf32>,
      %mul3A_1298 = arith.mulf %gather3A, %gather3A_1297 : vector<16xf32>
      %add3A_1299 = arith.addf %broadcast_in_dim3A_1294, %mul3A_1298 : vector<16xf32>
      %broadcast_in_dim3A_1300 = arith.constant 1 : i32
      %broadcast_in_dim3A_1301 = vector.broadcast %broadcast_in_dim3A_1300 : i32 to vector<16xi32>
      %gather3A_1302 = tpu.vector_load_idx %arg12[%add3A_1293, %broadcast_in_dim3A_1301] : memref<128x32xf32, #tpu.memory_space<vmem>>[vector<16xi32>, vector<16xi32>], vector<16xf32>,
      %gather3A_1303 = tpu.vector_load_idx %arg13[%add3A_1293, %broadcast_in_dim3A_1301] : memref<128x32xf32, #tpu.memory_space<vmem>>[vector<16xi32>, vector<16xi32>], vector<16xf32>,
      %mul3A_1304 = arith.mulf %gather3A_1302, %gather3A_1303 : vector<16xf32>
      %add3A_1305 = arith.addf %add3A_1299, %mul3A_1304 : vector<16xf32>
      %broadcast_in_dim3A_1306 = arith.constant 2 : i32
      %broadcast_in_dim3A_1307 = vector.broadcast %broadcast_in_dim3A_1306 : i32 to vector<16xi32>
      %gather3A_1308 = tpu.vector_load_idx %arg12[%add3A_1293, %broadcast_in_dim3A_1307] : memref<128x32xf32, #tpu.memory_space<vmem>>[vector<16xi32>, vector<16xi32>], vector<16xf32>,
      %gather3A_1309 = tpu.vector_load_idx %arg13[%add3A_1293, %broadcast_in_dim3A_1307] : memref<128x32xf32, #tpu.memory_space<vmem>>[vector<16xi32>, vector<16xi32>], vector<16xf32>,
      %mul3A_1310 = arith.mulf %gather3A_1308, %gather3A_1309 : vector<16xf32>
      %add3A_1311 = arith.addf %add3A_1305, %mul3A_1310 : vector<16xf32>
      %broadcast_in_dim3A_1312 = arith.constant 3 : i32
      %broadcast_in_dim3A_1313 = vector.broadcast %broadcast_in_dim3A_1312 : i32 to vector<16xi32>
      %gather3A_1314 = tpu.vector_load_idx %arg12[%add3A_1293, %broadcast_in_dim3A_1313] : memref<128x32xf32, #tpu.memory_space<vmem>>[vector<16xi32>, vector<16xi32>], vector<16xf32>,
      %gather3A_1315 = tpu.vector_load_idx %arg13[%add3A_1293, %broadcast_in_dim3A_1313] : memref<128x32xf32, #tpu.memory_space<vmem>>[vector<16xi32>, vector<16xi32>], vector<16xf32>,
      %mul3A_1316 = arith.mulf %gather3A_1314, %gather3A_1315 : vector<16xf32>
      %add3A_1317 = arith.addf %add3A_1311, %mul3A_1316 : vector<16xf32>
      %broadcast_in_dim3A_1318 = arith.constant 4 : i32
      %broadcast_in_dim3A_1319 = vector.broadcast %broadcast_in_dim3A_1318 : i32 to vector<16xi32>
      %gather3A_1320 = tpu.vector_load_idx %arg12[%add3A_1293, %broadcast_in_dim3A_1319] : memref<128x32xf32, #tpu.memory_space<vmem>>[vector<16xi32>, vector<16xi32>], vector<16xf32>,
      %gather3A_1321 = tpu.vector_load_idx %arg13[%add3A_1293, %broadcast_in_dim3A_1319] : memref<128x32xf32, #tpu.memory_space<vmem>>[vector<16xi32>, vector<16xi32>], vector<16xf32>,
      %mul3A_1322 = arith.mulf %gather3A_1320, %gather3A_1321 : vector<16xf32>
      %add3A_1323 = arith.addf %add3A_1317, %mul3A_1322 : vector<16xf32>
      %broadcast_in_dim3A_1324 = arith.constant 5 : i32
      %broadcast_in_dim3A_1325 = vector.broadcast %broadcast_in_dim3A_1324 : i32 to vector<16xi32>
      %gather3A_1326 = tpu.vector_load_idx %arg12[%add3A_1293, %broadcast_in_dim3A_1325] : memref<128x32xf32, #tpu.memory_space<vmem>>[vector<16xi32>, vector<16xi32>], vector<16xf32>,
      %gather3A_1327 = tpu.vector_load_idx %arg13[%add3A_1293, %broadcast_in_dim3A_1325] : memref<128x32xf32, #tpu.memory_space<vmem>>[vector<16xi32>, vector<16xi32>], vector<16xf32>,
      %mul3A_1328 = arith.mulf %gather3A_1326, %gather3A_1327 : vector<16xf32>
      %add3A_1329 = arith.addf %add3A_1323, %mul3A_1328 : vector<16xf32>
      %broadcast_in_dim3A_1330 = arith.constant 6 : i32
      %broadcast_in_dim3A_1331 = vector.broadcast %broadcast_in_dim3A_1330 : i32 to vector<16xi32>
      %gather3A_1332 = tpu.vector_load_idx %arg12[%add3A_1293, %broadcast_in_dim3A_1331] : memref<128x32xf32, #tpu.memory_space<vmem>>[vector<16xi32>, vector<16xi32>], vector<16xf32>,
      %gather3A_1333 = tpu.vector_load_idx %arg13[%add3A_1293, %broadcast_in_dim3A_1331] : memref<128x32xf32, #tpu.memory_space<vmem>>[vector<16xi32>, vector<16xi32>], vector<16xf32>,
      %mul3A_1334 = arith.mulf %gather3A_1332, %gather3A_1333 : vector<16xf32>
      %add3A_1335 = arith.addf %add3A_1329, %mul3A_1334 : vector<16xf32>
      %broadcast_in_dim3A_1336 = arith.constant 7 : i32
      %broadcast_in_dim3A_1337 = vector.broadcast %broadcast_in_dim3A_1336 : i32 to vector<16xi32>
      %gather3A_1338 = tpu.vector_load_idx %arg12[%add3A_1293, %broadcast_in_dim3A_1337] : memref<128x32xf32, #tpu.memory_space<vmem>>[vector<16xi32>, vector<16xi32>], vector<16xf32>,
      %gather3A_1339 = tpu.vector_load_idx %arg13[%add3A_1293, %broadcast_in_dim3A_1337] : memref<128x32xf32, #tpu.memory_space<vmem>>[vector<16xi32>, vector<16xi32>], vector<16xf32>,
      %mul3A_1340 = arith.mulf %gather3A_1338, %gather3A_1339 : vector<16xf32>
      %add3A_1341 = arith.addf %add3A_1335, %mul3A_1340 : vector<16xf32>
      %broadcast_in_dim3A_1342 = arith.constant 8 : i32
      %broadcast_in_dim3A_1343 = vector.broadcast %broadcast_in_dim3A_1342 : i32 to vector<16xi32>
      %gather3A_1344 = tpu.vector_load_idx %arg12[%add3A_1293, %broadcast_in_dim3A_1343] : memref<128x32xf32, #tpu.memory_space<vmem>>[vector<16xi32>, vector<16xi32>], vector<16xf32>,
      %gather3A_1345 = tpu.vector_load_idx %arg13[%add3A_1293, %broadcast_in_dim3A_1343] : memref<128x32xf32, #tpu.memory_space<vmem>>[vector<16xi32>, vector<16xi32>], vector<16xf32>,
      %mul3A_1346 = arith.mulf %gather3A_1344, %gather3A_1345 : vector<16xf32>
      %add3A_1347 = arith.addf %add3A_1341, %mul3A_1346 : vector<16xf32>
      %broadcast_in_dim3A_1348 = arith.constant 9 : i32
      %broadcast_in_dim3A_1349 = vector.broadcast %broadcast_in_dim3A_1348 : i32 to vector<16xi32>
      %gather3A_1350 = tpu.vector_load_idx %arg12[%add3A_1293, %broadcast_in_dim3A_1349] : memref<128x32xf32, #tpu.memory_space<vmem>>[vector<16xi32>, vector<16xi32>], vector<16xf32>,
      %gather3A_1351 = tpu.vector_load_idx %arg13[%add3A_1293, %broadcast_in_dim3A_1349] : memref<128x32xf32, #tpu.memory_space<vmem>>[vector<16xi32>, vector<16xi32>], vector<16xf32>,
      %mul3A_1352 = arith.mulf %gather3A_1350, %gather3A_1351 : vector<16xf32>
      %add3A_1353 = arith.addf %add3A_1347, %mul3A_1352 : vector<16xf32>
      %broadcast_in_dim3A_1354 = arith.constant 10 : i32
      %broadcast_in_dim3A_1355 = vector.broadcast %broadcast_in_dim3A_1354 : i32 to vector<16xi32>
      %gather3A_1356 = tpu.vector_load_idx %arg12[%add3A_1293, %broadcast_in_dim3A_1355] : memref<128x32xf32, #tpu.memory_space<vmem>>[vector<16xi32>, vector<16xi32>], vector<16xf32>,
      %gather3A_1357 = tpu.vector_load_idx %arg13[%add3A_1293, %broadcast_in_dim3A_1355] : memref<128x32xf32, #tpu.memory_space<vmem>>[vector<16xi32>, vector<16xi32>], vector<16xf32>,
      %mul3A_1358 = arith.mulf %gather3A_1356, %gather3A_1357 : vector<16xf32>
      %add3A_1359 = arith.addf %add3A_1353, %mul3A_1358 : vector<16xf32>
      %broadcast_in_dim3A_1360 = arith.constant 11 : i32
      %broadcast_in_dim3A_1361 = vector.broadcast %broadcast_in_dim3A_1360 : i32 to vector<16xi32>
      %gather3A_1362 = tpu.vector_load_idx %arg12[%add3A_1293, %broadcast_in_dim3A_1361] : memref<128x32xf32, #tpu.memory_space<vmem>>[vector<16xi32>, vector<16xi32>], vector<16xf32>,
      %gather3A_1363 = tpu.vector_load_idx %arg13[%add3A_1293, %broadcast_in_dim3A_1361] : memref<128x32xf32, #tpu.memory_space<vmem>>[vector<16xi32>, vector<16xi32>], vector<16xf32>,
      %mul3A_1364 = arith.mulf %gather3A_1362, %gather3A_1363 : vector<16xf32>
      %add3A_1365 = arith.addf %add3A_1359, %mul3A_1364 : vector<16xf32>
      %broadcast_in_dim3A_1366 = arith.constant 12 : i32
      %broadcast_in_dim3A_1367 = vector.broadcast %broadcast_in_dim3A_1366 : i32 to vector<16xi32>
      %gather3A_1368 = tpu.vector_load_idx %arg12[%add3A_1293, %broadcast_in_dim3A_1367] : memref<128x32xf32, #tpu.memory_space<vmem>>[vector<16xi32>, vector<16xi32>], vector<16xf32>,
      %gather3A_1369 = tpu.vector_load_idx %arg13[%add3A_1293, %broadcast_in_dim3A_1367] : memref<128x32xf32, #tpu.memory_space<vmem>>[vector<16xi32>, vector<16xi32>], vector<16xf32>,
      %mul3A_1370 = arith.mulf %gather3A_1368, %gather3A_1369 : vector<16xf32>
      %add3A_1371 = arith.addf %add3A_1365, %mul3A_1370 : vector<16xf32>
      %broadcast_in_dim3A_1372 = arith.constant 13 : i32
      %broadcast_in_dim3A_1373 = vector.broadcast %broadcast_in_dim3A_1372 : i32 to vector<16xi32>
      %gather3A_1374 = tpu.vector_load_idx %arg12[%add3A_1293, %broadcast_in_dim3A_1373] : memref<128x32xf32, #tpu.memory_space<vmem>>[vector<16xi32>, vector<16xi32>], vector<16xf32>,
      %gather3A_1375 = tpu.vector_load_idx %arg13[%add3A_1293, %broadcast_in_dim3A_1373] : memref<128x32xf32, #tpu.memory_space<vmem>>[vector<16xi32>, vector<16xi32>], vector<16xf32>,
      %mul3A_1376 = arith.mulf %gather3A_1374, %gather3A_1375 : vector<16xf32>
      %add3A_1377 = arith.addf %add3A_1371, %mul3A_1376 : vector<16xf32>
      %broadcast_in_dim3A_1378 = arith.constant 14 : i32
      %broadcast_in_dim3A_1379 = vector.broadcast %broadcast_in_dim3A_1378 : i32 to vector<16xi32>
      %gather3A_1380 = tpu.vector_load_idx %arg12[%add3A_1293, %broadcast_in_dim3A_1379] : memref<128x32xf32, #tpu.memory_space<vmem>>[vector<16xi32>, vector<16xi32>], vector<16xf32>,
      %gather3A_1381 = tpu.vector_load_idx %arg13[%add3A_1293, %broadcast_in_dim3A_1379] : memref<128x32xf32, #tpu.memory_space<vmem>>[vector<16xi32>, vector<16xi32>], vector<16xf32>,
      %mul3A_1382 = arith.mulf %gather3A_1380, %gather3A_1381 : vector<16xf32>
      %add3A_1383 = arith.addf %add3A_1377, %mul3A_1382 : vector<16xf32>
      %broadcast_in_dim3A_1384 = arith.constant 15 : i32
      %broadcast_in_dim3A_1385 = vector.broadcast %broadcast_in_dim3A_1384 : i32 to vector<16xi32>
      %gather3A_1386 = tpu.vector_load_idx %arg12[%add3A_1293, %broadcast_in_dim3A_1385] : memref<128x32xf32, #tpu.memory_space<vmem>>[vector<16xi32>, vector<16xi32>], vector<16xf32>,
      %gather3A_1387 = tpu.vector_load_idx %arg13[%add3A_1293, %broadcast_in_dim3A_1385] : memref<128x32xf32, #tpu.memory_space<vmem>>[vector<16xi32>, vector<16xi32>], vector<16xf32>,
      %mul3A_1388 = arith.mulf %gather3A_1386, %gather3A_1387 : vector<16xf32>
      %add3A_1389 = arith.addf %add3A_1383, %mul3A_1388 : vector<16xf32>
      %broadcast_in_dim3A_1390 = arith.constant 16 : i32
      %broadcast_in_dim3A_1391 = vector.broadcast %broadcast_in_dim3A_1390 : i32 to vector<16xi32>
      %gather3A_1392 = tpu.vector_load_idx %arg12[%add3A_1293, %broadcast_in_dim3A_1391] : memref<128x32xf32, #tpu.memory_space<vmem>>[vector<16xi32>, vector<16xi32>], vector<16xf32>,
      %gather3A_1393 = tpu.vector_load_idx %arg13[%add3A_1293, %broadcast_in_dim3A_1391] : memref<128x32xf32, #tpu.memory_space<vmem>>[vector<16xi32>, vector<16xi32>], vector<16xf32>,
      %mul3A_1394 = arith.mulf %gather3A_1392, %gather3A_1393 : vector<16xf32>
      %add3A_1395 = arith.addf %add3A_1389, %mul3A_1394 : vector<16xf32>
      %broadcast_in_dim3A_1396 = arith.constant 17 : i32
      %broadcast_in_dim3A_1397 = vector.broadcast %broadcast_in_dim3A_1396 : i32 to vector<16xi32>
      %gather3A_1398 = tpu.vector_load_idx %arg12[%add3A_1293, %broadcast_in_dim3A_1397] : memref<128x32xf32, #tpu.memory_space<vmem>>[vector<16xi32>, vector<16xi32>], vector<16xf32>,
      %gather3A_1399 = tpu.vector_load_idx %arg13[%add3A_1293, %broadcast_in_dim3A_1397] : memref<128x32xf32, #tpu.memory_space<vmem>>[vector<16xi32>, vector<16xi32>], vector<16xf32>,
      %mul3A_1400 = arith.mulf %gather3A_1398, %gather3A_1399 : vector<16xf32>
      %add3A_1401 = arith.addf %add3A_1395, %mul3A_1400 : vector<16xf32>
      %broadcast_in_dim3A_1402 = arith.constant 18 : i32
      %broadcast_in_dim3A_1403 = vector.broadcast %broadcast_in_dim3A_1402 : i32 to vector<16xi32>
      %gather3A_1404 = tpu.vector_load_idx %arg12[%add3A_1293, %broadcast_in_dim3A_1403] : memref<128x32xf32, #tpu.memory_space<vmem>>[vector<16xi32>, vector<16xi32>], vector<16xf32>,
      %gather3A_1405 = tpu.vector_load_idx %arg13[%add3A_1293, %broadcast_in_dim3A_1403] : memref<128x32xf32, #tpu.memory_space<vmem>>[vector<16xi32>, vector<16xi32>], vector<16xf32>,
      %mul3A_1406 = arith.mulf %gather3A_1404, %gather3A_1405 : vector<16xf32>
      %add3A_1407 = arith.addf %add3A_1401, %mul3A_1406 : vector<16xf32>
      %broadcast_in_dim3A_1408 = arith.constant 19 : i32
      %broadcast_in_dim3A_1409 = vector.broadcast %broadcast_in_dim3A_1408 : i32 to vector<16xi32>
      %gather3A_1410 = tpu.vector_load_idx %arg12[%add3A_1293, %broadcast_in_dim3A_1409] : memref<128x32xf32, #tpu.memory_space<vmem>>[vector<16xi32>, vector<16xi32>], vector<16xf32>,
      %gather3A_1411 = tpu.vector_load_idx %arg13[%add3A_1293, %broadcast_in_dim3A_1409] : memref<128x32xf32, #tpu.memory_space<vmem>>[vector<16xi32>, vector<16xi32>], vector<16xf32>,
      %mul3A_1412 = arith.mulf %gather3A_1410, %gather3A_1411 : vector<16xf32>
      %add3A_1413 = arith.addf %add3A_1407, %mul3A_1412 : vector<16xf32>
      %broadcast_in_dim3A_1414 = arith.constant 20 : i32
      %broadcast_in_dim3A_1415 = vector.broadcast %broadcast_in_dim3A_1414 : i32 to vector<16xi32>
      %gather3A_1416 = tpu.vector_load_idx %arg12[%add3A_1293, %broadcast_in_dim3A_1415] : memref<128x32xf32, #tpu.memory_space<vmem>>[vector<16xi32>, vector<16xi32>], vector<16xf32>,
      %gather3A_1417 = tpu.vector_load_idx %arg13[%add3A_1293, %broadcast_in_dim3A_1415] : memref<128x32xf32, #tpu.memory_space<vmem>>[vector<16xi32>, vector<16xi32>], vector<16xf32>,
      %mul3A_1418 = arith.mulf %gather3A_1416, %gather3A_1417 : vector<16xf32>
      %add3A_1419 = arith.addf %add3A_1413, %mul3A_1418 : vector<16xf32>
      %broadcast_in_dim3A_1420 = arith.constant 21 : i32
      %broadcast_in_dim3A_1421 = vector.broadcast %broadcast_in_dim3A_1420 : i32 to vector<16xi32>
      %gather3A_1422 = tpu.vector_load_idx %arg12[%add3A_1293, %broadcast_in_dim3A_1421] : memref<128x32xf32, #tpu.memory_space<vmem>>[vector<16xi32>, vector<16xi32>], vector<16xf32>,
      %gather3A_1423 = tpu.vector_load_idx %arg13[%add3A_1293, %broadcast_in_dim3A_1421] : memref<128x32xf32, #tpu.memory_space<vmem>>[vector<16xi32>, vector<16xi32>], vector<16xf32>,
      %mul3A_1424 = arith.mulf %gather3A_1422, %gather3A_1423 : vector<16xf32>
      %add3A_1425 = arith.addf %add3A_1419, %mul3A_1424 : vector<16xf32>
      %broadcast_in_dim3A_1426 = arith.constant 22 : i32
      %broadcast_in_dim3A_1427 = vector.broadcast %broadcast_in_dim3A_1426 : i32 to vector<16xi32>
      %gather3A_1428 = tpu.vector_load_idx %arg12[%add3A_1293, %broadcast_in_dim3A_1427] : memref<128x32xf32, #tpu.memory_space<vmem>>[vector<16xi32>, vector<16xi32>], vector<16xf32>,
      %gather3A_1429 = tpu.vector_load_idx %arg13[%add3A_1293, %broadcast_in_dim3A_1427] : memref<128x32xf32, #tpu.memory_space<vmem>>[vector<16xi32>, vector<16xi32>], vector<16xf32>,
      %mul3A_1430 = arith.mulf %gather3A_1428, %gather3A_1429 : vector<16xf32>
      %add3A_1431 = arith.addf %add3A_1425, %mul3A_1430 : vector<16xf32>
      %broadcast_in_dim3A_1432 = arith.constant 23 : i32
      %broadcast_in_dim3A_1433 = vector.broadcast %broadcast_in_dim3A_1432 : i32 to vector<16xi32>
      %gather3A_1434 = tpu.vector_load_idx %arg12[%add3A_1293, %broadcast_in_dim3A_1433] : memref<128x32xf32, #tpu.memory_space<vmem>>[vector<16xi32>, vector<16xi32>], vector<16xf32>,
      %gather3A_1435 = tpu.vector_load_idx %arg13[%add3A_1293, %broadcast_in_dim3A_1433] : memref<128x32xf32, #tpu.memory_space<vmem>>[vector<16xi32>, vector<16xi32>], vector<16xf32>,
      %mul3A_1436 = arith.mulf %gather3A_1434, %gather3A_1435 : vector<16xf32>
      %add3A_1437 = arith.addf %add3A_1431, %mul3A_1436 : vector<16xf32>
      %broadcast_in_dim3A_1438 = arith.constant 24 : i32
      %broadcast_in_dim3A_1439 = vector.broadcast %broadcast_in_dim3A_1438 : i32 to vector<16xi32>
      %gather3A_1440 = tpu.vector_load_idx %arg12[%add3A_1293, %broadcast_in_dim3A_1439] : memref<128x32xf32, #tpu.memory_space<vmem>>[vector<16xi32>, vector<16xi32>], vector<16xf32>,
      %gather3A_1441 = tpu.vector_load_idx %arg13[%add3A_1293, %broadcast_in_dim3A_1439] : memref<128x32xf32, #tpu.memory_space<vmem>>[vector<16xi32>, vector<16xi32>], vector<16xf32>,
      %mul3A_1442 = arith.mulf %gather3A_1440, %gather3A_1441 : vector<16xf32>
      %add3A_1443 = arith.addf %add3A_1437, %mul3A_1442 : vector<16xf32>
      %broadcast_in_dim3A_1444 = arith.constant 25 : i32
      %broadcast_in_dim3A_1445 = vector.broadcast %broadcast_in_dim3A_1444 : i32 to vector<16xi32>
      %gather3A_1446 = tpu.vector_load_idx %arg12[%add3A_1293, %broadcast_in_dim3A_1445] : memref<128x32xf32, #tpu.memory_space<vmem>>[vector<16xi32>, vector<16xi32>], vector<16xf32>,
      %gather3A_1447 = tpu.vector_load_idx %arg13[%add3A_1293, %broadcast_in_dim3A_1445] : memref<128x32xf32, #tpu.memory_space<vmem>>[vector<16xi32>, vector<16xi32>], vector<16xf32>,
      %mul3A_1448 = arith.mulf %gather3A_1446, %gather3A_1447 : vector<16xf32>
      %add3A_1449 = arith.addf %add3A_1443, %mul3A_1448 : vector<16xf32>
      %broadcast_in_dim3A_1450 = arith.constant 26 : i32
      %broadcast_in_dim3A_1451 = vector.broadcast %broadcast_in_dim3A_1450 : i32 to vector<16xi32>
      %gather3A_1452 = tpu.vector_load_idx %arg12[%add3A_1293, %broadcast_in_dim3A_1451] : memref<128x32xf32, #tpu.memory_space<vmem>>[vector<16xi32>, vector<16xi32>], vector<16xf32>,
      %gather3A_1453 = tpu.vector_load_idx %arg13[%add3A_1293, %broadcast_in_dim3A_1451] : memref<128x32xf32, #tpu.memory_space<vmem>>[vector<16xi32>, vector<16xi32>], vector<16xf32>,
      %mul3A_1454 = arith.mulf %gather3A_1452, %gather3A_1453 : vector<16xf32>
      %add3A_1455 = arith.addf %add3A_1449, %mul3A_1454 : vector<16xf32>
      %broadcast_in_dim3A_1456 = arith.constant 27 : i32
      %broadcast_in_dim3A_1457 = vector.broadcast %broadcast_in_dim3A_1456 : i32 to vector<16xi32>
      %gather3A_1458 = tpu.vector_load_idx %arg12[%add3A_1293, %broadcast_in_dim3A_1457] : memref<128x32xf32, #tpu.memory_space<vmem>>[vector<16xi32>, vector<16xi32>], vector<16xf32>,
      %gather3A_1459 = tpu.vector_load_idx %arg13[%add3A_1293, %broadcast_in_dim3A_1457] : memref<128x32xf32, #tpu.memory_space<vmem>>[vector<16xi32>, vector<16xi32>], vector<16xf32>,
      %mul3A_1460 = arith.mulf %gather3A_1458, %gather3A_1459 : vector<16xf32>
      %add3A_1461 = arith.addf %add3A_1455, %mul3A_1460 : vector<16xf32>
      %broadcast_in_dim3A_1462 = arith.constant 28 : i32
      %broadcast_in_dim3A_1463 = vector.broadcast %broadcast_in_dim3A_1462 : i32 to vector<16xi32>
      %gather3A_1464 = tpu.vector_load_idx %arg12[%add3A_1293, %broadcast_in_dim3A_1463] : memref<128x32xf32, #tpu.memory_space<vmem>>[vector<16xi32>, vector<16xi32>], vector<16xf32>,
      %gather3A_1465 = tpu.vector_load_idx %arg13[%add3A_1293, %broadcast_in_dim3A_1463] : memref<128x32xf32, #tpu.memory_space<vmem>>[vector<16xi32>, vector<16xi32>], vector<16xf32>,
      %mul3A_1466 = arith.mulf %gather3A_1464, %gather3A_1465 : vector<16xf32>
      %add3A_1467 = arith.addf %add3A_1461, %mul3A_1466 : vector<16xf32>
      %broadcast_in_dim3A_1468 = arith.constant 29 : i32
      %broadcast_in_dim3A_1469 = vector.broadcast %broadcast_in_dim3A_1468 : i32 to vector<16xi32>
      %gather3A_1470 = tpu.vector_load_idx %arg12[%add3A_1293, %broadcast_in_dim3A_1469] : memref<128x32xf32, #tpu.memory_space<vmem>>[vector<16xi32>, vector<16xi32>], vector<16xf32>,
      %gather3A_1471 = tpu.vector_load_idx %arg13[%add3A_1293, %broadcast_in_dim3A_1469] : memref<128x32xf32, #tpu.memory_space<vmem>>[vector<16xi32>, vector<16xi32>], vector<16xf32>,
      %mul3A_1472 = arith.mulf %gather3A_1470, %gather3A_1471 : vector<16xf32>
      %add3A_1473 = arith.addf %add3A_1467, %mul3A_1472 : vector<16xf32>
      %broadcast_in_dim3A_1474 = arith.constant 30 : i32
      %broadcast_in_dim3A_1475 = vector.broadcast %broadcast_in_dim3A_1474 : i32 to vector<16xi32>
      %gather3A_1476 = tpu.vector_load_idx %arg12[%add3A_1293, %broadcast_in_dim3A_1475] : memref<128x32xf32, #tpu.memory_space<vmem>>[vector<16xi32>, vector<16xi32>], vector<16xf32>,
      %gather3A_1477 = tpu.vector_load_idx %arg13[%add3A_1293, %broadcast_in_dim3A_1475] : memref<128x32xf32, #tpu.memory_space<vmem>>[vector<16xi32>, vector<16xi32>], vector<16xf32>,
      %mul3A_1478 = arith.mulf %gather3A_1476, %gather3A_1477 : vector<16xf32>
      %add3A_1479 = arith.addf %add3A_1473, %mul3A_1478 : vector<16xf32>
      %broadcast_in_dim3A_1480 = arith.constant 31 : i32
      %broadcast_in_dim3A_1481 = vector.broadcast %broadcast_in_dim3A_1480 : i32 to vector<16xi32>
      %gather3A_1482 = tpu.vector_load_idx %arg12[%add3A_1293, %broadcast_in_dim3A_1481] : memref<128x32xf32, #tpu.memory_space<vmem>>[vector<16xi32>, vector<16xi32>], vector<16xf32>,
      %gather3A_1483 = tpu.vector_load_idx %arg13[%add3A_1293, %broadcast_in_dim3A_1481] : memref<128x32xf32, #tpu.memory_space<vmem>>[vector<16xi32>, vector<16xi32>], vector<16xf32>,
      %mul3A_1484 = arith.mulf %gather3A_1482, %gather3A_1483 : vector<16xf32>
      %add3A_1485 = arith.addf %add3A_1479, %mul3A_1484 : vector<16xf32>
      %swap3A_1486 = arith.constant 3 : i32
      %swap3A_1487 = arith.index_cast %swap3A_1486 : i32 to index
      %swap3A_1488 = arith.index_cast %mul3A_1289 : i32 to index
      %swap3A_1489 = tpu.vector_load %arg14[%swap3A_1487, %swap3A_1488] {strides = array<i32>} : memref<4x128xf32, #tpu.memory_space<vmem>>, vector<16xf32>,
      tpu.vector_store %arg14[%swap3A_1487, %swap3A_1488], %add3A_1485 {strides = array<i32>} : memref<4x128xf32, #tpu.memory_space<vmem>>, vector<16xf32>,
      %scan3A_1490 = arith.constant 0 : i32
      scf.yield %scan3A_1490 : i32
    }
    %scan3A_1285 = arith.constant 8 : i32
    "tpu.region"() ({
      %run_scoped3A = tpu.sem_alloc : memref<!tpu.dma_semaphore, #tpu.memory_space<semaphore_mem>>
      %dma_start3A_1286 = arith.constant 0 : i32
      %dma_start3A_1287 = tpu.memref_slice %arg5[%mul3A_2, %dma_start3A_1286] : memref<128x128xf32, #tpu.memory_space<hbm>> -> memref<4x128xf32, #tpu.memory_space<hbm>>
      %dma_start3A_1288 = arith.constant 0 : i32
      %dma_start3A_1289 = tpu.memref_slice %arg5[%mul3A_2, %dma_start3A_1288] : memref<128x128xf32, #tpu.memory_space<hbm>> -> memref<4x128xf32, #tpu.memory_space<hbm>>
      tpu.enqueue_dma source(%arg14 : memref<4x128xf32, #tpu.memory_space<vmem>>) target(%dma_start3A_1289 : memref<4x128xf32, #tpu.memory_space<hbm>>) target_semaphore(%run_scoped3A : memref<!tpu.dma_semaphore, #tpu.memory_space<semaphore_mem>>)
      %dma_wait3A_1290 = arith.constant 0 : i32
      %dma_wait3A_1291 = tpu.memref_slice %arg5[%mul3A_2, %dma_wait3A_1290] : memref<128x128xf32, #tpu.memory_space<hbm>> -> memref<4x128xf32, #tpu.memory_space<hbm>>
      %dma_wait3A_1292 = arith.constant 0 : i32
      %dma_wait3A_1293 = tpu.memref_slice %arg5[%mul3A_2, %dma_wait3A_1292] : memref<128x128xf32, #tpu.memory_space<hbm>> -> memref<4x128xf32, #tpu.memory_space<hbm>>
      tpu.wait_dma2 semaphore(%run_scoped3A : memref<!tpu.dma_semaphore, #tpu.memory_space<semaphore_mem>>) src(%arg14 : memref<4x128xf32, #tpu.memory_space<vmem>>) dst(%dma_wait3A_1293 : memref<4x128xf32, #tpu.memory_space<hbm>>)
      tpu.yield
    }) : () -> ()
    return
  }
}

module attributes {stable_mosaic.version = 14 : i64} {
  func.func @_tc_relayout_body(%arg0: i32, %arg1: memref<32x16384xf32, #tpu.memory_space<vmem>>, %arg2: memref<32x16384xf32, #tpu.memory_space<vmem>>, %arg3: memref<32x16384xf32, #tpu.memory_space<vmem>>, %arg4: memref<32x16384xf32, #tpu.memory_space<vmem>>, %arg5: memref<16384x128xf32, #tpu.memory_space<vmem>>) attributes {dimension_semantics = [#tpu.dimension_semantics<arbitrary>], iteration_bounds = array<i64: 16>, scalar_prefetch = 0 : i64, scratch_operands = 0 : i64, tpu.core_type = #tpu.core_type<tc>, window_params = [{transform_indices = @transform_0, window_bounds = array<i64: 32, 16384>}, {transform_indices = @transform_1, window_bounds = array<i64: 32, 16384>}, {transform_indices = @transform_2, window_bounds = array<i64: 32, 16384>}, {transform_indices = @transform_3, window_bounds = array<i64: 32, 16384>}, {transform_indices = @transform_4, window_bounds = array<i64: 16384, 128>}]} {
    %get3A = arith.constant 0 : index
    %get3A_0 = arith.constant 0 : index
    %get3A_1 = vector.load %arg1[%get3A, %get3A_0] : memref<32x16384xf32, #tpu.memory_space<vmem>>, vector<32x16384xf32>
    %get3A_2 = arith.constant 0 : index
    %get3A_3 = arith.constant 0 : index
    %get3A_4 = vector.load %arg2[%get3A_2, %get3A_3] : memref<32x16384xf32, #tpu.memory_space<vmem>>, vector<32x16384xf32>
    %get3A_5 = arith.constant 0 : index
    %get3A_6 = arith.constant 0 : index
    %get3A_7 = vector.load %arg3[%get3A_5, %get3A_6] : memref<32x16384xf32, #tpu.memory_space<vmem>>, vector<32x16384xf32>
    %get3A_8 = arith.constant 0 : index
    %get3A_9 = arith.constant 0 : index
    %get3A_10 = vector.load %arg4[%get3A_8, %get3A_9] : memref<32x16384xf32, #tpu.memory_space<vmem>>, vector<32x16384xf32>
    %concatenate3A = tpu.concatenate %get3A_1, %get3A_4, %get3A_7, %get3A_10 in 0 : vector<32x16384xf32>, vector<32x16384xf32>, vector<32x16384xf32>, vector<32x16384xf32> -> vector<128x16384xf32>
    %transpose3A = tpu.transpose %concatenate3A, [1, 0] : vector<128x16384xf32> -> vector<16384x128xf32>
    %swap3A = arith.constant 0 : index
    %swap3A_11 = arith.constant 0 : index
    %swap3A_12 = vector.load %arg5[%swap3A, %swap3A_11] : memref<16384x128xf32, #tpu.memory_space<vmem>>, vector<16384x128xf32>
    tpu.vector_store %arg5[%swap3A, %swap3A_11], %transpose3A {strides = array<i32>} : memref<16384x128xf32, #tpu.memory_space<vmem>>, vector<16384x128xf32>,
    return
  }
  func.func @transform_0(%arg0: i32) -> (i32, i32) {
    %add3A = arith.constant 0 : i32
    %add3A_0 = arith.addi %add3A, %arg0 : i32
    %min3A = arith.constant 61 : i32
    %min3A_1 = arith.minsi %add3A_0, %min3A : i32
    %c0_i32 = arith.constant 0 : i32
    %c0_i32_2 = arith.constant 0 : i32
    return %c0_i32, %min3A_1 : i32, i32
  }
  func.func @transform_1(%arg0: i32) -> (i32, i32) {
    %add3A = arith.constant 16 : i32
    %add3A_0 = arith.addi %add3A, %arg0 : i32
    %min3A = arith.constant 61 : i32
    %min3A_1 = arith.minsi %add3A_0, %min3A : i32
    %c0_i32 = arith.constant 0 : i32
    %c0_i32_2 = arith.constant 0 : i32
    return %c0_i32, %min3A_1 : i32, i32
  }
  func.func @transform_2(%arg0: i32) -> (i32, i32) {
    %add3A = arith.constant 32 : i32
    %add3A_0 = arith.addi %add3A, %arg0 : i32
    %min3A = arith.constant 61 : i32
    %min3A_1 = arith.minsi %add3A_0, %min3A : i32
    %c0_i32 = arith.constant 0 : i32
    %c0_i32_2 = arith.constant 0 : i32
    return %c0_i32, %min3A_1 : i32, i32
  }
  func.func @transform_3(%arg0: i32) -> (i32, i32) {
    %add3A = arith.constant 48 : i32
    %add3A_0 = arith.addi %add3A, %arg0 : i32
    %min3A = arith.constant 61 : i32
    %min3A_1 = arith.minsi %add3A_0, %min3A : i32
    %c0_i32 = arith.constant 0 : i32
    %c0_i32_2 = arith.constant 0 : i32
    return %c0_i32, %min3A_1 : i32, i32
  }
  func.func @transform_4(%arg0: i32) -> (i32, i32) {
    %c0_i32 = arith.constant 0 : i32
    %c0_i32_0 = arith.constant 0 : i32
    return %arg0, %c0_i32 : i32, i32
  }
}

</mosaic_0001>

<sc_bundles>
// kernel: kernel.4.cloned.1.call-start
scs
__scs_entry_jumppad:
0x0: {  	(pc) =	sbr.rel $0x88, $3  }
0x1: {  	(tag) =	ssettag $0x0;
	lr =	simm.s32 $0x1  }
0x2: {  	[smem:$0x3F9E] =	sst lr;
	_ =	strace $0xD0000000  }
0x3: {  	_ = 	snop  }
0x4: {  	_ = 	snop  }
0x5: {  	_ = 	snop  }
0x6: {  	_ = 	snop  }
0x7: {  	_ = 	snop  }
__scs_overlays_trampoline_lowered:
0x8: {  	[smem:$0x3FAD] =	sst s0  }
0x9: {  	[smem:$0x3FAE] =	sst s1  }
0xa: {  	[smem:$0x3FAF] =	sst s2  }
0xb: {  	[smem:$0x3FB0] =	sst s3  }
0xc: {  	[smem:$0x3FB1] =	sst s4  }
0xd: {  	[smem:$0x3FB2] =	sst s5  }
0xe: {  	[smem:$0x3FB3] =	sst s6  }
0xf: {  	[smem:$0x3FB4] =	sst s7  }
0x10: {  	[smem:$0x3FB5] =	sst s8  }
0x11: {  	[smem:$0x3FB6] =	sst s9;
	s0 =	simm.s32 @!p0 $0x0  }
0x12: {  	s1 =	sld [smem:$0x3F9C];
	s0 =	simm.s32 @p0 $0x1  }
0x13: {  	[smem:$0x3FB7] =	sst s0;
	s0 =	simm.s32 @!p1 $0x0  }
0x14: {  	s2 =	sld [smem:$0x3F9B];
	s0 =	simm.s32 @p1 $0x1  }
0x15: {  	[smem:$0x3FB8] =	sst s0;
	s0 =	simm.s32 @!p2 $0x0  }
0x16: {  	s3 =	sld [smem:$0x3FDB];
	s0 =	simm.s32 @p2 $0x1  }
0x17: {  	s4 =	simm.s32 $0x1BF5;
	[smem:$0x3FBA] =	sst s0  }
0x18: {  	s0 =	sld [smem:$0x3F9D];
	_ =	swait.ge [sflag:s4], $0x0  }
0x19: {  	s7 =	sld [smem:$0x3F9E]  }
0x1a: {  	s8 =	sadd.s32 $0xFFFFE003, lr  }
0x1b: {  	s9 =	sadd.s32 $0xFFFFFEF7, lr;
	s5 =	simm.s32 $0xFFFFFFFF;
	p2 =	slt.u32 s8, $0xFFFFF086  }
0x1c: {  	p1 =	slt.u32 s9, $0xF7A;
	s5 =	simm.s32 @!p2 $0x0  }
0x1d: {  	s5 =	simm.s32 @p1 $0x1;
	p0 =	seq.s32 s7, s2  }
0x1e: {  	s7 =	smul.u32 @!p0 $0xF7A, s2;
	p2 =	seq.s32 @!p0 s5, $0x0  }
0x1f: {  	s9 =	smul.u32 $0xF7A, s1;
	s8 =	simm.s32 @!p0 $0x1BF5;
	p2 =	por !p2, p0  }
0x20: {  	[sflag:s8] =	ssyncset.s32 @!p0 $0xFFFFF086;
	s6 =	sadd.s32 @!p0 s3, s7;
	s7 =	simm.s32 @!p0 $0x108  }
0x21: {  	s3 =	sadd.s32 s3, s9;
	s6 =	sadd.s32 @!p0 $0x88, s6;
	s7 =	simm.s32 @p2 $0x1082  }
0x22: {  	[simem:s7], [sflag:s8] =	dma.local @!p0 [hbm:s6], $0xF7A  }
0x23: {  	s9 =	sor.u32 $0xD0000000, s2;
	s6 =	simm.s32 $0x108;
	_ =	swait.ge @!p0 [sflag:s8], $0x0  }
0x24: {  	s3 =	sadd.s32 $0x88, s3;
	s6 =	simm.s32 @!p1 $0x1082;
	[sflag:s4] =	ssyncset.s32 $0xFFFFF086  }
0x25: {  	[simem:s6], [sflag:s4] =	dma.local [hbm:s3], $0xF7A  }
0x26: {  	[smem:$0x3F9E] =	sst s1;
	(tag) =	ssettag s2;
	_ =	strace s9  }
0x27: {  	s1 =	sld [smem:$0x3FAE]  }
0x28: {  	s2 =	sld [smem:$0x3FAF]  }
0x29: {  	s4 =	sld [smem:$0x3FB1]  }
0x2a: {  	p0 =	seq.s32 s5, $0x0;
	s5 =	sld [smem:$0x3FB2]  }
0x2b: {  	s6 =	sld [smem:$0x3FB3]  }
0x2c: {  	s7 =	sld [smem:$0x3FB4]  }
0x2d: {  	s3 =	simm.s32 $0x108;
	s8 =	sld [smem:$0x3FB5]  }
0x2e: {  	s3 =	simm.s32 @!p0 $0x1082;
	s9 =	sld [smem:$0x3FB6]  }
0x2f: {  	lr =	sadd.s32 s0, s3;
	s0 =	sld [smem:$0x3FAD]  }
0x30: {  	s3 =	sld [smem:$0x3FB0]  }
0x31: {  	[smem:$0x3FB9] =	sst s10  }
0x32: {  	s10 =	sld [smem:$0x3FB7];
	_ =	sdelay $0x3  }
0x33: {  	p0 =	seq.s32 s10, $0x1;
	s10 =	sld [smem:$0x3FB9];
	_ =	sdelay $0x3  }
0x34: {  	[smem:$0x3FB9] =	sst s10  }
0x35: {  	s10 =	sld [smem:$0x3FB8];
	_ =	sdelay $0x3  }
0x36: {  	p1 =	seq.s32 s10, $0x1;
	s10 =	sld [smem:$0x3FB9];
	_ =	sdelay $0x3  }
0x37: {  	[smem:$0x3FB9] =	sst s10  }
0x38: {  	s10 =	sld [smem:$0x3FBA]  }
0x39: {  	_ = 	snop;
	(pc) =	sbr.ind lr, $3  }
0x3a: {  	_ = 	snop  }
0x3b: {  	_ = 	snop  }
0x3c: {  	p2 =	seq.s32 s10, $0x1;
	s10 =	sld [smem:$0x3FB9]  }
0x3d: {  	_ =	shalt  }
0x3e: {  	_ =	shalt  }
0x3f: {  	_ =	shalt  }
0x40: {  	_ =	shalt  }
0x41: {  	_ =	shalt  }
0x42: {  	_ =	shalt  }
0x43: {  	_ =	shalt  }
0x44: {  	_ =	shalt  }
0x45: {  	_ =	shalt  }
0x46: {  	_ =	shalt  }
0x47: {  	_ =	shalt  }
0x48: {  	_ =	shalt  }
0x49: {  	_ =	shalt  }
0x4a: {  	_ =	shalt  }
0x4b: {  	_ =	shalt  }
0x4c: {  	_ =	shalt  }
0x4d: {  	_ =	shalt  }
0x4e: {  	_ =	shalt  }
0x4f: {  	_ =	shalt  }
0x50: {  	_ =	shalt  }
0x51: {  	_ =	shalt  }
0x52: {  	_ =	shalt  }
0x53: {  	_ =	shalt  }
0x54: {  	_ =	shalt  }
0x55: {  	_ =	shalt  }
0x56: {  	_ =	shalt  }
0x57: {  	_ =	shalt  }
0x58: {  	_ =	shalt  }
0x59: {  	_ =	shalt  }
0x5a: {  	_ =	shalt  }
0x5b: {  	_ =	shalt  }
0x5c: {  	_ =	shalt  }
0x5d: {  	_ =	shalt  }
0x5e: {  	_ =	shalt  }
0x5f: {  	_ =	shalt  }
0x60: {  	_ =	shalt  }
0x61: {  	_ =	shalt  }
0x62: {  	_ =	shalt  }
0x63: {  	_ =	shalt  }
0x64: {  	_ =	shalt  }
0x65: {  	_ =	shalt  }
0x66: {  	_ =	shalt  }
0x67: {  	_ =	shalt  }
0x68: {  	_ =	shalt  }
0x69: {  	_ =	shalt  }
0x6a: {  	_ =	shalt  }
0x6b: {  	_ =	shalt  }
0x6c: {  	_ =	shalt  }
0x6d: {  	_ =	shalt  }
0x6e: {  	_ =	shalt  }
0x6f: {  	_ =	shalt  }
0x70: {  	_ =	shalt  }
0x71: {  	_ =	shalt  }
0x72: {  	_ =	shalt  }
0x73: {  	_ =	shalt  }
0x74: {  	_ =	shalt  }
0x75: {  	_ =	shalt  }
0x76: {  	_ =	shalt  }
0x77: {  	_ =	shalt  }
0x78: {  	_ =	shalt  }
0x79: {  	_ =	shalt  }
0x7a: {  	_ =	shalt  }
0x7b: {  	_ =	shalt  }
0x7c: {  	_ =	shalt  }
0x7d: {  	_ =	shalt  }
0x7e: {  	_ =	shalt  }
0x7f: {  	_ =	shalt  }
0x80: {  	_ =	shalt  }
0x81: {  	_ =	shalt  }
0x82: {  	_ =	shalt  }
0x83: {  	_ =	shalt  }
0x84: {  	_ =	shalt  }
0x85: {  	_ =	shalt  }
0x86: {  	_ =	shalt  }
0x87: {  	_ =	shalt  }
.Lfunc_end0:
.L_simem_size_0:
called_computation_lowered:
.L_overlay_start_0:
0x88: {  	s2 =	sld [smem:$0x3FD9]  }
0x89: {  	s3 =	sld [smem:$0x3FFE];
	_ =	sdelay $0x1  }
0x8a: {  	s1 =	srdreg.scid  }
0x8b: {  	s0 =	sand.u32 $0x1, s1  }
0x8c: {  	s17 =	sshll.u32 s0, $0xA;
	s2 =	sadd.s32 s3, s2  }
0x8d: {  	s2 =	sadd.s32 s2, s17  }
0x8e: {  	[smem:$0x3FC5] =	sst s2  }
0x8f: {  	_ = 	snop  }
0x90: {  	s2 =	sld [smem:$0x3FC9]  }
0x91: {  	s18 =	sld [smem:$0x3FC8]  }
0x92: {  	s4 =	sld [smem:$0x3FD0];
	(tm) =	ssettm $0x1  }
0x93: {  	s5 =	sld [smem:$0x3FFB];
	_ =	sdelay $0x3  }
0x94: {  	_ =	strace s5  }
0x95: {  	s5 =	sld [smem:$0x3FFC];
	_ =	sdelay $0x3  }
0x96: {  	_ =	strace s5  }
0x97: {  	s5 =	sld [smem:$0x3FFD];
	_ =	sdelay $0x3  }
0x98: {  	_ =	strace s5  }
0x99: {  	_ =	strace $0x8FFFFFFF  }
0x9a: {  	s19 =	sld [smem:$0x3FDB];
	_ =	sdelay $0x1  }
0x9b: {  	s6 =	simm.s32 $_scs_section_size  }
0x9c: {  	s7 =	simm.s32 $_size__tile_overlayer_lowered;
	s8 =	simm.s32 $_tile_overlayer_lowered  }
0x9d: {  	s22 =	simm.s32 $0x1BFF;
	s21 =	sshll.u32 s8, $0x1;
	s5 =	sadd.s32 s6, s19  }
0x9e: {  	s9 =	simm.s32 $0x0;
	s20 =	sshll.u32 s7, $0x1;
	s7 =	sadd.s32 s21, s5  }
0x9f: {  	[timem:s9], [sflag:s22] =	dma.local [hbm:s7], s20  }
0xa0: {  	_ =	swait.ge [sflag:s22], s20  }
0xa1: {  	s6 =	ssub.s32 $0x0, s20;
	[sflag:s22] =	ssyncset.done $0x0  }
0xa2: {  	[sflag:s22] =	ssyncadd.s32 s6;
	_ =	sdelay $0x1  }
0xa3: {  	s23 =	simm.s32 $0x1B8B  }
0xa4: {  	_ =	swait.ge [sflag:s23], $0x1  }
0xa5: {  	[sflag:s23] =	ssyncset.done $0x0  }
0xa6: {  	s25 =	simm.s32 $0x1B8E;
	s24 =	sld [smem:$0x3FFE];
	[sflag:s23] =	ssyncadd.s32 $0xFFFFFFFF  }
0xa7: {  	s26 =	simm.s32 $execute0_lowered;
	[smem:$0x3FD2] =	sst s25  }
0xa8: {  	s7 =	sshll.u32 s26, $0x1;
	_ =	strace $0x80000046;
	[dreg:$0x1] =	wrdreg $0xFFFFFFFF  }
0xa9: {  	s28 =	simm.s32 $_size_execute0_lowered;
	s5 =	sadd.s32 s5, s7;
	[dreg:$0x0] =	wrdreg $0x0  }
0xaa: {  	s7 =	sshll.u32 s28, $0x1;
	[dreg:$0x2] =	wrdreg s5  }
0xab: {  	[dreg:$0x3] =	wrdreg s7  }
0xac: {  	[dreg:$0x4] =	wrdreg $0xC0  }
0xad: {  	_ =	task [dreg:s9], $0x5FFFF  }
0xae: {  	[dreg:$0x1] =	wrdreg $0xFFFFFFFF  }
0xaf: {  	[dreg:$0x0] =	wrdreg $0x60  }
0xb0: {  	[dreg:$0x2] =	wrdreg s24  }
0xb1: {  	[dreg:$0x3] =	wrdreg s2  }
0xb2: {  	[dreg:$0x4] =	wrdreg s18  }
0xb3: {  	[dreg:$0x5] =	wrdreg s4  }
0xb4: {  	[dreg:$0x6] =	wrdreg $0x9  }
0xb5: {  	_ =	task.clear_ibuf [dreg:s9], $0x7FFFF;
	_ =	strace $0x90000046  }
0xb6: {  	s29 =	simm.s32 $0x9;
	_ =	strace $0x80000048  }
0xb7: {  	_ =	swait.ge [sflag:s29], $0x1  }
0xb8: {  	[sflag:s29] =	ssyncadd.s32 $0xFFFFFFFF  }
0xb9: {  	_ =	strace $0x90000048  }
0xba: {  	_ =	sfence  }
0xbb: {  	s30 =	sld [smem:$0x0];
	_ =	sdelay $0x2  }
0xbc: {  	s31 =	sshll.u32 s1, $0xD;
	s1 =	sshrl.u32 s1, $0x2  }
0xbd: {  	s3 =	sand.u32 $0x4000, s31;
	s1 =	sadd.s32 s1, s30  }
0xbe: {  	s0 =	sor.u32 s3, s0;
	s1 =	sshll.u32 s1, $0x11  }
0xbf: {  	s0 =	sor.u32 s1, s0  }
0xc0: {  	s0 =	sadd.s32 $0x8F2B, s0  }
0xc1: {  	[sflag:s0] =	ssyncadd.remote.s32 $0x1  }
0xc2: {  	_ =	sfence.sel $0xFFFF  }
0xc3: {  	[dreg:$0x0] =	wrdreg $0xFFFFFFFF;
	(pc) =	sbr.abs _section_cstart, $3  }
0xc4: {  	[dreg:$0x1] =	wrdreg $0xFFFFFFFF  }
0xc5: {  	_ =	task.clear_ibuf [dreg:s9], $0x2FFFF;
	_ =	strace $0x9FFFFFFF  }
0xc6: {  	(tm) =	ssettm $0x7FFFFFFF  }
0xc7: {  	_ =	shalt  }
tec
execute0_lowered:
.L_overlay_start_1:
0x0: {  	(tag) =	ssettag $0x1  }
0x1: {  	s3 =	rddreg [dreg:$0x0]  }
0x2: {  	s4 =	rddreg [dreg:$0x1]  }
0x3: {  	s5 =	rddreg [dreg:$0x2]  }
0x4: {  	s6 =	rddreg [dreg:$0x3]  }
0x5: {  	s0 =	rddreg [dreg:$0x4]  }
0x6: {  	s2 =	simm.s32 $0x0;
	s7 =	srdreg.scid;
	s1 =	stileid.u32  }
0x7: {  	s11 =	simm.s32 $0x400;
	s12 =	simm.s32 $0x800;
	s13 =	simm.s32 $0x600  }
0x8: {  	s14 =	simm.s32 $0x1800;
	s15 =	simm.s32 $0x480;
	s16 =	simm.s32 $0x2800  }
0x9: {  	s17 =	simm.s32 $0x680;
	s18 =	simm.s32 $0x3800;
	s19 =	simm.s32 $0x1  }
0xa: {  	s20 =	simm.s32 $0x500;
	s21 =	simm.s32 $0x700;
	s22 =	simm.s32 $0x2  }
0xb: {  	s23 =	simm.s32 $0x580;
	s24 =	simm.s32 $0x780;
	s25 =	simm.s32 $0x4800  }
0xc: {  	s26 =	simm.s32 $0x0;
	[smem:$0x7FF] =	sst s2;
	s7 =	sand.u32 $0x1, s7  }
0xd: {  	s9 =	sshll.u32 s1, $0x7;
	s3 =	sadd.s32 $0x400, s3;
	s8 =	ssub.s32 $0x2, s7  }
0xe: {  	_ =	strace $0x80000047;
	s7 =	sshll.u32 s7, $0x6;
	s10 =	sshrl.u32 s8, $0x1  }
0xf: {  	v0 =	vlaneseq.u32;
	s7 =	sor.u32 s7, s9;
	s9 =	simm.s32 $0x200;
	s8 =	ssub.s32 s8, s10  }
0x10: {  	v0 =	vmul.u32 $0x20, v0;
	s4 =	sadd.s32 s4, s7;
	s5 =	sadd.s32 s5, s7;
	s6 =	sadd.s32 s6, s7  }
0x11: {  	s10 =	simm.s32 $0x80;
	s7 =	smax.u32 s8, $0x1;
	s8 =	simm.s32 $0x3  }
.LBB2_1:
0x12: {  	[tilespmem:s2], [sflag:$0x3] =	stream.linear.gather [hbm4b:s4+s2], $0x200, $0x38;
	[tilespmem:$0x4A00] =	vst v63  }
0x13: {  	_ =	swait.ge [sflag:s8], $0x200  }
0x14: {  	[sflag:s8] =	ssyncset.done $0x0  }
0x15: {  	[sflag:s8] =	ssyncadd.s32 $0xFFFFFE00  }
0x16: {  	[tilespmem:s9], [sflag:$0x3] =	stream.linear.gather [hbm4b:s5+s2], $0x200, $0x38;
	[tilespmem:$0x4A00] =	vst v63  }
0x17: {  	_ =	swait.ge [sflag:s8], $0x200  }
0x18: {  	[sflag:s8] =	ssyncset.done $0x0  }
0x19: {  	[sflag:s8] =	ssyncadd.s32 $0xFFFFFE00  }
0x1a: {  	v1 =	vld [tilespmem:$0x0]  }
0x1b: {  	v2 =	vld [tilespmem:$0x200]  }
0x1c: {  	v4 =	vld [tilespmem:$0x210]  }
0x1d: {  	v6 =	vld [tilespmem:$0x20]  }
0x1e: {  	v10 =	vld [tilespmem:$0x230]  }
0x1f: {  	v11 =	vld [tilespmem:$0x40]  }
0x20: {  	v30 =	vld [tilespmem:$0x240]  }
0x21: {  	v13 =	vld [tilespmem:$0x50]  }
0x22: {  	v14 =	vld [tilespmem:$0x250]  }
0x23: {  	v35 =	vld [tilespmem:$0x60]  }
0x24: {  	v16 =	vld [tilespmem:$0x260]  }
0x25: {  	v17 =	vld [tilespmem:$0x70]  }
0x26: {  	v40 =	vld [tilespmem:$0x270]  }
0x27: {  	v19 =	vld [tilespmem:$0x80]  }
0x28: {  	v20 =	vld [tilespmem:$0x280]  }
0x29: {  	v45 =	vld [tilespmem:$0x90];
	v5 =	vshll.u32 v1, $0x2;
	v7 =	vshll.u32 v2, $0x2  }
0x2a: {  	v22 =	vld [tilespmem:$0x290];
	v1 =	vshra.s32 v1, $0x12;
	v2 =	vshra.s32 v2, $0x12;
	v9 =	vshll.u32 v4, $0x2  }
0x2b: {  	v50 =	vld [tilespmem:$0x2A0];
	v29 =	vshll.u32 v6, $0x2;
	v4 =	vshra.s32 v4, $0x12;
	v6 =	vshra.s32 v6, $0x12  }
0x2c: {  	v24 =	vld [tilespmem:$0xB0];
	v32 =	vshll.u32 v10, $0x2;
	v10 =	vshra.s32 v10, $0x12;
	v34 =	vshll.u32 v11, $0x2  }
0x2d: {  	v56 =	vld [tilespmem:$0x2B0];
	v11 =	vshra.s32 v11, $0x12;
	v15 =	vshll.u32 v30, $0x2;
	v37 =	vshll.u32 v13, $0x2  }
0x2e: {  	v57 =	vld [tilespmem:$0xC0];
	v13 =	vshra.s32 v13, $0x12;
	v39 =	vshll.u32 v14, $0x2;
	v14 =	vshra.s32 v14, $0x12  }
0x2f: {  	v59 =	vld [tilespmem:$0x2C0];
	v18 =	vshll.u32 v35, $0x2;
	v42 =	vshll.u32 v16, $0x2;
	v16 =	vshra.s32 v16, $0x12  }
0x30: {  	v44 =	vshll.u32 v17, $0x2;
	v17 =	vshra.s32 v17, $0x12;
	v21 =	vshll.u32 v40, $0x2  }
0x31: {  	v47 =	vshll.u32 v19, $0x2;
	v19 =	vshra.s32 v19, $0x12;
	v49 =	vshll.u32 v20, $0x2  }
0x32: {  	v51 =	vshra.s32 v20, $0x12;
	v52 =	vshll.u32 v45, $0x2;
	v53 =	vshll.u32 v22, $0x2  }
0x33: {  	v25 =	vld [tilespmem:$0xE0];
	v55 =	vshra.s32 v22, $0x12;
	v58 =	vshll.u32 v50, $0x2;
	v60 =	vshra.s32 v24, $0x12  }
0x34: {  	v3 =	vld [tilespmem:$0x10];
	v63 =	vshra.s32 v56, $0x12;
	v27 =	vshll.u32 v59, $0x2;
	v28 =	vshra.s32 v57, $0x12  }
0x35: {  	v5 =	vand.u32 $0xFFFFC, v5;
	v7 =	vand.u32 $0xFFFFC, v7;
	v36 =	vand.u32 $0xFFFFC, v15  }
0x36: {  	v15 =	vand.u32 $0xFFFFC, v37;
	v41 =	vand.u32 $0xFFFFC, v18;
	v18 =	vand.u32 $0xFFFFC, v42  }
0x37: {  	v46 =	vand.u32 $0xFFFFC, v21;
	v21 =	vand.u32 $0xFFFFC, v47;
	v54 =	vand.u32 $0xFFFFC, v53  }
0x38: {  	v37 =	vshll.u32 v25, $0x2;
	v1 =	vor.u32 v1, v5;
	v2 =	vor.u32 v2, v7  }
0x39: {  	v5 =	vshll.u32 v3, $0x2;
	v3 =	vshra.s32 v3, $0x12;
	v38 =	vor.u32 v13, v15  }
0x3a: {  	v13 =	vand.u32 $0xFFFFC, v39;
	v43 =	vor.u32 v16, v18;
	v16 =	vand.u32 $0xFFFFC, v44  }
0x3b: {  	v15 =	vshra.s32 v40, $0x12;
	v48 =	vor.u32 v19, v21;
	v5 =	vand.u32 $0xFFFFC, v5  }
0x3c: {  	v8 =	vld [tilespmem:$0x220];
	v13 =	vor.u32 v14, v13;
	v16 =	vor.u32 v17, v16;
	v15 =	vor.u32 v15, v46;
	[tilespmem:$0x400] =	vst v1  }
0x3d: {  	v23 =	vld [tilespmem:$0xA0];
	v1 =	vand.u32 $0xFFFFC, v49;
	[tilespmem:$0x600] =	vst v2;
	v2 =	vand.u32 $0xFFFFC, v52;
	v14 =	vand.u32 $0xFFFFC, v37  }
0x3e: {  	v42 =	vld [tilespmem:$0x300];
	[tilespmem:$0x450] =	vst v38;
	v38 =	vshra.s32 v25, $0x12;
	v3 =	vor.u32 v3, v5;
	v5 =	vand.u32 $0xFFFFC, v9  }
0x3f: {  	v7 =	vld [tilespmem:$0x30];
	v9 =	vand.u32 $0xFFFFC, v29;
	v1 =	vor.u32 v51, v1;
	v29 =	vshra.s32 v59, $0x12  }
0x40: {  	v62 =	vld [tilespmem:$0x2D0];
	v40 =	vor.u32 v38, v14;
	v4 =	vor.u32 v4, v5;
	v5 =	vor.u32 v6, v9  }
0x41: {  	v39 =	vld [tilespmem:$0x100];
	v6 =	vshll.u32 v8, $0x2;
	v8 =	vshra.s32 v8, $0x12;
	v9 =	vshra.s32 v30, $0x12  }
0x42: {  	[tilespmem:$0x410] =	vst v3;
	v3 =	vshra.s32 v45, $0x12;
	v6 =	vand.u32 $0xFFFFC, v6;
	v9 =	vor.u32 v9, v36  }
0x43: {  	[tilespmem:$0x610] =	vst v4;
	v2 =	vor.u32 v3, v2;
	v3 =	vor.u32 v55, v54;
	v4 =	vshll.u32 v23, $0x2  }
0x44: {  	v52 =	vld [tilespmem:$0x120];
	[tilespmem:$0x420] =	vst v5;
	v5 =	vshra.s32 v23, $0x12;
	v54 =	vshll.u32 v42, $0x2;
	v12 =	vshll.u32 v7, $0x2  }
0x45: {  	v6 =	vor.u32 v8, v6;
	v7 =	vshra.s32 v7, $0x12;
	v4 =	vand.u32 $0xFFFFC, v4  }
0x46: {  	v61 =	vld [tilespmem:$0xD0];
	v8 =	vshra.s32 v62, $0x12;
	v51 =	vshll.u32 v39, $0x2;
	v53 =	vshra.s32 v39, $0x12  }
0x47: {  	[tilespmem:$0x660] =	vst v43;
	v31 =	vand.u32 $0xFFFFC, v12;
	v12 =	vand.u32 $0xFFFFC, v32;
	v4 =	vor.u32 v5, v4  }
0x48: {  	[tilespmem:$0x620] =	vst v6;
	v5 =	vand.u32 $0xFFFFC, v58;
	v6 =	vshll.u32 v24, $0x2;
	v24 =	vshll.u32 v57, $0x2  }
0x49: {  	[tilespmem:$0x480] =	vst v48;
	v59 =	vld [tilespmem:$0x330];
	v20 =	vshra.s32 v52, $0x12;
	v7 =	vor.u32 v7, v31;
	v33 =	vor.u32 v10, v12  }
0x4a: {  	[tilespmem:$0x650] =	vst v13;
	v30 =	vld [tilespmem:$0x2E0];
	v10 =	vand.u32 $0xFFFFC, v34;
	v12 =	vshra.s32 v35, $0x12;
	v6 =	vand.u32 $0xFFFFC, v6  }
0x4b: {  	v45 =	vld [tilespmem:$0x110];
	[tilespmem:$0x640] =	vst v9;
	v26 =	vand.u32 $0xFFFFC, v24;
	v31 =	vshll.u32 v61, $0x2;
	v34 =	vshll.u32 v62, $0x2  }
0x4c: {  	v22 =	vld [tilespmem:$0x340];
	[tilespmem:$0x4A0] =	vst v4;
	v4 =	vand.u32 $0xFFFFC, v51;
	v10 =	vor.u32 v11, v10;
	v12 =	vor.u32 v12, v41  }
0x4d: {  	[tilespmem:$0x430] =	vst v7;
	v7 =	vshra.s32 v50, $0x12;
	v6 =	vor.u32 v60, v6;
	v9 =	vor.u32 v28, v26  }
0x4e: {  	[tilespmem:$0x630] =	vst v33;
	v11 =	vand.u32 $0xFFFFC, v31;
	v33 =	vshra.s32 v61, $0x12;
	v36 =	vand.u32 $0xFFFFC, v34  }
0x4f: {  	[tilespmem:$0x470] =	vst v16;
	v55 =	vld [tilespmem:$0x320];
	v41 =	vshll.u32 v30, $0x2;
	v43 =	vshra.s32 v30, $0x12;
	v4 =	vor.u32 v53, v4  }
0x50: {  	[tilespmem:$0x670] =	vst v15;
	v57 =	vshra.s32 v45, $0x12;
	v61 =	vshll.u32 v52, $0x2;
	v28 =	vshll.u32 v59, $0x2  }
0x51: {  	[tilespmem:$0x680] =	vst v1;
	v34 =	vshll.u32 v22, $0x2;
	v5 =	vor.u32 v7, v5;
	v7 =	vshll.u32 v56, $0x2  }
0x52: {  	[tilespmem:$0x440] =	vst v10;
	v10 =	vand.u32 $0xFFFFC, v27;
	v11 =	vor.u32 v33, v11;
	v8 =	vor.u32 v8, v36  }
0x53: {  	v32 =	vld [tilespmem:$0xF0];
	v14 =	vand.u32 $0xFFFFC, v41;
	v56 =	vshll.u32 v45, $0x2;
	[tilespmem:$0x4B0] =	vst v6;
	v6 =	vshra.s32 v42, $0x12  }
0x54: {  	[tilespmem:$0x4E0] =	vst v40;
	v19 =	vshll.u32 v55, $0x2;
	v21 =	vshra.s32 v55, $0x12;
	v30 =	vand.u32 $0xFFFFC, v28  }
0x55: {  	v58 =	vld [tilespmem:$0x130];
	[tilespmem:$0x500] =	vst v4;
	v4 =	vand.u32 $0xFFFFC, v34;
	v36 =	vshra.s32 v22, $0x12;
	v7 =	vand.u32 $0xFFFFC, v7  }
0x56: {  	v35 =	vld [tilespmem:$0x2F0];
	v10 =	vor.u32 v29, v10;
	v1 =	vor.u32 v43, v14;
	[tilespmem:$0x6A0] =	vst v5;
	v5 =	vand.u32 $0xFFFFC, v54  }
0x57: {  	[tilespmem:$0x490] =	vst v2;
	v62 =	vld [tilespmem:$0x140];
	v13 =	vand.u32 $0xFFFFC, v56;
	v4 =	vor.u32 v36, v4;
	v7 =	vor.u32 v63, v7  }
0x58: {  	v38 =	vld [tilespmem:$0x170];
	[tilespmem:$0x690] =	vst v3;
	v44 =	vshll.u32 v32, $0x2;
	v2 =	vshra.s32 v32, $0x12;
	v5 =	vor.u32 v6, v5  }
0x59: {  	v50 =	vld [tilespmem:$0x310];
	v6 =	vor.u32 v57, v13;
	[tilespmem:$0x6C0] =	vst v10;
	v63 =	vand.u32 $0xFFFFC, v61;
	v10 =	vand.u32 $0xFFFFC, v19  }
0x5a: {  	v26 =	vld [tilespmem:$0x150];
	[tilespmem:$0x460] =	vst v12;
	v25 =	vshll.u32 v58, $0x2;
	v27 =	vshra.s32 v58, $0x12;
	v46 =	vand.u32 $0xFFFFC, v44  }
0x5b: {  	[tilespmem:$0x4C0] =	vst v9;
	v33 =	vld [tilespmem:$0x160];
	v47 =	vshll.u32 v35, $0x2;
	v49 =	vshra.s32 v35, $0x12;
	v23 =	vor.u32 v20, v63  }
0x5c: {  	v41 =	vld [tilespmem:$0x370];
	[tilespmem:$0x4D0] =	vst v11;
	v24 =	vor.u32 v21, v10;
	v10 =	vand.u32 $0xFFFFC, v25;
	v31 =	vshll.u32 v62, $0x2  }
0x5d: {  	v42 =	vld [tilespmem:$0x180];
	[tilespmem:$0x6E0] =	vst v1;
	v32 =	vshra.s32 v62, $0x12;
	v48 =	vand.u32 $0xFFFFC, v47;
	v2 =	vor.u32 v2, v46  }
0x5e: {  	v45 =	vld [tilespmem:$0x380];
	[tilespmem:$0x6B0] =	vst v7;
	v7 =	vshll.u32 v50, $0x2;
	v60 =	vshra.s32 v50, $0x12;
	v1 =	vor.u32 v27, v10  }
0x5f: {  	v51 =	vld [tilespmem:$0x390];
	[tilespmem:$0x510] =	vst v6;
	v12 =	vand.u32 $0xFFFFC, v31;
	v37 =	vshll.u32 v26, $0x2;
	v6 =	vshra.s32 v26, $0x12  }
0x60: {  	v29 =	vld [tilespmem:$0x350];
	[tilespmem:$0x700] =	vst v5;
	v47 =	vshll.u32 v38, $0x2;
	v3 =	vor.u32 v49, v48;
	v7 =	vand.u32 $0xFFFFC, v7  }
0x61: {  	[tilespmem:$0x4F0] =	vst v2;
	v2 =	vshra.s32 v59, $0x12;
	v5 =	vand.u32 $0xFFFFC, v37;
	v43 =	vshra.s32 v33, $0x12  }
0x62: {  	[tilespmem:$0x6D0] =	vst v8;
	v54 =	vld [tilespmem:$0x1A0];
	v9 =	vand.u32 $0xFFFFC, v47;
	v48 =	vshra.s32 v38, $0x12;
	v50 =	vshll.u32 v41, $0x2  }
0x63: {  	[tilespmem:$0x740] =	vst v4;
	v52 =	vshra.s32 v41, $0x12;
	v53 =	vshll.u32 v42, $0x2;
	v55 =	vshll.u32 v45, $0x2  }
0x64: {  	v58 =	vld [tilespmem:$0x1B0];
	[tilespmem:$0x520] =	vst v23;
	v56 =	vshra.s32 v45, $0x12;
	v59 =	vshll.u32 v51, $0x2;
	v7 =	vor.u32 v60, v7  }
0x65: {  	v35 =	vld [tilespmem:$0x360];
	[tilespmem:$0x6F0] =	vst v3;
	v2 =	vor.u32 v2, v30;
	v3 =	vor.u32 v32, v12;
	v39 =	vshll.u32 v29, $0x2  }
0x66: {  	v40 =	vshra.s32 v29, $0x12;
	v5 =	vor.u32 v6, v5;
	v4 =	vand.u32 $0xFFFFC, v53;
	[tilespmem:$0x710] =	vst v7  }
0x67: {  	v8 =	vand.u32 $0xFFFFC, v55;
	v61 =	vshra.s32 v54, $0x12;
	v10 =	vand.u32 $0xFFFFC, v39;
	[tilespmem:$0x730] =	vst v2  }
0x68: {  	v49 =	vld [tilespmem:$0x190];
	v7 =	vshll.u32 v33, $0x2;
	v2 =	vor.u32 v48, v9;
	[tilespmem:$0x540] =	vst v3;
	v3 =	vand.u32 $0xFFFFC, v50  }
0x69: {  	v60 =	vld [tilespmem:$0x3B0];
	[tilespmem:$0x550] =	vst v5;
	v5 =	vshra.s32 v42, $0x12;
	v63 =	vshll.u32 v58, $0x2;
	v6 =	vor.u32 v40, v10  }
0x6a: {  	[tilespmem:$0x530] =	vst v1;
	v7 =	vand.u32 $0xFFFFC, v7;
	v44 =	vshll.u32 v35, $0x2;
	v1 =	vshra.s32 v35, $0x12  }
0x6b: {  	v57 =	vld [tilespmem:$0x3A0];
	v3 =	vor.u32 v52, v3;
	v4 =	vor.u32 v5, v4;
	v5 =	vor.u32 v56, v8;
	[tilespmem:$0x570] =	vst v2  }
0x6c: {  	v2 =	vshra.s32 v51, $0x12;
	v7 =	vor.u32 v43, v7;
	v46 =	vand.u32 $0xFFFFC, v44;
	[tilespmem:$0x750] =	vst v6  }
0x6d: {  	[tilespmem:$0x780] =	vst v5;
	v5 =	vand.u32 $0xFFFFC, v63;
	v1 =	vor.u32 v1, v46;
	v6 =	vshll.u32 v49, $0x2  }
0x6e: {  	v62 =	vld [tilespmem:$0x1C0];
	[tilespmem:$0x560] =	vst v7;
	v7 =	vshra.s32 v49, $0x12;
	v6 =	vand.u32 $0xFFFFC, v6;
	v14 =	vshra.s32 v60, $0x12  }
0x6f: {  	[tilespmem:$0x760] =	vst v1;
	v1 =	vor.u32 v7, v6;
	v6 =	vand.u32 $0xFFFFC, v59;
	v7 =	vshll.u32 v54, $0x2  }
0x70: {  	v13 =	vld [tilespmem:$0x1D0];
	[tilespmem:$0x770] =	vst v3;
	v7 =	vand.u32 $0xFFFFC, v7;
	v2 =	vor.u32 v2, v6;
	v6 =	vshll.u32 v57, $0x2  }
0x71: {  	[tilespmem:$0x580] =	vst v4;
	v3 =	vor.u32 v61, v7;
	v7 =	vld [tilespmem:$0x3C0];
	v4 =	vand.u32 $0xFFFFC, v6;
	v6 =	vshra.s32 v57, $0x12  }
0x72: {  	[tilespmem:$0x590] =	vst v1;
	v1 =	vshra.s32 v58, $0x12;
	v4 =	vor.u32 v6, v4;
	v6 =	vshll.u32 v60, $0x2  }
0x73: {  	v15 =	vld [tilespmem:$0x3D0];
	[tilespmem:$0x790] =	vst v2;
	v1 =	vor.u32 v1, v5;
	v5 =	vshll.u32 v62, $0x2;
	v6 =	vand.u32 $0xFFFFC, v6  }
0x74: {  	[tilespmem:$0x5A0] =	vst v3;
	v3 =	vand.u32 $0xFFFFC, v5;
	v5 =	vshra.s32 v62, $0x12;
	v2 =	vor.u32 v14, v6;
	v6 =	vld [tilespmem:$0x1E0]  }
0x75: {  	v17 =	vld [tilespmem:$0x3E0];
	[tilespmem:$0x5B0] =	vst v1;
	v3 =	vor.u32 v5, v3;
	v5 =	vshll.u32 v13, $0x2  }
0x76: {  	[tilespmem:$0x7A0] =	vst v4;
	v5 =	vand.u32 $0xFFFFC, v5;
	v16 =	vshll.u32 v7, $0x2  }
0x77: {  	v18 =	vld [tilespmem:$0x1F0];
	[tilespmem:$0x5C0] =	vst v3;
	v1 =	vshra.s32 v7, $0x12;
	v7 =	vshra.s32 v13, $0x12;
	v4 =	vand.u32 $0xFFFFC, v16  }
0x78: {  	[tilespmem:$0x7B0] =	vst v2;
	v2 =	vor.u32 v7, v5;
	v5 =	vld [tilespmem:$0x3F0];
	v1 =	vor.u32 v1, v4;
	v4 =	vshll.u32 v15, $0x2  }
0x79: {  	[tilespmem:$0x5D0] =	vst v2;
	v3 =	vand.u32 $0xFFFFC, v4;
	v4 =	vshra.s32 v15, $0x12;
	v7 =	vshll.u32 v6, $0x2  }
0x7a: {  	[tilespmem:$0x7C0] =	vst v1;
	v2 =	vshra.s32 v6, $0x12;
	v1 =	vor.u32 v4, v3;
	v4 =	vshll.u32 v17, $0x2  }
0x7b: {  	[tilespmem:$0x720] =	vst v24;
	v6 =	vshra.s32 v17, $0x12;
	v3 =	vand.u32 $0xFFFFC, v7;
	v4 =	vand.u32 $0xFFFFC, v4  }
0x7c: {  	[tilespmem:$0x7D0] =	vst v1;
	v1 =	vor.u32 v2, v3;
	v3 =	vshll.u32 v18, $0x2;
	v2 =	vor.u32 v6, v4  }
0x7d: {  	[tilespmem:$0x5E0] =	vst v1;
	v1 =	vand.u32 $0xFFFFC, v3;
	v3 =	vshra.s32 v18, $0x12;
	v4 =	vshll.u32 v5, $0x2  }
0x7e: {  	[tilespmem:$0x7E0] =	vst v2;
	v1 =	vor.u32 v3, v1;
	v2 =	vand.u32 $0xFFFFC, v4;
	v3 =	vshra.s32 v5, $0x12  }
0x7f: {  	[tilespmem:$0x5F0] =	vst v1;
	v1 =	vor.u32 v3, v2  }
0x80: {  	[tilespmem:$0x7F0] =	vst v1  }
0x81: {  	[tilespmem:s12], [sflag:$0x1] =	stream.indirect.gather [hbm4b:s3+s10], $0x20, s11, s10, $0xb8;
	[tilespmem:$0x4A00] =	vst v63  }
0x82: {  	_ = 	snop  }
0x83: {  	[tilespmem:s14], [sflag:$0x1] =	stream.indirect.gather [hbm4b:s3+s10], $0x20, s13, s10, $0xb8;
	[tilespmem:$0x4A00] =	vst v63  }
0x84: {  	_ = 	snop  }
0x85: {  	[tilespmem:s16], [sflag:$0x2] =	stream.indirect.gather [hbm4b:s3+s10], $0x20, s15, s10, $0xb8;
	[tilespmem:$0x4A00] =	vst v63  }
0x86: {  	_ = 	snop  }
0x87: {  	v1 =	vmov s2;
	[tilespmem:s18], [sflag:$0x2] =	stream.indirect.gather [hbm4b:s3+s10], $0x20, s17, s10, $0xb8;
	[tilespmem:$0x4A00] =	vst v63  }
0x88: {  	v1 =	vshll.u32 v1, $0x5;
	_ =	swait.ge [sflag:s19], $0x1000  }
0x89: {  	v1 =	vor.u32 v0, v1;
	[sflag:s19] =	ssyncset.done $0x0  }
0x8a: {  	[sflag:s19] =	ssyncadd.s32 $0xFFFFF000  }
0x8b: {  	v2 =	vor.u32 $0x1, v1;
	_ =	swait.ge [sflag:s19], $0x1000  }
0x8c: {  	[sflag:s19] =	ssyncset.done $0x0  }
0x8d: {  	v3 =	vor.u32 $0x2, v1;
	[sflag:s19] =	ssyncadd.s32 $0xFFFFF000  }
0x8e: {  	v4 =	vld.idx.msk [tilespmem:v1+s14+$0x0], $0xffff  }
0x8f: {  	v6 =	vor.u32 $0x3, v1;
	v5 =	vld.idx.msk [tilespmem:v1+s12+$0x0], $0xffff  }
0x90: {  	v7 =	vld.idx.msk [tilespmem:v2+s12+$0x0], $0xffff  }
0x91: {  	v19 =	vor.u32 $0x4, v1;
	v2 =	vld.idx.msk [tilespmem:v2+s14+$0x0], $0xffff  }
0x92: {  	v20 =	vld.idx.msk [tilespmem:v3+s12+$0x0], $0xffff  }
0x93: {  	v21 =	vor.u32 $0x5, v1;
	v3 =	vld.idx.msk [tilespmem:v3+s14+$0x0], $0xffff  }
0x94: {  	v22 =	vld.idx.msk [tilespmem:v6+s12+$0x0], $0xffff;
	v4 =	vmul.f32 v4, v5  }
0x95: {  	v5 =	vld.idx.msk [tilespmem:v6+s14+$0x0], $0xffff;
	v6 =	vor.u32 $0x6, v1  }
0x96: {  	v23 =	vld.idx.msk [tilespmem:v19+s12+$0x0], $0xffff;
	v2 =	vmul.f32 v2, v7;
	v4 =	vadd.f32 $0.0e+00, v4  }
0x97: {  	v24 =	vor.u32 $0x7, v1;
	v7 =	vld.idx.msk [tilespmem:v19+s14+$0x0], $0xffff  }
0x98: {  	v25 =	vld.idx.msk [tilespmem:v21+s12+$0x0], $0xffff;
	v3 =	vmul.f32 v3, v20;
	v2 =	vadd.f32 v2, v4  }
0x99: {  	v26 =	vor.u32 $0x8, v1;
	v4 =	vld.idx.msk [tilespmem:v21+s14+$0x0], $0xffff  }
0x9a: {  	v27 =	vld.idx.msk [tilespmem:v6+s12+$0x0], $0xffff;
	v2 =	vadd.f32 v3, v2;
	v3 =	vmul.f32 v5, v22  }
0x9b: {  	v5 =	vld.idx.msk [tilespmem:v6+s14+$0x0], $0xffff;
	v6 =	vor.u32 $0x9, v1  }
0x9c: {  	v28 =	vld.idx.msk [tilespmem:v24+s12+$0x0], $0xffff;
	v2 =	vadd.f32 v3, v2;
	v3 =	vmul.f32 v7, v23  }
0x9d: {  	v29 =	vor.u32 $0xA, v1;
	v7 =	vld.idx.msk [tilespmem:v24+s14+$0x0], $0xffff  }
0x9e: {  	v30 =	vld.idx.msk [tilespmem:v26+s12+$0x0], $0xffff;
	v2 =	vadd.f32 v3, v2;
	v3 =	vmul.f32 v4, v25  }
0x9f: {  	v31 =	vor.u32 $0xB, v1;
	v4 =	vld.idx.msk [tilespmem:v26+s14+$0x0], $0xffff  }
0xa0: {  	v32 =	vld.idx.msk [tilespmem:v6+s12+$0x0], $0xffff;
	v2 =	vadd.f32 v3, v2;
	v3 =	vmul.f32 v5, v27  }
0xa1: {  	v5 =	vld.idx.msk [tilespmem:v6+s14+$0x0], $0xffff;
	v6 =	vor.u32 $0xC, v1  }
0xa2: {  	v33 =	vld.idx.msk [tilespmem:v29+s12+$0x0], $0xffff;
	v2 =	vadd.f32 v3, v2;
	v3 =	vmul.f32 v7, v28  }
0xa3: {  	v34 =	vor.u32 $0xD, v1;
	v7 =	vld.idx.msk [tilespmem:v29+s14+$0x0], $0xffff  }
0xa4: {  	v35 =	vld.idx.msk [tilespmem:v31+s12+$0x0], $0xffff;
	v2 =	vadd.f32 v3, v2;
	v3 =	vmul.f32 v4, v30  }
0xa5: {  	v36 =	vor.u32 $0xE, v1;
	v4 =	vld.idx.msk [tilespmem:v31+s14+$0x0], $0xffff  }
0xa6: {  	v37 =	vld.idx.msk [tilespmem:v6+s12+$0x0], $0xffff;
	v2 =	vadd.f32 v3, v2;
	v3 =	vmul.f32 v5, v32  }
0xa7: {  	v5 =	vld.idx.msk [tilespmem:v6+s14+$0x0], $0xffff;
	v6 =	vor.u32 $0xF, v1  }
0xa8: {  	v38 =	vld.idx.msk [tilespmem:v34+s12+$0x0], $0xffff;
	v2 =	vadd.f32 v3, v2;
	v3 =	vmul.f32 v7, v33  }
0xa9: {  	v39 =	vor.u32 $0x10, v1;
	v7 =	vld.idx.msk [tilespmem:v34+s14+$0x0], $0xffff  }
0xaa: {  	v40 =	vld.idx.msk [tilespmem:v36+s12+$0x0], $0xffff;
	v2 =	vadd.f32 v3, v2;
	v3 =	vmul.f32 v4, v35  }
0xab: {  	v41 =	vor.u32 $0x11, v1;
	v4 =	vld.idx.msk [tilespmem:v36+s14+$0x0], $0xffff  }
0xac: {  	v42 =	vld.idx.msk [tilespmem:v6+s12+$0x0], $0xffff;
	v2 =	vadd.f32 v3, v2;
	v3 =	vmul.f32 v5, v37  }
0xad: {  	v5 =	vld.idx.msk [tilespmem:v6+s14+$0x0], $0xffff;
	v6 =	vor.u32 $0x12, v1  }
0xae: {  	v43 =	vld.idx.msk [tilespmem:v39+s12+$0x0], $0xffff;
	v2 =	vadd.f32 v3, v2;
	v3 =	vmul.f32 v7, v38  }
0xaf: {  	v44 =	vor.u32 $0x13, v1;
	v7 =	vld.idx.msk [tilespmem:v39+s14+$0x0], $0xffff  }
0xb0: {  	v45 =	vld.idx.msk [tilespmem:v41+s12+$0x0], $0xffff;
	v2 =	vadd.f32 v3, v2;
	v3 =	vmul.f32 v4, v40  }
0xb1: {  	v46 =	vor.u32 $0x14, v1;
	v4 =	vld.idx.msk [tilespmem:v41+s14+$0x0], $0xffff  }
0xb2: {  	v47 =	vld.idx.msk [tilespmem:v6+s12+$0x0], $0xffff;
	v2 =	vadd.f32 v3, v2;
	v3 =	vmul.f32 v5, v42  }
0xb3: {  	v5 =	vld.idx.msk [tilespmem:v6+s14+$0x0], $0xffff;
	v6 =	vor.u32 $0x15, v1  }
0xb4: {  	v48 =	vld.idx.msk [tilespmem:v44+s12+$0x0], $0xffff;
	v2 =	vadd.f32 v3, v2;
	v3 =	vmul.f32 v7, v43  }
0xb5: {  	v49 =	vor.u32 $0x16, v1;
	v7 =	vld.idx.msk [tilespmem:v44+s14+$0x0], $0xffff  }
0xb6: {  	v50 =	vld.idx.msk [tilespmem:v46+s12+$0x0], $0xffff;
	v2 =	vadd.f32 v3, v2;
	v3 =	vmul.f32 v4, v45  }
0xb7: {  	v51 =	vor.u32 $0x17, v1;
	v4 =	vld.idx.msk [tilespmem:v46+s14+$0x0], $0xffff  }
0xb8: {  	v52 =	vld.idx.msk [tilespmem:v6+s12+$0x0], $0xffff;
	v2 =	vadd.f32 v3, v2;
	v3 =	vmul.f32 v5, v47  }
0xb9: {  	v5 =	vld.idx.msk [tilespmem:v6+s14+$0x0], $0xffff;
	v6 =	vor.u32 $0x18, v1  }
0xba: {  	v53 =	vld.idx.msk [tilespmem:v49+s12+$0x0], $0xffff;
	v2 =	vadd.f32 v3, v2;
	v3 =	vmul.f32 v7, v48  }
0xbb: {  	v54 =	vor.u32 $0x19, v1;
	v7 =	vld.idx.msk [tilespmem:v49+s14+$0x0], $0xffff  }
0xbc: {  	v55 =	vld.idx.msk [tilespmem:v51+s12+$0x0], $0xffff;
	v2 =	vadd.f32 v3, v2;
	v3 =	vmul.f32 v4, v50  }
0xbd: {  	v56 =	vor.u32 $0x1A, v1;
	v4 =	vld.idx.msk [tilespmem:v51+s14+$0x0], $0xffff  }
0xbe: {  	v57 =	vld.idx.msk [tilespmem:v6+s12+$0x0], $0xffff;
	v2 =	vadd.f32 v3, v2;
	v3 =	vmul.f32 v5, v52  }
0xbf: {  	v5 =	vld.idx.msk [tilespmem:v6+s14+$0x0], $0xffff;
	v6 =	vor.u32 $0x1B, v1  }
0xc0: {  	v58 =	vld.idx.msk [tilespmem:v54+s12+$0x0], $0xffff;
	v2 =	vadd.f32 v3, v2;
	v3 =	vmul.f32 v7, v53  }
0xc1: {  	v59 =	vor.u32 $0x1C, v1;
	v7 =	vld.idx.msk [tilespmem:v54+s14+$0x0], $0xffff  }
0xc2: {  	v60 =	vld.idx.msk [tilespmem:v56+s12+$0x0], $0xffff;
	v2 =	vadd.f32 v3, v2;
	v3 =	vmul.f32 v4, v55  }
0xc3: {  	v61 =	vor.u32 $0x1D, v1;
	v4 =	vld.idx.msk [tilespmem:v56+s14+$0x0], $0xffff  }
0xc4: {  	v62 =	vld.idx.msk [tilespmem:v6+s12+$0x0], $0xffff;
	v2 =	vadd.f32 v3, v2;
	v3 =	vmul.f32 v5, v57  }
0xc5: {  	v5 =	vld.idx.msk [tilespmem:v6+s14+$0x0], $0xffff;
	v6 =	vor.u32 $0x1E, v1  }
0xc6: {  	v63 =	vld.idx.msk [tilespmem:v59+s12+$0x0], $0xffff;
	v2 =	vadd.f32 v3, v2;
	v3 =	vmul.f32 v7, v58  }
0xc7: {  	v1 =	vor.u32 $0x1F, v1;
	v7 =	vld.idx.msk [tilespmem:v59+s14+$0x0], $0xffff  }
0xc8: {  	v15 =	vld.idx.msk [tilespmem:v61+s12+$0x0], $0xffff;
	v2 =	vadd.f32 v3, v2;
	v3 =	vmul.f32 v4, v60  }
0xc9: {  	v4 =	vld.idx.msk [tilespmem:v61+s14+$0x0], $0xffff  }
0xca: {  	v16 =	vld.idx.msk [tilespmem:v6+s12+$0x0], $0xffff;
	v2 =	vadd.f32 v3, v2;
	v3 =	vmul.f32 v5, v62  }
0xcb: {  	v5 =	vld.idx.msk [tilespmem:v6+s14+$0x0], $0xffff  }
0xcc: {  	v6 =	vld.idx.msk [tilespmem:v1+s12+$0x0], $0xffff;
	v2 =	vadd.f32 v3, v2;
	v3 =	vmul.f32 v7, v63  }
0xcd: {  	v7 =	vld.idx.msk [tilespmem:v1+s14+$0x0], $0xffff  }
0xce: {  	v1 =	vadd.f32 v3, v2;
	v2 =	vmul.f32 v4, v15  }
0xcf: {  	s28 =	simm.s32 $0x10  }
0xd0: {  	v3 =	vmov s28;
	v4 =	vmul.f32 v5, v16;
	v2 =	vadd.f32 v2, v1  }
0xd1: {  	v1 =	vshll.u32 v3, $0x5  }
0xd2: {  	v1 =	vor.u32 v0, v1;
	v3 =	vmul.f32 v7, v6;
	v2 =	vadd.f32 v4, v2;
	_ =	sdelay $0x1  }
0xd3: {  	v4 =	vor.u32 $0x1, v1;
	v2 =	vadd.f32 v3, v2;
	_ =	sdelay $0x1  }
0xd4: {  	v3 =	vor.u32 $0x2, v1;
	[tilespmem:s25+$0x0] =	vst v2  }
0xd5: {  	v2 =	vld.idx.msk [tilespmem:v1+s14+$0x0], $0xffff  }
0xd6: {  	v6 =	vor.u32 $0x3, v1;
	v5 =	vld.idx.msk [tilespmem:v1+s12+$0x0], $0xffff  }
0xd7: {  	v7 =	vld.idx.msk [tilespmem:v4+s12+$0x0], $0xffff  }
0xd8: {  	v17 =	vor.u32 $0x4, v1;
	v4 =	vld.idx.msk [tilespmem:v4+s14+$0x0], $0xffff  }
0xd9: {  	v18 =	vld.idx.msk [tilespmem:v3+s12+$0x0], $0xffff  }
0xda: {  	v19 =	vor.u32 $0x5, v1;
	v3 =	vld.idx.msk [tilespmem:v3+s14+$0x0], $0xffff  }
0xdb: {  	v20 =	vld.idx.msk [tilespmem:v6+s12+$0x0], $0xffff;
	v2 =	vmul.f32 v2, v5  }
0xdc: {  	v5 =	vld.idx.msk [tilespmem:v6+s14+$0x0], $0xffff;
	v6 =	vor.u32 $0x6, v1  }
0xdd: {  	v21 =	vld.idx.msk [tilespmem:v17+s12+$0x0], $0xffff;
	v4 =	vmul.f32 v4, v7;
	v2 =	vadd.f32 $0.0e+00, v2  }
0xde: {  	v22 =	vor.u32 $0x7, v1;
	v7 =	vld.idx.msk [tilespmem:v17+s14+$0x0], $0xffff  }
0xdf: {  	v23 =	vld.idx.msk [tilespmem:v19+s12+$0x0], $0xffff;
	v3 =	vmul.f32 v3, v18;
	v2 =	vadd.f32 v4, v2  }
0xe0: {  	v24 =	vor.u32 $0x8, v1;
	v4 =	vld.idx.msk [tilespmem:v19+s14+$0x0], $0xffff  }
0xe1: {  	v25 =	vld.idx.msk [tilespmem:v6+s12+$0x0], $0xffff;
	v2 =	vadd.f32 v3, v2;
	v3 =	vmul.f32 v5, v20  }
0xe2: {  	v5 =	vld.idx.msk [tilespmem:v6+s14+$0x0], $0xffff;
	v6 =	vor.u32 $0x9, v1  }
0xe3: {  	v26 =	vld.idx.msk [tilespmem:v22+s12+$0x0], $0xffff;
	v2 =	vadd.f32 v3, v2;
	v3 =	vmul.f32 v7, v21  }
0xe4: {  	v27 =	vor.u32 $0xA, v1;
	v7 =	vld.idx.msk [tilespmem:v22+s14+$0x0], $0xffff  }
0xe5: {  	v28 =	vld.idx.msk [tilespmem:v24+s12+$0x0], $0xffff;
	v2 =	vadd.f32 v3, v2;
	v3 =	vmul.f32 v4, v23  }
0xe6: {  	v29 =	vor.u32 $0xB, v1;
	v4 =	vld.idx.msk [tilespmem:v24+s14+$0x0], $0xffff  }
0xe7: {  	v30 =	vld.idx.msk [tilespmem:v6+s12+$0x0], $0xffff;
	v2 =	vadd.f32 v3, v2;
	v3 =	vmul.f32 v5, v25  }
0xe8: {  	v5 =	vld.idx.msk [tilespmem:v6+s14+$0x0], $0xffff;
	v6 =	vor.u32 $0xC, v1  }
0xe9: {  	v31 =	vld.idx.msk [tilespmem:v27+s12+$0x0], $0xffff;
	v2 =	vadd.f32 v3, v2;
	v3 =	vmul.f32 v7, v26  }
0xea: {  	v32 =	vor.u32 $0xD, v1;
	v7 =	vld.idx.msk [tilespmem:v27+s14+$0x0], $0xffff  }
0xeb: {  	v33 =	vld.idx.msk [tilespmem:v29+s12+$0x0], $0xffff;
	v2 =	vadd.f32 v3, v2;
	v3 =	vmul.f32 v4, v28  }
0xec: {  	v34 =	vor.u32 $0xE, v1;
	v4 =	vld.idx.msk [tilespmem:v29+s14+$0x0], $0xffff  }
0xed: {  	v35 =	vld.idx.msk [tilespmem:v6+s12+$0x0], $0xffff;
	v2 =	vadd.f32 v3, v2;
	v3 =	vmul.f32 v5, v30  }
0xee: {  	v5 =	vld.idx.msk [tilespmem:v6+s14+$0x0], $0xffff;
	v6 =	vor.u32 $0xF, v1  }
0xef: {  	v36 =	vld.idx.msk [tilespmem:v32+s12+$0x0], $0xffff;
	v2 =	vadd.f32 v3, v2;
	v3 =	vmul.f32 v7, v31  }
0xf0: {  	v37 =	vor.u32 $0x10, v1;
	v7 =	vld.idx.msk [tilespmem:v32+s14+$0x0], $0xffff  }
0xf1: {  	v38 =	vld.idx.msk [tilespmem:v34+s12+$0x0], $0xffff;
	v2 =	vadd.f32 v3, v2;
	v3 =	vmul.f32 v4, v33  }
0xf2: {  	v39 =	vor.u32 $0x11, v1;
	v4 =	vld.idx.msk [tilespmem:v34+s14+$0x0], $0xffff  }
0xf3: {  	v40 =	vld.idx.msk [tilespmem:v6+s12+$0x0], $0xffff;
	v2 =	vadd.f32 v3, v2;
	v3 =	vmul.f32 v5, v35  }
0xf4: {  	v5 =	vld.idx.msk [tilespmem:v6+s14+$0x0], $0xffff;
	v6 =	vor.u32 $0x12, v1  }
0xf5: {  	v41 =	vld.idx.msk [tilespmem:v37+s12+$0x0], $0xffff;
	v2 =	vadd.f32 v3, v2;
	v3 =	vmul.f32 v7, v36  }
0xf6: {  	v42 =	vor.u32 $0x13, v1;
	v7 =	vld.idx.msk [tilespmem:v37+s14+$0x0], $0xffff  }
0xf7: {  	v43 =	vld.idx.msk [tilespmem:v39+s12+$0x0], $0xffff;
	v2 =	vadd.f32 v3, v2;
	v3 =	vmul.f32 v4, v38  }
0xf8: {  	v44 =	vor.u32 $0x14, v1;
	v4 =	vld.idx.msk [tilespmem:v39+s14+$0x0], $0xffff  }
0xf9: {  	v45 =	vld.idx.msk [tilespmem:v6+s12+$0x0], $0xffff;
	v2 =	vadd.f32 v3, v2;
	v3 =	vmul.f32 v5, v40  }
0xfa: {  	v5 =	vld.idx.msk [tilespmem:v6+s14+$0x0], $0xffff;
	v6 =	vor.u32 $0x15, v1  }
0xfb: {  	v46 =	vld.idx.msk [tilespmem:v42+s12+$0x0], $0xffff;
	v2 =	vadd.f32 v3, v2;
	v3 =	vmul.f32 v7, v41  }
0xfc: {  	v47 =	vor.u32 $0x16, v1;
	v7 =	vld.idx.msk [tilespmem:v42+s14+$0x0], $0xffff  }
0xfd: {  	v48 =	vld.idx.msk [tilespmem:v44+s12+$0x0], $0xffff;
	v2 =	vadd.f32 v3, v2;
	v3 =	vmul.f32 v4, v43  }
0xfe: {  	v49 =	vor.u32 $0x17, v1;
	v4 =	vld.idx.msk [tilespmem:v44+s14+$0x0], $0xffff  }
0xff: {  	v50 =	vld.idx.msk [tilespmem:v6+s12+$0x0], $0xffff;
	v2 =	vadd.f32 v3, v2;
	v3 =	vmul.f32 v5, v45  }
0x100: {  	v5 =	vld.idx.msk [tilespmem:v6+s14+$0x0], $0xffff;
	v6 =	vor.u32 $0x18, v1  }
0x101: {  	v51 =	vld.idx.msk [tilespmem:v47+s12+$0x0], $0xffff;
	v2 =	vadd.f32 v3, v2;
	v3 =	vmul.f32 v7, v46  }
0x102: {  	v52 =	vor.u32 $0x19, v1;
	v7 =	vld.idx.msk [tilespmem:v47+s14+$0x0], $0xffff  }
0x103: {  	v53 =	vld.idx.msk [tilespmem:v49+s12+$0x0], $0xffff;
	v2 =	vadd.f32 v3, v2;
	v3 =	vmul.f32 v4, v48  }
0x104: {  	v54 =	vor.u32 $0x1A, v1;
	v4 =	vld.idx.msk [tilespmem:v49+s14+$0x0], $0xffff  }
0x105: {  	v55 =	vld.idx.msk [tilespmem:v6+s12+$0x0], $0xffff;
	v2 =	vadd.f32 v3, v2;
	v3 =	vmul.f32 v5, v50  }
0x106: {  	v5 =	vld.idx.msk [tilespmem:v6+s14+$0x0], $0xffff;
	v6 =	vor.u32 $0x1B, v1  }
0x107: {  	v56 =	vld.idx.msk [tilespmem:v52+s12+$0x0], $0xffff;
	v2 =	vadd.f32 v3, v2;
	v3 =	vmul.f32 v7, v51  }
0x108: {  	v57 =	vor.u32 $0x1C, v1;
	v7 =	vld.idx.msk [tilespmem:v52+s14+$0x0], $0xffff  }
0x109: {  	v58 =	vld.idx.msk [tilespmem:v54+s12+$0x0], $0xffff;
	v2 =	vadd.f32 v3, v2;
	v3 =	vmul.f32 v4, v53  }
0x10a: {  	v4 =	vld.idx.msk [tilespmem:v54+s14+$0x0], $0xffff  }
0x10b: {  	v60 =	vld.idx.msk [tilespmem:v6+s12+$0x0], $0xffff;
	v2 =	vadd.f32 v3, v2;
	v3 =	vmul.f32 v5, v55  }
0x10c: {  	v59 =	vor.u32 $0x1D, v1;
	v5 =	vld.idx.msk [tilespmem:v6+s14+$0x0], $0xffff  }
0x10d: {  	v61 =	vld.idx.msk [tilespmem:v57+s12+$0x0], $0xffff;
	v2 =	vadd.f32 v3, v2;
	v3 =	vmul.f32 v7, v56  }
0x10e: {  	v6 =	vor.u32 $0x1E, v1;
	v7 =	vld.idx.msk [tilespmem:v57+s14+$0x0], $0xffff  }
0x10f: {  	v2 =	vadd.f32 v3, v2;
	v3 =	vmul.f32 v4, v58  }
0x110: {  	v1 =	vor.u32 $0x1F, v1  }
0x111: {  	v62 =	vld.idx.msk [tilespmem:v59+s12+$0x0], $0xffff;
	v2 =	vadd.f32 v3, v2;
	v3 =	vmul.f32 v5, v60  }
0x112: {  	v4 =	vld.idx.msk [tilespmem:v59+s14+$0x0], $0xffff  }
0x113: {  	v63 =	vld.idx.msk [tilespmem:v6+s12+$0x0], $0xffff;
	v2 =	vadd.f32 v3, v2;
	v3 =	vmul.f32 v7, v61  }
0x114: {  	v5 =	vld.idx.msk [tilespmem:v6+s14+$0x0], $0xffff  }
0x115: {  	v6 =	vadd.f32 v3, v2;
	v2 =	vld.idx.msk [tilespmem:v1+s12+$0x0], $0xffff  }
0x116: {  	v3 =	vld.idx.msk [tilespmem:v1+s14+$0x0], $0xffff  }
0x117: {  	v4 =	vmul.f32 v4, v62  }
0x118: {  	s28 =	simm.s32 $0x20  }
0x119: {  	v7 =	vmov s28;
	v5 =	vmul.f32 v5, v63;
	v4 =	vadd.f32 v4, v6  }
0x11a: {  	s29 =	simm.s32 $0x30;
	s28 =	simm.s32 $0x4800;
	v1 =	vshll.u32 v7, $0x5  }
.LBB2_2:
0x11b: {  	p0 =	sne.s32 s29, $0x70;
	v1 =	vor.u32 v0, v1;
	v4 =	vadd.f32 v5, v4;
	v2 =	vmul.f32 v3, v2;
	_ =	sdelay $0x1  }
0x11c: {  	v3 =	vor.u32 $0x1, v1;
	v2 =	vadd.f32 v2, v4  }
0x11d: {  	s28 =	sadd.s32 $0x10, s28  }
0x11e: {  	v4 =	vor.u32 $0x2, v1;
	[tilespmem:s28+$0x0] =	vst v2  }
0x11f: {  	v2 =	vld.idx.msk [tilespmem:v1+s14+$0x0], $0xffff  }
0x120: {  	v6 =	vor.u32 $0x3, v1;
	v5 =	vld.idx.msk [tilespmem:v1+s12+$0x0], $0xffff  }
0x121: {  	v7 =	vld.idx.msk [tilespmem:v3+s12+$0x0], $0xffff  }
0x122: {  	v8 =	vor.u32 $0x4, v1;
	v3 =	vld.idx.msk [tilespmem:v3+s14+$0x0], $0xffff  }
0x123: {  	v9 =	vld.idx.msk [tilespmem:v4+s12+$0x0], $0xffff  }
0x124: {  	v10 =	vor.u32 $0x5, v1;
	v4 =	vld.idx.msk [tilespmem:v4+s14+$0x0], $0xffff  }
0x125: {  	v11 =	vld.idx.msk [tilespmem:v6+s12+$0x0], $0xffff  }
0x126: {  	v2 =	vmul.f32 v2, v5;
	v5 =	vld.idx.msk [tilespmem:v6+s14+$0x0], $0xffff;
	v6 =	vor.u32 $0x6, v1  }
0x127: {  	v12 =	vld.idx.msk [tilespmem:v8+s12+$0x0], $0xffff  }
0x128: {  	v2 =	vadd.f32 $0.0e+00, v2;
	v3 =	vmul.f32 v3, v7;
	v7 =	vld.idx.msk [tilespmem:v8+s14+$0x0], $0xffff;
	v8 =	vor.u32 $0x7, v1  }
0x129: {  	v13 =	vld.idx.msk [tilespmem:v10+s12+$0x0], $0xffff  }
0x12a: {  	v2 =	vadd.f32 v3, v2;
	v3 =	vmul.f32 v4, v9;
	v9 =	vor.u32 $0x8, v1;
	v4 =	vld.idx.msk [tilespmem:v10+s14+$0x0], $0xffff  }
0x12b: {  	v10 =	vld.idx.msk [tilespmem:v6+s12+$0x0], $0xffff  }
0x12c: {  	v2 =	vadd.f32 v3, v2;
	v3 =	vmul.f32 v5, v11;
	v5 =	vld.idx.msk [tilespmem:v6+s14+$0x0], $0xffff;
	v6 =	vor.u32 $0x9, v1  }
0x12d: {  	v11 =	vld.idx.msk [tilespmem:v8+s12+$0x0], $0xffff  }
0x12e: {  	v2 =	vadd.f32 v3, v2;
	v3 =	vmul.f32 v7, v12;
	v7 =	vld.idx.msk [tilespmem:v8+s14+$0x0], $0xffff;
	v8 =	vor.u32 $0xA, v1  }
0x12f: {  	v12 =	vld.idx.msk [tilespmem:v9+s12+$0x0], $0xffff  }
0x130: {  	v2 =	vadd.f32 v3, v2;
	v3 =	vmul.f32 v4, v13;
	v4 =	vld.idx.msk [tilespmem:v9+s14+$0x0], $0xffff;
	v9 =	vor.u32 $0xB, v1  }
0x131: {  	v13 =	vld.idx.msk [tilespmem:v6+s12+$0x0], $0xffff  }
0x132: {  	v2 =	vadd.f32 v3, v2;
	v3 =	vmul.f32 v5, v10;
	v5 =	vld.idx.msk [tilespmem:v6+s14+$0x0], $0xffff;
	v6 =	vor.u32 $0xC, v1  }
0x133: {  	v10 =	vld.idx.msk [tilespmem:v8+s12+$0x0], $0xffff  }
0x134: {  	v2 =	vadd.f32 v3, v2;
	v3 =	vmul.f32 v7, v11;
	v7 =	vld.idx.msk [tilespmem:v8+s14+$0x0], $0xffff;
	v8 =	vor.u32 $0xD, v1  }
0x135: {  	v11 =	vld.idx.msk [tilespmem:v9+s12+$0x0], $0xffff  }
0x136: {  	v2 =	vadd.f32 v3, v2;
	v3 =	vmul.f32 v4, v12;
	v4 =	vld.idx.msk [tilespmem:v9+s14+$0x0], $0xffff;
	v9 =	vor.u32 $0xE, v1  }
0x137: {  	v12 =	vld.idx.msk [tilespmem:v6+s12+$0x0], $0xffff  }
0x138: {  	v2 =	vadd.f32 v3, v2;
	v3 =	vmul.f32 v5, v13;
	v5 =	vld.idx.msk [tilespmem:v6+s14+$0x0], $0xffff;
	v6 =	vor.u32 $0xF, v1  }
0x139: {  	v13 =	vld.idx.msk [tilespmem:v8+s12+$0x0], $0xffff  }
0x13a: {  	v2 =	vadd.f32 v3, v2;
	v3 =	vmul.f32 v7, v10;
	v7 =	vld.idx.msk [tilespmem:v8+s14+$0x0], $0xffff;
	v8 =	vor.u32 $0x10, v1  }
0x13b: {  	v10 =	vld.idx.msk [tilespmem:v9+s12+$0x0], $0xffff  }
0x13c: {  	v2 =	vadd.f32 v3, v2;
	v3 =	vmul.f32 v4, v11;
	v4 =	vld.idx.msk [tilespmem:v9+s14+$0x0], $0xffff;
	v9 =	vor.u32 $0x11, v1  }
0x13d: {  	v11 =	vld.idx.msk [tilespmem:v6+s12+$0x0], $0xffff  }
0x13e: {  	v2 =	vadd.f32 v3, v2;
	v3 =	vmul.f32 v5, v12;
	v5 =	vld.idx.msk [tilespmem:v6+s14+$0x0], $0xffff;
	v6 =	vor.u32 $0x12, v1  }
0x13f: {  	v12 =	vld.idx.msk [tilespmem:v8+s12+$0x0], $0xffff  }
0x140: {  	v2 =	vadd.f32 v3, v2;
	v3 =	vmul.f32 v7, v13;
	v7 =	vld.idx.msk [tilespmem:v8+s14+$0x0], $0xffff;
	v8 =	vor.u32 $0x13, v1  }
0x141: {  	v13 =	vld.idx.msk [tilespmem:v9+s12+$0x0], $0xffff  }
0x142: {  	v2 =	vadd.f32 v3, v2;
	v3 =	vmul.f32 v4, v10;
	v4 =	vld.idx.msk [tilespmem:v9+s14+$0x0], $0xffff;
	v9 =	vor.u32 $0x14, v1  }
0x143: {  	v10 =	vld.idx.msk [tilespmem:v6+s12+$0x0], $0xffff  }
0x144: {  	v2 =	vadd.f32 v3, v2;
	v3 =	vmul.f32 v5, v11;
	v5 =	vld.idx.msk [tilespmem:v6+s14+$0x0], $0xffff;
	v6 =	vor.u32 $0x15, v1  }
0x145: {  	v11 =	vld.idx.msk [tilespmem:v8+s12+$0x0], $0xffff  }
0x146: {  	v2 =	vadd.f32 v3, v2;
	v3 =	vmul.f32 v7, v12;
	v7 =	vld.idx.msk [tilespmem:v8+s14+$0x0], $0xffff;
	v8 =	vor.u32 $0x16, v1  }
0x147: {  	v12 =	vld.idx.msk [tilespmem:v9+s12+$0x0], $0xffff  }
0x148: {  	v2 =	vadd.f32 v3, v2;
	v3 =	vmul.f32 v4, v13;
	v4 =	vld.idx.msk [tilespmem:v9+s14+$0x0], $0xffff;
	v9 =	vor.u32 $0x17, v1  }
0x149: {  	v13 =	vld.idx.msk [tilespmem:v6+s12+$0x0], $0xffff  }
0x14a: {  	v2 =	vadd.f32 v3, v2;
	v3 =	vmul.f32 v5, v10;
	v5 =	vld.idx.msk [tilespmem:v6+s14+$0x0], $0xffff;
	v6 =	vor.u32 $0x18, v1  }
0x14b: {  	v10 =	vld.idx.msk [tilespmem:v8+s12+$0x0], $0xffff  }
0x14c: {  	v2 =	vadd.f32 v3, v2;
	v3 =	vmul.f32 v7, v11;
	v7 =	vld.idx.msk [tilespmem:v8+s14+$0x0], $0xffff;
	v8 =	vor.u32 $0x19, v1  }
0x14d: {  	v11 =	vld.idx.msk [tilespmem:v9+s12+$0x0], $0xffff  }
0x14e: {  	v2 =	vadd.f32 v3, v2;
	v3 =	vmul.f32 v4, v12;
	v4 =	vld.idx.msk [tilespmem:v9+s14+$0x0], $0xffff;
	v9 =	vor.u32 $0x1A, v1  }
0x14f: {  	v12 =	vld.idx.msk [tilespmem:v6+s12+$0x0], $0xffff  }
0x150: {  	v2 =	vadd.f32 v3, v2;
	v3 =	vmul.f32 v5, v13;
	v5 =	vld.idx.msk [tilespmem:v6+s14+$0x0], $0xffff;
	v6 =	vor.u32 $0x1B, v1  }
0x151: {  	v13 =	vld.idx.msk [tilespmem:v8+s12+$0x0], $0xffff  }
0x152: {  	v2 =	vadd.f32 v3, v2;
	v3 =	vmul.f32 v7, v10;
	v7 =	vld.idx.msk [tilespmem:v8+s14+$0x0], $0xffff;
	v8 =	vor.u32 $0x1C, v1  }
0x153: {  	v10 =	vld.idx.msk [tilespmem:v9+s12+$0x0], $0xffff  }
0x154: {  	v2 =	vadd.f32 v3, v2;
	v3 =	vmul.f32 v4, v11;
	v4 =	vld.idx.msk [tilespmem:v9+s14+$0x0], $0xffff;
	v9 =	vor.u32 $0x1D, v1  }
0x155: {  	v11 =	vld.idx.msk [tilespmem:v6+s12+$0x0], $0xffff  }
0x156: {  	v2 =	vadd.f32 v3, v2;
	v3 =	vmul.f32 v5, v12;
	v5 =	vld.idx.msk [tilespmem:v6+s14+$0x0], $0xffff;
	v6 =	vor.u32 $0x1E, v1  }
0x157: {  	v12 =	vld.idx.msk [tilespmem:v8+s12+$0x0], $0xffff  }
0x158: {  	v1 =	vor.u32 $0x1F, v1;
	v2 =	vadd.f32 v3, v2;
	v3 =	vmul.f32 v7, v13;
	v7 =	vld.idx.msk [tilespmem:v8+s14+$0x0], $0xffff  }
0x159: {  	v8 =	vld.idx.msk [tilespmem:v9+s12+$0x0], $0xffff  }
0x15a: {  	v2 =	vadd.f32 v3, v2;
	v3 =	vmul.f32 v4, v10;
	v4 =	vld.idx.msk [tilespmem:v9+s14+$0x0], $0xffff  }
0x15b: {  	v9 =	vld.idx.msk [tilespmem:v6+s12+$0x0], $0xffff  }
0x15c: {  	v3 =	vadd.f32 v3, v2;
	v5 =	vmul.f32 v5, v11;
	v6 =	vld.idx.msk [tilespmem:v6+s14+$0x0], $0xffff  }
0x15d: {  	v2 =	vld.idx.msk [tilespmem:v1+s12+$0x0], $0xffff  }
0x15e: {  	v5 =	vadd.f32 v5, v3;
	v7 =	vmul.f32 v7, v12;
	v3 =	vld.idx.msk [tilespmem:v1+s14+$0x0], $0xffff  }
.Ltmp0:
0x15f: {  	(pc) =	sbr.rel @p0 .LBB2_2-.Ltmp0, $3  }
0x160: {  	v1 =	vadd.f32 v7, v5;
	v4 =	vmul.f32 v4, v8;
	_ =	sdelay $0x1  }
0x161: {  	v7 =	vmov s29;
	v4 =	vadd.f32 v4, v1;
	v5 =	vmul.f32 v6, v9  }
0x162: {  	s29 =	sadd.s32 $0x10, s29;
	v1 =	vshll.u32 v7, $0x5  }
0x163: {  	v1 =	vor.u32 v0, v1;
	v4 =	vadd.f32 v5, v4;
	v2 =	vmul.f32 v3, v2;
	_ =	sdelay $0x1  }
0x164: {  	v3 =	vor.u32 $0x1, v1;
	v2 =	vadd.f32 v2, v4  }
0x165: {  	s28 =	sadd.s32 $0x10, s28  }
0x166: {  	v4 =	vor.u32 $0x2, v1;
	[tilespmem:s28+$0x0] =	vst v2  }
0x167: {  	v2 =	vld.idx.msk [tilespmem:v1+s14+$0x0], $0xffff  }
0x168: {  	v6 =	vor.u32 $0x3, v1;
	v5 =	vld.idx.msk [tilespmem:v1+s12+$0x0], $0xffff  }
0x169: {  	v7 =	vld.idx.msk [tilespmem:v3+s12+$0x0], $0xffff  }
0x16a: {  	v8 =	vor.u32 $0x4, v1;
	v3 =	vld.idx.msk [tilespmem:v3+s14+$0x0], $0xffff  }
0x16b: {  	v9 =	vld.idx.msk [tilespmem:v4+s12+$0x0], $0xffff  }
0x16c: {  	v10 =	vor.u32 $0x5, v1;
	v4 =	vld.idx.msk [tilespmem:v4+s14+$0x0], $0xffff  }
0x16d: {  	v11 =	vld.idx.msk [tilespmem:v6+s12+$0x0], $0xffff;
	v2 =	vmul.f32 v2, v5  }
0x16e: {  	v5 =	vld.idx.msk [tilespmem:v6+s14+$0x0], $0xffff;
	v6 =	vor.u32 $0x6, v1  }
0x16f: {  	v12 =	vld.idx.msk [tilespmem:v8+s12+$0x0], $0xffff;
	v3 =	vmul.f32 v3, v7;
	v2 =	vadd.f32 $0.0e+00, v2  }
0x170: {  	v26 =	vor.u32 $0x7, v1;
	v7 =	vld.idx.msk [tilespmem:v8+s14+$0x0], $0xffff  }
0x171: {  	v13 =	vld.idx.msk [tilespmem:v10+s12+$0x0], $0xffff;
	v2 =	vadd.f32 v3, v2;
	v3 =	vmul.f32 v4, v9  }
0x172: {  	v27 =	vor.u32 $0x8, v1;
	v4 =	vld.idx.msk [tilespmem:v10+s14+$0x0], $0xffff  }
0x173: {  	v28 =	vld.idx.msk [tilespmem:v6+s12+$0x0], $0xffff;
	v2 =	vadd.f32 v3, v2;
	v3 =	vmul.f32 v5, v11  }
0x174: {  	v5 =	vld.idx.msk [tilespmem:v6+s14+$0x0], $0xffff;
	v6 =	vor.u32 $0x9, v1  }
0x175: {  	v29 =	vld.idx.msk [tilespmem:v26+s12+$0x0], $0xffff;
	v2 =	vadd.f32 v3, v2;
	v3 =	vmul.f32 v7, v12  }
0x176: {  	v30 =	vor.u32 $0xA, v1;
	v7 =	vld.idx.msk [tilespmem:v26+s14+$0x0], $0xffff  }
0x177: {  	v31 =	vld.idx.msk [tilespmem:v27+s12+$0x0], $0xffff;
	v2 =	vadd.f32 v3, v2;
	v3 =	vmul.f32 v4, v13  }
0x178: {  	v32 =	vor.u32 $0xB, v1;
	v4 =	vld.idx.msk [tilespmem:v27+s14+$0x0], $0xffff  }
0x179: {  	v33 =	vld.idx.msk [tilespmem:v6+s12+$0x0], $0xffff;
	v2 =	vadd.f32 v3, v2;
	v3 =	vmul.f32 v5, v28  }
0x17a: {  	v5 =	vld.idx.msk [tilespmem:v6+s14+$0x0], $0xffff;
	v6 =	vor.u32 $0xC, v1  }
0x17b: {  	v34 =	vld.idx.msk [tilespmem:v30+s12+$0x0], $0xffff;
	v2 =	vadd.f32 v3, v2;
	v3 =	vmul.f32 v7, v29  }
0x17c: {  	v35 =	vor.u32 $0xD, v1;
	v7 =	vld.idx.msk [tilespmem:v30+s14+$0x0], $0xffff  }
0x17d: {  	v36 =	vld.idx.msk [tilespmem:v32+s12+$0x0], $0xffff;
	v2 =	vadd.f32 v3, v2;
	v3 =	vmul.f32 v4, v31  }
0x17e: {  	v37 =	vor.u32 $0xE, v1;
	v4 =	vld.idx.msk [tilespmem:v32+s14+$0x0], $0xffff  }
0x17f: {  	v38 =	vld.idx.msk [tilespmem:v6+s12+$0x0], $0xffff;
	v2 =	vadd.f32 v3, v2;
	v3 =	vmul.f32 v5, v33  }
0x180: {  	v5 =	vld.idx.msk [tilespmem:v6+s14+$0x0], $0xffff;
	v6 =	vor.u32 $0xF, v1  }
0x181: {  	v39 =	vld.idx.msk [tilespmem:v35+s12+$0x0], $0xffff;
	v2 =	vadd.f32 v3, v2;
	v3 =	vmul.f32 v7, v34  }
0x182: {  	v40 =	vor.u32 $0x10, v1;
	v7 =	vld.idx.msk [tilespmem:v35+s14+$0x0], $0xffff  }
0x183: {  	v41 =	vld.idx.msk [tilespmem:v37+s12+$0x0], $0xffff;
	v2 =	vadd.f32 v3, v2;
	v3 =	vmul.f32 v4, v36  }
0x184: {  	v42 =	vor.u32 $0x11, v1;
	v4 =	vld.idx.msk [tilespmem:v37+s14+$0x0], $0xffff  }
0x185: {  	v43 =	vld.idx.msk [tilespmem:v6+s12+$0x0], $0xffff;
	v2 =	vadd.f32 v3, v2;
	v3 =	vmul.f32 v5, v38  }
0x186: {  	v5 =	vld.idx.msk [tilespmem:v6+s14+$0x0], $0xffff;
	v6 =	vor.u32 $0x12, v1  }
0x187: {  	v44 =	vld.idx.msk [tilespmem:v40+s12+$0x0], $0xffff;
	v2 =	vadd.f32 v3, v2;
	v3 =	vmul.f32 v7, v39  }
0x188: {  	v45 =	vor.u32 $0x13, v1;
	v7 =	vld.idx.msk [tilespmem:v40+s14+$0x0], $0xffff  }
0x189: {  	v46 =	vld.idx.msk [tilespmem:v42+s12+$0x0], $0xffff;
	v2 =	vadd.f32 v3, v2;
	v3 =	vmul.f32 v4, v41  }
0x18a: {  	v47 =	vor.u32 $0x14, v1;
	v4 =	vld.idx.msk [tilespmem:v42+s14+$0x0], $0xffff  }
0x18b: {  	v48 =	vld.idx.msk [tilespmem:v6+s12+$0x0], $0xffff;
	v2 =	vadd.f32 v3, v2;
	v3 =	vmul.f32 v5, v43  }
0x18c: {  	v5 =	vld.idx.msk [tilespmem:v6+s14+$0x0], $0xffff;
	v6 =	vor.u32 $0x15, v1  }
0x18d: {  	v49 =	vld.idx.msk [tilespmem:v45+s12+$0x0], $0xffff;
	v2 =	vadd.f32 v3, v2;
	v3 =	vmul.f32 v7, v44  }
0x18e: {  	v50 =	vor.u32 $0x16, v1;
	v7 =	vld.idx.msk [tilespmem:v45+s14+$0x0], $0xffff  }
0x18f: {  	v51 =	vld.idx.msk [tilespmem:v47+s12+$0x0], $0xffff;
	v2 =	vadd.f32 v3, v2;
	v3 =	vmul.f32 v4, v46  }
0x190: {  	v52 =	vor.u32 $0x17, v1;
	v4 =	vld.idx.msk [tilespmem:v47+s14+$0x0], $0xffff  }
0x191: {  	v53 =	vld.idx.msk [tilespmem:v6+s12+$0x0], $0xffff;
	v2 =	vadd.f32 v3, v2;
	v3 =	vmul.f32 v5, v48  }
0x192: {  	v5 =	vld.idx.msk [tilespmem:v6+s14+$0x0], $0xffff;
	v6 =	vor.u32 $0x18, v1  }
0x193: {  	v54 =	vld.idx.msk [tilespmem:v50+s12+$0x0], $0xffff;
	v2 =	vadd.f32 v3, v2;
	v3 =	vmul.f32 v7, v49  }
0x194: {  	v55 =	vor.u32 $0x19, v1;
	v7 =	vld.idx.msk [tilespmem:v50+s14+$0x0], $0xffff  }
0x195: {  	v56 =	vld.idx.msk [tilespmem:v52+s12+$0x0], $0xffff;
	v2 =	vadd.f32 v3, v2;
	v3 =	vmul.f32 v4, v51  }
0x196: {  	v57 =	vor.u32 $0x1A, v1;
	v4 =	vld.idx.msk [tilespmem:v52+s14+$0x0], $0xffff  }
0x197: {  	v58 =	vld.idx.msk [tilespmem:v6+s12+$0x0], $0xffff;
	v2 =	vadd.f32 v3, v2;
	v3 =	vmul.f32 v5, v53  }
0x198: {  	v5 =	vld.idx.msk [tilespmem:v6+s14+$0x0], $0xffff;
	v6 =	vor.u32 $0x1B, v1  }
0x199: {  	v59 =	vld.idx.msk [tilespmem:v55+s12+$0x0], $0xffff;
	v2 =	vadd.f32 v3, v2;
	v3 =	vmul.f32 v7, v54  }
0x19a: {  	v60 =	vor.u32 $0x1C, v1;
	v7 =	vld.idx.msk [tilespmem:v55+s14+$0x0], $0xffff  }
0x19b: {  	v61 =	vld.idx.msk [tilespmem:v57+s12+$0x0], $0xffff;
	v2 =	vadd.f32 v3, v2;
	v3 =	vmul.f32 v4, v56  }
0x19c: {  	v62 =	vor.u32 $0x1D, v1;
	v4 =	vld.idx.msk [tilespmem:v57+s14+$0x0], $0xffff  }
0x19d: {  	v63 =	vld.idx.msk [tilespmem:v6+s12+$0x0], $0xffff;
	v2 =	vadd.f32 v3, v2;
	v3 =	vmul.f32 v5, v58  }
0x19e: {  	v5 =	vld.idx.msk [tilespmem:v6+s14+$0x0], $0xffff;
	v6 =	vor.u32 $0x1E, v1  }
0x19f: {  	v16 =	vld.idx.msk [tilespmem:v60+s12+$0x0], $0xffff;
	v2 =	vadd.f32 v3, v2;
	v3 =	vmul.f32 v7, v59  }
0x1a0: {  	v1 =	vor.u32 $0x1F, v1;
	v7 =	vld.idx.msk [tilespmem:v60+s14+$0x0], $0xffff  }
0x1a1: {  	v17 =	vld.idx.msk [tilespmem:v62+s12+$0x0], $0xffff;
	v2 =	vadd.f32 v3, v2;
	v3 =	vmul.f32 v4, v61  }
0x1a2: {  	v4 =	vld.idx.msk [tilespmem:v62+s14+$0x0], $0xffff  }
0x1a3: {  	v18 =	vld.idx.msk [tilespmem:v6+s12+$0x0], $0xffff;
	v2 =	vadd.f32 v3, v2;
	v3 =	vmul.f32 v5, v63  }
0x1a4: {  	v5 =	vld.idx.msk [tilespmem:v6+s14+$0x0], $0xffff  }
0x1a5: {  	v6 =	vld.idx.msk [tilespmem:v1+s12+$0x0], $0xffff;
	v2 =	vadd.f32 v3, v2;
	v3 =	vmul.f32 v7, v16  }
0x1a6: {  	v1 =	vld.idx.msk [tilespmem:v1+s14+$0x0], $0xffff  }
0x1a7: {  	v2 =	vadd.f32 v3, v2;
	v3 =	vmul.f32 v4, v17;
	_ =	sdelay $0x1  }
0x1a8: {  	v2 =	vadd.f32 v3, v2;
	v3 =	vmul.f32 v5, v18;
	_ =	sdelay $0x1  }
0x1a9: {  	v1 =	vmul.f32 v1, v6;
	v2 =	vadd.f32 v3, v2;
	_ =	sdelay $0x1  }
0x1aa: {  	v1 =	vadd.f32 v1, v2  }
0x1ab: {  	s28 =	sadd.s32 $0x10, s28  }
0x1ac: {  	[tilespmem:s28+$0x0] =	vst v1  }
0x1ad: {  	[tilespmem:s12], [sflag:$0x1] =	stream.indirect.gather [hbm4b:s3+s10], $0x20, s20, s10, $0xb8;
	[tilespmem:$0x4A00] =	vst v63  }
0x1ae: {  	s28 =	simm.s32 $0x0  }
0x1af: {  	v1 =	vmov s28;
	[tilespmem:s14], [sflag:$0x1] =	stream.indirect.gather [hbm4b:s3+s10], $0x20, s21, s10, $0xb8;
	[tilespmem:$0x4A00] =	vst v63  }
0x1b0: {  	v1 =	vshll.u32 v1, $0x5;
	_ =	swait.ge [sflag:s22], $0x1000  }
0x1b1: {  	v1 =	vor.u32 v0, v1;
	[sflag:s22] =	ssyncset.done $0x0  }
0x1b2: {  	[sflag:s22] =	ssyncadd.s32 $0xFFFFF000  }
0x1b3: {  	v2 =	vor.u32 $0x1, v1;
	_ =	swait.ge [sflag:s22], $0x1000  }
0x1b4: {  	[sflag:s22] =	ssyncset.done $0x0  }
0x1b5: {  	v3 =	vor.u32 $0x2, v1;
	[sflag:s22] =	ssyncadd.s32 $0xFFFFF000  }
0x1b6: {  	v4 =	vld.idx.msk [tilespmem:v1+s18+$0x0], $0xffff  }
0x1b7: {  	v6 =	vor.u32 $0x3, v1;
	v5 =	vld.idx.msk [tilespmem:v1+s16+$0x0], $0xffff  }
0x1b8: {  	v7 =	vld.idx.msk [tilespmem:v2+s16+$0x0], $0xffff  }
0x1b9: {  	v19 =	vor.u32 $0x4, v1;
	v2 =	vld.idx.msk [tilespmem:v2+s18+$0x0], $0xffff  }
0x1ba: {  	v20 =	vld.idx.msk [tilespmem:v3+s16+$0x0], $0xffff  }
0x1bb: {  	v21 =	vor.u32 $0x5, v1;
	v3 =	vld.idx.msk [tilespmem:v3+s18+$0x0], $0xffff  }
0x1bc: {  	v22 =	vld.idx.msk [tilespmem:v6+s16+$0x0], $0xffff;
	v4 =	vmul.f32 v4, v5  }
0x1bd: {  	v5 =	vld.idx.msk [tilespmem:v6+s18+$0x0], $0xffff;
	v6 =	vor.u32 $0x6, v1  }
0x1be: {  	v23 =	vld.idx.msk [tilespmem:v19+s16+$0x0], $0xffff;
	v2 =	vmul.f32 v2, v7;
	v4 =	vadd.f32 $0.0e+00, v4  }
0x1bf: {  	v24 =	vor.u32 $0x7, v1;
	v7 =	vld.idx.msk [tilespmem:v19+s18+$0x0], $0xffff  }
0x1c0: {  	v25 =	vld.idx.msk [tilespmem:v21+s16+$0x0], $0xffff;
	v3 =	vmul.f32 v3, v20;
	v2 =	vadd.f32 v2, v4  }
0x1c1: {  	v26 =	vor.u32 $0x8, v1;
	v4 =	vld.idx.msk [tilespmem:v21+s18+$0x0], $0xffff  }
0x1c2: {  	v27 =	vld.idx.msk [tilespmem:v6+s16+$0x0], $0xffff;
	v2 =	vadd.f32 v3, v2;
	v3 =	vmul.f32 v5, v22  }
0x1c3: {  	v5 =	vld.idx.msk [tilespmem:v6+s18+$0x0], $0xffff;
	v6 =	vor.u32 $0x9, v1  }
0x1c4: {  	v28 =	vld.idx.msk [tilespmem:v24+s16+$0x0], $0xffff;
	v2 =	vadd.f32 v3, v2;
	v3 =	vmul.f32 v7, v23  }
0x1c5: {  	v29 =	vor.u32 $0xA, v1;
	v7 =	vld.idx.msk [tilespmem:v24+s18+$0x0], $0xffff  }
0x1c6: {  	v30 =	vld.idx.msk [tilespmem:v26+s16+$0x0], $0xffff;
	v2 =	vadd.f32 v3, v2;
	v3 =	vmul.f32 v4, v25  }
0x1c7: {  	v31 =	vor.u32 $0xB, v1;
	v4 =	vld.idx.msk [tilespmem:v26+s18+$0x0], $0xffff  }
0x1c8: {  	v32 =	vld.idx.msk [tilespmem:v6+s16+$0x0], $0xffff;
	v2 =	vadd.f32 v3, v2;
	v3 =	vmul.f32 v5, v27  }
0x1c9: {  	v5 =	vld.idx.msk [tilespmem:v6+s18+$0x0], $0xffff;
	v6 =	vor.u32 $0xC, v1  }
0x1ca: {  	v33 =	vld.idx.msk [tilespmem:v29+s16+$0x0], $0xffff;
	v2 =	vadd.f32 v3, v2;
	v3 =	vmul.f32 v7, v28  }
0x1cb: {  	v34 =	vor.u32 $0xD, v1;
	v7 =	vld.idx.msk [tilespmem:v29+s18+$0x0], $0xffff  }
0x1cc: {  	v35 =	vld.idx.msk [tilespmem:v31+s16+$0x0], $0xffff;
	v2 =	vadd.f32 v3, v2;
	v3 =	vmul.f32 v4, v30  }
0x1cd: {  	v36 =	vor.u32 $0xE, v1;
	v4 =	vld.idx.msk [tilespmem:v31+s18+$0x0], $0xffff  }
0x1ce: {  	v37 =	vld.idx.msk [tilespmem:v6+s16+$0x0], $0xffff;
	v2 =	vadd.f32 v3, v2;
	v3 =	vmul.f32 v5, v32  }
0x1cf: {  	v5 =	vld.idx.msk [tilespmem:v6+s18+$0x0], $0xffff;
	v6 =	vor.u32 $0xF, v1  }
0x1d0: {  	v38 =	vld.idx.msk [tilespmem:v34+s16+$0x0], $0xffff;
	v2 =	vadd.f32 v3, v2;
	v3 =	vmul.f32 v7, v33  }
0x1d1: {  	v39 =	vor.u32 $0x10, v1;
	v7 =	vld.idx.msk [tilespmem:v34+s18+$0x0], $0xffff  }
0x1d2: {  	v40 =	vld.idx.msk [tilespmem:v36+s16+$0x0], $0xffff;
	v2 =	vadd.f32 v3, v2;
	v3 =	vmul.f32 v4, v35  }
0x1d3: {  	v41 =	vor.u32 $0x11, v1;
	v4 =	vld.idx.msk [tilespmem:v36+s18+$0x0], $0xffff  }
0x1d4: {  	v42 =	vld.idx.msk [tilespmem:v6+s16+$0x0], $0xffff;
	v2 =	vadd.f32 v3, v2;
	v3 =	vmul.f32 v5, v37  }
0x1d5: {  	v5 =	vld.idx.msk [tilespmem:v6+s18+$0x0], $0xffff;
	v6 =	vor.u32 $0x12, v1  }
0x1d6: {  	v43 =	vld.idx.msk [tilespmem:v39+s16+$0x0], $0xffff;
	v2 =	vadd.f32 v3, v2;
	v3 =	vmul.f32 v7, v38  }
0x1d7: {  	v44 =	vor.u32 $0x13, v1;
	v7 =	vld.idx.msk [tilespmem:v39+s18+$0x0], $0xffff  }
0x1d8: {  	v45 =	vld.idx.msk [tilespmem:v41+s16+$0x0], $0xffff;
	v2 =	vadd.f32 v3, v2;
	v3 =	vmul.f32 v4, v40  }
0x1d9: {  	v46 =	vor.u32 $0x14, v1;
	v4 =	vld.idx.msk [tilespmem:v41+s18+$0x0], $0xffff  }
0x1da: {  	v47 =	vld.idx.msk [tilespmem:v6+s16+$0x0], $0xffff;
	v2 =	vadd.f32 v3, v2;
	v3 =	vmul.f32 v5, v42  }
0x1db: {  	v5 =	vld.idx.msk [tilespmem:v6+s18+$0x0], $0xffff;
	v6 =	vor.u32 $0x15, v1  }
0x1dc: {  	v48 =	vld.idx.msk [tilespmem:v44+s16+$0x0], $0xffff;
	v2 =	vadd.f32 v3, v2;
	v3 =	vmul.f32 v7, v43  }
0x1dd: {  	v49 =	vor.u32 $0x16, v1;
	v7 =	vld.idx.msk [tilespmem:v44+s18+$0x0], $0xffff  }
0x1de: {  	v50 =	vld.idx.msk [tilespmem:v46+s16+$0x0], $0xffff;
	v2 =	vadd.f32 v3, v2;
	v3 =	vmul.f32 v4, v45  }
0x1df: {  	v51 =	vor.u32 $0x17, v1;
	v4 =	vld.idx.msk [tilespmem:v46+s18+$0x0], $0xffff  }
0x1e0: {  	v52 =	vld.idx.msk [tilespmem:v6+s16+$0x0], $0xffff;
	v2 =	vadd.f32 v3, v2;
	v3 =	vmul.f32 v5, v47  }
0x1e1: {  	v5 =	vld.idx.msk [tilespmem:v6+s18+$0x0], $0xffff;
	v6 =	vor.u32 $0x18, v1  }
0x1e2: {  	v53 =	vld.idx.msk [tilespmem:v49+s16+$0x0], $0xffff;
	v2 =	vadd.f32 v3, v2;
	v3 =	vmul.f32 v7, v48  }
0x1e3: {  	v54 =	vor.u32 $0x19, v1;
	v7 =	vld.idx.msk [tilespmem:v49+s18+$0x0], $0xffff  }
0x1e4: {  	v55 =	vld.idx.msk [tilespmem:v51+s16+$0x0], $0xffff;
	v2 =	vadd.f32 v3, v2;
	v3 =	vmul.f32 v4, v50  }
0x1e5: {  	v56 =	vor.u32 $0x1A, v1;
	v4 =	vld.idx.msk [tilespmem:v51+s18+$0x0], $0xffff  }
0x1e6: {  	v57 =	vld.idx.msk [tilespmem:v6+s16+$0x0], $0xffff;
	v2 =	vadd.f32 v3, v2;
	v3 =	vmul.f32 v5, v52  }
0x1e7: {  	v5 =	vld.idx.msk [tilespmem:v6+s18+$0x0], $0xffff;
	v6 =	vor.u32 $0x1B, v1  }
0x1e8: {  	v58 =	vld.idx.msk [tilespmem:v54+s16+$0x0], $0xffff;
	v2 =	vadd.f32 v3, v2;
	v3 =	vmul.f32 v7, v53  }
0x1e9: {  	v59 =	vor.u32 $0x1C, v1;
	v7 =	vld.idx.msk [tilespmem:v54+s18+$0x0], $0xffff  }
0x1ea: {  	v60 =	vld.idx.msk [tilespmem:v56+s16+$0x0], $0xffff;
	v2 =	vadd.f32 v3, v2;
	v3 =	vmul.f32 v4, v55  }
0x1eb: {  	v61 =	vor.u32 $0x1D, v1;
	v4 =	vld.idx.msk [tilespmem:v56+s18+$0x0], $0xffff  }
0x1ec: {  	v62 =	vld.idx.msk [tilespmem:v6+s16+$0x0], $0xffff;
	v2 =	vadd.f32 v3, v2;
	v3 =	vmul.f32 v5, v57  }
0x1ed: {  	v5 =	vld.idx.msk [tilespmem:v6+s18+$0x0], $0xffff;
	v6 =	vor.u32 $0x1E, v1  }
0x1ee: {  	v63 =	vld.idx.msk [tilespmem:v59+s16+$0x0], $0xffff;
	v2 =	vadd.f32 v3, v2;
	v3 =	vmul.f32 v7, v58  }
0x1ef: {  	v1 =	vor.u32 $0x1F, v1;
	v7 =	vld.idx.msk [tilespmem:v59+s18+$0x0], $0xffff  }
0x1f0: {  	v15 =	vld.idx.msk [tilespmem:v61+s16+$0x0], $0xffff;
	v2 =	vadd.f32 v3, v2;
	v3 =	vmul.f32 v4, v60  }
0x1f1: {  	v4 =	vld.idx.msk [tilespmem:v61+s18+$0x0], $0xffff  }
0x1f2: {  	v16 =	vld.idx.msk [tilespmem:v6+s16+$0x0], $0xffff;
	v2 =	vadd.f32 v3, v2;
	v3 =	vmul.f32 v5, v62  }
0x1f3: {  	v5 =	vld.idx.msk [tilespmem:v6+s18+$0x0], $0xffff  }
0x1f4: {  	v6 =	vld.idx.msk [tilespmem:v1+s16+$0x0], $0xffff;
	v2 =	vadd.f32 v3, v2;
	v3 =	vmul.f32 v7, v63  }
0x1f5: {  	v7 =	vld.idx.msk [tilespmem:v1+s18+$0x0], $0xffff  }
0x1f6: {  	v1 =	vadd.f32 v3, v2;
	v2 =	vmul.f32 v4, v15  }
0x1f7: {  	s28 =	simm.s32 $0x10  }
0x1f8: {  	v3 =	vmov s28;
	v4 =	vmul.f32 v5, v16;
	v2 =	vadd.f32 v2, v1  }
0x1f9: {  	v1 =	vshll.u32 v3, $0x5  }
0x1fa: {  	v1 =	vor.u32 v0, v1;
	v3 =	vmul.f32 v7, v6;
	v2 =	vadd.f32 v4, v2;
	_ =	sdelay $0x1  }
0x1fb: {  	v4 =	vor.u32 $0x1, v1;
	v2 =	vadd.f32 v3, v2  }
0x1fc: {  	s28 =	simm.s32 $0x4880  }
0x1fd: {  	v3 =	vor.u32 $0x2, v1;
	[tilespmem:s28+$0x0] =	vst v2  }
0x1fe: {  	v2 =	vld.idx.msk [tilespmem:v1+s18+$0x0], $0xffff  }
0x1ff: {  	v6 =	vor.u32 $0x3, v1;
	v5 =	vld.idx.msk [tilespmem:v1+s16+$0x0], $0xffff  }
0x200: {  	v7 =	vld.idx.msk [tilespmem:v4+s16+$0x0], $0xffff  }
0x201: {  	v17 =	vor.u32 $0x4, v1;
	v4 =	vld.idx.msk [tilespmem:v4+s18+$0x0], $0xffff  }
0x202: {  	v18 =	vld.idx.msk [tilespmem:v3+s16+$0x0], $0xffff  }
0x203: {  	v19 =	vor.u32 $0x5, v1;
	v3 =	vld.idx.msk [tilespmem:v3+s18+$0x0], $0xffff  }
0x204: {  	v20 =	vld.idx.msk [tilespmem:v6+s16+$0x0], $0xffff;
	v2 =	vmul.f32 v2, v5  }
0x205: {  	v5 =	vld.idx.msk [tilespmem:v6+s18+$0x0], $0xffff;
	v6 =	vor.u32 $0x6, v1  }
0x206: {  	v21 =	vld.idx.msk [tilespmem:v17+s16+$0x0], $0xffff;
	v4 =	vmul.f32 v4, v7;
	v2 =	vadd.f32 $0.0e+00, v2  }
0x207: {  	v22 =	vor.u32 $0x7, v1;
	v7 =	vld.idx.msk [tilespmem:v17+s18+$0x0], $0xffff  }
0x208: {  	v23 =	vld.idx.msk [tilespmem:v19+s16+$0x0], $0xffff;
	v3 =	vmul.f32 v3, v18;
	v2 =	vadd.f32 v4, v2  }
0x209: {  	v24 =	vor.u32 $0x8, v1;
	v4 =	vld.idx.msk [tilespmem:v19+s18+$0x0], $0xffff  }
0x20a: {  	v25 =	vld.idx.msk [tilespmem:v6+s16+$0x0], $0xffff;
	v2 =	vadd.f32 v3, v2;
	v3 =	vmul.f32 v5, v20  }
0x20b: {  	v5 =	vld.idx.msk [tilespmem:v6+s18+$0x0], $0xffff;
	v6 =	vor.u32 $0x9, v1  }
0x20c: {  	v26 =	vld.idx.msk [tilespmem:v22+s16+$0x0], $0xffff;
	v2 =	vadd.f32 v3, v2;
	v3 =	vmul.f32 v7, v21  }
0x20d: {  	v27 =	vor.u32 $0xA, v1;
	v7 =	vld.idx.msk [tilespmem:v22+s18+$0x0], $0xffff  }
0x20e: {  	v28 =	vld.idx.msk [tilespmem:v24+s16+$0x0], $0xffff;
	v2 =	vadd.f32 v3, v2;
	v3 =	vmul.f32 v4, v23  }
0x20f: {  	v29 =	vor.u32 $0xB, v1;
	v4 =	vld.idx.msk [tilespmem:v24+s18+$0x0], $0xffff  }
0x210: {  	v30 =	vld.idx.msk [tilespmem:v6+s16+$0x0], $0xffff;
	v2 =	vadd.f32 v3, v2;
	v3 =	vmul.f32 v5, v25  }
0x211: {  	v5 =	vld.idx.msk [tilespmem:v6+s18+$0x0], $0xffff;
	v6 =	vor.u32 $0xC, v1  }
0x212: {  	v31 =	vld.idx.msk [tilespmem:v27+s16+$0x0], $0xffff;
	v2 =	vadd.f32 v3, v2;
	v3 =	vmul.f32 v7, v26  }
0x213: {  	v32 =	vor.u32 $0xD, v1;
	v7 =	vld.idx.msk [tilespmem:v27+s18+$0x0], $0xffff  }
0x214: {  	v33 =	vld.idx.msk [tilespmem:v29+s16+$0x0], $0xffff;
	v2 =	vadd.f32 v3, v2;
	v3 =	vmul.f32 v4, v28  }
0x215: {  	v34 =	vor.u32 $0xE, v1;
	v4 =	vld.idx.msk [tilespmem:v29+s18+$0x0], $0xffff  }
0x216: {  	v35 =	vld.idx.msk [tilespmem:v6+s16+$0x0], $0xffff;
	v2 =	vadd.f32 v3, v2;
	v3 =	vmul.f32 v5, v30  }
0x217: {  	v5 =	vld.idx.msk [tilespmem:v6+s18+$0x0], $0xffff;
	v6 =	vor.u32 $0xF, v1  }
0x218: {  	v36 =	vld.idx.msk [tilespmem:v32+s16+$0x0], $0xffff;
	v2 =	vadd.f32 v3, v2;
	v3 =	vmul.f32 v7, v31  }
0x219: {  	v37 =	vor.u32 $0x10, v1;
	v7 =	vld.idx.msk [tilespmem:v32+s18+$0x0], $0xffff  }
0x21a: {  	v38 =	vld.idx.msk [tilespmem:v34+s16+$0x0], $0xffff;
	v2 =	vadd.f32 v3, v2;
	v3 =	vmul.f32 v4, v33  }
0x21b: {  	v39 =	vor.u32 $0x11, v1;
	v4 =	vld.idx.msk [tilespmem:v34+s18+$0x0], $0xffff  }
0x21c: {  	v40 =	vld.idx.msk [tilespmem:v6+s16+$0x0], $0xffff;
	v2 =	vadd.f32 v3, v2;
	v3 =	vmul.f32 v5, v35  }
0x21d: {  	v5 =	vld.idx.msk [tilespmem:v6+s18+$0x0], $0xffff;
	v6 =	vor.u32 $0x12, v1  }
0x21e: {  	v41 =	vld.idx.msk [tilespmem:v37+s16+$0x0], $0xffff;
	v2 =	vadd.f32 v3, v2;
	v3 =	vmul.f32 v7, v36  }
0x21f: {  	v42 =	vor.u32 $0x13, v1;
	v7 =	vld.idx.msk [tilespmem:v37+s18+$0x0], $0xffff  }
0x220: {  	v43 =	vld.idx.msk [tilespmem:v39+s16+$0x0], $0xffff;
	v2 =	vadd.f32 v3, v2;
	v3 =	vmul.f32 v4, v38  }
0x221: {  	v44 =	vor.u32 $0x14, v1;
	v4 =	vld.idx.msk [tilespmem:v39+s18+$0x0], $0xffff  }
0x222: {  	v45 =	vld.idx.msk [tilespmem:v6+s16+$0x0], $0xffff;
	v2 =	vadd.f32 v3, v2;
	v3 =	vmul.f32 v5, v40  }
0x223: {  	v5 =	vld.idx.msk [tilespmem:v6+s18+$0x0], $0xffff;
	v6 =	vor.u32 $0x15, v1  }
0x224: {  	v46 =	vld.idx.msk [tilespmem:v42+s16+$0x0], $0xffff;
	v2 =	vadd.f32 v3, v2;
	v3 =	vmul.f32 v7, v41  }
0x225: {  	v47 =	vor.u32 $0x16, v1;
	v7 =	vld.idx.msk [tilespmem:v42+s18+$0x0], $0xffff  }
0x226: {  	v48 =	vld.idx.msk [tilespmem:v44+s16+$0x0], $0xffff;
	v2 =	vadd.f32 v3, v2;
	v3 =	vmul.f32 v4, v43  }
0x227: {  	v49 =	vor.u32 $0x17, v1;
	v4 =	vld.idx.msk [tilespmem:v44+s18+$0x0], $0xffff  }
0x228: {  	v50 =	vld.idx.msk [tilespmem:v6+s16+$0x0], $0xffff;
	v2 =	vadd.f32 v3, v2;
	v3 =	vmul.f32 v5, v45  }
0x229: {  	v5 =	vld.idx.msk [tilespmem:v6+s18+$0x0], $0xffff;
	v6 =	vor.u32 $0x18, v1  }
0x22a: {  	v51 =	vld.idx.msk [tilespmem:v47+s16+$0x0], $0xffff;
	v2 =	vadd.f32 v3, v2;
	v3 =	vmul.f32 v7, v46  }
0x22b: {  	v52 =	vor.u32 $0x19, v1;
	v7 =	vld.idx.msk [tilespmem:v47+s18+$0x0], $0xffff  }
0x22c: {  	v53 =	vld.idx.msk [tilespmem:v49+s16+$0x0], $0xffff;
	v2 =	vadd.f32 v3, v2;
	v3 =	vmul.f32 v4, v48  }
0x22d: {  	v54 =	vor.u32 $0x1A, v1;
	v4 =	vld.idx.msk [tilespmem:v49+s18+$0x0], $0xffff  }
0x22e: {  	v55 =	vld.idx.msk [tilespmem:v6+s16+$0x0], $0xffff;
	v2 =	vadd.f32 v3, v2;
	v3 =	vmul.f32 v5, v50  }
0x22f: {  	v5 =	vld.idx.msk [tilespmem:v6+s18+$0x0], $0xffff;
	v6 =	vor.u32 $0x1B, v1  }
0x230: {  	v56 =	vld.idx.msk [tilespmem:v52+s16+$0x0], $0xffff;
	v2 =	vadd.f32 v3, v2;
	v3 =	vmul.f32 v7, v51  }
0x231: {  	v57 =	vor.u32 $0x1C, v1;
	v7 =	vld.idx.msk [tilespmem:v52+s18+$0x0], $0xffff  }
0x232: {  	v58 =	vld.idx.msk [tilespmem:v54+s16+$0x0], $0xffff;
	v2 =	vadd.f32 v3, v2;
	v3 =	vmul.f32 v4, v53  }
0x233: {  	v4 =	vld.idx.msk [tilespmem:v54+s18+$0x0], $0xffff  }
0x234: {  	v60 =	vld.idx.msk [tilespmem:v6+s16+$0x0], $0xffff;
	v2 =	vadd.f32 v3, v2;
	v3 =	vmul.f32 v5, v55  }
0x235: {  	v59 =	vor.u32 $0x1D, v1;
	v5 =	vld.idx.msk [tilespmem:v6+s18+$0x0], $0xffff  }
0x236: {  	v61 =	vld.idx.msk [tilespmem:v57+s16+$0x0], $0xffff;
	v2 =	vadd.f32 v3, v2;
	v3 =	vmul.f32 v7, v56  }
0x237: {  	v6 =	vor.u32 $0x1E, v1;
	v7 =	vld.idx.msk [tilespmem:v57+s18+$0x0], $0xffff  }
0x238: {  	v2 =	vadd.f32 v3, v2;
	v3 =	vmul.f32 v4, v58  }
0x239: {  	v1 =	vor.u32 $0x1F, v1  }
0x23a: {  	v62 =	vld.idx.msk [tilespmem:v59+s16+$0x0], $0xffff;
	v2 =	vadd.f32 v3, v2;
	v3 =	vmul.f32 v5, v60  }
0x23b: {  	v4 =	vld.idx.msk [tilespmem:v59+s18+$0x0], $0xffff  }
0x23c: {  	v63 =	vld.idx.msk [tilespmem:v6+s16+$0x0], $0xffff;
	v2 =	vadd.f32 v3, v2;
	v3 =	vmul.f32 v7, v61  }
0x23d: {  	v5 =	vld.idx.msk [tilespmem:v6+s18+$0x0], $0xffff  }
0x23e: {  	v6 =	vadd.f32 v3, v2;
	v2 =	vld.idx.msk [tilespmem:v1+s16+$0x0], $0xffff  }
0x23f: {  	v3 =	vld.idx.msk [tilespmem:v1+s18+$0x0], $0xffff  }
0x240: {  	v4 =	vmul.f32 v4, v62  }
0x241: {  	s29 =	simm.s32 $0x20  }
0x242: {  	v7 =	vmov s29;
	v5 =	vmul.f32 v5, v63;
	v4 =	vadd.f32 v4, v6  }
0x243: {  	s29 =	simm.s32 $0x30;
	v1 =	vshll.u32 v7, $0x5  }
.LBB2_4:
0x244: {  	p0 =	sne.s32 s29, $0x70;
	v1 =	vor.u32 v0, v1;
	v4 =	vadd.f32 v5, v4;
	v2 =	vmul.f32 v3, v2;
	_ =	sdelay $0x1  }
0x245: {  	v3 =	vor.u32 $0x1, v1;
	v2 =	vadd.f32 v2, v4  }
0x246: {  	s28 =	sadd.s32 $0x10, s28  }
0x247: {  	v4 =	vor.u32 $0x2, v1;
	[tilespmem:s28+$0x0] =	vst v2  }
0x248: {  	v2 =	vld.idx.msk [tilespmem:v1+s18+$0x0], $0xffff  }
0x249: {  	v6 =	vor.u32 $0x3, v1;
	v5 =	vld.idx.msk [tilespmem:v1+s16+$0x0], $0xffff  }
0x24a: {  	v7 =	vld.idx.msk [tilespmem:v3+s16+$0x0], $0xffff  }
0x24b: {  	v8 =	vor.u32 $0x4, v1;
	v3 =	vld.idx.msk [tilespmem:v3+s18+$0x0], $0xffff  }
0x24c: {  	v9 =	vld.idx.msk [tilespmem:v4+s16+$0x0], $0xffff  }
0x24d: {  	v10 =	vor.u32 $0x5, v1;
	v4 =	vld.idx.msk [tilespmem:v4+s18+$0x0], $0xffff  }
0x24e: {  	v11 =	vld.idx.msk [tilespmem:v6+s16+$0x0], $0xffff  }
0x24f: {  	v2 =	vmul.f32 v2, v5;
	v5 =	vld.idx.msk [tilespmem:v6+s18+$0x0], $0xffff;
	v6 =	vor.u32 $0x6, v1  }
0x250: {  	v12 =	vld.idx.msk [tilespmem:v8+s16+$0x0], $0xffff  }
0x251: {  	v2 =	vadd.f32 $0.0e+00, v2;
	v3 =	vmul.f32 v3, v7;
	v7 =	vld.idx.msk [tilespmem:v8+s18+$0x0], $0xffff;
	v8 =	vor.u32 $0x7, v1  }
0x252: {  	v13 =	vld.idx.msk [tilespmem:v10+s16+$0x0], $0xffff  }
0x253: {  	v2 =	vadd.f32 v3, v2;
	v3 =	vmul.f32 v4, v9;
	v9 =	vor.u32 $0x8, v1;
	v4 =	vld.idx.msk [tilespmem:v10+s18+$0x0], $0xffff  }
0x254: {  	v10 =	vld.idx.msk [tilespmem:v6+s16+$0x0], $0xffff  }
0x255: {  	v2 =	vadd.f32 v3, v2;
	v3 =	vmul.f32 v5, v11;
	v5 =	vld.idx.msk [tilespmem:v6+s18+$0x0], $0xffff;
	v6 =	vor.u32 $0x9, v1  }
0x256: {  	v11 =	vld.idx.msk [tilespmem:v8+s16+$0x0], $0xffff  }
0x257: {  	v2 =	vadd.f32 v3, v2;
	v3 =	vmul.f32 v7, v12;
	v7 =	vld.idx.msk [tilespmem:v8+s18+$0x0], $0xffff;
	v8 =	vor.u32 $0xA, v1  }
0x258: {  	v12 =	vld.idx.msk [tilespmem:v9+s16+$0x0], $0xffff  }
0x259: {  	v2 =	vadd.f32 v3, v2;
	v3 =	vmul.f32 v4, v13;
	v4 =	vld.idx.msk [tilespmem:v9+s18+$0x0], $0xffff;
	v9 =	vor.u32 $0xB, v1  }
0x25a: {  	v13 =	vld.idx.msk [tilespmem:v6+s16+$0x0], $0xffff  }
0x25b: {  	v2 =	vadd.f32 v3, v2;
	v3 =	vmul.f32 v5, v10;
	v5 =	vld.idx.msk [tilespmem:v6+s18+$0x0], $0xffff;
	v6 =	vor.u32 $0xC, v1  }
0x25c: {  	v10 =	vld.idx.msk [tilespmem:v8+s16+$0x0], $0xffff  }
0x25d: {  	v2 =	vadd.f32 v3, v2;
	v3 =	vmul.f32 v7, v11;
	v7 =	vld.idx.msk [tilespmem:v8+s18+$0x0], $0xffff;
	v8 =	vor.u32 $0xD, v1  }
0x25e: {  	v11 =	vld.idx.msk [tilespmem:v9+s16+$0x0], $0xffff  }
0x25f: {  	v2 =	vadd.f32 v3, v2;
	v3 =	vmul.f32 v4, v12;
	v4 =	vld.idx.msk [tilespmem:v9+s18+$0x0], $0xffff;
	v9 =	vor.u32 $0xE, v1  }
0x260: {  	v12 =	vld.idx.msk [tilespmem:v6+s16+$0x0], $0xffff  }
0x261: {  	v2 =	vadd.f32 v3, v2;
	v3 =	vmul.f32 v5, v13;
	v5 =	vld.idx.msk [tilespmem:v6+s18+$0x0], $0xffff;
	v6 =	vor.u32 $0xF, v1  }
0x262: {  	v13 =	vld.idx.msk [tilespmem:v8+s16+$0x0], $0xffff  }
0x263: {  	v2 =	vadd.f32 v3, v2;
	v3 =	vmul.f32 v7, v10;
	v7 =	vld.idx.msk [tilespmem:v8+s18+$0x0], $0xffff;
	v8 =	vor.u32 $0x10, v1  }
0x264: {  	v10 =	vld.idx.msk [tilespmem:v9+s16+$0x0], $0xffff  }
0x265: {  	v2 =	vadd.f32 v3, v2;
	v3 =	vmul.f32 v4, v11;
	v4 =	vld.idx.msk [tilespmem:v9+s18+$0x0], $0xffff;
	v9 =	vor.u32 $0x11, v1  }
0x266: {  	v11 =	vld.idx.msk [tilespmem:v6+s16+$0x0], $0xffff  }
0x267: {  	v2 =	vadd.f32 v3, v2;
	v3 =	vmul.f32 v5, v12;
	v5 =	vld.idx.msk [tilespmem:v6+s18+$0x0], $0xffff;
	v6 =	vor.u32 $0x12, v1  }
0x268: {  	v12 =	vld.idx.msk [tilespmem:v8+s16+$0x0], $0xffff  }
0x269: {  	v2 =	vadd.f32 v3, v2;
	v3 =	vmul.f32 v7, v13;
	v7 =	vld.idx.msk [tilespmem:v8+s18+$0x0], $0xffff;
	v8 =	vor.u32 $0x13, v1  }
0x26a: {  	v13 =	vld.idx.msk [tilespmem:v9+s16+$0x0], $0xffff  }
0x26b: {  	v2 =	vadd.f32 v3, v2;
	v3 =	vmul.f32 v4, v10;
	v4 =	vld.idx.msk [tilespmem:v9+s18+$0x0], $0xffff;
	v9 =	vor.u32 $0x14, v1  }
0x26c: {  	v10 =	vld.idx.msk [tilespmem:v6+s16+$0x0], $0xffff  }
0x26d: {  	v2 =	vadd.f32 v3, v2;
	v3 =	vmul.f32 v5, v11;
	v5 =	vld.idx.msk [tilespmem:v6+s18+$0x0], $0xffff;
	v6 =	vor.u32 $0x15, v1  }
0x26e: {  	v11 =	vld.idx.msk [tilespmem:v8+s16+$0x0], $0xffff  }
0x26f: {  	v2 =	vadd.f32 v3, v2;
	v3 =	vmul.f32 v7, v12;
	v7 =	vld.idx.msk [tilespmem:v8+s18+$0x0], $0xffff;
	v8 =	vor.u32 $0x16, v1  }
0x270: {  	v12 =	vld.idx.msk [tilespmem:v9+s16+$0x0], $0xffff  }
0x271: {  	v2 =	vadd.f32 v3, v2;
	v3 =	vmul.f32 v4, v13;
	v4 =	vld.idx.msk [tilespmem:v9+s18+$0x0], $0xffff;
	v9 =	vor.u32 $0x17, v1  }
0x272: {  	v13 =	vld.idx.msk [tilespmem:v6+s16+$0x0], $0xffff  }
0x273: {  	v2 =	vadd.f32 v3, v2;
	v3 =	vmul.f32 v5, v10;
	v5 =	vld.idx.msk [tilespmem:v6+s18+$0x0], $0xffff;
	v6 =	vor.u32 $0x18, v1  }
0x274: {  	v10 =	vld.idx.msk [tilespmem:v8+s16+$0x0], $0xffff  }
0x275: {  	v2 =	vadd.f32 v3, v2;
	v3 =	vmul.f32 v7, v11;
	v7 =	vld.idx.msk [tilespmem:v8+s18+$0x0], $0xffff;
	v8 =	vor.u32 $0x19, v1  }
0x276: {  	v11 =	vld.idx.msk [tilespmem:v9+s16+$0x0], $0xffff  }
0x277: {  	v2 =	vadd.f32 v3, v2;
	v3 =	vmul.f32 v4, v12;
	v4 =	vld.idx.msk [tilespmem:v9+s18+$0x0], $0xffff;
	v9 =	vor.u32 $0x1A, v1  }
0x278: {  	v12 =	vld.idx.msk [tilespmem:v6+s16+$0x0], $0xffff  }
0x279: {  	v2 =	vadd.f32 v3, v2;
	v3 =	vmul.f32 v5, v13;
	v5 =	vld.idx.msk [tilespmem:v6+s18+$0x0], $0xffff;
	v6 =	vor.u32 $0x1B, v1  }
0x27a: {  	v13 =	vld.idx.msk [tilespmem:v8+s16+$0x0], $0xffff  }
0x27b: {  	v2 =	vadd.f32 v3, v2;
	v3 =	vmul.f32 v7, v10;
	v7 =	vld.idx.msk [tilespmem:v8+s18+$0x0], $0xffff;
	v8 =	vor.u32 $0x1C, v1  }
0x27c: {  	v10 =	vld.idx.msk [tilespmem:v9+s16+$0x0], $0xffff  }
0x27d: {  	v2 =	vadd.f32 v3, v2;
	v3 =	vmul.f32 v4, v11;
	v4 =	vld.idx.msk [tilespmem:v9+s18+$0x0], $0xffff;
	v9 =	vor.u32 $0x1D, v1  }
0x27e: {  	v11 =	vld.idx.msk [tilespmem:v6+s16+$0x0], $0xffff  }
0x27f: {  	v2 =	vadd.f32 v3, v2;
	v3 =	vmul.f32 v5, v12;
	v5 =	vld.idx.msk [tilespmem:v6+s18+$0x0], $0xffff;
	v6 =	vor.u32 $0x1E, v1  }
0x280: {  	v12 =	vld.idx.msk [tilespmem:v8+s16+$0x0], $0xffff  }
0x281: {  	v1 =	vor.u32 $0x1F, v1;
	v2 =	vadd.f32 v3, v2;
	v3 =	vmul.f32 v7, v13;
	v7 =	vld.idx.msk [tilespmem:v8+s18+$0x0], $0xffff  }
0x282: {  	v8 =	vld.idx.msk [tilespmem:v9+s16+$0x0], $0xffff  }
0x283: {  	v2 =	vadd.f32 v3, v2;
	v3 =	vmul.f32 v4, v10;
	v4 =	vld.idx.msk [tilespmem:v9+s18+$0x0], $0xffff  }
0x284: {  	v9 =	vld.idx.msk [tilespmem:v6+s16+$0x0], $0xffff  }
0x285: {  	v3 =	vadd.f32 v3, v2;
	v5 =	vmul.f32 v5, v11;
	v6 =	vld.idx.msk [tilespmem:v6+s18+$0x0], $0xffff  }
0x286: {  	v2 =	vld.idx.msk [tilespmem:v1+s16+$0x0], $0xffff  }
0x287: {  	v5 =	vadd.f32 v5, v3;
	v7 =	vmul.f32 v7, v12;
	v3 =	vld.idx.msk [tilespmem:v1+s18+$0x0], $0xffff  }
.Ltmp1:
0x288: {  	(pc) =	sbr.rel @p0 .LBB2_4-.Ltmp1, $3  }
0x289: {  	v1 =	vadd.f32 v7, v5;
	v4 =	vmul.f32 v4, v8;
	_ =	sdelay $0x1  }
0x28a: {  	v7 =	vmov s29;
	v4 =	vadd.f32 v4, v1;
	v5 =	vmul.f32 v6, v9  }
0x28b: {  	s29 =	sadd.s32 $0x10, s29;
	v1 =	vshll.u32 v7, $0x5  }
0x28c: {  	v1 =	vor.u32 v0, v1;
	v4 =	vadd.f32 v5, v4;
	v2 =	vmul.f32 v3, v2;
	_ =	sdelay $0x1  }
0x28d: {  	v3 =	vor.u32 $0x1, v1;
	v2 =	vadd.f32 v2, v4  }
0x28e: {  	s28 =	sadd.s32 $0x10, s28  }
0x28f: {  	v4 =	vor.u32 $0x2, v1;
	[tilespmem:s28+$0x0] =	vst v2  }
0x290: {  	v2 =	vld.idx.msk [tilespmem:v1+s18+$0x0], $0xffff  }
0x291: {  	v6 =	vor.u32 $0x3, v1;
	v5 =	vld.idx.msk [tilespmem:v1+s16+$0x0], $0xffff  }
0x292: {  	v7 =	vld.idx.msk [tilespmem:v3+s16+$0x0], $0xffff  }
0x293: {  	v8 =	vor.u32 $0x4, v1;
	v3 =	vld.idx.msk [tilespmem:v3+s18+$0x0], $0xffff  }
0x294: {  	v9 =	vld.idx.msk [tilespmem:v4+s16+$0x0], $0xffff  }
0x295: {  	v10 =	vor.u32 $0x5, v1;
	v4 =	vld.idx.msk [tilespmem:v4+s18+$0x0], $0xffff  }
0x296: {  	v11 =	vld.idx.msk [tilespmem:v6+s16+$0x0], $0xffff;
	v2 =	vmul.f32 v2, v5  }
0x297: {  	v5 =	vld.idx.msk [tilespmem:v6+s18+$0x0], $0xffff;
	v6 =	vor.u32 $0x6, v1  }
0x298: {  	v12 =	vld.idx.msk [tilespmem:v8+s16+$0x0], $0xffff;
	v3 =	vmul.f32 v3, v7;
	v2 =	vadd.f32 $0.0e+00, v2  }
0x299: {  	v26 =	vor.u32 $0x7, v1;
	v7 =	vld.idx.msk [tilespmem:v8+s18+$0x0], $0xffff  }
0x29a: {  	v13 =	vld.idx.msk [tilespmem:v10+s16+$0x0], $0xffff;
	v2 =	vadd.f32 v3, v2;
	v3 =	vmul.f32 v4, v9  }
0x29b: {  	v27 =	vor.u32 $0x8, v1;
	v4 =	vld.idx.msk [tilespmem:v10+s18+$0x0], $0xffff  }
0x29c: {  	v28 =	vld.idx.msk [tilespmem:v6+s16+$0x0], $0xffff;
	v2 =	vadd.f32 v3, v2;
	v3 =	vmul.f32 v5, v11  }
0x29d: {  	v5 =	vld.idx.msk [tilespmem:v6+s18+$0x0], $0xffff;
	v6 =	vor.u32 $0x9, v1  }
0x29e: {  	v29 =	vld.idx.msk [tilespmem:v26+s16+$0x0], $0xffff;
	v2 =	vadd.f32 v3, v2;
	v3 =	vmul.f32 v7, v12  }
0x29f: {  	v30 =	vor.u32 $0xA, v1;
	v7 =	vld.idx.msk [tilespmem:v26+s18+$0x0], $0xffff  }
0x2a0: {  	v31 =	vld.idx.msk [tilespmem:v27+s16+$0x0], $0xffff;
	v2 =	vadd.f32 v3, v2;
	v3 =	vmul.f32 v4, v13  }
0x2a1: {  	v32 =	vor.u32 $0xB, v1;
	v4 =	vld.idx.msk [tilespmem:v27+s18+$0x0], $0xffff  }
0x2a2: {  	v33 =	vld.idx.msk [tilespmem:v6+s16+$0x0], $0xffff;
	v2 =	vadd.f32 v3, v2;
	v3 =	vmul.f32 v5, v28  }
0x2a3: {  	v5 =	vld.idx.msk [tilespmem:v6+s18+$0x0], $0xffff;
	v6 =	vor.u32 $0xC, v1  }
0x2a4: {  	v34 =	vld.idx.msk [tilespmem:v30+s16+$0x0], $0xffff;
	v2 =	vadd.f32 v3, v2;
	v3 =	vmul.f32 v7, v29  }
0x2a5: {  	v35 =	vor.u32 $0xD, v1;
	v7 =	vld.idx.msk [tilespmem:v30+s18+$0x0], $0xffff  }
0x2a6: {  	v36 =	vld.idx.msk [tilespmem:v32+s16+$0x0], $0xffff;
	v2 =	vadd.f32 v3, v2;
	v3 =	vmul.f32 v4, v31  }
0x2a7: {  	v37 =	vor.u32 $0xE, v1;
	v4 =	vld.idx.msk [tilespmem:v32+s18+$0x0], $0xffff  }
0x2a8: {  	v38 =	vld.idx.msk [tilespmem:v6+s16+$0x0], $0xffff;
	v2 =	vadd.f32 v3, v2;
	v3 =	vmul.f32 v5, v33  }
0x2a9: {  	v5 =	vld.idx.msk [tilespmem:v6+s18+$0x0], $0xffff;
	v6 =	vor.u32 $0xF, v1  }
0x2aa: {  	v39 =	vld.idx.msk [tilespmem:v35+s16+$0x0], $0xffff;
	v2 =	vadd.f32 v3, v2;
	v3 =	vmul.f32 v7, v34  }
0x2ab: {  	v40 =	vor.u32 $0x10, v1;
	v7 =	vld.idx.msk [tilespmem:v35+s18+$0x0], $0xffff  }
0x2ac: {  	v41 =	vld.idx.msk [tilespmem:v37+s16+$0x0], $0xffff;
	v2 =	vadd.f32 v3, v2;
	v3 =	vmul.f32 v4, v36  }
0x2ad: {  	v42 =	vor.u32 $0x11, v1;
	v4 =	vld.idx.msk [tilespmem:v37+s18+$0x0], $0xffff  }
0x2ae: {  	v43 =	vld.idx.msk [tilespmem:v6+s16+$0x0], $0xffff;
	v2 =	vadd.f32 v3, v2;
	v3 =	vmul.f32 v5, v38  }
0x2af: {  	v5 =	vld.idx.msk [tilespmem:v6+s18+$0x0], $0xffff;
	v6 =	vor.u32 $0x12, v1  }
0x2b0: {  	v44 =	vld.idx.msk [tilespmem:v40+s16+$0x0], $0xffff;
	v2 =	vadd.f32 v3, v2;
	v3 =	vmul.f32 v7, v39  }
0x2b1: {  	v45 =	vor.u32 $0x13, v1;
	v7 =	vld.idx.msk [tilespmem:v40+s18+$0x0], $0xffff  }
0x2b2: {  	v46 =	vld.idx.msk [tilespmem:v42+s16+$0x0], $0xffff;
	v2 =	vadd.f32 v3, v2;
	v3 =	vmul.f32 v4, v41  }
0x2b3: {  	v47 =	vor.u32 $0x14, v1;
	v4 =	vld.idx.msk [tilespmem:v42+s18+$0x0], $0xffff  }
0x2b4: {  	v48 =	vld.idx.msk [tilespmem:v6+s16+$0x0], $0xffff;
	v2 =	vadd.f32 v3, v2;
	v3 =	vmul.f32 v5, v43  }
0x2b5: {  	v5 =	vld.idx.msk [tilespmem:v6+s18+$0x0], $0xffff;
	v6 =	vor.u32 $0x15, v1  }
0x2b6: {  	v49 =	vld.idx.msk [tilespmem:v45+s16+$0x0], $0xffff;
	v2 =	vadd.f32 v3, v2;
	v3 =	vmul.f32 v7, v44  }
0x2b7: {  	v50 =	vor.u32 $0x16, v1;
	v7 =	vld.idx.msk [tilespmem:v45+s18+$0x0], $0xffff  }
0x2b8: {  	v51 =	vld.idx.msk [tilespmem:v47+s16+$0x0], $0xffff;
	v2 =	vadd.f32 v3, v2;
	v3 =	vmul.f32 v4, v46  }
0x2b9: {  	v52 =	vor.u32 $0x17, v1;
	v4 =	vld.idx.msk [tilespmem:v47+s18+$0x0], $0xffff  }
0x2ba: {  	v53 =	vld.idx.msk [tilespmem:v6+s16+$0x0], $0xffff;
	v2 =	vadd.f32 v3, v2;
	v3 =	vmul.f32 v5, v48  }
0x2bb: {  	v5 =	vld.idx.msk [tilespmem:v6+s18+$0x0], $0xffff;
	v6 =	vor.u32 $0x18, v1  }
0x2bc: {  	v54 =	vld.idx.msk [tilespmem:v50+s16+$0x0], $0xffff;
	v2 =	vadd.f32 v3, v2;
	v3 =	vmul.f32 v7, v49  }
0x2bd: {  	v55 =	vor.u32 $0x19, v1;
	v7 =	vld.idx.msk [tilespmem:v50+s18+$0x0], $0xffff  }
0x2be: {  	v56 =	vld.idx.msk [tilespmem:v52+s16+$0x0], $0xffff;
	v2 =	vadd.f32 v3, v2;
	v3 =	vmul.f32 v4, v51  }
0x2bf: {  	v57 =	vor.u32 $0x1A, v1;
	v4 =	vld.idx.msk [tilespmem:v52+s18+$0x0], $0xffff  }
0x2c0: {  	v58 =	vld.idx.msk [tilespmem:v6+s16+$0x0], $0xffff;
	v2 =	vadd.f32 v3, v2;
	v3 =	vmul.f32 v5, v53  }
0x2c1: {  	v5 =	vld.idx.msk [tilespmem:v6+s18+$0x0], $0xffff;
	v6 =	vor.u32 $0x1B, v1  }
0x2c2: {  	v59 =	vld.idx.msk [tilespmem:v55+s16+$0x0], $0xffff;
	v2 =	vadd.f32 v3, v2;
	v3 =	vmul.f32 v7, v54  }
0x2c3: {  	v60 =	vor.u32 $0x1C, v1;
	v7 =	vld.idx.msk [tilespmem:v55+s18+$0x0], $0xffff  }
0x2c4: {  	v61 =	vld.idx.msk [tilespmem:v57+s16+$0x0], $0xffff;
	v2 =	vadd.f32 v3, v2;
	v3 =	vmul.f32 v4, v56  }
0x2c5: {  	v62 =	vor.u32 $0x1D, v1;
	v4 =	vld.idx.msk [tilespmem:v57+s18+$0x0], $0xffff  }
0x2c6: {  	v63 =	vld.idx.msk [tilespmem:v6+s16+$0x0], $0xffff;
	v2 =	vadd.f32 v3, v2;
	v3 =	vmul.f32 v5, v58  }
0x2c7: {  	v5 =	vld.idx.msk [tilespmem:v6+s18+$0x0], $0xffff;
	v6 =	vor.u32 $0x1E, v1  }
0x2c8: {  	v16 =	vld.idx.msk [tilespmem:v60+s16+$0x0], $0xffff;
	v2 =	vadd.f32 v3, v2;
	v3 =	vmul.f32 v7, v59  }
0x2c9: {  	v1 =	vor.u32 $0x1F, v1;
	v7 =	vld.idx.msk [tilespmem:v60+s18+$0x0], $0xffff  }
0x2ca: {  	v17 =	vld.idx.msk [tilespmem:v62+s16+$0x0], $0xffff;
	v2 =	vadd.f32 v3, v2;
	v3 =	vmul.f32 v4, v61  }
0x2cb: {  	v4 =	vld.idx.msk [tilespmem:v62+s18+$0x0], $0xffff  }
0x2cc: {  	v18 =	vld.idx.msk [tilespmem:v6+s16+$0x0], $0xffff;
	v2 =	vadd.f32 v3, v2;
	v3 =	vmul.f32 v5, v63  }
0x2cd: {  	v5 =	vld.idx.msk [tilespmem:v6+s18+$0x0], $0xffff  }
0x2ce: {  	v6 =	vld.idx.msk [tilespmem:v1+s16+$0x0], $0xffff;
	v2 =	vadd.f32 v3, v2;
	v3 =	vmul.f32 v7, v16  }
0x2cf: {  	v1 =	vld.idx.msk [tilespmem:v1+s18+$0x0], $0xffff  }
0x2d0: {  	v2 =	vadd.f32 v3, v2;
	v3 =	vmul.f32 v4, v17;
	_ =	sdelay $0x1  }
0x2d1: {  	v2 =	vadd.f32 v3, v2;
	v3 =	vmul.f32 v5, v18;
	_ =	sdelay $0x1  }
0x2d2: {  	v1 =	vmul.f32 v1, v6;
	v2 =	vadd.f32 v3, v2;
	_ =	sdelay $0x1  }
0x2d3: {  	v1 =	vadd.f32 v1, v2  }
0x2d4: {  	s28 =	sadd.s32 $0x10, s28  }
0x2d5: {  	[tilespmem:s28+$0x0] =	vst v1  }
0x2d6: {  	[tilespmem:s16], [sflag:$0x2] =	stream.indirect.gather [hbm4b:s3+s10], $0x20, s23, s10, $0xb8;
	[tilespmem:$0x4A00] =	vst v63  }
0x2d7: {  	s28 =	simm.s32 $0x0  }
0x2d8: {  	v1 =	vmov s28;
	[tilespmem:s18], [sflag:$0x2] =	stream.indirect.gather [hbm4b:s3+s10], $0x20, s24, s10, $0xb8;
	[tilespmem:$0x4A00] =	vst v63  }
0x2d9: {  	v1 =	vshll.u32 v1, $0x5;
	_ =	swait.ge [sflag:s19], $0x1000  }
0x2da: {  	v1 =	vor.u32 v0, v1;
	[sflag:s19] =	ssyncset.done $0x0  }
0x2db: {  	[sflag:s19] =	ssyncadd.s32 $0xFFFFF000  }
0x2dc: {  	v2 =	vor.u32 $0x1, v1;
	_ =	swait.ge [sflag:s19], $0x1000  }
0x2dd: {  	[sflag:s19] =	ssyncset.done $0x0  }
0x2de: {  	v3 =	vor.u32 $0x2, v1;
	[sflag:s19] =	ssyncadd.s32 $0xFFFFF000  }
0x2df: {  	v4 =	vld.idx.msk [tilespmem:v1+s14+$0x0], $0xffff  }
0x2e0: {  	v6 =	vor.u32 $0x3, v1;
	v5 =	vld.idx.msk [tilespmem:v1+s12+$0x0], $0xffff  }
0x2e1: {  	v7 =	vld.idx.msk [tilespmem:v2+s12+$0x0], $0xffff  }
0x2e2: {  	v19 =	vor.u32 $0x4, v1;
	v2 =	vld.idx.msk [tilespmem:v2+s14+$0x0], $0xffff  }
0x2e3: {  	v20 =	vld.idx.msk [tilespmem:v3+s12+$0x0], $0xffff  }
0x2e4: {  	v21 =	vor.u32 $0x5, v1;
	v3 =	vld.idx.msk [tilespmem:v3+s14+$0x0], $0xffff  }
0x2e5: {  	v22 =	vld.idx.msk [tilespmem:v6+s12+$0x0], $0xffff;
	v4 =	vmul.f32 v4, v5  }
0x2e6: {  	v5 =	vld.idx.msk [tilespmem:v6+s14+$0x0], $0xffff;
	v6 =	vor.u32 $0x6, v1  }
0x2e7: {  	v23 =	vld.idx.msk [tilespmem:v19+s12+$0x0], $0xffff;
	v2 =	vmul.f32 v2, v7;
	v4 =	vadd.f32 $0.0e+00, v4  }
0x2e8: {  	v24 =	vor.u32 $0x7, v1;
	v7 =	vld.idx.msk [tilespmem:v19+s14+$0x0], $0xffff  }
0x2e9: {  	v25 =	vld.idx.msk [tilespmem:v21+s12+$0x0], $0xffff;
	v3 =	vmul.f32 v3, v20;
	v2 =	vadd.f32 v2, v4  }
0x2ea: {  	v26 =	vor.u32 $0x8, v1;
	v4 =	vld.idx.msk [tilespmem:v21+s14+$0x0], $0xffff  }
0x2eb: {  	v27 =	vld.idx.msk [tilespmem:v6+s12+$0x0], $0xffff;
	v2 =	vadd.f32 v3, v2;
	v3 =	vmul.f32 v5, v22  }
0x2ec: {  	v5 =	vld.idx.msk [tilespmem:v6+s14+$0x0], $0xffff;
	v6 =	vor.u32 $0x9, v1  }
0x2ed: {  	v28 =	vld.idx.msk [tilespmem:v24+s12+$0x0], $0xffff;
	v2 =	vadd.f32 v3, v2;
	v3 =	vmul.f32 v7, v23  }
0x2ee: {  	v29 =	vor.u32 $0xA, v1;
	v7 =	vld.idx.msk [tilespmem:v24+s14+$0x0], $0xffff  }
0x2ef: {  	v30 =	vld.idx.msk [tilespmem:v26+s12+$0x0], $0xffff;
	v2 =	vadd.f32 v3, v2;
	v3 =	vmul.f32 v4, v25  }
0x2f0: {  	v31 =	vor.u32 $0xB, v1;
	v4 =	vld.idx.msk [tilespmem:v26+s14+$0x0], $0xffff  }
0x2f1: {  	v32 =	vld.idx.msk [tilespmem:v6+s12+$0x0], $0xffff;
	v2 =	vadd.f32 v3, v2;
	v3 =	vmul.f32 v5, v27  }
0x2f2: {  	v5 =	vld.idx.msk [tilespmem:v6+s14+$0x0], $0xffff;
	v6 =	vor.u32 $0xC, v1  }
0x2f3: {  	v33 =	vld.idx.msk [tilespmem:v29+s12+$0x0], $0xffff;
	v2 =	vadd.f32 v3, v2;
	v3 =	vmul.f32 v7, v28  }
0x2f4: {  	v34 =	vor.u32 $0xD, v1;
	v7 =	vld.idx.msk [tilespmem:v29+s14+$0x0], $0xffff  }
0x2f5: {  	v35 =	vld.idx.msk [tilespmem:v31+s12+$0x0], $0xffff;
	v2 =	vadd.f32 v3, v2;
	v3 =	vmul.f32 v4, v30  }
0x2f6: {  	v36 =	vor.u32 $0xE, v1;
	v4 =	vld.idx.msk [tilespmem:v31+s14+$0x0], $0xffff  }
0x2f7: {  	v37 =	vld.idx.msk [tilespmem:v6+s12+$0x0], $0xffff;
	v2 =	vadd.f32 v3, v2;
	v3 =	vmul.f32 v5, v32  }
0x2f8: {  	v5 =	vld.idx.msk [tilespmem:v6+s14+$0x0], $0xffff;
	v6 =	vor.u32 $0xF, v1  }
0x2f9: {  	v38 =	vld.idx.msk [tilespmem:v34+s12+$0x0], $0xffff;
	v2 =	vadd.f32 v3, v2;
	v3 =	vmul.f32 v7, v33  }
0x2fa: {  	v39 =	vor.u32 $0x10, v1;
	v7 =	vld.idx.msk [tilespmem:v34+s14+$0x0], $0xffff  }
0x2fb: {  	v40 =	vld.idx.msk [tilespmem:v36+s12+$0x0], $0xffff;
	v2 =	vadd.f32 v3, v2;
	v3 =	vmul.f32 v4, v35  }
0x2fc: {  	v41 =	vor.u32 $0x11, v1;
	v4 =	vld.idx.msk [tilespmem:v36+s14+$0x0], $0xffff  }
0x2fd: {  	v42 =	vld.idx.msk [tilespmem:v6+s12+$0x0], $0xffff;
	v2 =	vadd.f32 v3, v2;
	v3 =	vmul.f32 v5, v37  }
0x2fe: {  	v5 =	vld.idx.msk [tilespmem:v6+s14+$0x0], $0xffff;
	v6 =	vor.u32 $0x12, v1  }
0x2ff: {  	v43 =	vld.idx.msk [tilespmem:v39+s12+$0x0], $0xffff;
	v2 =	vadd.f32 v3, v2;
	v3 =	vmul.f32 v7, v38  }
0x300: {  	v44 =	vor.u32 $0x13, v1;
	v7 =	vld.idx.msk [tilespmem:v39+s14+$0x0], $0xffff  }
0x301: {  	v45 =	vld.idx.msk [tilespmem:v41+s12+$0x0], $0xffff;
	v2 =	vadd.f32 v3, v2;
	v3 =	vmul.f32 v4, v40  }
0x302: {  	v46 =	vor.u32 $0x14, v1;
	v4 =	vld.idx.msk [tilespmem:v41+s14+$0x0], $0xffff  }
0x303: {  	v47 =	vld.idx.msk [tilespmem:v6+s12+$0x0], $0xffff;
	v2 =	vadd.f32 v3, v2;
	v3 =	vmul.f32 v5, v42  }
0x304: {  	v5 =	vld.idx.msk [tilespmem:v6+s14+$0x0], $0xffff;
	v6 =	vor.u32 $0x15, v1  }
0x305: {  	v48 =	vld.idx.msk [tilespmem:v44+s12+$0x0], $0xffff;
	v2 =	vadd.f32 v3, v2;
	v3 =	vmul.f32 v7, v43  }
0x306: {  	v49 =	vor.u32 $0x16, v1;
	v7 =	vld.idx.msk [tilespmem:v44+s14+$0x0], $0xffff  }
0x307: {  	v50 =	vld.idx.msk [tilespmem:v46+s12+$0x0], $0xffff;
	v2 =	vadd.f32 v3, v2;
	v3 =	vmul.f32 v4, v45  }
0x308: {  	v51 =	vor.u32 $0x17, v1;
	v4 =	vld.idx.msk [tilespmem:v46+s14+$0x0], $0xffff  }
0x309: {  	v52 =	vld.idx.msk [tilespmem:v6+s12+$0x0], $0xffff;
	v2 =	vadd.f32 v3, v2;
	v3 =	vmul.f32 v5, v47  }
0x30a: {  	v5 =	vld.idx.msk [tilespmem:v6+s14+$0x0], $0xffff;
	v6 =	vor.u32 $0x18, v1  }
0x30b: {  	v53 =	vld.idx.msk [tilespmem:v49+s12+$0x0], $0xffff;
	v2 =	vadd.f32 v3, v2;
	v3 =	vmul.f32 v7, v48  }
0x30c: {  	v54 =	vor.u32 $0x19, v1;
	v7 =	vld.idx.msk [tilespmem:v49+s14+$0x0], $0xffff  }
0x30d: {  	v55 =	vld.idx.msk [tilespmem:v51+s12+$0x0], $0xffff;
	v2 =	vadd.f32 v3, v2;
	v3 =	vmul.f32 v4, v50  }
0x30e: {  	v56 =	vor.u32 $0x1A, v1;
	v4 =	vld.idx.msk [tilespmem:v51+s14+$0x0], $0xffff  }
0x30f: {  	v57 =	vld.idx.msk [tilespmem:v6+s12+$0x0], $0xffff;
	v2 =	vadd.f32 v3, v2;
	v3 =	vmul.f32 v5, v52  }
0x310: {  	v5 =	vld.idx.msk [tilespmem:v6+s14+$0x0], $0xffff;
	v6 =	vor.u32 $0x1B, v1  }
0x311: {  	v58 =	vld.idx.msk [tilespmem:v54+s12+$0x0], $0xffff;
	v2 =	vadd.f32 v3, v2;
	v3 =	vmul.f32 v7, v53  }
0x312: {  	v59 =	vor.u32 $0x1C, v1;
	v7 =	vld.idx.msk [tilespmem:v54+s14+$0x0], $0xffff  }
0x313: {  	v60 =	vld.idx.msk [tilespmem:v56+s12+$0x0], $0xffff;
	v2 =	vadd.f32 v3, v2;
	v3 =	vmul.f32 v4, v55  }
0x314: {  	v61 =	vor.u32 $0x1D, v1;
	v4 =	vld.idx.msk [tilespmem:v56+s14+$0x0], $0xffff  }
0x315: {  	v62 =	vld.idx.msk [tilespmem:v6+s12+$0x0], $0xffff;
	v2 =	vadd.f32 v3, v2;
	v3 =	vmul.f32 v5, v57  }
0x316: {  	v5 =	vld.idx.msk [tilespmem:v6+s14+$0x0], $0xffff;
	v6 =	vor.u32 $0x1E, v1  }
0x317: {  	v63 =	vld.idx.msk [tilespmem:v59+s12+$0x0], $0xffff;
	v2 =	vadd.f32 v3, v2;
	v3 =	vmul.f32 v7, v58  }
0x318: {  	v1 =	vor.u32 $0x1F, v1;
	v7 =	vld.idx.msk [tilespmem:v59+s14+$0x0], $0xffff  }
0x319: {  	v15 =	vld.idx.msk [tilespmem:v61+s12+$0x0], $0xffff;
	v2 =	vadd.f32 v3, v2;
	v3 =	vmul.f32 v4, v60  }
0x31a: {  	v4 =	vld.idx.msk [tilespmem:v61+s14+$0x0], $0xffff  }
0x31b: {  	v16 =	vld.idx.msk [tilespmem:v6+s12+$0x0], $0xffff;
	v2 =	vadd.f32 v3, v2;
	v3 =	vmul.f32 v5, v62  }
0x31c: {  	v5 =	vld.idx.msk [tilespmem:v6+s14+$0x0], $0xffff  }
0x31d: {  	v6 =	vld.idx.msk [tilespmem:v1+s12+$0x0], $0xffff;
	v2 =	vadd.f32 v3, v2;
	v3 =	vmul.f32 v7, v63  }
0x31e: {  	v7 =	vld.idx.msk [tilespmem:v1+s14+$0x0], $0xffff  }
0x31f: {  	v1 =	vadd.f32 v3, v2;
	v2 =	vmul.f32 v4, v15  }
0x320: {  	s28 =	simm.s32 $0x10  }
0x321: {  	v3 =	vmov s28;
	v4 =	vmul.f32 v5, v16;
	v2 =	vadd.f32 v2, v1  }
0x322: {  	v1 =	vshll.u32 v3, $0x5  }
0x323: {  	v1 =	vor.u32 v0, v1;
	v3 =	vmul.f32 v7, v6;
	v2 =	vadd.f32 v4, v2;
	_ =	sdelay $0x1  }
0x324: {  	v4 =	vor.u32 $0x1, v1;
	v2 =	vadd.f32 v3, v2  }
0x325: {  	s28 =	simm.s32 $0x4900  }
0x326: {  	v3 =	vor.u32 $0x2, v1;
	[tilespmem:s28+$0x0] =	vst v2  }
0x327: {  	v2 =	vld.idx.msk [tilespmem:v1+s14+$0x0], $0xffff  }
0x328: {  	v6 =	vor.u32 $0x3, v1;
	v5 =	vld.idx.msk [tilespmem:v1+s12+$0x0], $0xffff  }
0x329: {  	v7 =	vld.idx.msk [tilespmem:v4+s12+$0x0], $0xffff  }
0x32a: {  	v17 =	vor.u32 $0x4, v1;
	v4 =	vld.idx.msk [tilespmem:v4+s14+$0x0], $0xffff  }
0x32b: {  	v18 =	vld.idx.msk [tilespmem:v3+s12+$0x0], $0xffff  }
0x32c: {  	v19 =	vor.u32 $0x5, v1;
	v3 =	vld.idx.msk [tilespmem:v3+s14+$0x0], $0xffff  }
0x32d: {  	v20 =	vld.idx.msk [tilespmem:v6+s12+$0x0], $0xffff;
	v2 =	vmul.f32 v2, v5  }
0x32e: {  	v5 =	vld.idx.msk [tilespmem:v6+s14+$0x0], $0xffff;
	v6 =	vor.u32 $0x6, v1  }
0x32f: {  	v21 =	vld.idx.msk [tilespmem:v17+s12+$0x0], $0xffff;
	v4 =	vmul.f32 v4, v7;
	v2 =	vadd.f32 $0.0e+00, v2  }
0x330: {  	v22 =	vor.u32 $0x7, v1;
	v7 =	vld.idx.msk [tilespmem:v17+s14+$0x0], $0xffff  }
0x331: {  	v23 =	vld.idx.msk [tilespmem:v19+s12+$0x0], $0xffff;
	v3 =	vmul.f32 v3, v18;
	v2 =	vadd.f32 v4, v2  }
0x332: {  	v24 =	vor.u32 $0x8, v1;
	v4 =	vld.idx.msk [tilespmem:v19+s14+$0x0], $0xffff  }
0x333: {  	v25 =	vld.idx.msk [tilespmem:v6+s12+$0x0], $0xffff;
	v2 =	vadd.f32 v3, v2;
	v3 =	vmul.f32 v5, v20  }
0x334: {  	v5 =	vld.idx.msk [tilespmem:v6+s14+$0x0], $0xffff;
	v6 =	vor.u32 $0x9, v1  }
0x335: {  	v26 =	vld.idx.msk [tilespmem:v22+s12+$0x0], $0xffff;
	v2 =	vadd.f32 v3, v2;
	v3 =	vmul.f32 v7, v21  }
0x336: {  	v27 =	vor.u32 $0xA, v1;
	v7 =	vld.idx.msk [tilespmem:v22+s14+$0x0], $0xffff  }
0x337: {  	v28 =	vld.idx.msk [tilespmem:v24+s12+$0x0], $0xffff;
	v2 =	vadd.f32 v3, v2;
	v3 =	vmul.f32 v4, v23  }
0x338: {  	v29 =	vor.u32 $0xB, v1;
	v4 =	vld.idx.msk [tilespmem:v24+s14+$0x0], $0xffff  }
0x339: {  	v30 =	vld.idx.msk [tilespmem:v6+s12+$0x0], $0xffff;
	v2 =	vadd.f32 v3, v2;
	v3 =	vmul.f32 v5, v25  }
0x33a: {  	v5 =	vld.idx.msk [tilespmem:v6+s14+$0x0], $0xffff;
	v6 =	vor.u32 $0xC, v1  }
0x33b: {  	v31 =	vld.idx.msk [tilespmem:v27+s12+$0x0], $0xffff;
	v2 =	vadd.f32 v3, v2;
	v3 =	vmul.f32 v7, v26  }
0x33c: {  	v32 =	vor.u32 $0xD, v1;
	v7 =	vld.idx.msk [tilespmem:v27+s14+$0x0], $0xffff  }
0x33d: {  	v33 =	vld.idx.msk [tilespmem:v29+s12+$0x0], $0xffff;
	v2 =	vadd.f32 v3, v2;
	v3 =	vmul.f32 v4, v28  }
0x33e: {  	v34 =	vor.u32 $0xE, v1;
	v4 =	vld.idx.msk [tilespmem:v29+s14+$0x0], $0xffff  }
0x33f: {  	v35 =	vld.idx.msk [tilespmem:v6+s12+$0x0], $0xffff;
	v2 =	vadd.f32 v3, v2;
	v3 =	vmul.f32 v5, v30  }
0x340: {  	v5 =	vld.idx.msk [tilespmem:v6+s14+$0x0], $0xffff;
	v6 =	vor.u32 $0xF, v1  }
0x341: {  	v36 =	vld.idx.msk [tilespmem:v32+s12+$0x0], $0xffff;
	v2 =	vadd.f32 v3, v2;
	v3 =	vmul.f32 v7, v31  }
0x342: {  	v37 =	vor.u32 $0x10, v1;
	v7 =	vld.idx.msk [tilespmem:v32+s14+$0x0], $0xffff  }
0x343: {  	v38 =	vld.idx.msk [tilespmem:v34+s12+$0x0], $0xffff;
	v2 =	vadd.f32 v3, v2;
	v3 =	vmul.f32 v4, v33  }
0x344: {  	v39 =	vor.u32 $0x11, v1;
	v4 =	vld.idx.msk [tilespmem:v34+s14+$0x0], $0xffff  }
0x345: {  	v40 =	vld.idx.msk [tilespmem:v6+s12+$0x0], $0xffff;
	v2 =	vadd.f32 v3, v2;
	v3 =	vmul.f32 v5, v35  }
0x346: {  	v5 =	vld.idx.msk [tilespmem:v6+s14+$0x0], $0xffff;
	v6 =	vor.u32 $0x12, v1  }
0x347: {  	v41 =	vld.idx.msk [tilespmem:v37+s12+$0x0], $0xffff;
	v2 =	vadd.f32 v3, v2;
	v3 =	vmul.f32 v7, v36  }
0x348: {  	v42 =	vor.u32 $0x13, v1;
	v7 =	vld.idx.msk [tilespmem:v37+s14+$0x0], $0xffff  }
0x349: {  	v43 =	vld.idx.msk [tilespmem:v39+s12+$0x0], $0xffff;
	v2 =	vadd.f32 v3, v2;
	v3 =	vmul.f32 v4, v38  }
0x34a: {  	v44 =	vor.u32 $0x14, v1;
	v4 =	vld.idx.msk [tilespmem:v39+s14+$0x0], $0xffff  }
0x34b: {  	v45 =	vld.idx.msk [tilespmem:v6+s12+$0x0], $0xffff;
	v2 =	vadd.f32 v3, v2;
	v3 =	vmul.f32 v5, v40  }
0x34c: {  	v5 =	vld.idx.msk [tilespmem:v6+s14+$0x0], $0xffff;
	v6 =	vor.u32 $0x15, v1  }
0x34d: {  	v46 =	vld.idx.msk [tilespmem:v42+s12+$0x0], $0xffff;
	v2 =	vadd.f32 v3, v2;
	v3 =	vmul.f32 v7, v41  }
0x34e: {  	v47 =	vor.u32 $0x16, v1;
	v7 =	vld.idx.msk [tilespmem:v42+s14+$0x0], $0xffff  }
0x34f: {  	v48 =	vld.idx.msk [tilespmem:v44+s12+$0x0], $0xffff;
	v2 =	vadd.f32 v3, v2;
	v3 =	vmul.f32 v4, v43  }
0x350: {  	v49 =	vor.u32 $0x17, v1;
	v4 =	vld.idx.msk [tilespmem:v44+s14+$0x0], $0xffff  }
0x351: {  	v50 =	vld.idx.msk [tilespmem:v6+s12+$0x0], $0xffff;
	v2 =	vadd.f32 v3, v2;
	v3 =	vmul.f32 v5, v45  }
0x352: {  	v5 =	vld.idx.msk [tilespmem:v6+s14+$0x0], $0xffff;
	v6 =	vor.u32 $0x18, v1  }
0x353: {  	v51 =	vld.idx.msk [tilespmem:v47+s12+$0x0], $0xffff;
	v2 =	vadd.f32 v3, v2;
	v3 =	vmul.f32 v7, v46  }
0x354: {  	v52 =	vor.u32 $0x19, v1;
	v7 =	vld.idx.msk [tilespmem:v47+s14+$0x0], $0xffff  }
0x355: {  	v53 =	vld.idx.msk [tilespmem:v49+s12+$0x0], $0xffff;
	v2 =	vadd.f32 v3, v2;
	v3 =	vmul.f32 v4, v48  }
0x356: {  	v54 =	vor.u32 $0x1A, v1;
	v4 =	vld.idx.msk [tilespmem:v49+s14+$0x0], $0xffff  }
0x357: {  	v55 =	vld.idx.msk [tilespmem:v6+s12+$0x0], $0xffff;
	v2 =	vadd.f32 v3, v2;
	v3 =	vmul.f32 v5, v50  }
0x358: {  	v5 =	vld.idx.msk [tilespmem:v6+s14+$0x0], $0xffff;
	v6 =	vor.u32 $0x1B, v1  }
0x359: {  	v56 =	vld.idx.msk [tilespmem:v52+s12+$0x0], $0xffff;
	v2 =	vadd.f32 v3, v2;
	v3 =	vmul.f32 v7, v51  }
0x35a: {  	v57 =	vor.u32 $0x1C, v1;
	v7 =	vld.idx.msk [tilespmem:v52+s14+$0x0], $0xffff  }
0x35b: {  	v58 =	vld.idx.msk [tilespmem:v54+s12+$0x0], $0xffff;
	v2 =	vadd.f32 v3, v2;
	v3 =	vmul.f32 v4, v53  }
0x35c: {  	v4 =	vld.idx.msk [tilespmem:v54+s14+$0x0], $0xffff  }
0x35d: {  	v60 =	vld.idx.msk [tilespmem:v6+s12+$0x0], $0xffff;
	v2 =	vadd.f32 v3, v2;
	v3 =	vmul.f32 v5, v55  }
0x35e: {  	v59 =	vor.u32 $0x1D, v1;
	v5 =	vld.idx.msk [tilespmem:v6+s14+$0x0], $0xffff  }
0x35f: {  	v61 =	vld.idx.msk [tilespmem:v57+s12+$0x0], $0xffff;
	v2 =	vadd.f32 v3, v2;
	v3 =	vmul.f32 v7, v56  }
0x360: {  	v6 =	vor.u32 $0x1E, v1;
	v7 =	vld.idx.msk [tilespmem:v57+s14+$0x0], $0xffff  }
0x361: {  	v2 =	vadd.f32 v3, v2;
	v3 =	vmul.f32 v4, v58  }
0x362: {  	v1 =	vor.u32 $0x1F, v1  }
0x363: {  	v62 =	vld.idx.msk [tilespmem:v59+s12+$0x0], $0xffff;
	v2 =	vadd.f32 v3, v2;
	v3 =	vmul.f32 v5, v60  }
0x364: {  	v4 =	vld.idx.msk [tilespmem:v59+s14+$0x0], $0xffff  }
0x365: {  	v63 =	vld.idx.msk [tilespmem:v6+s12+$0x0], $0xffff;
	v2 =	vadd.f32 v3, v2;
	v3 =	vmul.f32 v7, v61  }
0x366: {  	v5 =	vld.idx.msk [tilespmem:v6+s14+$0x0], $0xffff  }
0x367: {  	v6 =	vadd.f32 v3, v2;
	v2 =	vld.idx.msk [tilespmem:v1+s12+$0x0], $0xffff  }
0x368: {  	v3 =	vld.idx.msk [tilespmem:v1+s14+$0x0], $0xffff  }
0x369: {  	v4 =	vmul.f32 v4, v62  }
0x36a: {  	s29 =	simm.s32 $0x20  }
0x36b: {  	v7 =	vmov s29;
	v5 =	vmul.f32 v5, v63;
	v4 =	vadd.f32 v4, v6  }
0x36c: {  	s29 =	simm.s32 $0x30;
	v1 =	vshll.u32 v7, $0x5  }
.LBB2_6:
0x36d: {  	p0 =	sne.s32 s29, $0x70;
	v1 =	vor.u32 v0, v1;
	v4 =	vadd.f32 v5, v4;
	v2 =	vmul.f32 v3, v2;
	_ =	sdelay $0x1  }
0x36e: {  	v3 =	vor.u32 $0x1, v1;
	v2 =	vadd.f32 v2, v4  }
0x36f: {  	s28 =	sadd.s32 $0x10, s28  }
0x370: {  	v4 =	vor.u32 $0x2, v1;
	[tilespmem:s28+$0x0] =	vst v2  }
0x371: {  	v2 =	vld.idx.msk [tilespmem:v1+s14+$0x0], $0xffff  }
0x372: {  	v6 =	vor.u32 $0x3, v1;
	v5 =	vld.idx.msk [tilespmem:v1+s12+$0x0], $0xffff  }
0x373: {  	v7 =	vld.idx.msk [tilespmem:v3+s12+$0x0], $0xffff  }
0x374: {  	v8 =	vor.u32 $0x4, v1;
	v3 =	vld.idx.msk [tilespmem:v3+s14+$0x0], $0xffff  }
0x375: {  	v9 =	vld.idx.msk [tilespmem:v4+s12+$0x0], $0xffff  }
0x376: {  	v10 =	vor.u32 $0x5, v1;
	v4 =	vld.idx.msk [tilespmem:v4+s14+$0x0], $0xffff  }
0x377: {  	v11 =	vld.idx.msk [tilespmem:v6+s12+$0x0], $0xffff  }
0x378: {  	v2 =	vmul.f32 v2, v5;
	v5 =	vld.idx.msk [tilespmem:v6+s14+$0x0], $0xffff;
	v6 =	vor.u32 $0x6, v1  }
0x379: {  	v12 =	vld.idx.msk [tilespmem:v8+s12+$0x0], $0xffff  }
0x37a: {  	v2 =	vadd.f32 $0.0e+00, v2;
	v3 =	vmul.f32 v3, v7;
	v7 =	vld.idx.msk [tilespmem:v8+s14+$0x0], $0xffff;
	v8 =	vor.u32 $0x7, v1  }
0x37b: {  	v13 =	vld.idx.msk [tilespmem:v10+s12+$0x0], $0xffff  }
0x37c: {  	v2 =	vadd.f32 v3, v2;
	v3 =	vmul.f32 v4, v9;
	v9 =	vor.u32 $0x8, v1;
	v4 =	vld.idx.msk [tilespmem:v10+s14+$0x0], $0xffff  }
0x37d: {  	v10 =	vld.idx.msk [tilespmem:v6+s12+$0x0], $0xffff  }
0x37e: {  	v2 =	vadd.f32 v3, v2;
	v3 =	vmul.f32 v5, v11;
	v5 =	vld.idx.msk [tilespmem:v6+s14+$0x0], $0xffff;
	v6 =	vor.u32 $0x9, v1  }
0x37f: {  	v11 =	vld.idx.msk [tilespmem:v8+s12+$0x0], $0xffff  }
0x380: {  	v2 =	vadd.f32 v3, v2;
	v3 =	vmul.f32 v7, v12;
	v7 =	vld.idx.msk [tilespmem:v8+s14+$0x0], $0xffff;
	v8 =	vor.u32 $0xA, v1  }
0x381: {  	v12 =	vld.idx.msk [tilespmem:v9+s12+$0x0], $0xffff  }
0x382: {  	v2 =	vadd.f32 v3, v2;
	v3 =	vmul.f32 v4, v13;
	v4 =	vld.idx.msk [tilespmem:v9+s14+$0x0], $0xffff;
	v9 =	vor.u32 $0xB, v1  }
0x383: {  	v13 =	vld.idx.msk [tilespmem:v6+s12+$0x0], $0xffff  }
0x384: {  	v2 =	vadd.f32 v3, v2;
	v3 =	vmul.f32 v5, v10;
	v5 =	vld.idx.msk [tilespmem:v6+s14+$0x0], $0xffff;
	v6 =	vor.u32 $0xC, v1  }
0x385: {  	v10 =	vld.idx.msk [tilespmem:v8+s12+$0x0], $0xffff  }
0x386: {  	v2 =	vadd.f32 v3, v2;
	v3 =	vmul.f32 v7, v11;
	v7 =	vld.idx.msk [tilespmem:v8+s14+$0x0], $0xffff;
	v8 =	vor.u32 $0xD, v1  }
0x387: {  	v11 =	vld.idx.msk [tilespmem:v9+s12+$0x0], $0xffff  }
0x388: {  	v2 =	vadd.f32 v3, v2;
	v3 =	vmul.f32 v4, v12;
	v4 =	vld.idx.msk [tilespmem:v9+s14+$0x0], $0xffff;
	v9 =	vor.u32 $0xE, v1  }
0x389: {  	v12 =	vld.idx.msk [tilespmem:v6+s12+$0x0], $0xffff  }
0x38a: {  	v2 =	vadd.f32 v3, v2;
	v3 =	vmul.f32 v5, v13;
	v5 =	vld.idx.msk [tilespmem:v6+s14+$0x0], $0xffff;
	v6 =	vor.u32 $0xF, v1  }
0x38b: {  	v13 =	vld.idx.msk [tilespmem:v8+s12+$0x0], $0xffff  }
0x38c: {  	v2 =	vadd.f32 v3, v2;
	v3 =	vmul.f32 v7, v10;
	v7 =	vld.idx.msk [tilespmem:v8+s14+$0x0], $0xffff;
	v8 =	vor.u32 $0x10, v1  }
0x38d: {  	v10 =	vld.idx.msk [tilespmem:v9+s12+$0x0], $0xffff  }
0x38e: {  	v2 =	vadd.f32 v3, v2;
	v3 =	vmul.f32 v4, v11;
	v4 =	vld.idx.msk [tilespmem:v9+s14+$0x0], $0xffff;
	v9 =	vor.u32 $0x11, v1  }
0x38f: {  	v11 =	vld.idx.msk [tilespmem:v6+s12+$0x0], $0xffff  }
0x390: {  	v2 =	vadd.f32 v3, v2;
	v3 =	vmul.f32 v5, v12;
	v5 =	vld.idx.msk [tilespmem:v6+s14+$0x0], $0xffff;
	v6 =	vor.u32 $0x12, v1  }
0x391: {  	v12 =	vld.idx.msk [tilespmem:v8+s12+$0x0], $0xffff  }
0x392: {  	v2 =	vadd.f32 v3, v2;
	v3 =	vmul.f32 v7, v13;
	v7 =	vld.idx.msk [tilespmem:v8+s14+$0x0], $0xffff;
	v8 =	vor.u32 $0x13, v1  }
0x393: {  	v13 =	vld.idx.msk [tilespmem:v9+s12+$0x0], $0xffff  }
0x394: {  	v2 =	vadd.f32 v3, v2;
	v3 =	vmul.f32 v4, v10;
	v4 =	vld.idx.msk [tilespmem:v9+s14+$0x0], $0xffff;
	v9 =	vor.u32 $0x14, v1  }
0x395: {  	v10 =	vld.idx.msk [tilespmem:v6+s12+$0x0], $0xffff  }
0x396: {  	v2 =	vadd.f32 v3, v2;
	v3 =	vmul.f32 v5, v11;
	v5 =	vld.idx.msk [tilespmem:v6+s14+$0x0], $0xffff;
	v6 =	vor.u32 $0x15, v1  }
0x397: {  	v11 =	vld.idx.msk [tilespmem:v8+s12+$0x0], $0xffff  }
0x398: {  	v2 =	vadd.f32 v3, v2;
	v3 =	vmul.f32 v7, v12;
	v7 =	vld.idx.msk [tilespmem:v8+s14+$0x0], $0xffff;
	v8 =	vor.u32 $0x16, v1  }
0x399: {  	v12 =	vld.idx.msk [tilespmem:v9+s12+$0x0], $0xffff  }
0x39a: {  	v2 =	vadd.f32 v3, v2;
	v3 =	vmul.f32 v4, v13;
	v4 =	vld.idx.msk [tilespmem:v9+s14+$0x0], $0xffff;
	v9 =	vor.u32 $0x17, v1  }
0x39b: {  	v13 =	vld.idx.msk [tilespmem:v6+s12+$0x0], $0xffff  }
0x39c: {  	v2 =	vadd.f32 v3, v2;
	v3 =	vmul.f32 v5, v10;
	v5 =	vld.idx.msk [tilespmem:v6+s14+$0x0], $0xffff;
	v6 =	vor.u32 $0x18, v1  }
0x39d: {  	v10 =	vld.idx.msk [tilespmem:v8+s12+$0x0], $0xffff  }
0x39e: {  	v2 =	vadd.f32 v3, v2;
	v3 =	vmul.f32 v7, v11;
	v7 =	vld.idx.msk [tilespmem:v8+s14+$0x0], $0xffff;
	v8 =	vor.u32 $0x19, v1  }
0x39f: {  	v11 =	vld.idx.msk [tilespmem:v9+s12+$0x0], $0xffff  }
0x3a0: {  	v2 =	vadd.f32 v3, v2;
	v3 =	vmul.f32 v4, v12;
	v4 =	vld.idx.msk [tilespmem:v9+s14+$0x0], $0xffff;
	v9 =	vor.u32 $0x1A, v1  }
0x3a1: {  	v12 =	vld.idx.msk [tilespmem:v6+s12+$0x0], $0xffff  }
0x3a2: {  	v2 =	vadd.f32 v3, v2;
	v3 =	vmul.f32 v5, v13;
	v5 =	vld.idx.msk [tilespmem:v6+s14+$0x0], $0xffff;
	v6 =	vor.u32 $0x1B, v1  }
0x3a3: {  	v13 =	vld.idx.msk [tilespmem:v8+s12+$0x0], $0xffff  }
0x3a4: {  	v2 =	vadd.f32 v3, v2;
	v3 =	vmul.f32 v7, v10;
	v7 =	vld.idx.msk [tilespmem:v8+s14+$0x0], $0xffff;
	v8 =	vor.u32 $0x1C, v1  }
0x3a5: {  	v10 =	vld.idx.msk [tilespmem:v9+s12+$0x0], $0xffff  }
0x3a6: {  	v2 =	vadd.f32 v3, v2;
	v3 =	vmul.f32 v4, v11;
	v4 =	vld.idx.msk [tilespmem:v9+s14+$0x0], $0xffff;
	v9 =	vor.u32 $0x1D, v1  }
0x3a7: {  	v11 =	vld.idx.msk [tilespmem:v6+s12+$0x0], $0xffff  }
0x3a8: {  	v2 =	vadd.f32 v3, v2;
	v3 =	vmul.f32 v5, v12;
	v5 =	vld.idx.msk [tilespmem:v6+s14+$0x0], $0xffff;
	v6 =	vor.u32 $0x1E, v1  }
0x3a9: {  	v12 =	vld.idx.msk [tilespmem:v8+s12+$0x0], $0xffff  }
0x3aa: {  	v1 =	vor.u32 $0x1F, v1;
	v2 =	vadd.f32 v3, v2;
	v3 =	vmul.f32 v7, v13;
	v7 =	vld.idx.msk [tilespmem:v8+s14+$0x0], $0xffff  }
0x3ab: {  	v8 =	vld.idx.msk [tilespmem:v9+s12+$0x0], $0xffff  }
0x3ac: {  	v2 =	vadd.f32 v3, v2;
	v3 =	vmul.f32 v4, v10;
	v4 =	vld.idx.msk [tilespmem:v9+s14+$0x0], $0xffff  }
0x3ad: {  	v9 =	vld.idx.msk [tilespmem:v6+s12+$0x0], $0xffff  }
0x3ae: {  	v3 =	vadd.f32 v3, v2;
	v5 =	vmul.f32 v5, v11;
	v6 =	vld.idx.msk [tilespmem:v6+s14+$0x0], $0xffff  }
0x3af: {  	v2 =	vld.idx.msk [tilespmem:v1+s12+$0x0], $0xffff  }
0x3b0: {  	v5 =	vadd.f32 v5, v3;
	v7 =	vmul.f32 v7, v12;
	v3 =	vld.idx.msk [tilespmem:v1+s14+$0x0], $0xffff  }
.Ltmp2:
0x3b1: {  	(pc) =	sbr.rel @p0 .LBB2_6-.Ltmp2, $3  }
0x3b2: {  	v1 =	vadd.f32 v7, v5;
	v4 =	vmul.f32 v4, v8;
	_ =	sdelay $0x1  }
0x3b3: {  	v7 =	vmov s29;
	v4 =	vadd.f32 v4, v1;
	v5 =	vmul.f32 v6, v9  }
0x3b4: {  	s29 =	sadd.s32 $0x10, s29;
	v1 =	vshll.u32 v7, $0x5  }
0x3b5: {  	v1 =	vor.u32 v0, v1;
	v4 =	vadd.f32 v5, v4;
	v2 =	vmul.f32 v3, v2;
	_ =	sdelay $0x1  }
0x3b6: {  	v3 =	vor.u32 $0x1, v1;
	v2 =	vadd.f32 v2, v4  }
0x3b7: {  	s28 =	sadd.s32 $0x10, s28  }
0x3b8: {  	v4 =	vor.u32 $0x2, v1;
	[tilespmem:s28+$0x0] =	vst v2  }
0x3b9: {  	v2 =	vld.idx.msk [tilespmem:v1+s14+$0x0], $0xffff  }
0x3ba: {  	v6 =	vor.u32 $0x3, v1;
	v5 =	vld.idx.msk [tilespmem:v1+s12+$0x0], $0xffff  }
0x3bb: {  	v7 =	vld.idx.msk [tilespmem:v3+s12+$0x0], $0xffff  }
0x3bc: {  	v8 =	vor.u32 $0x4, v1;
	v3 =	vld.idx.msk [tilespmem:v3+s14+$0x0], $0xffff  }
0x3bd: {  	v9 =	vld.idx.msk [tilespmem:v4+s12+$0x0], $0xffff  }
0x3be: {  	v10 =	vor.u32 $0x5, v1;
	v4 =	vld.idx.msk [tilespmem:v4+s14+$0x0], $0xffff  }
0x3bf: {  	v11 =	vld.idx.msk [tilespmem:v6+s12+$0x0], $0xffff;
	v2 =	vmul.f32 v2, v5  }
0x3c0: {  	v5 =	vld.idx.msk [tilespmem:v6+s14+$0x0], $0xffff;
	v6 =	vor.u32 $0x6, v1  }
0x3c1: {  	v12 =	vld.idx.msk [tilespmem:v8+s12+$0x0], $0xffff;
	v3 =	vmul.f32 v3, v7;
	v2 =	vadd.f32 $0.0e+00, v2  }
0x3c2: {  	v26 =	vor.u32 $0x7, v1;
	v7 =	vld.idx.msk [tilespmem:v8+s14+$0x0], $0xffff  }
0x3c3: {  	v13 =	vld.idx.msk [tilespmem:v10+s12+$0x0], $0xffff;
	v2 =	vadd.f32 v3, v2;
	v3 =	vmul.f32 v4, v9  }
0x3c4: {  	v27 =	vor.u32 $0x8, v1;
	v4 =	vld.idx.msk [tilespmem:v10+s14+$0x0], $0xffff  }
0x3c5: {  	v28 =	vld.idx.msk [tilespmem:v6+s12+$0x0], $0xffff;
	v2 =	vadd.f32 v3, v2;
	v3 =	vmul.f32 v5, v11  }
0x3c6: {  	v5 =	vld.idx.msk [tilespmem:v6+s14+$0x0], $0xffff;
	v6 =	vor.u32 $0x9, v1  }
0x3c7: {  	v29 =	vld.idx.msk [tilespmem:v26+s12+$0x0], $0xffff;
	v2 =	vadd.f32 v3, v2;
	v3 =	vmul.f32 v7, v12  }
0x3c8: {  	v30 =	vor.u32 $0xA, v1;
	v7 =	vld.idx.msk [tilespmem:v26+s14+$0x0], $0xffff  }
0x3c9: {  	v31 =	vld.idx.msk [tilespmem:v27+s12+$0x0], $0xffff;
	v2 =	vadd.f32 v3, v2;
	v3 =	vmul.f32 v4, v13  }
0x3ca: {  	v32 =	vor.u32 $0xB, v1;
	v4 =	vld.idx.msk [tilespmem:v27+s14+$0x0], $0xffff  }
0x3cb: {  	v33 =	vld.idx.msk [tilespmem:v6+s12+$0x0], $0xffff;
	v2 =	vadd.f32 v3, v2;
	v3 =	vmul.f32 v5, v28  }
0x3cc: {  	v5 =	vld.idx.msk [tilespmem:v6+s14+$0x0], $0xffff;
	v6 =	vor.u32 $0xC, v1  }
0x3cd: {  	v34 =	vld.idx.msk [tilespmem:v30+s12+$0x0], $0xffff;
	v2 =	vadd.f32 v3, v2;
	v3 =	vmul.f32 v7, v29  }
0x3ce: {  	v35 =	vor.u32 $0xD, v1;
	v7 =	vld.idx.msk [tilespmem:v30+s14+$0x0], $0xffff  }
0x3cf: {  	v36 =	vld.idx.msk [tilespmem:v32+s12+$0x0], $0xffff;
	v2 =	vadd.f32 v3, v2;
	v3 =	vmul.f32 v4, v31  }
0x3d0: {  	v37 =	vor.u32 $0xE, v1;
	v4 =	vld.idx.msk [tilespmem:v32+s14+$0x0], $0xffff  }
0x3d1: {  	v38 =	vld.idx.msk [tilespmem:v6+s12+$0x0], $0xffff;
	v2 =	vadd.f32 v3, v2;
	v3 =	vmul.f32 v5, v33  }
0x3d2: {  	v5 =	vld.idx.msk [tilespmem:v6+s14+$0x0], $0xffff;
	v6 =	vor.u32 $0xF, v1  }
0x3d3: {  	v39 =	vld.idx.msk [tilespmem:v35+s12+$0x0], $0xffff;
	v2 =	vadd.f32 v3, v2;
	v3 =	vmul.f32 v7, v34  }
0x3d4: {  	v40 =	vor.u32 $0x10, v1;
	v7 =	vld.idx.msk [tilespmem:v35+s14+$0x0], $0xffff  }
0x3d5: {  	v41 =	vld.idx.msk [tilespmem:v37+s12+$0x0], $0xffff;
	v2 =	vadd.f32 v3, v2;
	v3 =	vmul.f32 v4, v36  }
0x3d6: {  	v42 =	vor.u32 $0x11, v1;
	v4 =	vld.idx.msk [tilespmem:v37+s14+$0x0], $0xffff  }
0x3d7: {  	v43 =	vld.idx.msk [tilespmem:v6+s12+$0x0], $0xffff;
	v2 =	vadd.f32 v3, v2;
	v3 =	vmul.f32 v5, v38  }
0x3d8: {  	v5 =	vld.idx.msk [tilespmem:v6+s14+$0x0], $0xffff;
	v6 =	vor.u32 $0x12, v1  }
0x3d9: {  	v44 =	vld.idx.msk [tilespmem:v40+s12+$0x0], $0xffff;
	v2 =	vadd.f32 v3, v2;
	v3 =	vmul.f32 v7, v39  }
0x3da: {  	v45 =	vor.u32 $0x13, v1;
	v7 =	vld.idx.msk [tilespmem:v40+s14+$0x0], $0xffff  }
0x3db: {  	v46 =	vld.idx.msk [tilespmem:v42+s12+$0x0], $0xffff;
	v2 =	vadd.f32 v3, v2;
	v3 =	vmul.f32 v4, v41  }
0x3dc: {  	v47 =	vor.u32 $0x14, v1;
	v4 =	vld.idx.msk [tilespmem:v42+s14+$0x0], $0xffff  }
0x3dd: {  	v48 =	vld.idx.msk [tilespmem:v6+s12+$0x0], $0xffff;
	v2 =	vadd.f32 v3, v2;
	v3 =	vmul.f32 v5, v43  }
0x3de: {  	v5 =	vld.idx.msk [tilespmem:v6+s14+$0x0], $0xffff;
	v6 =	vor.u32 $0x15, v1  }
0x3df: {  	v49 =	vld.idx.msk [tilespmem:v45+s12+$0x0], $0xffff;
	v2 =	vadd.f32 v3, v2;
	v3 =	vmul.f32 v7, v44  }
0x3e0: {  	v50 =	vor.u32 $0x16, v1;
	v7 =	vld.idx.msk [tilespmem:v45+s14+$0x0], $0xffff  }
0x3e1: {  	v51 =	vld.idx.msk [tilespmem:v47+s12+$0x0], $0xffff;
	v2 =	vadd.f32 v3, v2;
	v3 =	vmul.f32 v4, v46  }
0x3e2: {  	v52 =	vor.u32 $0x17, v1;
	v4 =	vld.idx.msk [tilespmem:v47+s14+$0x0], $0xffff  }
0x3e3: {  	v53 =	vld.idx.msk [tilespmem:v6+s12+$0x0], $0xffff;
	v2 =	vadd.f32 v3, v2;
	v3 =	vmul.f32 v5, v48  }
0x3e4: {  	v5 =	vld.idx.msk [tilespmem:v6+s14+$0x0], $0xffff;
	v6 =	vor.u32 $0x18, v1  }
0x3e5: {  	v54 =	vld.idx.msk [tilespmem:v50+s12+$0x0], $0xffff;
	v2 =	vadd.f32 v3, v2;
	v3 =	vmul.f32 v7, v49  }
0x3e6: {  	v55 =	vor.u32 $0x19, v1;
	v7 =	vld.idx.msk [tilespmem:v50+s14+$0x0], $0xffff  }
0x3e7: {  	v56 =	vld.idx.msk [tilespmem:v52+s12+$0x0], $0xffff;
	v2 =	vadd.f32 v3, v2;
	v3 =	vmul.f32 v4, v51  }
0x3e8: {  	v57 =	vor.u32 $0x1A, v1;
	v4 =	vld.idx.msk [tilespmem:v52+s14+$0x0], $0xffff  }
0x3e9: {  	v58 =	vld.idx.msk [tilespmem:v6+s12+$0x0], $0xffff;
	v2 =	vadd.f32 v3, v2;
	v3 =	vmul.f32 v5, v53  }
0x3ea: {  	v5 =	vld.idx.msk [tilespmem:v6+s14+$0x0], $0xffff;
	v6 =	vor.u32 $0x1B, v1  }
0x3eb: {  	v59 =	vld.idx.msk [tilespmem:v55+s12+$0x0], $0xffff;
	v2 =	vadd.f32 v3, v2;
	v3 =	vmul.f32 v7, v54  }
0x3ec: {  	v60 =	vor.u32 $0x1C, v1;
	v7 =	vld.idx.msk [tilespmem:v55+s14+$0x0], $0xffff  }
0x3ed: {  	v61 =	vld.idx.msk [tilespmem:v57+s12+$0x0], $0xffff;
	v2 =	vadd.f32 v3, v2;
	v3 =	vmul.f32 v4, v56  }
0x3ee: {  	v62 =	vor.u32 $0x1D, v1;
	v4 =	vld.idx.msk [tilespmem:v57+s14+$0x0], $0xffff  }
0x3ef: {  	v63 =	vld.idx.msk [tilespmem:v6+s12+$0x0], $0xffff;
	v2 =	vadd.f32 v3, v2;
	v3 =	vmul.f32 v5, v58  }
0x3f0: {  	v5 =	vld.idx.msk [tilespmem:v6+s14+$0x0], $0xffff;
	v6 =	vor.u32 $0x1E, v1  }
0x3f1: {  	v16 =	vld.idx.msk [tilespmem:v60+s12+$0x0], $0xffff;
	v2 =	vadd.f32 v3, v2;
	v3 =	vmul.f32 v7, v59  }
0x3f2: {  	v1 =	vor.u32 $0x1F, v1;
	v7 =	vld.idx.msk [tilespmem:v60+s14+$0x0], $0xffff  }
0x3f3: {  	v17 =	vld.idx.msk [tilespmem:v62+s12+$0x0], $0xffff;
	v2 =	vadd.f32 v3, v2;
	v3 =	vmul.f32 v4, v61  }
0x3f4: {  	v4 =	vld.idx.msk [tilespmem:v62+s14+$0x0], $0xffff  }
0x3f5: {  	v18 =	vld.idx.msk [tilespmem:v6+s12+$0x0], $0xffff;
	v2 =	vadd.f32 v3, v2;
	v3 =	vmul.f32 v5, v63  }
0x3f6: {  	v5 =	vld.idx.msk [tilespmem:v6+s14+$0x0], $0xffff  }
0x3f7: {  	v6 =	vld.idx.msk [tilespmem:v1+s12+$0x0], $0xffff;
	v2 =	vadd.f32 v3, v2;
	v3 =	vmul.f32 v7, v16  }
0x3f8: {  	v1 =	vld.idx.msk [tilespmem:v1+s14+$0x0], $0xffff  }
0x3f9: {  	v2 =	vadd.f32 v3, v2;
	v3 =	vmul.f32 v4, v17;
	_ =	sdelay $0x1  }
0x3fa: {  	v2 =	vadd.f32 v3, v2;
	v3 =	vmul.f32 v5, v18;
	_ =	sdelay $0x1  }
0x3fb: {  	v1 =	vmul.f32 v1, v6;
	v2 =	vadd.f32 v3, v2;
	_ =	sdelay $0x1  }
0x3fc: {  	v1 =	vadd.f32 v1, v2  }
0x3fd: {  	s29 =	simm.s32 $0x0;
	s28 =	sadd.s32 $0x10, s28  }
0x3fe: {  	[tilespmem:s28+$0x0] =	vst v1;
	v1 =	vmov s29  }
0x3ff: {  	_ =	swait.ge [sflag:s22], $0x1000;
	v1 =	vshll.u32 v1, $0x5  }
0x400: {  	[sflag:s22] =	ssyncset.done $0x0;
	v1 =	vor.u32 v0, v1  }
0x401: {  	[sflag:s22] =	ssyncadd.s32 $0xFFFFF000  }
0x402: {  	v2 =	vor.u32 $0x1, v1;
	_ =	swait.ge [sflag:s22], $0x1000  }
0x403: {  	[sflag:s22] =	ssyncset.done $0x0  }
0x404: {  	v3 =	vor.u32 $0x2, v1;
	[sflag:s22] =	ssyncadd.s32 $0xFFFFF000  }
0x405: {  	v4 =	vld.idx.msk [tilespmem:v1+s18+$0x0], $0xffff  }
0x406: {  	v6 =	vor.u32 $0x3, v1;
	v5 =	vld.idx.msk [tilespmem:v1+s16+$0x0], $0xffff  }
0x407: {  	v7 =	vld.idx.msk [tilespmem:v2+s16+$0x0], $0xffff  }
0x408: {  	v19 =	vor.u32 $0x4, v1;
	v2 =	vld.idx.msk [tilespmem:v2+s18+$0x0], $0xffff  }
0x409: {  	v20 =	vld.idx.msk [tilespmem:v3+s16+$0x0], $0xffff  }
0x40a: {  	v21 =	vor.u32 $0x5, v1;
	v3 =	vld.idx.msk [tilespmem:v3+s18+$0x0], $0xffff  }
0x40b: {  	v22 =	vld.idx.msk [tilespmem:v6+s16+$0x0], $0xffff;
	v4 =	vmul.f32 v4, v5  }
0x40c: {  	v5 =	vld.idx.msk [tilespmem:v6+s18+$0x0], $0xffff;
	v6 =	vor.u32 $0x6, v1  }
0x40d: {  	v23 =	vld.idx.msk [tilespmem:v19+s16+$0x0], $0xffff;
	v2 =	vmul.f32 v2, v7;
	v4 =	vadd.f32 $0.0e+00, v4  }
0x40e: {  	v24 =	vor.u32 $0x7, v1;
	v7 =	vld.idx.msk [tilespmem:v19+s18+$0x0], $0xffff  }
0x40f: {  	v25 =	vld.idx.msk [tilespmem:v21+s16+$0x0], $0xffff;
	v3 =	vmul.f32 v3, v20;
	v2 =	vadd.f32 v2, v4  }
0x410: {  	v26 =	vor.u32 $0x8, v1;
	v4 =	vld.idx.msk [tilespmem:v21+s18+$0x0], $0xffff  }
0x411: {  	v27 =	vld.idx.msk [tilespmem:v6+s16+$0x0], $0xffff;
	v2 =	vadd.f32 v3, v2;
	v3 =	vmul.f32 v5, v22  }
0x412: {  	v5 =	vld.idx.msk [tilespmem:v6+s18+$0x0], $0xffff;
	v6 =	vor.u32 $0x9, v1  }
0x413: {  	v28 =	vld.idx.msk [tilespmem:v24+s16+$0x0], $0xffff;
	v2 =	vadd.f32 v3, v2;
	v3 =	vmul.f32 v7, v23  }
0x414: {  	v29 =	vor.u32 $0xA, v1;
	v7 =	vld.idx.msk [tilespmem:v24+s18+$0x0], $0xffff  }
0x415: {  	v30 =	vld.idx.msk [tilespmem:v26+s16+$0x0], $0xffff;
	v2 =	vadd.f32 v3, v2;
	v3 =	vmul.f32 v4, v25  }
0x416: {  	v31 =	vor.u32 $0xB, v1;
	v4 =	vld.idx.msk [tilespmem:v26+s18+$0x0], $0xffff  }
0x417: {  	v32 =	vld.idx.msk [tilespmem:v6+s16+$0x0], $0xffff;
	v2 =	vadd.f32 v3, v2;
	v3 =	vmul.f32 v5, v27  }
0x418: {  	v5 =	vld.idx.msk [tilespmem:v6+s18+$0x0], $0xffff;
	v6 =	vor.u32 $0xC, v1  }
0x419: {  	v33 =	vld.idx.msk [tilespmem:v29+s16+$0x0], $0xffff;
	v2 =	vadd.f32 v3, v2;
	v3 =	vmul.f32 v7, v28  }
0x41a: {  	v34 =	vor.u32 $0xD, v1;
	v7 =	vld.idx.msk [tilespmem:v29+s18+$0x0], $0xffff  }
0x41b: {  	v35 =	vld.idx.msk [tilespmem:v31+s16+$0x0], $0xffff;
	v2 =	vadd.f32 v3, v2;
	v3 =	vmul.f32 v4, v30  }
0x41c: {  	v36 =	vor.u32 $0xE, v1;
	v4 =	vld.idx.msk [tilespmem:v31+s18+$0x0], $0xffff  }
0x41d: {  	v37 =	vld.idx.msk [tilespmem:v6+s16+$0x0], $0xffff;
	v2 =	vadd.f32 v3, v2;
	v3 =	vmul.f32 v5, v32  }
0x41e: {  	v5 =	vld.idx.msk [tilespmem:v6+s18+$0x0], $0xffff;
	v6 =	vor.u32 $0xF, v1  }
0x41f: {  	v38 =	vld.idx.msk [tilespmem:v34+s16+$0x0], $0xffff;
	v2 =	vadd.f32 v3, v2;
	v3 =	vmul.f32 v7, v33  }
0x420: {  	v39 =	vor.u32 $0x10, v1;
	v7 =	vld.idx.msk [tilespmem:v34+s18+$0x0], $0xffff  }
0x421: {  	v40 =	vld.idx.msk [tilespmem:v36+s16+$0x0], $0xffff;
	v2 =	vadd.f32 v3, v2;
	v3 =	vmul.f32 v4, v35  }
0x422: {  	v41 =	vor.u32 $0x11, v1;
	v4 =	vld.idx.msk [tilespmem:v36+s18+$0x0], $0xffff  }
0x423: {  	v42 =	vld.idx.msk [tilespmem:v6+s16+$0x0], $0xffff;
	v2 =	vadd.f32 v3, v2;
	v3 =	vmul.f32 v5, v37  }
0x424: {  	v5 =	vld.idx.msk [tilespmem:v6+s18+$0x0], $0xffff;
	v6 =	vor.u32 $0x12, v1  }
0x425: {  	v43 =	vld.idx.msk [tilespmem:v39+s16+$0x0], $0xffff;
	v2 =	vadd.f32 v3, v2;
	v3 =	vmul.f32 v7, v38  }
0x426: {  	v44 =	vor.u32 $0x13, v1;
	v7 =	vld.idx.msk [tilespmem:v39+s18+$0x0], $0xffff  }
0x427: {  	v45 =	vld.idx.msk [tilespmem:v41+s16+$0x0], $0xffff;
	v2 =	vadd.f32 v3, v2;
	v3 =	vmul.f32 v4, v40  }
0x428: {  	v46 =	vor.u32 $0x14, v1;
	v4 =	vld.idx.msk [tilespmem:v41+s18+$0x0], $0xffff  }
0x429: {  	v47 =	vld.idx.msk [tilespmem:v6+s16+$0x0], $0xffff;
	v2 =	vadd.f32 v3, v2;
	v3 =	vmul.f32 v5, v42  }
0x42a: {  	v5 =	vld.idx.msk [tilespmem:v6+s18+$0x0], $0xffff;
	v6 =	vor.u32 $0x15, v1  }
0x42b: {  	v48 =	vld.idx.msk [tilespmem:v44+s16+$0x0], $0xffff;
	v2 =	vadd.f32 v3, v2;
	v3 =	vmul.f32 v7, v43  }
0x42c: {  	v49 =	vor.u32 $0x16, v1;
	v7 =	vld.idx.msk [tilespmem:v44+s18+$0x0], $0xffff  }
0x42d: {  	v50 =	vld.idx.msk [tilespmem:v46+s16+$0x0], $0xffff;
	v2 =	vadd.f32 v3, v2;
	v3 =	vmul.f32 v4, v45  }
0x42e: {  	v51 =	vor.u32 $0x17, v1;
	v4 =	vld.idx.msk [tilespmem:v46+s18+$0x0], $0xffff  }
0x42f: {  	v52 =	vld.idx.msk [tilespmem:v6+s16+$0x0], $0xffff;
	v2 =	vadd.f32 v3, v2;
	v3 =	vmul.f32 v5, v47  }
0x430: {  	v5 =	vld.idx.msk [tilespmem:v6+s18+$0x0], $0xffff;
	v6 =	vor.u32 $0x18, v1  }
0x431: {  	v53 =	vld.idx.msk [tilespmem:v49+s16+$0x0], $0xffff;
	v2 =	vadd.f32 v3, v2;
	v3 =	vmul.f32 v7, v48  }
0x432: {  	v54 =	vor.u32 $0x19, v1;
	v7 =	vld.idx.msk [tilespmem:v49+s18+$0x0], $0xffff  }
0x433: {  	v55 =	vld.idx.msk [tilespmem:v51+s16+$0x0], $0xffff;
	v2 =	vadd.f32 v3, v2;
	v3 =	vmul.f32 v4, v50  }
0x434: {  	v56 =	vor.u32 $0x1A, v1;
	v4 =	vld.idx.msk [tilespmem:v51+s18+$0x0], $0xffff  }
0x435: {  	v57 =	vld.idx.msk [tilespmem:v6+s16+$0x0], $0xffff;
	v2 =	vadd.f32 v3, v2;
	v3 =	vmul.f32 v5, v52  }
0x436: {  	v5 =	vld.idx.msk [tilespmem:v6+s18+$0x0], $0xffff;
	v6 =	vor.u32 $0x1B, v1  }
0x437: {  	v58 =	vld.idx.msk [tilespmem:v54+s16+$0x0], $0xffff;
	v2 =	vadd.f32 v3, v2;
	v3 =	vmul.f32 v7, v53  }
0x438: {  	v59 =	vor.u32 $0x1C, v1;
	v7 =	vld.idx.msk [tilespmem:v54+s18+$0x0], $0xffff  }
0x439: {  	v60 =	vld.idx.msk [tilespmem:v56+s16+$0x0], $0xffff;
	v2 =	vadd.f32 v3, v2;
	v3 =	vmul.f32 v4, v55  }
0x43a: {  	v61 =	vor.u32 $0x1D, v1;
	v4 =	vld.idx.msk [tilespmem:v56+s18+$0x0], $0xffff  }
0x43b: {  	v62 =	vld.idx.msk [tilespmem:v6+s16+$0x0], $0xffff;
	v2 =	vadd.f32 v3, v2;
	v3 =	vmul.f32 v5, v57  }
0x43c: {  	v5 =	vld.idx.msk [tilespmem:v6+s18+$0x0], $0xffff;
	v6 =	vor.u32 $0x1E, v1  }
0x43d: {  	v63 =	vld.idx.msk [tilespmem:v59+s16+$0x0], $0xffff;
	v2 =	vadd.f32 v3, v2;
	v3 =	vmul.f32 v7, v58  }
0x43e: {  	v1 =	vor.u32 $0x1F, v1;
	v7 =	vld.idx.msk [tilespmem:v59+s18+$0x0], $0xffff  }
0x43f: {  	v15 =	vld.idx.msk [tilespmem:v61+s16+$0x0], $0xffff;
	v2 =	vadd.f32 v3, v2;
	v3 =	vmul.f32 v4, v60  }
0x440: {  	v4 =	vld.idx.msk [tilespmem:v61+s18+$0x0], $0xffff  }
0x441: {  	v16 =	vld.idx.msk [tilespmem:v6+s16+$0x0], $0xffff;
	v2 =	vadd.f32 v3, v2;
	v3 =	vmul.f32 v5, v62  }
0x442: {  	v5 =	vld.idx.msk [tilespmem:v6+s18+$0x0], $0xffff  }
0x443: {  	v6 =	vld.idx.msk [tilespmem:v1+s16+$0x0], $0xffff;
	v2 =	vadd.f32 v3, v2;
	v3 =	vmul.f32 v7, v63  }
0x444: {  	v7 =	vld.idx.msk [tilespmem:v1+s18+$0x0], $0xffff  }
0x445: {  	v1 =	vadd.f32 v3, v2;
	v2 =	vmul.f32 v4, v15  }
0x446: {  	s28 =	simm.s32 $0x10  }
0x447: {  	v3 =	vmov s28;
	v4 =	vmul.f32 v5, v16;
	v2 =	vadd.f32 v2, v1  }
0x448: {  	v1 =	vshll.u32 v3, $0x5  }
0x449: {  	v1 =	vor.u32 v0, v1;
	v3 =	vmul.f32 v7, v6;
	v2 =	vadd.f32 v4, v2;
	_ =	sdelay $0x1  }
0x44a: {  	v4 =	vor.u32 $0x1, v1;
	v2 =	vadd.f32 v3, v2  }
0x44b: {  	s28 =	simm.s32 $0x4980  }
0x44c: {  	v3 =	vor.u32 $0x2, v1;
	[tilespmem:s28+$0x0] =	vst v2  }
0x44d: {  	v2 =	vld.idx.msk [tilespmem:v1+s18+$0x0], $0xffff  }
0x44e: {  	v6 =	vor.u32 $0x3, v1;
	v5 =	vld.idx.msk [tilespmem:v1+s16+$0x0], $0xffff  }
0x44f: {  	v7 =	vld.idx.msk [tilespmem:v4+s16+$0x0], $0xffff  }
0x450: {  	v17 =	vor.u32 $0x4, v1;
	v4 =	vld.idx.msk [tilespmem:v4+s18+$0x0], $0xffff  }
0x451: {  	v18 =	vld.idx.msk [tilespmem:v3+s16+$0x0], $0xffff  }
0x452: {  	v19 =	vor.u32 $0x5, v1;
	v3 =	vld.idx.msk [tilespmem:v3+s18+$0x0], $0xffff  }
0x453: {  	v20 =	vld.idx.msk [tilespmem:v6+s16+$0x0], $0xffff;
	v2 =	vmul.f32 v2, v5  }
0x454: {  	v5 =	vld.idx.msk [tilespmem:v6+s18+$0x0], $0xffff;
	v6 =	vor.u32 $0x6, v1  }
0x455: {  	v21 =	vld.idx.msk [tilespmem:v17+s16+$0x0], $0xffff;
	v4 =	vmul.f32 v4, v7;
	v2 =	vadd.f32 $0.0e+00, v2  }
0x456: {  	v22 =	vor.u32 $0x7, v1;
	v7 =	vld.idx.msk [tilespmem:v17+s18+$0x0], $0xffff  }
0x457: {  	v23 =	vld.idx.msk [tilespmem:v19+s16+$0x0], $0xffff;
	v3 =	vmul.f32 v3, v18;
	v2 =	vadd.f32 v4, v2  }
0x458: {  	v24 =	vor.u32 $0x8, v1;
	v4 =	vld.idx.msk [tilespmem:v19+s18+$0x0], $0xffff  }
0x459: {  	v25 =	vld.idx.msk [tilespmem:v6+s16+$0x0], $0xffff;
	v2 =	vadd.f32 v3, v2;
	v3 =	vmul.f32 v5, v20  }
0x45a: {  	v5 =	vld.idx.msk [tilespmem:v6+s18+$0x0], $0xffff;
	v6 =	vor.u32 $0x9, v1  }
0x45b: {  	v26 =	vld.idx.msk [tilespmem:v22+s16+$0x0], $0xffff;
	v2 =	vadd.f32 v3, v2;
	v3 =	vmul.f32 v7, v21  }
0x45c: {  	v27 =	vor.u32 $0xA, v1;
	v7 =	vld.idx.msk [tilespmem:v22+s18+$0x0], $0xffff  }
0x45d: {  	v28 =	vld.idx.msk [tilespmem:v24+s16+$0x0], $0xffff;
	v2 =	vadd.f32 v3, v2;
	v3 =	vmul.f32 v4, v23  }
0x45e: {  	v29 =	vor.u32 $0xB, v1;
	v4 =	vld.idx.msk [tilespmem:v24+s18+$0x0], $0xffff  }
0x45f: {  	v30 =	vld.idx.msk [tilespmem:v6+s16+$0x0], $0xffff;
	v2 =	vadd.f32 v3, v2;
	v3 =	vmul.f32 v5, v25  }
0x460: {  	v5 =	vld.idx.msk [tilespmem:v6+s18+$0x0], $0xffff;
	v6 =	vor.u32 $0xC, v1  }
0x461: {  	v31 =	vld.idx.msk [tilespmem:v27+s16+$0x0], $0xffff;
	v2 =	vadd.f32 v3, v2;
	v3 =	vmul.f32 v7, v26  }
0x462: {  	v32 =	vor.u32 $0xD, v1;
	v7 =	vld.idx.msk [tilespmem:v27+s18+$0x0], $0xffff  }
0x463: {  	v33 =	vld.idx.msk [tilespmem:v29+s16+$0x0], $0xffff;
	v2 =	vadd.f32 v3, v2;
	v3 =	vmul.f32 v4, v28  }
0x464: {  	v34 =	vor.u32 $0xE, v1;
	v4 =	vld.idx.msk [tilespmem:v29+s18+$0x0], $0xffff  }
0x465: {  	v35 =	vld.idx.msk [tilespmem:v6+s16+$0x0], $0xffff;
	v2 =	vadd.f32 v3, v2;
	v3 =	vmul.f32 v5, v30  }
0x466: {  	v5 =	vld.idx.msk [tilespmem:v6+s18+$0x0], $0xffff;
	v6 =	vor.u32 $0xF, v1  }
0x467: {  	v36 =	vld.idx.msk [tilespmem:v32+s16+$0x0], $0xffff;
	v2 =	vadd.f32 v3, v2;
	v3 =	vmul.f32 v7, v31  }
0x468: {  	v37 =	vor.u32 $0x10, v1;
	v7 =	vld.idx.msk [tilespmem:v32+s18+$0x0], $0xffff  }
0x469: {  	v38 =	vld.idx.msk [tilespmem:v34+s16+$0x0], $0xffff;
	v2 =	vadd.f32 v3, v2;
	v3 =	vmul.f32 v4, v33  }
0x46a: {  	v39 =	vor.u32 $0x11, v1;
	v4 =	vld.idx.msk [tilespmem:v34+s18+$0x0], $0xffff  }
0x46b: {  	v40 =	vld.idx.msk [tilespmem:v6+s16+$0x0], $0xffff;
	v2 =	vadd.f32 v3, v2;
	v3 =	vmul.f32 v5, v35  }
0x46c: {  	v5 =	vld.idx.msk [tilespmem:v6+s18+$0x0], $0xffff;
	v6 =	vor.u32 $0x12, v1  }
0x46d: {  	v41 =	vld.idx.msk [tilespmem:v37+s16+$0x0], $0xffff;
	v2 =	vadd.f32 v3, v2;
	v3 =	vmul.f32 v7, v36  }
0x46e: {  	v42 =	vor.u32 $0x13, v1;
	v7 =	vld.idx.msk [tilespmem:v37+s18+$0x0], $0xffff  }
0x46f: {  	v43 =	vld.idx.msk [tilespmem:v39+s16+$0x0], $0xffff;
	v2 =	vadd.f32 v3, v2;
	v3 =	vmul.f32 v4, v38  }
0x470: {  	v44 =	vor.u32 $0x14, v1;
	v4 =	vld.idx.msk [tilespmem:v39+s18+$0x0], $0xffff  }
0x471: {  	v45 =	vld.idx.msk [tilespmem:v6+s16+$0x0], $0xffff;
	v2 =	vadd.f32 v3, v2;
	v3 =	vmul.f32 v5, v40  }
0x472: {  	v5 =	vld.idx.msk [tilespmem:v6+s18+$0x0], $0xffff;
	v6 =	vor.u32 $0x15, v1  }
0x473: {  	v46 =	vld.idx.msk [tilespmem:v42+s16+$0x0], $0xffff;
	v2 =	vadd.f32 v3, v2;
	v3 =	vmul.f32 v7, v41  }
0x474: {  	v47 =	vor.u32 $0x16, v1;
	v7 =	vld.idx.msk [tilespmem:v42+s18+$0x0], $0xffff  }
0x475: {  	v48 =	vld.idx.msk [tilespmem:v44+s16+$0x0], $0xffff;
	v2 =	vadd.f32 v3, v2;
	v3 =	vmul.f32 v4, v43  }
0x476: {  	v49 =	vor.u32 $0x17, v1;
	v4 =	vld.idx.msk [tilespmem:v44+s18+$0x0], $0xffff  }
0x477: {  	v50 =	vld.idx.msk [tilespmem:v6+s16+$0x0], $0xffff;
	v2 =	vadd.f32 v3, v2;
	v3 =	vmul.f32 v5, v45  }
0x478: {  	v5 =	vld.idx.msk [tilespmem:v6+s18+$0x0], $0xffff;
	v6 =	vor.u32 $0x18, v1  }
0x479: {  	v51 =	vld.idx.msk [tilespmem:v47+s16+$0x0], $0xffff;
	v2 =	vadd.f32 v3, v2;
	v3 =	vmul.f32 v7, v46  }
0x47a: {  	v52 =	vor.u32 $0x19, v1;
	v7 =	vld.idx.msk [tilespmem:v47+s18+$0x0], $0xffff  }
0x47b: {  	v53 =	vld.idx.msk [tilespmem:v49+s16+$0x0], $0xffff;
	v2 =	vadd.f32 v3, v2;
	v3 =	vmul.f32 v4, v48  }
0x47c: {  	v54 =	vor.u32 $0x1A, v1;
	v4 =	vld.idx.msk [tilespmem:v49+s18+$0x0], $0xffff  }
0x47d: {  	v55 =	vld.idx.msk [tilespmem:v6+s16+$0x0], $0xffff;
	v2 =	vadd.f32 v3, v2;
	v3 =	vmul.f32 v5, v50  }
0x47e: {  	v5 =	vld.idx.msk [tilespmem:v6+s18+$0x0], $0xffff;
	v6 =	vor.u32 $0x1B, v1  }
0x47f: {  	v56 =	vld.idx.msk [tilespmem:v52+s16+$0x0], $0xffff;
	v2 =	vadd.f32 v3, v2;
	v3 =	vmul.f32 v7, v51  }
0x480: {  	v57 =	vor.u32 $0x1C, v1;
	v7 =	vld.idx.msk [tilespmem:v52+s18+$0x0], $0xffff  }
0x481: {  	v58 =	vld.idx.msk [tilespmem:v54+s16+$0x0], $0xffff;
	v2 =	vadd.f32 v3, v2;
	v3 =	vmul.f32 v4, v53  }
0x482: {  	v4 =	vld.idx.msk [tilespmem:v54+s18+$0x0], $0xffff  }
0x483: {  	v60 =	vld.idx.msk [tilespmem:v6+s16+$0x0], $0xffff;
	v2 =	vadd.f32 v3, v2;
	v3 =	vmul.f32 v5, v55  }
0x484: {  	v59 =	vor.u32 $0x1D, v1;
	v5 =	vld.idx.msk [tilespmem:v6+s18+$0x0], $0xffff  }
0x485: {  	v61 =	vld.idx.msk [tilespmem:v57+s16+$0x0], $0xffff;
	v2 =	vadd.f32 v3, v2;
	v3 =	vmul.f32 v7, v56  }
0x486: {  	v6 =	vor.u32 $0x1E, v1;
	v7 =	vld.idx.msk [tilespmem:v57+s18+$0x0], $0xffff  }
0x487: {  	v2 =	vadd.f32 v3, v2;
	v3 =	vmul.f32 v4, v58  }
0x488: {  	v1 =	vor.u32 $0x1F, v1  }
0x489: {  	v62 =	vld.idx.msk [tilespmem:v59+s16+$0x0], $0xffff;
	v2 =	vadd.f32 v3, v2;
	v3 =	vmul.f32 v5, v60  }
0x48a: {  	v4 =	vld.idx.msk [tilespmem:v59+s18+$0x0], $0xffff  }
0x48b: {  	v63 =	vld.idx.msk [tilespmem:v6+s16+$0x0], $0xffff;
	v2 =	vadd.f32 v3, v2;
	v3 =	vmul.f32 v7, v61  }
0x48c: {  	v5 =	vld.idx.msk [tilespmem:v6+s18+$0x0], $0xffff  }
0x48d: {  	v6 =	vadd.f32 v3, v2;
	v2 =	vld.idx.msk [tilespmem:v1+s16+$0x0], $0xffff  }
0x48e: {  	v3 =	vld.idx.msk [tilespmem:v1+s18+$0x0], $0xffff  }
0x48f: {  	v4 =	vmul.f32 v4, v62  }
0x490: {  	s29 =	simm.s32 $0x20  }
0x491: {  	v7 =	vmov s29;
	v5 =	vmul.f32 v5, v63;
	v4 =	vadd.f32 v4, v6  }
0x492: {  	s29 =	simm.s32 $0x30;
	v1 =	vshll.u32 v7, $0x5  }
.LBB2_8:
0x493: {  	p0 =	sne.s32 s29, $0x70;
	v1 =	vor.u32 v0, v1;
	v4 =	vadd.f32 v5, v4;
	v2 =	vmul.f32 v3, v2;
	_ =	sdelay $0x1  }
0x494: {  	v3 =	vor.u32 $0x1, v1;
	v2 =	vadd.f32 v2, v4  }
0x495: {  	s28 =	sadd.s32 $0x10, s28  }
0x496: {  	v4 =	vor.u32 $0x2, v1;
	[tilespmem:s28+$0x0] =	vst v2  }
0x497: {  	v2 =	vld.idx.msk [tilespmem:v1+s18+$0x0], $0xffff  }
0x498: {  	v6 =	vor.u32 $0x3, v1;
	v5 =	vld.idx.msk [tilespmem:v1+s16+$0x0], $0xffff  }
0x499: {  	v7 =	vld.idx.msk [tilespmem:v3+s16+$0x0], $0xffff  }
0x49a: {  	v8 =	vor.u32 $0x4, v1;
	v3 =	vld.idx.msk [tilespmem:v3+s18+$0x0], $0xffff  }
0x49b: {  	v9 =	vld.idx.msk [tilespmem:v4+s16+$0x0], $0xffff  }
0x49c: {  	v10 =	vor.u32 $0x5, v1;
	v4 =	vld.idx.msk [tilespmem:v4+s18+$0x0], $0xffff  }
0x49d: {  	v11 =	vld.idx.msk [tilespmem:v6+s16+$0x0], $0xffff  }
0x49e: {  	v2 =	vmul.f32 v2, v5;
	v5 =	vld.idx.msk [tilespmem:v6+s18+$0x0], $0xffff;
	v6 =	vor.u32 $0x6, v1  }
0x49f: {  	v12 =	vld.idx.msk [tilespmem:v8+s16+$0x0], $0xffff  }
0x4a0: {  	v2 =	vadd.f32 $0.0e+00, v2;
	v3 =	vmul.f32 v3, v7;
	v7 =	vld.idx.msk [tilespmem:v8+s18+$0x0], $0xffff;
	v8 =	vor.u32 $0x7, v1  }
0x4a1: {  	v13 =	vld.idx.msk [tilespmem:v10+s16+$0x0], $0xffff  }
0x4a2: {  	v2 =	vadd.f32 v3, v2;
	v3 =	vmul.f32 v4, v9;
	v9 =	vor.u32 $0x8, v1;
	v4 =	vld.idx.msk [tilespmem:v10+s18+$0x0], $0xffff  }
0x4a3: {  	v10 =	vld.idx.msk [tilespmem:v6+s16+$0x0], $0xffff  }
0x4a4: {  	v2 =	vadd.f32 v3, v2;
	v3 =	vmul.f32 v5, v11;
	v5 =	vld.idx.msk [tilespmem:v6+s18+$0x0], $0xffff;
	v6 =	vor.u32 $0x9, v1  }
0x4a5: {  	v11 =	vld.idx.msk [tilespmem:v8+s16+$0x0], $0xffff  }
0x4a6: {  	v2 =	vadd.f32 v3, v2;
	v3 =	vmul.f32 v7, v12;
	v7 =	vld.idx.msk [tilespmem:v8+s18+$0x0], $0xffff;
	v8 =	vor.u32 $0xA, v1  }
0x4a7: {  	v12 =	vld.idx.msk [tilespmem:v9+s16+$0x0], $0xffff  }
0x4a8: {  	v2 =	vadd.f32 v3, v2;
	v3 =	vmul.f32 v4, v13;
	v4 =	vld.idx.msk [tilespmem:v9+s18+$0x0], $0xffff;
	v9 =	vor.u32 $0xB, v1  }
0x4a9: {  	v13 =	vld.idx.msk [tilespmem:v6+s16+$0x0], $0xffff  }
0x4aa: {  	v2 =	vadd.f32 v3, v2;
	v3 =	vmul.f32 v5, v10;
	v5 =	vld.idx.msk [tilespmem:v6+s18+$0x0], $0xffff;
	v6 =	vor.u32 $0xC, v1  }
0x4ab: {  	v10 =	vld.idx.msk [tilespmem:v8+s16+$0x0], $0xffff  }
0x4ac: {  	v2 =	vadd.f32 v3, v2;
	v3 =	vmul.f32 v7, v11;
	v7 =	vld.idx.msk [tilespmem:v8+s18+$0x0], $0xffff;
	v8 =	vor.u32 $0xD, v1  }
0x4ad: {  	v11 =	vld.idx.msk [tilespmem:v9+s16+$0x0], $0xffff  }
0x4ae: {  	v2 =	vadd.f32 v3, v2;
	v3 =	vmul.f32 v4, v12;
	v4 =	vld.idx.msk [tilespmem:v9+s18+$0x0], $0xffff;
	v9 =	vor.u32 $0xE, v1  }
0x4af: {  	v12 =	vld.idx.msk [tilespmem:v6+s16+$0x0], $0xffff  }
0x4b0: {  	v2 =	vadd.f32 v3, v2;
	v3 =	vmul.f32 v5, v13;
	v5 =	vld.idx.msk [tilespmem:v6+s18+$0x0], $0xffff;
	v6 =	vor.u32 $0xF, v1  }
0x4b1: {  	v13 =	vld.idx.msk [tilespmem:v8+s16+$0x0], $0xffff  }
0x4b2: {  	v2 =	vadd.f32 v3, v2;
	v3 =	vmul.f32 v7, v10;
	v7 =	vld.idx.msk [tilespmem:v8+s18+$0x0], $0xffff;
	v8 =	vor.u32 $0x10, v1  }
0x4b3: {  	v10 =	vld.idx.msk [tilespmem:v9+s16+$0x0], $0xffff  }
0x4b4: {  	v2 =	vadd.f32 v3, v2;
	v3 =	vmul.f32 v4, v11;
	v4 =	vld.idx.msk [tilespmem:v9+s18+$0x0], $0xffff;
	v9 =	vor.u32 $0x11, v1  }
0x4b5: {  	v11 =	vld.idx.msk [tilespmem:v6+s16+$0x0], $0xffff  }
0x4b6: {  	v2 =	vadd.f32 v3, v2;
	v3 =	vmul.f32 v5, v12;
	v5 =	vld.idx.msk [tilespmem:v6+s18+$0x0], $0xffff;
	v6 =	vor.u32 $0x12, v1  }
0x4b7: {  	v12 =	vld.idx.msk [tilespmem:v8+s16+$0x0], $0xffff  }
0x4b8: {  	v2 =	vadd.f32 v3, v2;
	v3 =	vmul.f32 v7, v13;
	v7 =	vld.idx.msk [tilespmem:v8+s18+$0x0], $0xffff;
	v8 =	vor.u32 $0x13, v1  }
0x4b9: {  	v13 =	vld.idx.msk [tilespmem:v9+s16+$0x0], $0xffff  }
0x4ba: {  	v2 =	vadd.f32 v3, v2;
	v3 =	vmul.f32 v4, v10;
	v4 =	vld.idx.msk [tilespmem:v9+s18+$0x0], $0xffff;
	v9 =	vor.u32 $0x14, v1  }
0x4bb: {  	v10 =	vld.idx.msk [tilespmem:v6+s16+$0x0], $0xffff  }
0x4bc: {  	v2 =	vadd.f32 v3, v2;
	v3 =	vmul.f32 v5, v11;
	v5 =	vld.idx.msk [tilespmem:v6+s18+$0x0], $0xffff;
	v6 =	vor.u32 $0x15, v1  }
0x4bd: {  	v11 =	vld.idx.msk [tilespmem:v8+s16+$0x0], $0xffff  }
0x4be: {  	v2 =	vadd.f32 v3, v2;
	v3 =	vmul.f32 v7, v12;
	v7 =	vld.idx.msk [tilespmem:v8+s18+$0x0], $0xffff;
	v8 =	vor.u32 $0x16, v1  }
0x4bf: {  	v12 =	vld.idx.msk [tilespmem:v9+s16+$0x0], $0xffff  }
0x4c0: {  	v2 =	vadd.f32 v3, v2;
	v3 =	vmul.f32 v4, v13;
	v4 =	vld.idx.msk [tilespmem:v9+s18+$0x0], $0xffff;
	v9 =	vor.u32 $0x17, v1  }
0x4c1: {  	v13 =	vld.idx.msk [tilespmem:v6+s16+$0x0], $0xffff  }
0x4c2: {  	v2 =	vadd.f32 v3, v2;
	v3 =	vmul.f32 v5, v10;
	v5 =	vld.idx.msk [tilespmem:v6+s18+$0x0], $0xffff;
	v6 =	vor.u32 $0x18, v1  }
0x4c3: {  	v10 =	vld.idx.msk [tilespmem:v8+s16+$0x0], $0xffff  }
0x4c4: {  	v2 =	vadd.f32 v3, v2;
	v3 =	vmul.f32 v7, v11;
	v7 =	vld.idx.msk [tilespmem:v8+s18+$0x0], $0xffff;
	v8 =	vor.u32 $0x19, v1  }
0x4c5: {  	v11 =	vld.idx.msk [tilespmem:v9+s16+$0x0], $0xffff  }
0x4c6: {  	v2 =	vadd.f32 v3, v2;
	v3 =	vmul.f32 v4, v12;
	v4 =	vld.idx.msk [tilespmem:v9+s18+$0x0], $0xffff;
	v9 =	vor.u32 $0x1A, v1  }
0x4c7: {  	v12 =	vld.idx.msk [tilespmem:v6+s16+$0x0], $0xffff  }
0x4c8: {  	v2 =	vadd.f32 v3, v2;
	v3 =	vmul.f32 v5, v13;
	v5 =	vld.idx.msk [tilespmem:v6+s18+$0x0], $0xffff;
	v6 =	vor.u32 $0x1B, v1  }
0x4c9: {  	v13 =	vld.idx.msk [tilespmem:v8+s16+$0x0], $0xffff  }
0x4ca: {  	v2 =	vadd.f32 v3, v2;
	v3 =	vmul.f32 v7, v10;
	v7 =	vld.idx.msk [tilespmem:v8+s18+$0x0], $0xffff;
	v8 =	vor.u32 $0x1C, v1  }
0x4cb: {  	v10 =	vld.idx.msk [tilespmem:v9+s16+$0x0], $0xffff  }
0x4cc: {  	v2 =	vadd.f32 v3, v2;
	v3 =	vmul.f32 v4, v11;
	v4 =	vld.idx.msk [tilespmem:v9+s18+$0x0], $0xffff;
	v9 =	vor.u32 $0x1D, v1  }
0x4cd: {  	v11 =	vld.idx.msk [tilespmem:v6+s16+$0x0], $0xffff  }
0x4ce: {  	v2 =	vadd.f32 v3, v2;
	v3 =	vmul.f32 v5, v12;
	v5 =	vld.idx.msk [tilespmem:v6+s18+$0x0], $0xffff;
	v6 =	vor.u32 $0x1E, v1  }
0x4cf: {  	v12 =	vld.idx.msk [tilespmem:v8+s16+$0x0], $0xffff  }
0x4d0: {  	v1 =	vor.u32 $0x1F, v1;
	v2 =	vadd.f32 v3, v2;
	v3 =	vmul.f32 v7, v13;
	v7 =	vld.idx.msk [tilespmem:v8+s18+$0x0], $0xffff  }
0x4d1: {  	v8 =	vld.idx.msk [tilespmem:v9+s16+$0x0], $0xffff  }
0x4d2: {  	v2 =	vadd.f32 v3, v2;
	v3 =	vmul.f32 v4, v10;
	v4 =	vld.idx.msk [tilespmem:v9+s18+$0x0], $0xffff  }
0x4d3: {  	v9 =	vld.idx.msk [tilespmem:v6+s16+$0x0], $0xffff  }
0x4d4: {  	v3 =	vadd.f32 v3, v2;
	v5 =	vmul.f32 v5, v11;
	v6 =	vld.idx.msk [tilespmem:v6+s18+$0x0], $0xffff  }
0x4d5: {  	v2 =	vld.idx.msk [tilespmem:v1+s16+$0x0], $0xffff  }
0x4d6: {  	v5 =	vadd.f32 v5, v3;
	v7 =	vmul.f32 v7, v12;
	v3 =	vld.idx.msk [tilespmem:v1+s18+$0x0], $0xffff  }
.Ltmp3:
0x4d7: {  	(pc) =	sbr.rel @p0 .LBB2_8-.Ltmp3, $3  }
0x4d8: {  	v1 =	vadd.f32 v7, v5;
	v4 =	vmul.f32 v4, v8;
	_ =	sdelay $0x1  }
0x4d9: {  	v7 =	vmov s29;
	v4 =	vadd.f32 v4, v1;
	v5 =	vmul.f32 v6, v9  }
0x4da: {  	s29 =	sadd.s32 $0x10, s29;
	v1 =	vshll.u32 v7, $0x5  }
0x4db: {  	v1 =	vor.u32 v0, v1;
	v4 =	vadd.f32 v5, v4;
	v2 =	vmul.f32 v3, v2;
	_ =	sdelay $0x1  }
0x4dc: {  	v3 =	vor.u32 $0x1, v1;
	v2 =	vadd.f32 v2, v4  }
0x4dd: {  	s28 =	sadd.s32 $0x10, s28  }
0x4de: {  	v31 =	vor.u32 $0x2, v1;
	[tilespmem:s28+$0x0] =	vst v2  }
0x4df: {  	v2 =	vld.idx.msk [tilespmem:v1+s18+$0x0], $0xffff  }
0x4e0: {  	v6 =	vor.u32 $0x3, v1;
	v32 =	vld.idx.msk [tilespmem:v1+s16+$0x0], $0xffff  }
0x4e1: {  	v7 =	vld.idx.msk [tilespmem:v3+s16+$0x0], $0xffff  }
0x4e2: {  	v8 =	vor.u32 $0x4, v1;
	v3 =	vld.idx.msk [tilespmem:v3+s18+$0x0], $0xffff  }
0x4e3: {  	v9 =	vld.idx.msk [tilespmem:v31+s16+$0x0], $0xffff  }
0x4e4: {  	v10 =	vor.u32 $0x5, v1;
	v4 =	vld.idx.msk [tilespmem:v31+s18+$0x0], $0xffff  }
0x4e5: {  	v11 =	vld.idx.msk [tilespmem:v6+s16+$0x0], $0xffff;
	v2 =	vmul.f32 v2, v32  }
0x4e6: {  	v34 =	vor.u32 $0x6, v1;
	v33 =	vld.idx.msk [tilespmem:v6+s18+$0x0], $0xffff  }
0x4e7: {  	v12 =	vld.idx.msk [tilespmem:v8+s16+$0x0], $0xffff;
	v3 =	vmul.f32 v3, v7;
	v2 =	vadd.f32 $0.0e+00, v2  }
0x4e8: {  	v36 =	vor.u32 $0x7, v1;
	v35 =	vld.idx.msk [tilespmem:v8+s18+$0x0], $0xffff  }
0x4e9: {  	v13 =	vld.idx.msk [tilespmem:v10+s16+$0x0], $0xffff;
	v2 =	vadd.f32 v3, v2;
	v3 =	vmul.f32 v4, v9  }
0x4ea: {  	v38 =	vor.u32 $0x8, v1;
	v37 =	vld.idx.msk [tilespmem:v10+s18+$0x0], $0xffff  }
0x4eb: {  	v39 =	vld.idx.msk [tilespmem:v34+s16+$0x0], $0xffff;
	v2 =	vadd.f32 v3, v2;
	v3 =	vmul.f32 v33, v11  }
0x4ec: {  	v41 =	vor.u32 $0x9, v1;
	v40 =	vld.idx.msk [tilespmem:v34+s18+$0x0], $0xffff  }
0x4ed: {  	v42 =	vld.idx.msk [tilespmem:v36+s16+$0x0], $0xffff;
	v2 =	vadd.f32 v3, v2;
	v3 =	vmul.f32 v35, v12  }
0x4ee: {  	v44 =	vor.u32 $0xA, v1;
	v43 =	vld.idx.msk [tilespmem:v36+s18+$0x0], $0xffff  }
0x4ef: {  	v45 =	vld.idx.msk [tilespmem:v38+s16+$0x0], $0xffff;
	v2 =	vadd.f32 v3, v2;
	v3 =	vmul.f32 v37, v13  }
0x4f0: {  	v47 =	vor.u32 $0xB, v1;
	v46 =	vld.idx.msk [tilespmem:v38+s18+$0x0], $0xffff  }
0x4f1: {  	v48 =	vld.idx.msk [tilespmem:v41+s16+$0x0], $0xffff;
	v2 =	vadd.f32 v3, v2;
	v3 =	vmul.f32 v40, v39  }
0x4f2: {  	v50 =	vor.u32 $0xC, v1;
	v49 =	vld.idx.msk [tilespmem:v41+s18+$0x0], $0xffff  }
0x4f3: {  	v51 =	vld.idx.msk [tilespmem:v44+s16+$0x0], $0xffff;
	v2 =	vadd.f32 v3, v2;
	v3 =	vmul.f32 v43, v42  }
0x4f4: {  	v53 =	vor.u32 $0xD, v1;
	v52 =	vld.idx.msk [tilespmem:v44+s18+$0x0], $0xffff  }
0x4f5: {  	v54 =	vld.idx.msk [tilespmem:v47+s16+$0x0], $0xffff;
	v2 =	vadd.f32 v3, v2;
	v3 =	vmul.f32 v46, v45  }
0x4f6: {  	v56 =	vor.u32 $0xE, v1;
	v55 =	vld.idx.msk [tilespmem:v47+s18+$0x0], $0xffff  }
0x4f7: {  	v57 =	vld.idx.msk [tilespmem:v50+s16+$0x0], $0xffff;
	v2 =	vadd.f32 v3, v2;
	v3 =	vmul.f32 v49, v48  }
0x4f8: {  	v59 =	vor.u32 $0xF, v1;
	v58 =	vld.idx.msk [tilespmem:v50+s18+$0x0], $0xffff  }
0x4f9: {  	v60 =	vld.idx.msk [tilespmem:v53+s16+$0x0], $0xffff;
	v2 =	vadd.f32 v3, v2;
	v3 =	vmul.f32 v52, v51  }
0x4fa: {  	v62 =	vor.u32 $0x10, v1;
	v61 =	vld.idx.msk [tilespmem:v53+s18+$0x0], $0xffff  }
0x4fb: {  	v63 =	vld.idx.msk [tilespmem:v56+s16+$0x0], $0xffff;
	v2 =	vadd.f32 v3, v2;
	v3 =	vmul.f32 v55, v54  }
0x4fc: {  	v17 =	vor.u32 $0x11, v1;
	v16 =	vld.idx.msk [tilespmem:v56+s18+$0x0], $0xffff  }
0x4fd: {  	v18 =	vld.idx.msk [tilespmem:v59+s16+$0x0], $0xffff;
	v2 =	vadd.f32 v3, v2;
	v3 =	vmul.f32 v58, v57  }
0x4fe: {  	v20 =	vor.u32 $0x12, v1;
	v19 =	vld.idx.msk [tilespmem:v59+s18+$0x0], $0xffff  }
0x4ff: {  	v21 =	vld.idx.msk [tilespmem:v62+s16+$0x0], $0xffff;
	v2 =	vadd.f32 v3, v2;
	v3 =	vmul.f32 v61, v60  }
0x500: {  	v23 =	vor.u32 $0x13, v1;
	v22 =	vld.idx.msk [tilespmem:v62+s18+$0x0], $0xffff  }
0x501: {  	v24 =	vld.idx.msk [tilespmem:v17+s16+$0x0], $0xffff;
	v2 =	vadd.f32 v3, v2;
	v3 =	vmul.f32 v16, v63  }
0x502: {  	v26 =	vor.u32 $0x14, v1;
	v25 =	vld.idx.msk [tilespmem:v17+s18+$0x0], $0xffff  }
0x503: {  	v27 =	vld.idx.msk [tilespmem:v20+s16+$0x0], $0xffff;
	v2 =	vadd.f32 v3, v2;
	v3 =	vmul.f32 v19, v18  }
0x504: {  	v29 =	vor.u32 $0x15, v1;
	v28 =	vld.idx.msk [tilespmem:v20+s18+$0x0], $0xffff  }
0x505: {  	v30 =	vld.idx.msk [tilespmem:v23+s16+$0x0], $0xffff;
	v2 =	vadd.f32 v3, v2;
	v3 =	vmul.f32 v22, v21  }
0x506: {  	v31 =	vld.idx.msk [tilespmem:v23+s18+$0x0], $0xffff;
	v32 =	vor.u32 $0x16, v1  }
0x507: {  	v34 =	vld.idx.msk [tilespmem:v26+s18+$0x0], $0xffff;
	v2 =	vadd.f32 v3, v2;
	v3 =	vmul.f32 v25, v24  }
0x508: {  	v33 =	vld.idx.msk [tilespmem:v26+s16+$0x0], $0xffff;
	v35 =	vor.u32 $0x17, v1  }
0x509: {  	v36 =	vld.idx.msk [tilespmem:v29+s16+$0x0], $0xffff;
	v2 =	vadd.f32 v3, v2;
	v3 =	vmul.f32 v28, v27  }
0x50a: {  	v38 =	vor.u32 $0x18, v1;
	v37 =	vld.idx.msk [tilespmem:v29+s18+$0x0], $0xffff  }
0x50b: {  	v39 =	vld.idx.msk [tilespmem:v32+s16+$0x0], $0xffff;
	v2 =	vadd.f32 v3, v2;
	v3 =	vmul.f32 v31, v30  }
0x50c: {  	v41 =	vor.u32 $0x19, v1;
	v40 =	vld.idx.msk [tilespmem:v32+s18+$0x0], $0xffff  }
0x50d: {  	v42 =	vld.idx.msk [tilespmem:v35+s16+$0x0], $0xffff;
	v2 =	vadd.f32 v3, v2;
	v3 =	vmul.f32 v34, v33  }
0x50e: {  	v44 =	vor.u32 $0x1A, v1;
	v43 =	vld.idx.msk [tilespmem:v35+s18+$0x0], $0xffff  }
0x50f: {  	v45 =	vld.idx.msk [tilespmem:v38+s16+$0x0], $0xffff;
	v2 =	vadd.f32 v3, v2;
	v3 =	vmul.f32 v37, v36  }
0x510: {  	v47 =	vor.u32 $0x1B, v1;
	v46 =	vld.idx.msk [tilespmem:v38+s18+$0x0], $0xffff  }
0x511: {  	v48 =	vld.idx.msk [tilespmem:v41+s16+$0x0], $0xffff;
	v2 =	vadd.f32 v3, v2;
	v3 =	vmul.f32 v40, v39  }
0x512: {  	v50 =	vor.u32 $0x1C, v1;
	v49 =	vld.idx.msk [tilespmem:v41+s18+$0x0], $0xffff  }
0x513: {  	v51 =	vld.idx.msk [tilespmem:v44+s16+$0x0], $0xffff;
	v2 =	vadd.f32 v3, v2;
	v3 =	vmul.f32 v43, v42  }
0x514: {  	v53 =	vor.u32 $0x1D, v1;
	v52 =	vld.idx.msk [tilespmem:v44+s18+$0x0], $0xffff  }
0x515: {  	v54 =	vld.idx.msk [tilespmem:v47+s16+$0x0], $0xffff;
	v2 =	vadd.f32 v3, v2;
	v3 =	vmul.f32 v46, v45  }
0x516: {  	v56 =	vor.u32 $0x1E, v1;
	v55 =	vld.idx.msk [tilespmem:v47+s18+$0x0], $0xffff  }
0x517: {  	v57 =	vld.idx.msk [tilespmem:v50+s16+$0x0], $0xffff;
	v2 =	vadd.f32 v3, v2;
	v3 =	vmul.f32 v49, v48  }
0x518: {  	v1 =	vor.u32 $0x1F, v1;
	v58 =	vld.idx.msk [tilespmem:v50+s18+$0x0], $0xffff  }
0x519: {  	v59 =	vld.idx.msk [tilespmem:v53+s16+$0x0], $0xffff;
	v2 =	vadd.f32 v3, v2;
	v3 =	vmul.f32 v52, v51  }
0x51a: {  	v60 =	vld.idx.msk [tilespmem:v53+s18+$0x0], $0xffff  }
0x51b: {  	v62 =	vld.idx.msk [tilespmem:v56+s18+$0x0], $0xffff;
	v2 =	vadd.f32 v3, v2;
	v3 =	vmul.f32 v55, v54  }
0x51c: {  	v61 =	vld.idx.msk [tilespmem:v56+s16+$0x0], $0xffff  }
0x51d: {  	v63 =	vld.idx.msk [tilespmem:v1+s16+$0x0], $0xffff;
	v2 =	vadd.f32 v3, v2;
	v3 =	vmul.f32 v58, v57  }
0x51e: {  	v1 =	vld.idx.msk [tilespmem:v1+s18+$0x0], $0xffff  }
0x51f: {  	v2 =	vadd.f32 v3, v2;
	v3 =	vmul.f32 v60, v59;
	_ =	sdelay $0x1  }
0x520: {  	v2 =	vadd.f32 v3, v2;
	v3 =	vmul.f32 v62, v61;
	_ =	sdelay $0x1  }
0x521: {  	v1 =	vmul.f32 v1, v63;
	v2 =	vadd.f32 v3, v2;
	_ =	sdelay $0x1  }
0x522: {  	s26 =	sadd.s32 $0x1, s26;
	v1 =	vadd.f32 v1, v2  }
0x523: {  	p0 =	sne.s32 s26, s7;
	s28 =	sadd.s32 $0x10, s28  }
.Ltmp4:
0x524: {  	[tilespmem:s28+$0x0] =	vst v1;
	(pc) =	sbr.rel @p0 .LBB2_1-.Ltmp4, $4  }
0x525: {  	[hbm4b:s6+s2] =	stream.linear.scatter [tilespmem:s25], [sflag:$0x3], $0x200, $0x38;
	[tilespmem:$0x4A00] =	vst v63  }
0x526: {  	_ =	swait.ge [sflag:s8], $0x200  }
0x527: {  	[sflag:s8] =	ssyncset.done $0x0  }
0x528: {  	[sflag:s8] =	ssyncadd.s32 $0xFFFFFE00  }
0x529: {  	_ =	sfence.sel $0x180000  }
0x52a: {  	[bflag:$0x0] =	sbarrier.arrive $0xFFFF  }
0x52b: {  	p0 =	sne.s32 s1, $0x0;
	_ =	strace $0x90000047  }
0x52c: {  	s0 =	sadd.s32 @!p0 $0x100000, s0;
	[bflag:$0x2] =	sbarrier.arrive $0xFFFF  }
0x52d: {  	[sflag:s0] =	ssyncadd.tile.s32 @!p0 $0x1;
	_ =	shalt  }
.Lfunc_end2:
_tile_overlayer_lowered:
.L_overlay_start_2:
0x52e: {  	(tag) =	ssettag $0x2  }
0x52f: {  	s0 =	rddreg [dreg:$0x0];
	s2 =	stileid.u32  }
0x530: {  	s1 =	rddreg [dreg:$0x1];
	p0 =	sne.s32 s2, $0x0  }
0x531: {  	s3 =	rddreg [dreg:$0x2];
	[bflag:$0x3] =	sbarrier.arrive $0xFFFF;
	s2 =	simm.s32 @!p0 $0x1C03  }
0x532: {  	[timem:s3], [sflag:s2] =	dma.local @!p0 [hbm:s0], s1  }
0x533: {  	s0 =	simm.s32 @!p0 $0x3  }
0x534: {  	_ =	swait.ge @!p0 [sflag:s0], s1  }
0x535: {  	s1 =	ssub.s32 @!p0 $0x0, s1;
	[sflag:s0] =	ssyncset.done @!p0 $0x0  }
0x536: {  	[sflag:s0] =	ssyncadd.s32 @!p0 s1  }
0x537: {  	[bflag:$0x3] =	sbarrier.arrive $0xFFFF  }
0x538: {  	_ =	shalt  }

</sc_bundles>
